<compile_context>
chip_gen: v7x
topology: tpu7x:2x2x1
jax: 0.10.2.dev20260603
libtpu: 0.0.44.dev20260713+nightly
codegen_flags: <defaults>
</compile_context>

<pallas_src>
import functools

import jax
import jax.numpy as jnp
from jax import lax
from jax.experimental import pallas as pl
from jax.experimental.pallas import tpu as pltpu
from jax.experimental.pallas import tpu_sc as plsc

CH = 8
L = 16


def _pool_sc(inputs, lengths, inv_lengths, table):
    B, S = inputs.shape
    V, E = table.shape
    EJ = E // L

    info = plsc.get_sparse_core_info()
    NC, NS = info.num_cores, info.num_subcores
    NW = NC * NS
    b_per_w = B // NW
    mesh = plsc.VectorSubcoreMesh(core_axis_name="c", subcore_axis_name="s")

    nbuf_rows = ((S + L - 1) // L) * L + L

    @functools.partial(
        pl.kernel, mesh=mesh,
        compiler_params=pltpu.CompilerParams(use_tc_tiling_on_sc=False,
                                             needs_layout_passes=False),
        out_type=jax.ShapeDtypeStruct((B, E), jnp.float32),
        scratch_types=[
            pltpu.VMEM((b_per_w, S), jnp.int32),
            pltpu.VMEM((b_per_w + L,), jnp.int32),
            pltpu.VMEM((b_per_w + L,), jnp.float32),
            pltpu.VMEM((nbuf_rows, E), jnp.bfloat16),
            pltpu.VMEM((nbuf_rows, E), jnp.bfloat16),
            pltpu.VMEM((b_per_w, E), jnp.float32),
            pltpu.SemaphoreType.DMA,
        ],
    )
    def k(inputs_hbm, lengths_hbm, inv_hbm, table_hbm, out_hbm,
          idx_v, len_v, inv_v, buf0, buf1, pool_v, sem):
        wid = lax.axis_index("s") * NC + lax.axis_index("c")
        base = wid * b_per_w
        pltpu.sync_copy(inputs_hbm.at[pl.ds(base, b_per_w)], idx_v)
        pltpu.sync_copy(lengths_hbm.at[pl.ds(base, b_per_w)],
                        len_v.at[pl.ds(0, b_per_w)])
        pltpu.sync_copy(inv_hbm.at[pl.ds(base, b_per_w)],
                        inv_v.at[pl.ds(0, b_per_w)])

        def ln_at(b):
            return len_v[pl.ds(b, L)][0]

        def nq_of(ln):
            return (ln + (CH - 1)) // CH

        def fire(b, buf):
            ln = ln_at(b)
            def q_body(q, _):
                pltpu.async_copy(
                    table_hbm.at[idx_v.at[b, pl.ds(q * CH, CH)]],
                    buf.at[pl.ds(q * CH, CH)], sem)
                return 0
            lax.fori_loop(0, nq_of(ln), q_body, 0)

        def drain(b, buf):
            ln = ln_at(b)
            def q_body(q, _):
                pltpu.make_async_copy(
                    table_hbm.at[pl.ds(0, CH)],
                    buf.at[pl.ds(q * CH, CH)], sem).wait()
                return 0
            lax.fori_loop(0, nq_of(ln), q_body, 0)

        def accumulate(b, buf):
            ln = ln_at(b)
            nfull = ln // L
            zeros = jnp.zeros((L,), jnp.float32)

            def full_body(g, accs):
                s0 = g * L
                out = list(accs)
                for r in range(L):
                    for j2 in range(EJ // 2):
                        v = buf[s0 + r, pl.ds(j2 * 2 * L, 2 * L)]
                        lo, hi = plsc.unpack(
                            v, format=plsc.PackFormat.INTERLEAVED,
                            preferred_element_type=jnp.float32)
                        out[2 * j2] = out[2 * j2] + lo
                        out[2 * j2 + 1] = out[2 * j2 + 1] + hi
                return tuple(out)

            accs = lax.fori_loop(
                0, nfull, full_body,
                tuple(jnp.zeros((L,), jnp.float32) for _ in range(EJ)))

            s0 = nfull * L
            out = list(accs)
            for r in range(L):
                valid = (s0 + r) < ln
                for j2 in range(EJ // 2):
                    v = buf[s0 + r, pl.ds(j2 * 2 * L, 2 * L)]
                    lo, hi = plsc.unpack(
                        v, format=plsc.PackFormat.INTERLEAVED,
                        preferred_element_type=jnp.float32)
                    out[2 * j2] = out[2 * j2] + jnp.where(valid, lo, zeros)
                    out[2 * j2 + 1] = (out[2 * j2 + 1]
                                       + jnp.where(valid, hi, zeros))

            inv = inv_v[pl.ds(b, L)][0]
            for j in range(EJ):
                pool_v[b, pl.ds(j * L, L)] = out[j] * inv

        fire(0, buf0)
        def pair_body(i, _):
            b0 = 2 * i
            b1 = b0 + 1
            fire(b1, buf1)
            drain(b0, buf0)
            accumulate(b0, buf0)
            @pl.when(b0 + 2 < b_per_w)
            def _():
                fire(b0 + 2, buf0)
            drain(b1, buf1)
            accumulate(b1, buf1)
            return 0
        lax.fori_loop(0, b_per_w // 2, pair_body, 0)

        pltpu.sync_copy(pool_v, out_hbm.at[pl.ds(base, b_per_w)])

    return k(inputs, lengths, inv_lengths, table)


def _mlp_tc(pooled, W1, b1, W2, b2, W3, b3):
    B, E = pooled.shape
    H = W1.shape[1]
    C = W3.shape[1]
    BB = 512

    def body(x_ref, w1_ref, b1_ref, w2_ref, b2_ref, w3_ref, b3_ref, o_ref):
        x = x_ref[...]
        h = jnp.maximum(jnp.dot(x, w1_ref[...],
                                preferred_element_type=jnp.float32)
                        + b1_ref[...], 0.0)
        h = jnp.maximum(jnp.dot(h, w2_ref[...],
                                preferred_element_type=jnp.float32)
                        + b2_ref[...], 0.0)
        o_ref[...] = (jnp.dot(h, w3_ref[...],
                              preferred_element_type=jnp.float32)
                      + b3_ref[...])

    full = lambda shape: pl.BlockSpec(shape, lambda i: (0, 0))
    return pl.pallas_call(
        body,
        grid=(B // BB,),
        in_specs=[
            pl.BlockSpec((BB, E), lambda i: (i, 0)),
            full((E, H)), full((1, H)),
            full((H, H)), full((1, H)),
            full((H, C)), full((1, C)),
        ],
        out_specs=pl.BlockSpec((BB, C), lambda i: (i, 0)),
        out_shape=jax.ShapeDtypeStruct((B, C), jnp.float32),
    )(pooled, W1, b1.reshape(1, H), W2, b2.reshape(1, H),
      W3, b3.reshape(1, C))


def kernel(inputs, lengths, table, W1, b1, W2, b2, W3, b3):
    E = table.shape[1]
    inputs = inputs.astype(jnp.int32)
    lengths = lengths.astype(jnp.int32)
    inv_lengths = 1.0 / lengths.astype(jnp.float32)
    pooled = _pool_sc(inputs, lengths, inv_lengths,
                      table.astype(jnp.bfloat16))
    perm = []
    for g in range(E // 32):
        perm += list(range(g * 32, (g + 1) * 32, 2))
        perm += list(range(g * 32 + 1, (g + 1) * 32, 2))
    W1p = W1[jnp.array(perm, dtype=jnp.int32), :]
    return _mlp_tc(pooled, W1p, b1, W2, b2, W3, b3)

# --- scband reference (transcript-rebuilt; emitter-appended) ---
"""Pipeline reference for scband-deep-averaging-network-42494406426813 (READ-ONLY COPY).

The authoritative reference and input builder live on the scoring server;
editing this copy changes nothing except your own understanding.
"""

import jax, jax.numpy as jnp
import numpy as np

VOCAB = 1000000
EMBED = 64
HIDDEN = 128
NCLASS = 5
B = 4096
S = 200

def setup_inputs(seed: int = 0) -> dict:
    key = jax.random.key(seed)
    ks = jax.random.split(key, 10)
    inputs = jax.random.randint(ks[0], (B, S), 0, VOCAB, dtype=jnp.int64 if jax.config.jax_enable_x64 else jnp.int32)
    lengths = jax.random.randint(ks[1], (B,), 1, S + 1, dtype=jnp.int64 if jax.config.jax_enable_x64 else jnp.int32)
    table = jax.random.normal(ks[2], (VOCAB, EMBED), dtype=jnp.float32) * 0.02
    W1 = jax.random.normal(ks[3], (EMBED, HIDDEN), dtype=jnp.float32) * (1.0 / np.sqrt(EMBED))
    b1 = jnp.zeros((HIDDEN,), dtype=jnp.float32)
    W2 = jax.random.normal(ks[4], (HIDDEN, HIDDEN), dtype=jnp.float32) * (1.0 / np.sqrt(HIDDEN))
    b2 = jnp.zeros((HIDDEN,), dtype=jnp.float32)
    W3 = jax.random.normal(ks[5], (HIDDEN, NCLASS), dtype=jnp.float32) * (1.0 / np.sqrt(HIDDEN))
    b3 = jnp.zeros((NCLASS,), dtype=jnp.float32)
    return {"inputs": inputs, "lengths": lengths, "table": table, "W1": W1, "b1": b1, "W2": W2, "b2": b2, "W3": W3, "b3": b3}

def reference(inputs, lengths, table, W1, b1, W2, b2, W3, b3):
    # Embedding gather: (B, S, E)
    embeds = jnp.take(table, inputs, axis=0)
    # Masked mean over valid positions
    mask = (jnp.arange(inputs.shape[1])[None, :] < lengths[:, None]).astype(jnp.float32)[..., None]
    pooled = (embeds * mask).sum(axis=1) / lengths[:, None].astype(jnp.float32)
    x = jax.nn.relu(pooled @ W1 + b1)
    x = jax.nn.relu(x @ W2 + b2)
    logits = x @ W3 + b3
    return logits

if __name__ == "__main__":
    import jax
    _d = setup_inputs()
    print(jax.jit(kernel)(*tuple(_d.values())))

</pallas_src>

<mosaic_0001>
#map = affine_map<(d0, d1) -> (0, 0)>
#map1 = affine_map<(d0, d1) -> (0)>
module attributes {stable_mosaic.version = 14 : i64} {
  func.func @k(%arg0: i32, %arg1: i32, %arg2: memref<4096x200xi32, #tpu.memory_space<hbm>>, %arg3: memref<4096xi32, #tpu.memory_space<hbm>>, %arg4: memref<4096xf32, #tpu.memory_space<hbm>>, %arg5: memref<1000000x64xbf16, #tpu.memory_space<hbm>>, %arg6: memref<4096x64xf32, #tpu.memory_space<hbm>>, %arg7: memref<128x200xi32, #tpu.memory_space<vmem>>, %arg8: memref<144xi32, #tpu.memory_space<vmem>>, %arg9: memref<144xf32, #tpu.memory_space<vmem>>, %arg10: memref<224x64xbf16, #tpu.memory_space<vmem>>, %arg11: memref<224x64xbf16, #tpu.memory_space<vmem>>, %arg12: memref<128x64xf32, #tpu.memory_space<vmem>>, %arg13: memref<!tpu.dma_semaphore, #tpu.memory_space<semaphore_mem>>) attributes {dimension_semantics = [#tpu.dimension_semantics<core_parallel>, #tpu.dimension_semantics<subcore_parallel>], iteration_bounds = array<i64: 2, 16>, scalar_prefetch = 0 : i64, scratch_operands = 7 : i64, tpu.core_type = #tpu.core_type<sc_vector_subcore>, window_params = [{transform_indices = #map}, {transform_indices = #map1}, {transform_indices = #map1}, {transform_indices = #map}, {transform_indices = #map}]} {
    %mul3A = arith.constant 2 : i32
    %mul3A_0 = arith.muli %arg1, %mul3A : i32
    %add3A = arith.addi %mul3A_0, %arg0 : i32
    %mul3A_1 = arith.constant 128 : i32
    %mul3A_2 = arith.muli %add3A, %mul3A_1 : i32
    "tpu.region"() ({
      %run_scoped3A = tpu.sem_alloc : memref<!tpu.dma_semaphore, #tpu.memory_space<semaphore_mem>>
      %dma_start3A = arith.constant 0 : i32
      %dma_start3A_39 = tpu.memref_slice %arg2[%mul3A_2, %dma_start3A] : memref<4096x200xi32, #tpu.memory_space<hbm>> -> memref<128x200xi32, #tpu.memory_space<hbm>>
      %dma_start3A_40 = arith.constant 0 : i32
      %dma_start3A_41 = tpu.memref_slice %arg2[%mul3A_2, %dma_start3A_40] : memref<4096x200xi32, #tpu.memory_space<hbm>> -> memref<128x200xi32, #tpu.memory_space<hbm>>
      tpu.enqueue_dma source(%dma_start3A_41 : memref<128x200xi32, #tpu.memory_space<hbm>>) target(%arg7 : memref<128x200xi32, #tpu.memory_space<vmem>>) target_semaphore(%run_scoped3A : memref<!tpu.dma_semaphore, #tpu.memory_space<semaphore_mem>>)
      %dma_wait3A = arith.constant 0 : i32
      %dma_wait3A_42 = tpu.memref_slice %arg2[%mul3A_2, %dma_wait3A] : memref<4096x200xi32, #tpu.memory_space<hbm>> -> memref<128x200xi32, #tpu.memory_space<hbm>>
      %dma_wait3A_43 = arith.constant 0 : i32
      %dma_wait3A_44 = tpu.memref_slice %arg2[%mul3A_2, %dma_wait3A_43] : memref<4096x200xi32, #tpu.memory_space<hbm>> -> memref<128x200xi32, #tpu.memory_space<hbm>>
      tpu.wait_dma2 semaphore(%run_scoped3A : memref<!tpu.dma_semaphore, #tpu.memory_space<semaphore_mem>>) src(%dma_wait3A_44 : memref<128x200xi32, #tpu.memory_space<hbm>>) dst(%arg7 : memref<128x200xi32, #tpu.memory_space<vmem>>)
      tpu.yield
    }) : () -> ()
    "tpu.region"() ({
      %run_scoped3A = tpu.sem_alloc : memref<!tpu.dma_semaphore, #tpu.memory_space<semaphore_mem>>
      %dma_start3A = arith.constant 0 : i32
      %dma_start3A_39 = tpu.memref_slice %arg8[%dma_start3A] : memref<144xi32, #tpu.memory_space<vmem>> -> memref<128xi32, #tpu.memory_space<vmem>>
      %dma_start3A_40 = tpu.memref_slice %arg3[%mul3A_2] : memref<4096xi32, #tpu.memory_space<hbm>> -> memref<128xi32, #tpu.memory_space<hbm>>
      %dma_start3A_41 = arith.constant 0 : i32
      %dma_start3A_42 = tpu.memref_slice %arg8[%dma_start3A_41] : memref<144xi32, #tpu.memory_space<vmem>> -> memref<128xi32, #tpu.memory_space<vmem>>
      %dma_start3A_43 = tpu.memref_slice %arg3[%mul3A_2] : memref<4096xi32, #tpu.memory_space<hbm>> -> memref<128xi32, #tpu.memory_space<hbm>>
      tpu.enqueue_dma source(%dma_start3A_43 : memref<128xi32, #tpu.memory_space<hbm>>) target(%dma_start3A_42 : memref<128xi32, #tpu.memory_space<vmem>>) target_semaphore(%run_scoped3A : memref<!tpu.dma_semaphore, #tpu.memory_space<semaphore_mem>>)
      %dma_wait3A = arith.constant 0 : i32
      %dma_wait3A_44 = tpu.memref_slice %arg8[%dma_wait3A] : memref<144xi32, #tpu.memory_space<vmem>> -> memref<128xi32, #tpu.memory_space<vmem>>
      %dma_wait3A_45 = tpu.memref_slice %arg3[%mul3A_2] : memref<4096xi32, #tpu.memory_space<hbm>> -> memref<128xi32, #tpu.memory_space<hbm>>
      %dma_wait3A_46 = arith.constant 0 : i32
      %dma_wait3A_47 = tpu.memref_slice %arg8[%dma_wait3A_46] : memref<144xi32, #tpu.memory_space<vmem>> -> memref<128xi32, #tpu.memory_space<vmem>>
      %dma_wait3A_48 = tpu.memref_slice %arg3[%mul3A_2] : memref<4096xi32, #tpu.memory_space<hbm>> -> memref<128xi32, #tpu.memory_space<hbm>>
      tpu.wait_dma2 semaphore(%run_scoped3A : memref<!tpu.dma_semaphore, #tpu.memory_space<semaphore_mem>>) src(%dma_wait3A_48 : memref<128xi32, #tpu.memory_space<hbm>>) dst(%dma_wait3A_47 : memref<128xi32, #tpu.memory_space<vmem>>)
      tpu.yield
    }) : () -> ()
    "tpu.region"() ({
      %run_scoped3A = tpu.sem_alloc : memref<!tpu.dma_semaphore, #tpu.memory_space<semaphore_mem>>
      %dma_start3A = arith.constant 0 : i32
      %dma_start3A_39 = tpu.memref_slice %arg9[%dma_start3A] : memref<144xf32, #tpu.memory_space<vmem>> -> memref<128xf32, #tpu.memory_space<vmem>>
      %dma_start3A_40 = tpu.memref_slice %arg4[%mul3A_2] : memref<4096xf32, #tpu.memory_space<hbm>> -> memref<128xf32, #tpu.memory_space<hbm>>
      %dma_start3A_41 = arith.constant 0 : i32
      %dma_start3A_42 = tpu.memref_slice %arg9[%dma_start3A_41] : memref<144xf32, #tpu.memory_space<vmem>> -> memref<128xf32, #tpu.memory_space<vmem>>
      %dma_start3A_43 = tpu.memref_slice %arg4[%mul3A_2] : memref<4096xf32, #tpu.memory_space<hbm>> -> memref<128xf32, #tpu.memory_space<hbm>>
      tpu.enqueue_dma source(%dma_start3A_43 : memref<128xf32, #tpu.memory_space<hbm>>) target(%dma_start3A_42 : memref<128xf32, #tpu.memory_space<vmem>>) target_semaphore(%run_scoped3A : memref<!tpu.dma_semaphore, #tpu.memory_space<semaphore_mem>>)
      %dma_wait3A = arith.constant 0 : i32
      %dma_wait3A_44 = tpu.memref_slice %arg9[%dma_wait3A] : memref<144xf32, #tpu.memory_space<vmem>> -> memref<128xf32, #tpu.memory_space<vmem>>
      %dma_wait3A_45 = tpu.memref_slice %arg4[%mul3A_2] : memref<4096xf32, #tpu.memory_space<hbm>> -> memref<128xf32, #tpu.memory_space<hbm>>
      %dma_wait3A_46 = arith.constant 0 : i32
      %dma_wait3A_47 = tpu.memref_slice %arg9[%dma_wait3A_46] : memref<144xf32, #tpu.memory_space<vmem>> -> memref<128xf32, #tpu.memory_space<vmem>>
      %dma_wait3A_48 = tpu.memref_slice %arg4[%mul3A_2] : memref<4096xf32, #tpu.memory_space<hbm>> -> memref<128xf32, #tpu.memory_space<hbm>>
      tpu.wait_dma2 semaphore(%run_scoped3A : memref<!tpu.dma_semaphore, #tpu.memory_space<semaphore_mem>>) src(%dma_wait3A_48 : memref<128xf32, #tpu.memory_space<hbm>>) dst(%dma_wait3A_47 : memref<128xf32, #tpu.memory_space<vmem>>)
      tpu.yield
    }) : () -> ()
    %get3A = arith.constant 0 : index
    %get3A_3 = tpu.vector_load %arg8[%get3A] {strides = array<i32>} : memref<144xi32, #tpu.memory_space<vmem>>, vector<16xi32>,
    %slice3A = vector.extract_strided_slice %get3A_3 {offsets = [0], sizes = [1], strides = [1]} : vector<16xi32> to vector<1xi32>
    %squeeze3A = vector.extract %slice3A[0] : i32 from vector<1xi32>
    %add3A_4 = arith.constant 7 : i32
    %add3A_5 = arith.addi %squeeze3A, %add3A_4 : i32
    %jit3A = arith.constant 8 : i32
    %div3A = arith.divsi %add3A_5, %jit3A : i32
    %sign3A = arith.constant 0 : i32
    %sign3A_6 = arith.cmpi sgt, %add3A_5, %sign3A : i32
    %sign3A_7 = arith.extui %sign3A_6 : i1 to i32
    %sign3A_8 = arith.constant 0 : i32
    %sign3A_9 = arith.cmpi slt, %add3A_5, %sign3A_8 : i32
    %sign3A_10 = arith.extui %sign3A_9 : i1 to i32
    %sign3A_11 = arith.subi %sign3A_7, %sign3A_10 : i32
    %sign3A_12 = arith.constant 0 : i32
    %sign3A_13 = arith.cmpi sgt, %jit3A, %sign3A_12 : i32
    %sign3A_14 = arith.extui %sign3A_13 : i1 to i32
    %sign3A_15 = arith.constant 0 : i32
    %sign3A_16 = arith.cmpi slt, %jit3A, %sign3A_15 : i32
    %sign3A_17 = arith.extui %sign3A_16 : i1 to i32
    %sign3A_18 = arith.subi %sign3A_14, %sign3A_17 : i32
    %ne3A = arith.cmpi ne, %sign3A_11, %sign3A_18 : i32
    %rem3A = arith.remsi %add3A_5, %jit3A : i32
    %ne3A_19 = arith.constant 0 : i32
    %ne3A_20 = arith.cmpi ne, %rem3A, %ne3A_19 : i32
    %and3A = arith.andi %ne3A, %ne3A_20 : i1
    %sub3A = arith.constant 1 : i32
    %sub3A_21 = arith.subi %div3A, %sub3A : i32
    %select_n3A = arith.select %and3A, %sub3A_21, %div3A : i32
    %while3A = arith.constant 0 : i32
    %while3A_22 = arith.constant 0 : i32
    %while3A_23 = arith.subi %select_n3A, %while3A : i32
    %while3A_24 = arith.addi %while3A, %while3A_23 : i32
    %while3A_25 = arith.constant 1 : i32
    %while3A_26 = arith.divsi %while3A_23, %while3A_25 : i32
    %while3A_27 = arith.muli %while3A_26, %while3A_25 : i32
    %while3A_28 = arith.addi %while3A, %while3A_27 : i32
    %while3A_29 = arith.constant 1 : i32
    %while3A_30 = scf.for %while3A_39 = %while3A to %while3A_28 step %while3A_29 iter_args(%while3A_40 = %while3A_22) -> (i32)  : i32 {
      %mul3A_41 = arith.constant 8 : i32
      %mul3A_42 = arith.muli %while3A_39, %mul3A_41 : i32
      %mul3A_43 = arith.constant 8 : i32
      %mul3A_44 = arith.muli %while3A_39, %mul3A_43 : i32
      %dma_start3A = arith.constant 0 : i32
      %dma_start3A_45 = arith.constant 0 : i32
      %dma_start3A_46 = tpu.memref_slice %arg10[%mul3A_44, %dma_start3A_45] : memref<224x64xbf16, #tpu.memory_space<vmem>> -> memref<8x64xbf16, #tpu.memory_space<vmem>>
      %dma_start3A_47 = tpu.memref_slice %arg7[%dma_start3A, %mul3A_42] : memref<128x200xi32, #tpu.memory_space<vmem>> -> memref<1x8xi32, #tpu.memory_space<vmem>>
      %dma_start3A_48 = tpu.memref_squeeze %dma_start3A_47 : memref<1x8xi32, #tpu.memory_space<vmem>> -> memref<8xi32, #tpu.memory_space<vmem>>
      %dma_start3A_49 = arith.constant 0 : i32
      %dma_start3A_50 = arith.constant 0 : i32
      %dma_start3A_51 = tpu.memref_slice %arg5[%dma_start3A_49, %dma_start3A_50] : memref<1000000x64xbf16, #tpu.memory_space<hbm>> -> memref<1000000x64xbf16, #tpu.memory_space<hbm>>
      tpu.enqueue_indirect_dma source(%dma_start3A_51 : memref<1000000x64xbf16, #tpu.memory_space<hbm>>) target(%dma_start3A_46 : memref<8x64xbf16, #tpu.memory_space<vmem>>) offsets(%dma_start3A_48 : memref<8xi32, #tpu.memory_space<vmem>>) semaphore(%arg13 : memref<!tpu.dma_semaphore, #tpu.memory_space<semaphore_mem>>)
      %while3A_52 = arith.constant 0 : i32
      scf.yield %while3A_52 : i32
    }
    %while3A_31 = arith.constant 1 : i32
    %while3A_32 = scf.for %while3A_39 = %while3A_28 to %while3A_24 step %while3A_31 iter_args(%while3A_40 = %while3A_30) -> (i32)  : i32 {
      %mul3A_41 = arith.constant 8 : i32
      %mul3A_42 = arith.muli %while3A_39, %mul3A_41 : i32
      %mul3A_43 = arith.constant 8 : i32
      %mul3A_44 = arith.muli %while3A_39, %mul3A_43 : i32
      %dma_start3A = arith.constant 0 : i32
      %dma_start3A_45 = arith.constant 0 : i32
      %dma_start3A_46 = tpu.memref_slice %arg10[%mul3A_44, %dma_start3A_45] : memref<224x64xbf16, #tpu.memory_space<vmem>> -> memref<8x64xbf16, #tpu.memory_space<vmem>>
      %dma_start3A_47 = tpu.memref_slice %arg7[%dma_start3A, %mul3A_42] : memref<128x200xi32, #tpu.memory_space<vmem>> -> memref<1x8xi32, #tpu.memory_space<vmem>>
      %dma_start3A_48 = tpu.memref_squeeze %dma_start3A_47 : memref<1x8xi32, #tpu.memory_space<vmem>> -> memref<8xi32, #tpu.memory_space<vmem>>
      %dma_start3A_49 = arith.constant 0 : i32
      %dma_start3A_50 = arith.constant 0 : i32
      %dma_start3A_51 = tpu.memref_slice %arg5[%dma_start3A_49, %dma_start3A_50] : memref<1000000x64xbf16, #tpu.memory_space<hbm>> -> memref<1000000x64xbf16, #tpu.memory_space<hbm>>
      tpu.enqueue_indirect_dma source(%dma_start3A_51 : memref<1000000x64xbf16, #tpu.memory_space<hbm>>) target(%dma_start3A_46 : memref<8x64xbf16, #tpu.memory_space<vmem>>) offsets(%dma_start3A_48 : memref<8xi32, #tpu.memory_space<vmem>>) semaphore(%arg13 : memref<!tpu.dma_semaphore, #tpu.memory_space<semaphore_mem>>)
      %while3A_52 = arith.constant 0 : i32
      scf.yield %while3A_52 : i32
    }
    %scan3A = arith.constant 0 : i32
    %scan3A_33 = arith.constant 0 : i32
    %scan3A_34 = arith.constant 64 : i32
    %scan3A_35 = arith.addi %scan3A_33, %scan3A_34 : i32
    %scan3A_36 = arith.constant 1 : i32
    %scan3A_37 = scf.for %scan3A_39 = %scan3A_33 to %scan3A_35 step %scan3A_36 iter_args(%scan3A_40 = %scan3A) -> (i32)  : i32 {
      %mul3A_41 = arith.constant 2 : i32
      %mul3A_42 = arith.muli %mul3A_41, %scan3A_39 : i32
      %add3A_43 = arith.constant 1 : i32
      %add3A_44 = arith.addi %mul3A_42, %add3A_43 : i32
      %get3A_45 = arith.index_cast %add3A_44 : i32 to index
      %get3A_46 = tpu.vector_load %arg8[%get3A_45] {strides = array<i32>} : memref<144xi32, #tpu.memory_space<vmem>>, vector<16xi32>,
      %slice3A_47 = vector.extract_strided_slice %get3A_46 {offsets = [0], sizes = [1], strides = [1]} : vector<16xi32> to vector<1xi32>
      %squeeze3A_48 = vector.extract %slice3A_47[0] : i32 from vector<1xi32>
      %add3A_49 = arith.constant 7 : i32
      %add3A_50 = arith.addi %squeeze3A_48, %add3A_49 : i32
      %jit3A_51 = arith.constant 8 : i32
      %div3A_52 = arith.divsi %add3A_50, %jit3A_51 : i32
      %sign3A_53 = arith.constant 0 : i32
      %sign3A_54 = arith.cmpi sgt, %add3A_50, %sign3A_53 : i32
      %sign3A_55 = arith.extui %sign3A_54 : i1 to i32
      %sign3A_56 = arith.constant 0 : i32
      %sign3A_57 = arith.cmpi slt, %add3A_50, %sign3A_56 : i32
      %sign3A_58 = arith.extui %sign3A_57 : i1 to i32
      %sign3A_59 = arith.subi %sign3A_55, %sign3A_58 : i32
      %sign3A_60 = arith.constant 0 : i32
      %sign3A_61 = arith.cmpi sgt, %jit3A_51, %sign3A_60 : i32
      %sign3A_62 = arith.extui %sign3A_61 : i1 to i32
      %sign3A_63 = arith.constant 0 : i32
      %sign3A_64 = arith.cmpi slt, %jit3A_51, %sign3A_63 : i32
      %sign3A_65 = arith.extui %sign3A_64 : i1 to i32
      %sign3A_66 = arith.subi %sign3A_62, %sign3A_65 : i32
      %ne3A_67 = arith.cmpi ne, %sign3A_59, %sign3A_66 : i32
      %rem3A_68 = arith.remsi %add3A_50, %jit3A_51 : i32
      %ne3A_69 = arith.constant 0 : i32
      %ne3A_70 = arith.cmpi ne, %rem3A_68, %ne3A_69 : i32
      %and3A_71 = arith.andi %ne3A_67, %ne3A_70 : i1
      %sub3A_72 = arith.constant 1 : i32
      %sub3A_73 = arith.subi %div3A_52, %sub3A_72 : i32
      %select_n3A_74 = arith.select %and3A_71, %sub3A_73, %div3A_52 : i32
      %while3A_75 = arith.constant 0 : i32
      %while3A_76 = arith.constant 0 : i32
      %while3A_77 = arith.subi %select_n3A_74, %while3A_75 : i32
      %while3A_78 = arith.addi %while3A_75, %while3A_77 : i32
      %while3A_79 = arith.constant 1 : i32
      %while3A_80 = arith.divsi %while3A_77, %while3A_79 : i32
      %while3A_81 = arith.muli %while3A_80, %while3A_79 : i32
      %while3A_82 = arith.addi %while3A_75, %while3A_81 : i32
      %while3A_83 = arith.constant 1 : i32
      %while3A_84 = scf.for %while3A_1123 = %while3A_75 to %while3A_82 step %while3A_83 iter_args(%while3A_1124 = %while3A_76) -> (i32)  : i32 {
        %mul3A_1125 = arith.constant 8 : i32
        %mul3A_1126 = arith.muli %while3A_1123, %mul3A_1125 : i32
        %mul3A_1127 = arith.constant 8 : i32
        %mul3A_1128 = arith.muli %while3A_1123, %mul3A_1127 : i32
        %dma_start3A = arith.constant 0 : i32
        %dma_start3A_1129 = tpu.memref_slice %arg11[%mul3A_1128, %dma_start3A] : memref<224x64xbf16, #tpu.memory_space<vmem>> -> memref<8x64xbf16, #tpu.memory_space<vmem>>
        %dma_start3A_1130 = tpu.memref_slice %arg7[%add3A_44, %mul3A_1126] : memref<128x200xi32, #tpu.memory_space<vmem>> -> memref<1x8xi32, #tpu.memory_space<vmem>>
        %dma_start3A_1131 = tpu.memref_squeeze %dma_start3A_1130 : memref<1x8xi32, #tpu.memory_space<vmem>> -> memref<8xi32, #tpu.memory_space<vmem>>
        %dma_start3A_1132 = arith.constant 0 : i32
        %dma_start3A_1133 = arith.constant 0 : i32
        %dma_start3A_1134 = tpu.memref_slice %arg5[%dma_start3A_1132, %dma_start3A_1133] : memref<1000000x64xbf16, #tpu.memory_space<hbm>> -> memref<1000000x64xbf16, #tpu.memory_space<hbm>>
        tpu.enqueue_indirect_dma source(%dma_start3A_1134 : memref<1000000x64xbf16, #tpu.memory_space<hbm>>) target(%dma_start3A_1129 : memref<8x64xbf16, #tpu.memory_space<vmem>>) offsets(%dma_start3A_1131 : memref<8xi32, #tpu.memory_space<vmem>>) semaphore(%arg13 : memref<!tpu.dma_semaphore, #tpu.memory_space<semaphore_mem>>)
        %while3A_1135 = arith.constant 0 : i32
        scf.yield %while3A_1135 : i32
      }
      %while3A_85 = arith.constant 1 : i32
      %while3A_86 = scf.for %while3A_1123 = %while3A_82 to %while3A_78 step %while3A_85 iter_args(%while3A_1124 = %while3A_84) -> (i32)  : i32 {
        %mul3A_1125 = arith.constant 8 : i32
        %mul3A_1126 = arith.muli %while3A_1123, %mul3A_1125 : i32
        %mul3A_1127 = arith.constant 8 : i32
        %mul3A_1128 = arith.muli %while3A_1123, %mul3A_1127 : i32
        %dma_start3A = arith.constant 0 : i32
        %dma_start3A_1129 = tpu.memref_slice %arg11[%mul3A_1128, %dma_start3A] : memref<224x64xbf16, #tpu.memory_space<vmem>> -> memref<8x64xbf16, #tpu.memory_space<vmem>>
        %dma_start3A_1130 = tpu.memref_slice %arg7[%add3A_44, %mul3A_1126] : memref<128x200xi32, #tpu.memory_space<vmem>> -> memref<1x8xi32, #tpu.memory_space<vmem>>
        %dma_start3A_1131 = tpu.memref_squeeze %dma_start3A_1130 : memref<1x8xi32, #tpu.memory_space<vmem>> -> memref<8xi32, #tpu.memory_space<vmem>>
        %dma_start3A_1132 = arith.constant 0 : i32
        %dma_start3A_1133 = arith.constant 0 : i32
        %dma_start3A_1134 = tpu.memref_slice %arg5[%dma_start3A_1132, %dma_start3A_1133] : memref<1000000x64xbf16, #tpu.memory_space<hbm>> -> memref<1000000x64xbf16, #tpu.memory_space<hbm>>
        tpu.enqueue_indirect_dma source(%dma_start3A_1134 : memref<1000000x64xbf16, #tpu.memory_space<hbm>>) target(%dma_start3A_1129 : memref<8x64xbf16, #tpu.memory_space<vmem>>) offsets(%dma_start3A_1131 : memref<8xi32, #tpu.memory_space<vmem>>) semaphore(%arg13 : memref<!tpu.dma_semaphore, #tpu.memory_space<semaphore_mem>>)
        %while3A_1135 = arith.constant 0 : i32
        scf.yield %while3A_1135 : i32
      }
      %get3A_87 = arith.index_cast %mul3A_42 : i32 to index
      %get3A_88 = tpu.vector_load %arg8[%get3A_87] {strides = array<i32>} : memref<144xi32, #tpu.memory_space<vmem>>, vector<16xi32>,
      %slice3A_89 = vector.extract_strided_slice %get3A_88 {offsets = [0], sizes = [1], strides = [1]} : vector<16xi32> to vector<1xi32>
      %squeeze3A_90 = vector.extract %slice3A_89[0] : i32 from vector<1xi32>
      %add3A_91 = arith.constant 7 : i32
      %add3A_92 = arith.addi %squeeze3A_90, %add3A_91 : i32
      %jit3A_93 = arith.constant 8 : i32
      %div3A_94 = arith.divsi %add3A_92, %jit3A_93 : i32
      %sign3A_95 = arith.constant 0 : i32
      %sign3A_96 = arith.cmpi sgt, %add3A_92, %sign3A_95 : i32
      %sign3A_97 = arith.extui %sign3A_96 : i1 to i32
      %sign3A_98 = arith.constant 0 : i32
      %sign3A_99 = arith.cmpi slt, %add3A_92, %sign3A_98 : i32
      %sign3A_100 = arith.extui %sign3A_99 : i1 to i32
      %sign3A_101 = arith.subi %sign3A_97, %sign3A_100 : i32
      %sign3A_102 = arith.constant 0 : i32
      %sign3A_103 = arith.cmpi sgt, %jit3A_93, %sign3A_102 : i32
      %sign3A_104 = arith.extui %sign3A_103 : i1 to i32
      %sign3A_105 = arith.constant 0 : i32
      %sign3A_106 = arith.cmpi slt, %jit3A_93, %sign3A_105 : i32
      %sign3A_107 = arith.extui %sign3A_106 : i1 to i32
      %sign3A_108 = arith.subi %sign3A_104, %sign3A_107 : i32
      %ne3A_109 = arith.cmpi ne, %sign3A_101, %sign3A_108 : i32
      %rem3A_110 = arith.remsi %add3A_92, %jit3A_93 : i32
      %ne3A_111 = arith.constant 0 : i32
      %ne3A_112 = arith.cmpi ne, %rem3A_110, %ne3A_111 : i32
      %and3A_113 = arith.andi %ne3A_109, %ne3A_112 : i1
      %sub3A_114 = arith.constant 1 : i32
      %sub3A_115 = arith.subi %div3A_94, %sub3A_114 : i32
      %select_n3A_116 = arith.select %and3A_113, %sub3A_115, %div3A_94 : i32
      %while3A_117 = arith.constant 0 : i32
      %while3A_118 = arith.constant 0 : i32
      %while3A_119 = arith.subi %select_n3A_116, %while3A_117 : i32
      %while3A_120 = arith.addi %while3A_117, %while3A_119 : i32
      %while3A_121 = arith.constant 1 : i32
      %while3A_122 = arith.divsi %while3A_119, %while3A_121 : i32
      %while3A_123 = arith.muli %while3A_122, %while3A_121 : i32
      %while3A_124 = arith.addi %while3A_117, %while3A_123 : i32
      %while3A_125 = arith.constant 1 : i32
      %while3A_126 = scf.for %while3A_1123 = %while3A_117 to %while3A_124 step %while3A_125 iter_args(%while3A_1124 = %while3A_118) -> (i32)  : i32 {
        %mul3A_1125 = arith.constant 8 : i32
        %mul3A_1126 = arith.muli %while3A_1123, %mul3A_1125 : i32
        %dma_wait3A = arith.constant 0 : i32
        %dma_wait3A_1127 = tpu.memref_slice %arg10[%mul3A_1126, %dma_wait3A] : memref<224x64xbf16, #tpu.memory_space<vmem>> -> memref<8x64xbf16, #tpu.memory_space<vmem>>
        %dma_wait3A_1128 = arith.constant 0 : i32
        %dma_wait3A_1129 = arith.constant 0 : i32
        %dma_wait3A_1130 = tpu.memref_slice %arg5[%dma_wait3A_1128, %dma_wait3A_1129] : memref<1000000x64xbf16, #tpu.memory_space<hbm>> -> memref<8x64xbf16, #tpu.memory_space<hbm>>
        %dma_wait3A_1131 = arith.constant 0 : i32
        %dma_wait3A_1132 = tpu.memref_slice %arg10[%mul3A_1126, %dma_wait3A_1131] : memref<224x64xbf16, #tpu.memory_space<vmem>> -> memref<8x64xbf16, #tpu.memory_space<vmem>>
        %dma_wait3A_1133 = arith.constant 0 : i32
        %dma_wait3A_1134 = arith.constant 0 : i32
        %dma_wait3A_1135 = tpu.memref_slice %arg5[%dma_wait3A_1133, %dma_wait3A_1134] : memref<1000000x64xbf16, #tpu.memory_space<hbm>> -> memref<8x64xbf16, #tpu.memory_space<hbm>>
        tpu.wait_dma2 semaphore(%arg13 : memref<!tpu.dma_semaphore, #tpu.memory_space<semaphore_mem>>) src(%dma_wait3A_1135 : memref<8x64xbf16, #tpu.memory_space<hbm>>) dst(%dma_wait3A_1132 : memref<8x64xbf16, #tpu.memory_space<vmem>>)
        %while3A_1136 = arith.constant 0 : i32
        scf.yield %while3A_1136 : i32
      }
      %while3A_127 = arith.constant 1 : i32
      %while3A_128 = scf.for %while3A_1123 = %while3A_124 to %while3A_120 step %while3A_127 iter_args(%while3A_1124 = %while3A_126) -> (i32)  : i32 {
        %mul3A_1125 = arith.constant 8 : i32
        %mul3A_1126 = arith.muli %while3A_1123, %mul3A_1125 : i32
        %dma_wait3A = arith.constant 0 : i32
        %dma_wait3A_1127 = tpu.memref_slice %arg10[%mul3A_1126, %dma_wait3A] : memref<224x64xbf16, #tpu.memory_space<vmem>> -> memref<8x64xbf16, #tpu.memory_space<vmem>>
        %dma_wait3A_1128 = arith.constant 0 : i32
        %dma_wait3A_1129 = arith.constant 0 : i32
        %dma_wait3A_1130 = tpu.memref_slice %arg5[%dma_wait3A_1128, %dma_wait3A_1129] : memref<1000000x64xbf16, #tpu.memory_space<hbm>> -> memref<8x64xbf16, #tpu.memory_space<hbm>>
        %dma_wait3A_1131 = arith.constant 0 : i32
        %dma_wait3A_1132 = tpu.memref_slice %arg10[%mul3A_1126, %dma_wait3A_1131] : memref<224x64xbf16, #tpu.memory_space<vmem>> -> memref<8x64xbf16, #tpu.memory_space<vmem>>
        %dma_wait3A_1133 = arith.constant 0 : i32
        %dma_wait3A_1134 = arith.constant 0 : i32
        %dma_wait3A_1135 = tpu.memref_slice %arg5[%dma_wait3A_1133, %dma_wait3A_1134] : memref<1000000x64xbf16, #tpu.memory_space<hbm>> -> memref<8x64xbf16, #tpu.memory_space<hbm>>
        tpu.wait_dma2 semaphore(%arg13 : memref<!tpu.dma_semaphore, #tpu.memory_space<semaphore_mem>>) src(%dma_wait3A_1135 : memref<8x64xbf16, #tpu.memory_space<hbm>>) dst(%dma_wait3A_1132 : memref<8x64xbf16, #tpu.memory_space<vmem>>)
        %while3A_1136 = arith.constant 0 : i32
        scf.yield %while3A_1136 : i32
      }
      %get3A_129 = arith.index_cast %mul3A_42 : i32 to index
      %get3A_130 = tpu.vector_load %arg8[%get3A_129] {strides = array<i32>} : memref<144xi32, #tpu.memory_space<vmem>>, vector<16xi32>,
      %slice3A_131 = vector.extract_strided_slice %get3A_130 {offsets = [0], sizes = [1], strides = [1]} : vector<16xi32> to vector<1xi32>
      %squeeze3A_132 = vector.extract %slice3A_131[0] : i32 from vector<1xi32>
      %jit3A_133 = arith.constant 16 : i32
      %div3A_134 = arith.divsi %squeeze3A_132, %jit3A_133 : i32
      %sign3A_135 = arith.constant 0 : i32
      %sign3A_136 = arith.cmpi sgt, %squeeze3A_132, %sign3A_135 : i32
      %sign3A_137 = arith.extui %sign3A_136 : i1 to i32
      %sign3A_138 = arith.constant 0 : i32
      %sign3A_139 = arith.cmpi slt, %squeeze3A_132, %sign3A_138 : i32
      %sign3A_140 = arith.extui %sign3A_139 : i1 to i32
      %sign3A_141 = arith.subi %sign3A_137, %sign3A_140 : i32
      %sign3A_142 = arith.constant 0 : i32
      %sign3A_143 = arith.cmpi sgt, %jit3A_133, %sign3A_142 : i32
      %sign3A_144 = arith.extui %sign3A_143 : i1 to i32
      %sign3A_145 = arith.constant 0 : i32
      %sign3A_146 = arith.cmpi slt, %jit3A_133, %sign3A_145 : i32
      %sign3A_147 = arith.extui %sign3A_146 : i1 to i32
      %sign3A_148 = arith.subi %sign3A_144, %sign3A_147 : i32
      %ne3A_149 = arith.cmpi ne, %sign3A_141, %sign3A_148 : i32
      %rem3A_150 = arith.remsi %squeeze3A_132, %jit3A_133 : i32
      %ne3A_151 = arith.constant 0 : i32
      %ne3A_152 = arith.cmpi ne, %rem3A_150, %ne3A_151 : i32
      %and3A_153 = arith.andi %ne3A_149, %ne3A_152 : i1
      %sub3A_154 = arith.constant 1 : i32
      %sub3A_155 = arith.subi %div3A_134, %sub3A_154 : i32
      %select_n3A_156 = arith.select %and3A_153, %sub3A_155, %div3A_134 : i32
      %broadcast_in_dim3A = arith.constant 0.000000e+00 : f32
      %broadcast_in_dim3A_157 = vector.broadcast %broadcast_in_dim3A : f32 to vector<16xf32>
      %broadcast_in_dim3A_158 = arith.constant 0.000000e+00 : f32
      %broadcast_in_dim3A_159 = vector.broadcast %broadcast_in_dim3A_158 : f32 to vector<16xf32>
      %broadcast_in_dim3A_160 = arith.constant 0.000000e+00 : f32
      %broadcast_in_dim3A_161 = vector.broadcast %broadcast_in_dim3A_160 : f32 to vector<16xf32>
      %broadcast_in_dim3A_162 = arith.constant 0.000000e+00 : f32
      %broadcast_in_dim3A_163 = vector.broadcast %broadcast_in_dim3A_162 : f32 to vector<16xf32>
      %broadcast_in_dim3A_164 = arith.constant 0.000000e+00 : f32
      %broadcast_in_dim3A_165 = vector.broadcast %broadcast_in_dim3A_164 : f32 to vector<16xf32>
      %while3A_166 = arith.constant 0 : i32
      %while3A_167 = arith.subi %select_n3A_156, %while3A_166 : i32
      %while3A_168 = arith.addi %while3A_166, %while3A_167 : i32
      %while3A_169 = arith.constant 1 : i32
      %while3A_170 = arith.divsi %while3A_167, %while3A_169 : i32
      %while3A_171 = arith.muli %while3A_170, %while3A_169 : i32
      %while3A_172 = arith.addi %while3A_166, %while3A_171 : i32
      %while3A_173 = arith.constant 1 : i32
      %while3A_174:4 = scf.for %while3A_1123 = %while3A_166 to %while3A_172 step %while3A_173 iter_args(%while3A_1124 = %broadcast_in_dim3A_159, %while3A_1125 = %broadcast_in_dim3A_161, %while3A_1126 = %broadcast_in_dim3A_163, %while3A_1127 = %broadcast_in_dim3A_165) -> (vector<16xf32>, vector<16xf32>, vector<16xf32>, vector<16xf32>)  : i32 {
        %mul3A_1128 = arith.constant 16 : i32
        %mul3A_1129 = arith.muli %while3A_1123, %mul3A_1128 : i32
        %add3A_1130 = arith.constant 0 : i32
        %add3A_1131 = arith.addi %mul3A_1129, %add3A_1130 : i32
        %get3A_1132 = arith.index_cast %add3A_1131 : i32 to index
        %get3A_1133 = arith.constant 0 : index
        %get3A_1134 = tpu.vector_load %arg10[%get3A_1132, %get3A_1133] {strides = array<i32>} : memref<224x64xbf16, #tpu.memory_space<vmem>>, vector<32xbf16>,
        %unpack3A_1135 = tpu.unpack_subelements %get3A_1134, 0 {pack_format = #tpu.pack_format<interleaved>} : vector<32xbf16> -> vector<16xf32>
        %unpack3A_1136 = tpu.unpack_subelements %get3A_1134, 1 {pack_format = #tpu.pack_format<interleaved>} : vector<32xbf16> -> vector<16xf32>
        %add3A_1137 = arith.addf %while3A_1124, %unpack3A_1135 : vector<16xf32>
        %add3A_1138 = arith.addf %while3A_1125, %unpack3A_1136 : vector<16xf32>
        %add3A_1139 = arith.constant 0 : i32
        %add3A_1140 = arith.addi %mul3A_1129, %add3A_1139 : i32
        %get3A_1141 = arith.index_cast %add3A_1140 : i32 to index
        %get3A_1142 = arith.constant 32 : index
        %get3A_1143 = tpu.vector_load %arg10[%get3A_1141, %get3A_1142] {strides = array<i32>} : memref<224x64xbf16, #tpu.memory_space<vmem>>, vector<32xbf16>,
        %unpack3A_1144 = tpu.unpack_subelements %get3A_1143, 0 {pack_format = #tpu.pack_format<interleaved>} : vector<32xbf16> -> vector<16xf32>
        %unpack3A_1145 = tpu.unpack_subelements %get3A_1143, 1 {pack_format = #tpu.pack_format<interleaved>} : vector<32xbf16> -> vector<16xf32>
        %add3A_1146 = arith.addf %while3A_1126, %unpack3A_1144 : vector<16xf32>
        %add3A_1147 = arith.addf %while3A_1127, %unpack3A_1145 : vector<16xf32>
        %add3A_1148 = arith.constant 1 : i32
        %add3A_1149 = arith.addi %mul3A_1129, %add3A_1148 : i32
        %get3A_1150 = arith.index_cast %add3A_1149 : i32 to index
        %get3A_1151 = arith.constant 0 : index
        %get3A_1152 = tpu.vector_load %arg10[%get3A_1150, %get3A_1151] {strides = array<i32>} : memref<224x64xbf16, #tpu.memory_space<vmem>>, vector<32xbf16>,
        %unpack3A_1153 = tpu.unpack_subelements %get3A_1152, 0 {pack_format = #tpu.pack_format<interleaved>} : vector<32xbf16> -> vector<16xf32>
        %unpack3A_1154 = tpu.unpack_subelements %get3A_1152, 1 {pack_format = #tpu.pack_format<interleaved>} : vector<32xbf16> -> vector<16xf32>
        %add3A_1155 = arith.addf %add3A_1137, %unpack3A_1153 : vector<16xf32>
        %add3A_1156 = arith.addf %add3A_1138, %unpack3A_1154 : vector<16xf32>
        %add3A_1157 = arith.constant 1 : i32
        %add3A_1158 = arith.addi %mul3A_1129, %add3A_1157 : i32
        %get3A_1159 = arith.index_cast %add3A_1158 : i32 to index
        %get3A_1160 = arith.constant 32 : index
        %get3A_1161 = tpu.vector_load %arg10[%get3A_1159, %get3A_1160] {strides = array<i32>} : memref<224x64xbf16, #tpu.memory_space<vmem>>, vector<32xbf16>,
        %unpack3A_1162 = tpu.unpack_subelements %get3A_1161, 0 {pack_format = #tpu.pack_format<interleaved>} : vector<32xbf16> -> vector<16xf32>
        %unpack3A_1163 = tpu.unpack_subelements %get3A_1161, 1 {pack_format = #tpu.pack_format<interleaved>} : vector<32xbf16> -> vector<16xf32>
        %add3A_1164 = arith.addf %add3A_1146, %unpack3A_1162 : vector<16xf32>
        %add3A_1165 = arith.addf %add3A_1147, %unpack3A_1163 : vector<16xf32>
        %add3A_1166 = arith.constant 2 : i32
        %add3A_1167 = arith.addi %mul3A_1129, %add3A_1166 : i32
        %get3A_1168 = arith.index_cast %add3A_1167 : i32 to index
        %get3A_1169 = arith.constant 0 : index
        %get3A_1170 = tpu.vector_load %arg10[%get3A_1168, %get3A_1169] {strides = array<i32>} : memref<224x64xbf16, #tpu.memory_space<vmem>>, vector<32xbf16>,
        %unpack3A_1171 = tpu.unpack_subelements %get3A_1170, 0 {pack_format = #tpu.pack_format<interleaved>} : vector<32xbf16> -> vector<16xf32>
        %unpack3A_1172 = tpu.unpack_subelements %get3A_1170, 1 {pack_format = #tpu.pack_format<interleaved>} : vector<32xbf16> -> vector<16xf32>
        %add3A_1173 = arith.addf %add3A_1155, %unpack3A_1171 : vector<16xf32>
        %add3A_1174 = arith.addf %add3A_1156, %unpack3A_1172 : vector<16xf32>
        %add3A_1175 = arith.constant 2 : i32
        %add3A_1176 = arith.addi %mul3A_1129, %add3A_1175 : i32
        %get3A_1177 = arith.index_cast %add3A_1176 : i32 to index
        %get3A_1178 = arith.constant 32 : index
        %get3A_1179 = tpu.vector_load %arg10[%get3A_1177, %get3A_1178] {strides = array<i32>} : memref<224x64xbf16, #tpu.memory_space<vmem>>, vector<32xbf16>,
        %unpack3A_1180 = tpu.unpack_subelements %get3A_1179, 0 {pack_format = #tpu.pack_format<interleaved>} : vector<32xbf16> -> vector<16xf32>
        %unpack3A_1181 = tpu.unpack_subelements %get3A_1179, 1 {pack_format = #tpu.pack_format<interleaved>} : vector<32xbf16> -> vector<16xf32>
        %add3A_1182 = arith.addf %add3A_1164, %unpack3A_1180 : vector<16xf32>
        %add3A_1183 = arith.addf %add3A_1165, %unpack3A_1181 : vector<16xf32>
        %add3A_1184 = arith.constant 3 : i32
        %add3A_1185 = arith.addi %mul3A_1129, %add3A_1184 : i32
        %get3A_1186 = arith.index_cast %add3A_1185 : i32 to index
        %get3A_1187 = arith.constant 0 : index
        %get3A_1188 = tpu.vector_load %arg10[%get3A_1186, %get3A_1187] {strides = array<i32>} : memref<224x64xbf16, #tpu.memory_space<vmem>>, vector<32xbf16>,
        %unpack3A_1189 = tpu.unpack_subelements %get3A_1188, 0 {pack_format = #tpu.pack_format<interleaved>} : vector<32xbf16> -> vector<16xf32>
        %unpack3A_1190 = tpu.unpack_subelements %get3A_1188, 1 {pack_format = #tpu.pack_format<interleaved>} : vector<32xbf16> -> vector<16xf32>
        %add3A_1191 = arith.addf %add3A_1173, %unpack3A_1189 : vector<16xf32>
        %add3A_1192 = arith.addf %add3A_1174, %unpack3A_1190 : vector<16xf32>
        %add3A_1193 = arith.constant 3 : i32
        %add3A_1194 = arith.addi %mul3A_1129, %add3A_1193 : i32
        %get3A_1195 = arith.index_cast %add3A_1194 : i32 to index
        %get3A_1196 = arith.constant 32 : index
        %get3A_1197 = tpu.vector_load %arg10[%get3A_1195, %get3A_1196] {strides = array<i32>} : memref<224x64xbf16, #tpu.memory_space<vmem>>, vector<32xbf16>,
        %unpack3A_1198 = tpu.unpack_subelements %get3A_1197, 0 {pack_format = #tpu.pack_format<interleaved>} : vector<32xbf16> -> vector<16xf32>
        %unpack3A_1199 = tpu.unpack_subelements %get3A_1197, 1 {pack_format = #tpu.pack_format<interleaved>} : vector<32xbf16> -> vector<16xf32>
        %add3A_1200 = arith.addf %add3A_1182, %unpack3A_1198 : vector<16xf32>
        %add3A_1201 = arith.addf %add3A_1183, %unpack3A_1199 : vector<16xf32>
        %add3A_1202 = arith.constant 4 : i32
        %add3A_1203 = arith.addi %mul3A_1129, %add3A_1202 : i32
        %get3A_1204 = arith.index_cast %add3A_1203 : i32 to index
        %get3A_1205 = arith.constant 0 : index
        %get3A_1206 = tpu.vector_load %arg10[%get3A_1204, %get3A_1205] {strides = array<i32>} : memref<224x64xbf16, #tpu.memory_space<vmem>>, vector<32xbf16>,
        %unpack3A_1207 = tpu.unpack_subelements %get3A_1206, 0 {pack_format = #tpu.pack_format<interleaved>} : vector<32xbf16> -> vector<16xf32>
        %unpack3A_1208 = tpu.unpack_subelements %get3A_1206, 1 {pack_format = #tpu.pack_format<interleaved>} : vector<32xbf16> -> vector<16xf32>
        %add3A_1209 = arith.addf %add3A_1191, %unpack3A_1207 : vector<16xf32>
        %add3A_1210 = arith.addf %add3A_1192, %unpack3A_1208 : vector<16xf32>
        %add3A_1211 = arith.constant 4 : i32
        %add3A_1212 = arith.addi %mul3A_1129, %add3A_1211 : i32
        %get3A_1213 = arith.index_cast %add3A_1212 : i32 to index
        %get3A_1214 = arith.constant 32 : index
        %get3A_1215 = tpu.vector_load %arg10[%get3A_1213, %get3A_1214] {strides = array<i32>} : memref<224x64xbf16, #tpu.memory_space<vmem>>, vector<32xbf16>,
        %unpack3A_1216 = tpu.unpack_subelements %get3A_1215, 0 {pack_format = #tpu.pack_format<interleaved>} : vector<32xbf16> -> vector<16xf32>
        %unpack3A_1217 = tpu.unpack_subelements %get3A_1215, 1 {pack_format = #tpu.pack_format<interleaved>} : vector<32xbf16> -> vector<16xf32>
        %add3A_1218 = arith.addf %add3A_1200, %unpack3A_1216 : vector<16xf32>
        %add3A_1219 = arith.addf %add3A_1201, %unpack3A_1217 : vector<16xf32>
        %add3A_1220 = arith.constant 5 : i32
        %add3A_1221 = arith.addi %mul3A_1129, %add3A_1220 : i32
        %get3A_1222 = arith.index_cast %add3A_1221 : i32 to index
        %get3A_1223 = arith.constant 0 : index
        %get3A_1224 = tpu.vector_load %arg10[%get3A_1222, %get3A_1223] {strides = array<i32>} : memref<224x64xbf16, #tpu.memory_space<vmem>>, vector<32xbf16>,
        %unpack3A_1225 = tpu.unpack_subelements %get3A_1224, 0 {pack_format = #tpu.pack_format<interleaved>} : vector<32xbf16> -> vector<16xf32>
        %unpack3A_1226 = tpu.unpack_subelements %get3A_1224, 1 {pack_format = #tpu.pack_format<interleaved>} : vector<32xbf16> -> vector<16xf32>
        %add3A_1227 = arith.addf %add3A_1209, %unpack3A_1225 : vector<16xf32>
        %add3A_1228 = arith.addf %add3A_1210, %unpack3A_1226 : vector<16xf32>
        %add3A_1229 = arith.constant 5 : i32
        %add3A_1230 = arith.addi %mul3A_1129, %add3A_1229 : i32
        %get3A_1231 = arith.index_cast %add3A_1230 : i32 to index
        %get3A_1232 = arith.constant 32 : index
        %get3A_1233 = tpu.vector_load %arg10[%get3A_1231, %get3A_1232] {strides = array<i32>} : memref<224x64xbf16, #tpu.memory_space<vmem>>, vector<32xbf16>,
        %unpack3A_1234 = tpu.unpack_subelements %get3A_1233, 0 {pack_format = #tpu.pack_format<interleaved>} : vector<32xbf16> -> vector<16xf32>
        %unpack3A_1235 = tpu.unpack_subelements %get3A_1233, 1 {pack_format = #tpu.pack_format<interleaved>} : vector<32xbf16> -> vector<16xf32>
        %add3A_1236 = arith.addf %add3A_1218, %unpack3A_1234 : vector<16xf32>
        %add3A_1237 = arith.addf %add3A_1219, %unpack3A_1235 : vector<16xf32>
        %add3A_1238 = arith.constant 6 : i32
        %add3A_1239 = arith.addi %mul3A_1129, %add3A_1238 : i32
        %get3A_1240 = arith.index_cast %add3A_1239 : i32 to index
        %get3A_1241 = arith.constant 0 : index
        %get3A_1242 = tpu.vector_load %arg10[%get3A_1240, %get3A_1241] {strides = array<i32>} : memref<224x64xbf16, #tpu.memory_space<vmem>>, vector<32xbf16>,
        %unpack3A_1243 = tpu.unpack_subelements %get3A_1242, 0 {pack_format = #tpu.pack_format<interleaved>} : vector<32xbf16> -> vector<16xf32>
        %unpack3A_1244 = tpu.unpack_subelements %get3A_1242, 1 {pack_format = #tpu.pack_format<interleaved>} : vector<32xbf16> -> vector<16xf32>
        %add3A_1245 = arith.addf %add3A_1227, %unpack3A_1243 : vector<16xf32>
        %add3A_1246 = arith.addf %add3A_1228, %unpack3A_1244 : vector<16xf32>
        %add3A_1247 = arith.constant 6 : i32
        %add3A_1248 = arith.addi %mul3A_1129, %add3A_1247 : i32
        %get3A_1249 = arith.index_cast %add3A_1248 : i32 to index
        %get3A_1250 = arith.constant 32 : index
        %get3A_1251 = tpu.vector_load %arg10[%get3A_1249, %get3A_1250] {strides = array<i32>} : memref<224x64xbf16, #tpu.memory_space<vmem>>, vector<32xbf16>,
        %unpack3A_1252 = tpu.unpack_subelements %get3A_1251, 0 {pack_format = #tpu.pack_format<interleaved>} : vector<32xbf16> -> vector<16xf32>
        %unpack3A_1253 = tpu.unpack_subelements %get3A_1251, 1 {pack_format = #tpu.pack_format<interleaved>} : vector<32xbf16> -> vector<16xf32>
        %add3A_1254 = arith.addf %add3A_1236, %unpack3A_1252 : vector<16xf32>
        %add3A_1255 = arith.addf %add3A_1237, %unpack3A_1253 : vector<16xf32>
        %add3A_1256 = arith.constant 7 : i32
        %add3A_1257 = arith.addi %mul3A_1129, %add3A_1256 : i32
        %get3A_1258 = arith.index_cast %add3A_1257 : i32 to index
        %get3A_1259 = arith.constant 0 : index
        %get3A_1260 = tpu.vector_load %arg10[%get3A_1258, %get3A_1259] {strides = array<i32>} : memref<224x64xbf16, #tpu.memory_space<vmem>>, vector<32xbf16>,
        %unpack3A_1261 = tpu.unpack_subelements %get3A_1260, 0 {pack_format = #tpu.pack_format<interleaved>} : vector<32xbf16> -> vector<16xf32>
        %unpack3A_1262 = tpu.unpack_subelements %get3A_1260, 1 {pack_format = #tpu.pack_format<interleaved>} : vector<32xbf16> -> vector<16xf32>
        %add3A_1263 = arith.addf %add3A_1245, %unpack3A_1261 : vector<16xf32>
        %add3A_1264 = arith.addf %add3A_1246, %unpack3A_1262 : vector<16xf32>
        %add3A_1265 = arith.constant 7 : i32
        %add3A_1266 = arith.addi %mul3A_1129, %add3A_1265 : i32
        %get3A_1267 = arith.index_cast %add3A_1266 : i32 to index
        %get3A_1268 = arith.constant 32 : index
        %get3A_1269 = tpu.vector_load %arg10[%get3A_1267, %get3A_1268] {strides = array<i32>} : memref<224x64xbf16, #tpu.memory_space<vmem>>, vector<32xbf16>,
        %unpack3A_1270 = tpu.unpack_subelements %get3A_1269, 0 {pack_format = #tpu.pack_format<interleaved>} : vector<32xbf16> -> vector<16xf32>
        %unpack3A_1271 = tpu.unpack_subelements %get3A_1269, 1 {pack_format = #tpu.pack_format<interleaved>} : vector<32xbf16> -> vector<16xf32>
        %add3A_1272 = arith.addf %add3A_1254, %unpack3A_1270 : vector<16xf32>
        %add3A_1273 = arith.addf %add3A_1255, %unpack3A_1271 : vector<16xf32>
        %add3A_1274 = arith.constant 8 : i32
        %add3A_1275 = arith.addi %mul3A_1129, %add3A_1274 : i32
        %get3A_1276 = arith.index_cast %add3A_1275 : i32 to index
        %get3A_1277 = arith.constant 0 : index
        %get3A_1278 = tpu.vector_load %arg10[%get3A_1276, %get3A_1277] {strides = array<i32>} : memref<224x64xbf16, #tpu.memory_space<vmem>>, vector<32xbf16>,
        %unpack3A_1279 = tpu.unpack_subelements %get3A_1278, 0 {pack_format = #tpu.pack_format<interleaved>} : vector<32xbf16> -> vector<16xf32>
        %unpack3A_1280 = tpu.unpack_subelements %get3A_1278, 1 {pack_format = #tpu.pack_format<interleaved>} : vector<32xbf16> -> vector<16xf32>
        %add3A_1281 = arith.addf %add3A_1263, %unpack3A_1279 : vector<16xf32>
        %add3A_1282 = arith.addf %add3A_1264, %unpack3A_1280 : vector<16xf32>
        %add3A_1283 = arith.constant 8 : i32
        %add3A_1284 = arith.addi %mul3A_1129, %add3A_1283 : i32
        %get3A_1285 = arith.index_cast %add3A_1284 : i32 to index
        %get3A_1286 = arith.constant 32 : index
        %get3A_1287 = tpu.vector_load %arg10[%get3A_1285, %get3A_1286] {strides = array<i32>} : memref<224x64xbf16, #tpu.memory_space<vmem>>, vector<32xbf16>,
        %unpack3A_1288 = tpu.unpack_subelements %get3A_1287, 0 {pack_format = #tpu.pack_format<interleaved>} : vector<32xbf16> -> vector<16xf32>
        %unpack3A_1289 = tpu.unpack_subelements %get3A_1287, 1 {pack_format = #tpu.pack_format<interleaved>} : vector<32xbf16> -> vector<16xf32>
        %add3A_1290 = arith.addf %add3A_1272, %unpack3A_1288 : vector<16xf32>
        %add3A_1291 = arith.addf %add3A_1273, %unpack3A_1289 : vector<16xf32>
        %add3A_1292 = arith.constant 9 : i32
        %add3A_1293 = arith.addi %mul3A_1129, %add3A_1292 : i32
        %get3A_1294 = arith.index_cast %add3A_1293 : i32 to index
        %get3A_1295 = arith.constant 0 : index
        %get3A_1296 = tpu.vector_load %arg10[%get3A_1294, %get3A_1295] {strides = array<i32>} : memref<224x64xbf16, #tpu.memory_space<vmem>>, vector<32xbf16>,
        %unpack3A_1297 = tpu.unpack_subelements %get3A_1296, 0 {pack_format = #tpu.pack_format<interleaved>} : vector<32xbf16> -> vector<16xf32>
        %unpack3A_1298 = tpu.unpack_subelements %get3A_1296, 1 {pack_format = #tpu.pack_format<interleaved>} : vector<32xbf16> -> vector<16xf32>
        %add3A_1299 = arith.addf %add3A_1281, %unpack3A_1297 : vector<16xf32>
        %add3A_1300 = arith.addf %add3A_1282, %unpack3A_1298 : vector<16xf32>
        %add3A_1301 = arith.constant 9 : i32
        %add3A_1302 = arith.addi %mul3A_1129, %add3A_1301 : i32
        %get3A_1303 = arith.index_cast %add3A_1302 : i32 to index
        %get3A_1304 = arith.constant 32 : index
        %get3A_1305 = tpu.vector_load %arg10[%get3A_1303, %get3A_1304] {strides = array<i32>} : memref<224x64xbf16, #tpu.memory_space<vmem>>, vector<32xbf16>,
        %unpack3A_1306 = tpu.unpack_subelements %get3A_1305, 0 {pack_format = #tpu.pack_format<interleaved>} : vector<32xbf16> -> vector<16xf32>
        %unpack3A_1307 = tpu.unpack_subelements %get3A_1305, 1 {pack_format = #tpu.pack_format<interleaved>} : vector<32xbf16> -> vector<16xf32>
        %add3A_1308 = arith.addf %add3A_1290, %unpack3A_1306 : vector<16xf32>
        %add3A_1309 = arith.addf %add3A_1291, %unpack3A_1307 : vector<16xf32>
        %add3A_1310 = arith.constant 10 : i32
        %add3A_1311 = arith.addi %mul3A_1129, %add3A_1310 : i32
        %get3A_1312 = arith.index_cast %add3A_1311 : i32 to index
        %get3A_1313 = arith.constant 0 : index
        %get3A_1314 = tpu.vector_load %arg10[%get3A_1312, %get3A_1313] {strides = array<i32>} : memref<224x64xbf16, #tpu.memory_space<vmem>>, vector<32xbf16>,
        %unpack3A_1315 = tpu.unpack_subelements %get3A_1314, 0 {pack_format = #tpu.pack_format<interleaved>} : vector<32xbf16> -> vector<16xf32>
        %unpack3A_1316 = tpu.unpack_subelements %get3A_1314, 1 {pack_format = #tpu.pack_format<interleaved>} : vector<32xbf16> -> vector<16xf32>
        %add3A_1317 = arith.addf %add3A_1299, %unpack3A_1315 : vector<16xf32>
        %add3A_1318 = arith.addf %add3A_1300, %unpack3A_1316 : vector<16xf32>
        %add3A_1319 = arith.constant 10 : i32
        %add3A_1320 = arith.addi %mul3A_1129, %add3A_1319 : i32
        %get3A_1321 = arith.index_cast %add3A_1320 : i32 to index
        %get3A_1322 = arith.constant 32 : index
        %get3A_1323 = tpu.vector_load %arg10[%get3A_1321, %get3A_1322] {strides = array<i32>} : memref<224x64xbf16, #tpu.memory_space<vmem>>, vector<32xbf16>,
        %unpack3A_1324 = tpu.unpack_subelements %get3A_1323, 0 {pack_format = #tpu.pack_format<interleaved>} : vector<32xbf16> -> vector<16xf32>
        %unpack3A_1325 = tpu.unpack_subelements %get3A_1323, 1 {pack_format = #tpu.pack_format<interleaved>} : vector<32xbf16> -> vector<16xf32>
        %add3A_1326 = arith.addf %add3A_1308, %unpack3A_1324 : vector<16xf32>
        %add3A_1327 = arith.addf %add3A_1309, %unpack3A_1325 : vector<16xf32>
        %add3A_1328 = arith.constant 11 : i32
        %add3A_1329 = arith.addi %mul3A_1129, %add3A_1328 : i32
        %get3A_1330 = arith.index_cast %add3A_1329 : i32 to index
        %get3A_1331 = arith.constant 0 : index
        %get3A_1332 = tpu.vector_load %arg10[%get3A_1330, %get3A_1331] {strides = array<i32>} : memref<224x64xbf16, #tpu.memory_space<vmem>>, vector<32xbf16>,
        %unpack3A_1333 = tpu.unpack_subelements %get3A_1332, 0 {pack_format = #tpu.pack_format<interleaved>} : vector<32xbf16> -> vector<16xf32>
        %unpack3A_1334 = tpu.unpack_subelements %get3A_1332, 1 {pack_format = #tpu.pack_format<interleaved>} : vector<32xbf16> -> vector<16xf32>
        %add3A_1335 = arith.addf %add3A_1317, %unpack3A_1333 : vector<16xf32>
        %add3A_1336 = arith.addf %add3A_1318, %unpack3A_1334 : vector<16xf32>
        %add3A_1337 = arith.constant 11 : i32
        %add3A_1338 = arith.addi %mul3A_1129, %add3A_1337 : i32
        %get3A_1339 = arith.index_cast %add3A_1338 : i32 to index
        %get3A_1340 = arith.constant 32 : index
        %get3A_1341 = tpu.vector_load %arg10[%get3A_1339, %get3A_1340] {strides = array<i32>} : memref<224x64xbf16, #tpu.memory_space<vmem>>, vector<32xbf16>,
        %unpack3A_1342 = tpu.unpack_subelements %get3A_1341, 0 {pack_format = #tpu.pack_format<interleaved>} : vector<32xbf16> -> vector<16xf32>
        %unpack3A_1343 = tpu.unpack_subelements %get3A_1341, 1 {pack_format = #tpu.pack_format<interleaved>} : vector<32xbf16> -> vector<16xf32>
        %add3A_1344 = arith.addf %add3A_1326, %unpack3A_1342 : vector<16xf32>
        %add3A_1345 = arith.addf %add3A_1327, %unpack3A_1343 : vector<16xf32>
        %add3A_1346 = arith.constant 12 : i32
        %add3A_1347 = arith.addi %mul3A_1129, %add3A_1346 : i32
        %get3A_1348 = arith.index_cast %add3A_1347 : i32 to index
        %get3A_1349 = arith.constant 0 : index
        %get3A_1350 = tpu.vector_load %arg10[%get3A_1348, %get3A_1349] {strides = array<i32>} : memref<224x64xbf16, #tpu.memory_space<vmem>>, vector<32xbf16>,
        %unpack3A_1351 = tpu.unpack_subelements %get3A_1350, 0 {pack_format = #tpu.pack_format<interleaved>} : vector<32xbf16> -> vector<16xf32>
        %unpack3A_1352 = tpu.unpack_subelements %get3A_1350, 1 {pack_format = #tpu.pack_format<interleaved>} : vector<32xbf16> -> vector<16xf32>
        %add3A_1353 = arith.addf %add3A_1335, %unpack3A_1351 : vector<16xf32>
        %add3A_1354 = arith.addf %add3A_1336, %unpack3A_1352 : vector<16xf32>
        %add3A_1355 = arith.constant 12 : i32
        %add3A_1356 = arith.addi %mul3A_1129, %add3A_1355 : i32
        %get3A_1357 = arith.index_cast %add3A_1356 : i32 to index
        %get3A_1358 = arith.constant 32 : index
        %get3A_1359 = tpu.vector_load %arg10[%get3A_1357, %get3A_1358] {strides = array<i32>} : memref<224x64xbf16, #tpu.memory_space<vmem>>, vector<32xbf16>,
        %unpack3A_1360 = tpu.unpack_subelements %get3A_1359, 0 {pack_format = #tpu.pack_format<interleaved>} : vector<32xbf16> -> vector<16xf32>
        %unpack3A_1361 = tpu.unpack_subelements %get3A_1359, 1 {pack_format = #tpu.pack_format<interleaved>} : vector<32xbf16> -> vector<16xf32>
        %add3A_1362 = arith.addf %add3A_1344, %unpack3A_1360 : vector<16xf32>
        %add3A_1363 = arith.addf %add3A_1345, %unpack3A_1361 : vector<16xf32>
        %add3A_1364 = arith.constant 13 : i32
        %add3A_1365 = arith.addi %mul3A_1129, %add3A_1364 : i32
        %get3A_1366 = arith.index_cast %add3A_1365 : i32 to index
        %get3A_1367 = arith.constant 0 : index
        %get3A_1368 = tpu.vector_load %arg10[%get3A_1366, %get3A_1367] {strides = array<i32>} : memref<224x64xbf16, #tpu.memory_space<vmem>>, vector<32xbf16>,
        %unpack3A_1369 = tpu.unpack_subelements %get3A_1368, 0 {pack_format = #tpu.pack_format<interleaved>} : vector<32xbf16> -> vector<16xf32>
        %unpack3A_1370 = tpu.unpack_subelements %get3A_1368, 1 {pack_format = #tpu.pack_format<interleaved>} : vector<32xbf16> -> vector<16xf32>
        %add3A_1371 = arith.addf %add3A_1353, %unpack3A_1369 : vector<16xf32>
        %add3A_1372 = arith.addf %add3A_1354, %unpack3A_1370 : vector<16xf32>
        %add3A_1373 = arith.constant 13 : i32
        %add3A_1374 = arith.addi %mul3A_1129, %add3A_1373 : i32
        %get3A_1375 = arith.index_cast %add3A_1374 : i32 to index
        %get3A_1376 = arith.constant 32 : index
        %get3A_1377 = tpu.vector_load %arg10[%get3A_1375, %get3A_1376] {strides = array<i32>} : memref<224x64xbf16, #tpu.memory_space<vmem>>, vector<32xbf16>,
        %unpack3A_1378 = tpu.unpack_subelements %get3A_1377, 0 {pack_format = #tpu.pack_format<interleaved>} : vector<32xbf16> -> vector<16xf32>
        %unpack3A_1379 = tpu.unpack_subelements %get3A_1377, 1 {pack_format = #tpu.pack_format<interleaved>} : vector<32xbf16> -> vector<16xf32>
        %add3A_1380 = arith.addf %add3A_1362, %unpack3A_1378 : vector<16xf32>
        %add3A_1381 = arith.addf %add3A_1363, %unpack3A_1379 : vector<16xf32>
        %add3A_1382 = arith.constant 14 : i32
        %add3A_1383 = arith.addi %mul3A_1129, %add3A_1382 : i32
        %get3A_1384 = arith.index_cast %add3A_1383 : i32 to index
        %get3A_1385 = arith.constant 0 : index
        %get3A_1386 = tpu.vector_load %arg10[%get3A_1384, %get3A_1385] {strides = array<i32>} : memref<224x64xbf16, #tpu.memory_space<vmem>>, vector<32xbf16>,
        %unpack3A_1387 = tpu.unpack_subelements %get3A_1386, 0 {pack_format = #tpu.pack_format<interleaved>} : vector<32xbf16> -> vector<16xf32>
        %unpack3A_1388 = tpu.unpack_subelements %get3A_1386, 1 {pack_format = #tpu.pack_format<interleaved>} : vector<32xbf16> -> vector<16xf32>
        %add3A_1389 = arith.addf %add3A_1371, %unpack3A_1387 : vector<16xf32>
        %add3A_1390 = arith.addf %add3A_1372, %unpack3A_1388 : vector<16xf32>
        %add3A_1391 = arith.constant 14 : i32
        %add3A_1392 = arith.addi %mul3A_1129, %add3A_1391 : i32
        %get3A_1393 = arith.index_cast %add3A_1392 : i32 to index
        %get3A_1394 = arith.constant 32 : index
        %get3A_1395 = tpu.vector_load %arg10[%get3A_1393, %get3A_1394] {strides = array<i32>} : memref<224x64xbf16, #tpu.memory_space<vmem>>, vector<32xbf16>,
        %unpack3A_1396 = tpu.unpack_subelements %get3A_1395, 0 {pack_format = #tpu.pack_format<interleaved>} : vector<32xbf16> -> vector<16xf32>
        %unpack3A_1397 = tpu.unpack_subelements %get3A_1395, 1 {pack_format = #tpu.pack_format<interleaved>} : vector<32xbf16> -> vector<16xf32>
        %add3A_1398 = arith.addf %add3A_1380, %unpack3A_1396 : vector<16xf32>
        %add3A_1399 = arith.addf %add3A_1381, %unpack3A_1397 : vector<16xf32>
        %add3A_1400 = arith.constant 15 : i32
        %add3A_1401 = arith.addi %mul3A_1129, %add3A_1400 : i32
        %get3A_1402 = arith.index_cast %add3A_1401 : i32 to index
        %get3A_1403 = arith.constant 0 : index
        %get3A_1404 = tpu.vector_load %arg10[%get3A_1402, %get3A_1403] {strides = array<i32>} : memref<224x64xbf16, #tpu.memory_space<vmem>>, vector<32xbf16>,
        %unpack3A_1405 = tpu.unpack_subelements %get3A_1404, 0 {pack_format = #tpu.pack_format<interleaved>} : vector<32xbf16> -> vector<16xf32>
        %unpack3A_1406 = tpu.unpack_subelements %get3A_1404, 1 {pack_format = #tpu.pack_format<interleaved>} : vector<32xbf16> -> vector<16xf32>
        %add3A_1407 = arith.addf %add3A_1389, %unpack3A_1405 : vector<16xf32>
        %add3A_1408 = arith.addf %add3A_1390, %unpack3A_1406 : vector<16xf32>
        %add3A_1409 = arith.constant 15 : i32
        %add3A_1410 = arith.addi %mul3A_1129, %add3A_1409 : i32
        %get3A_1411 = arith.index_cast %add3A_1410 : i32 to index
        %get3A_1412 = arith.constant 32 : index
        %get3A_1413 = tpu.vector_load %arg10[%get3A_1411, %get3A_1412] {strides = array<i32>} : memref<224x64xbf16, #tpu.memory_space<vmem>>, vector<32xbf16>,
        %unpack3A_1414 = tpu.unpack_subelements %get3A_1413, 0 {pack_format = #tpu.pack_format<interleaved>} : vector<32xbf16> -> vector<16xf32>
        %unpack3A_1415 = tpu.unpack_subelements %get3A_1413, 1 {pack_format = #tpu.pack_format<interleaved>} : vector<32xbf16> -> vector<16xf32>
        %add3A_1416 = arith.addf %add3A_1398, %unpack3A_1414 : vector<16xf32>
        %add3A_1417 = arith.addf %add3A_1399, %unpack3A_1415 : vector<16xf32>
        scf.yield %add3A_1407, %add3A_1408, %add3A_1416, %add3A_1417 : vector<16xf32>, vector<16xf32>, vector<16xf32>, vector<16xf32>
      }
      %while3A_175 = arith.constant 1 : i32
      %while3A_176:4 = scf.for %while3A_1123 = %while3A_172 to %while3A_168 step %while3A_175 iter_args(%while3A_1124 = %while3A_174#0, %while3A_1125 = %while3A_174#1, %while3A_1126 = %while3A_174#2, %while3A_1127 = %while3A_174#3) -> (vector<16xf32>, vector<16xf32>, vector<16xf32>, vector<16xf32>)  : i32 {
        %mul3A_1128 = arith.constant 16 : i32
        %mul3A_1129 = arith.muli %while3A_1123, %mul3A_1128 : i32
        %add3A_1130 = arith.constant 0 : i32
        %add3A_1131 = arith.addi %mul3A_1129, %add3A_1130 : i32
        %get3A_1132 = arith.index_cast %add3A_1131 : i32 to index
        %get3A_1133 = arith.constant 0 : index
        %get3A_1134 = tpu.vector_load %arg10[%get3A_1132, %get3A_1133] {strides = array<i32>} : memref<224x64xbf16, #tpu.memory_space<vmem>>, vector<32xbf16>,
        %unpack3A_1135 = tpu.unpack_subelements %get3A_1134, 0 {pack_format = #tpu.pack_format<interleaved>} : vector<32xbf16> -> vector<16xf32>
        %unpack3A_1136 = tpu.unpack_subelements %get3A_1134, 1 {pack_format = #tpu.pack_format<interleaved>} : vector<32xbf16> -> vector<16xf32>
        %add3A_1137 = arith.addf %while3A_1124, %unpack3A_1135 : vector<16xf32>
        %add3A_1138 = arith.addf %while3A_1125, %unpack3A_1136 : vector<16xf32>
        %add3A_1139 = arith.constant 0 : i32
        %add3A_1140 = arith.addi %mul3A_1129, %add3A_1139 : i32
        %get3A_1141 = arith.index_cast %add3A_1140 : i32 to index
        %get3A_1142 = arith.constant 32 : index
        %get3A_1143 = tpu.vector_load %arg10[%get3A_1141, %get3A_1142] {strides = array<i32>} : memref<224x64xbf16, #tpu.memory_space<vmem>>, vector<32xbf16>,
        %unpack3A_1144 = tpu.unpack_subelements %get3A_1143, 0 {pack_format = #tpu.pack_format<interleaved>} : vector<32xbf16> -> vector<16xf32>
        %unpack3A_1145 = tpu.unpack_subelements %get3A_1143, 1 {pack_format = #tpu.pack_format<interleaved>} : vector<32xbf16> -> vector<16xf32>
        %add3A_1146 = arith.addf %while3A_1126, %unpack3A_1144 : vector<16xf32>
        %add3A_1147 = arith.addf %while3A_1127, %unpack3A_1145 : vector<16xf32>
        %add3A_1148 = arith.constant 1 : i32
        %add3A_1149 = arith.addi %mul3A_1129, %add3A_1148 : i32
        %get3A_1150 = arith.index_cast %add3A_1149 : i32 to index
        %get3A_1151 = arith.constant 0 : index
        %get3A_1152 = tpu.vector_load %arg10[%get3A_1150, %get3A_1151] {strides = array<i32>} : memref<224x64xbf16, #tpu.memory_space<vmem>>, vector<32xbf16>,
        %unpack3A_1153 = tpu.unpack_subelements %get3A_1152, 0 {pack_format = #tpu.pack_format<interleaved>} : vector<32xbf16> -> vector<16xf32>
        %unpack3A_1154 = tpu.unpack_subelements %get3A_1152, 1 {pack_format = #tpu.pack_format<interleaved>} : vector<32xbf16> -> vector<16xf32>
        %add3A_1155 = arith.addf %add3A_1137, %unpack3A_1153 : vector<16xf32>
        %add3A_1156 = arith.addf %add3A_1138, %unpack3A_1154 : vector<16xf32>
        %add3A_1157 = arith.constant 1 : i32
        %add3A_1158 = arith.addi %mul3A_1129, %add3A_1157 : i32
        %get3A_1159 = arith.index_cast %add3A_1158 : i32 to index
        %get3A_1160 = arith.constant 32 : index
        %get3A_1161 = tpu.vector_load %arg10[%get3A_1159, %get3A_1160] {strides = array<i32>} : memref<224x64xbf16, #tpu.memory_space<vmem>>, vector<32xbf16>,
        %unpack3A_1162 = tpu.unpack_subelements %get3A_1161, 0 {pack_format = #tpu.pack_format<interleaved>} : vector<32xbf16> -> vector<16xf32>
        %unpack3A_1163 = tpu.unpack_subelements %get3A_1161, 1 {pack_format = #tpu.pack_format<interleaved>} : vector<32xbf16> -> vector<16xf32>
        %add3A_1164 = arith.addf %add3A_1146, %unpack3A_1162 : vector<16xf32>
        %add3A_1165 = arith.addf %add3A_1147, %unpack3A_1163 : vector<16xf32>
        %add3A_1166 = arith.constant 2 : i32
        %add3A_1167 = arith.addi %mul3A_1129, %add3A_1166 : i32
        %get3A_1168 = arith.index_cast %add3A_1167 : i32 to index
        %get3A_1169 = arith.constant 0 : index
        %get3A_1170 = tpu.vector_load %arg10[%get3A_1168, %get3A_1169] {strides = array<i32>} : memref<224x64xbf16, #tpu.memory_space<vmem>>, vector<32xbf16>,
        %unpack3A_1171 = tpu.unpack_subelements %get3A_1170, 0 {pack_format = #tpu.pack_format<interleaved>} : vector<32xbf16> -> vector<16xf32>
        %unpack3A_1172 = tpu.unpack_subelements %get3A_1170, 1 {pack_format = #tpu.pack_format<interleaved>} : vector<32xbf16> -> vector<16xf32>
        %add3A_1173 = arith.addf %add3A_1155, %unpack3A_1171 : vector<16xf32>
        %add3A_1174 = arith.addf %add3A_1156, %unpack3A_1172 : vector<16xf32>
        %add3A_1175 = arith.constant 2 : i32
        %add3A_1176 = arith.addi %mul3A_1129, %add3A_1175 : i32
        %get3A_1177 = arith.index_cast %add3A_1176 : i32 to index
        %get3A_1178 = arith.constant 32 : index
        %get3A_1179 = tpu.vector_load %arg10[%get3A_1177, %get3A_1178] {strides = array<i32>} : memref<224x64xbf16, #tpu.memory_space<vmem>>, vector<32xbf16>,
        %unpack3A_1180 = tpu.unpack_subelements %get3A_1179, 0 {pack_format = #tpu.pack_format<interleaved>} : vector<32xbf16> -> vector<16xf32>
        %unpack3A_1181 = tpu.unpack_subelements %get3A_1179, 1 {pack_format = #tpu.pack_format<interleaved>} : vector<32xbf16> -> vector<16xf32>
        %add3A_1182 = arith.addf %add3A_1164, %unpack3A_1180 : vector<16xf32>
        %add3A_1183 = arith.addf %add3A_1165, %unpack3A_1181 : vector<16xf32>
        %add3A_1184 = arith.constant 3 : i32
        %add3A_1185 = arith.addi %mul3A_1129, %add3A_1184 : i32
        %get3A_1186 = arith.index_cast %add3A_1185 : i32 to index
        %get3A_1187 = arith.constant 0 : index
        %get3A_1188 = tpu.vector_load %arg10[%get3A_1186, %get3A_1187] {strides = array<i32>} : memref<224x64xbf16, #tpu.memory_space<vmem>>, vector<32xbf16>,
        %unpack3A_1189 = tpu.unpack_subelements %get3A_1188, 0 {pack_format = #tpu.pack_format<interleaved>} : vector<32xbf16> -> vector<16xf32>
        %unpack3A_1190 = tpu.unpack_subelements %get3A_1188, 1 {pack_format = #tpu.pack_format<interleaved>} : vector<32xbf16> -> vector<16xf32>
        %add3A_1191 = arith.addf %add3A_1173, %unpack3A_1189 : vector<16xf32>
        %add3A_1192 = arith.addf %add3A_1174, %unpack3A_1190 : vector<16xf32>
        %add3A_1193 = arith.constant 3 : i32
        %add3A_1194 = arith.addi %mul3A_1129, %add3A_1193 : i32
        %get3A_1195 = arith.index_cast %add3A_1194 : i32 to index
        %get3A_1196 = arith.constant 32 : index
        %get3A_1197 = tpu.vector_load %arg10[%get3A_1195, %get3A_1196] {strides = array<i32>} : memref<224x64xbf16, #tpu.memory_space<vmem>>, vector<32xbf16>,
        %unpack3A_1198 = tpu.unpack_subelements %get3A_1197, 0 {pack_format = #tpu.pack_format<interleaved>} : vector<32xbf16> -> vector<16xf32>
        %unpack3A_1199 = tpu.unpack_subelements %get3A_1197, 1 {pack_format = #tpu.pack_format<interleaved>} : vector<32xbf16> -> vector<16xf32>
        %add3A_1200 = arith.addf %add3A_1182, %unpack3A_1198 : vector<16xf32>
        %add3A_1201 = arith.addf %add3A_1183, %unpack3A_1199 : vector<16xf32>
        %add3A_1202 = arith.constant 4 : i32
        %add3A_1203 = arith.addi %mul3A_1129, %add3A_1202 : i32
        %get3A_1204 = arith.index_cast %add3A_1203 : i32 to index
        %get3A_1205 = arith.constant 0 : index
        %get3A_1206 = tpu.vector_load %arg10[%get3A_1204, %get3A_1205] {strides = array<i32>} : memref<224x64xbf16, #tpu.memory_space<vmem>>, vector<32xbf16>,
        %unpack3A_1207 = tpu.unpack_subelements %get3A_1206, 0 {pack_format = #tpu.pack_format<interleaved>} : vector<32xbf16> -> vector<16xf32>
        %unpack3A_1208 = tpu.unpack_subelements %get3A_1206, 1 {pack_format = #tpu.pack_format<interleaved>} : vector<32xbf16> -> vector<16xf32>
        %add3A_1209 = arith.addf %add3A_1191, %unpack3A_1207 : vector<16xf32>
        %add3A_1210 = arith.addf %add3A_1192, %unpack3A_1208 : vector<16xf32>
        %add3A_1211 = arith.constant 4 : i32
        %add3A_1212 = arith.addi %mul3A_1129, %add3A_1211 : i32
        %get3A_1213 = arith.index_cast %add3A_1212 : i32 to index
        %get3A_1214 = arith.constant 32 : index
        %get3A_1215 = tpu.vector_load %arg10[%get3A_1213, %get3A_1214] {strides = array<i32>} : memref<224x64xbf16, #tpu.memory_space<vmem>>, vector<32xbf16>,
        %unpack3A_1216 = tpu.unpack_subelements %get3A_1215, 0 {pack_format = #tpu.pack_format<interleaved>} : vector<32xbf16> -> vector<16xf32>
        %unpack3A_1217 = tpu.unpack_subelements %get3A_1215, 1 {pack_format = #tpu.pack_format<interleaved>} : vector<32xbf16> -> vector<16xf32>
        %add3A_1218 = arith.addf %add3A_1200, %unpack3A_1216 : vector<16xf32>
        %add3A_1219 = arith.addf %add3A_1201, %unpack3A_1217 : vector<16xf32>
        %add3A_1220 = arith.constant 5 : i32
        %add3A_1221 = arith.addi %mul3A_1129, %add3A_1220 : i32
        %get3A_1222 = arith.index_cast %add3A_1221 : i32 to index
        %get3A_1223 = arith.constant 0 : index
        %get3A_1224 = tpu.vector_load %arg10[%get3A_1222, %get3A_1223] {strides = array<i32>} : memref<224x64xbf16, #tpu.memory_space<vmem>>, vector<32xbf16>,
        %unpack3A_1225 = tpu.unpack_subelements %get3A_1224, 0 {pack_format = #tpu.pack_format<interleaved>} : vector<32xbf16> -> vector<16xf32>
        %unpack3A_1226 = tpu.unpack_subelements %get3A_1224, 1 {pack_format = #tpu.pack_format<interleaved>} : vector<32xbf16> -> vector<16xf32>
        %add3A_1227 = arith.addf %add3A_1209, %unpack3A_1225 : vector<16xf32>
        %add3A_1228 = arith.addf %add3A_1210, %unpack3A_1226 : vector<16xf32>
        %add3A_1229 = arith.constant 5 : i32
        %add3A_1230 = arith.addi %mul3A_1129, %add3A_1229 : i32
        %get3A_1231 = arith.index_cast %add3A_1230 : i32 to index
        %get3A_1232 = arith.constant 32 : index
        %get3A_1233 = tpu.vector_load %arg10[%get3A_1231, %get3A_1232] {strides = array<i32>} : memref<224x64xbf16, #tpu.memory_space<vmem>>, vector<32xbf16>,
        %unpack3A_1234 = tpu.unpack_subelements %get3A_1233, 0 {pack_format = #tpu.pack_format<interleaved>} : vector<32xbf16> -> vector<16xf32>
        %unpack3A_1235 = tpu.unpack_subelements %get3A_1233, 1 {pack_format = #tpu.pack_format<interleaved>} : vector<32xbf16> -> vector<16xf32>
        %add3A_1236 = arith.addf %add3A_1218, %unpack3A_1234 : vector<16xf32>
        %add3A_1237 = arith.addf %add3A_1219, %unpack3A_1235 : vector<16xf32>
        %add3A_1238 = arith.constant 6 : i32
        %add3A_1239 = arith.addi %mul3A_1129, %add3A_1238 : i32
        %get3A_1240 = arith.index_cast %add3A_1239 : i32 to index
        %get3A_1241 = arith.constant 0 : index
        %get3A_1242 = tpu.vector_load %arg10[%get3A_1240, %get3A_1241] {strides = array<i32>} : memref<224x64xbf16, #tpu.memory_space<vmem>>, vector<32xbf16>,
        %unpack3A_1243 = tpu.unpack_subelements %get3A_1242, 0 {pack_format = #tpu.pack_format<interleaved>} : vector<32xbf16> -> vector<16xf32>
        %unpack3A_1244 = tpu.unpack_subelements %get3A_1242, 1 {pack_format = #tpu.pack_format<interleaved>} : vector<32xbf16> -> vector<16xf32>
        %add3A_1245 = arith.addf %add3A_1227, %unpack3A_1243 : vector<16xf32>
        %add3A_1246 = arith.addf %add3A_1228, %unpack3A_1244 : vector<16xf32>
        %add3A_1247 = arith.constant 6 : i32
        %add3A_1248 = arith.addi %mul3A_1129, %add3A_1247 : i32
        %get3A_1249 = arith.index_cast %add3A_1248 : i32 to index
        %get3A_1250 = arith.constant 32 : index
        %get3A_1251 = tpu.vector_load %arg10[%get3A_1249, %get3A_1250] {strides = array<i32>} : memref<224x64xbf16, #tpu.memory_space<vmem>>, vector<32xbf16>,
        %unpack3A_1252 = tpu.unpack_subelements %get3A_1251, 0 {pack_format = #tpu.pack_format<interleaved>} : vector<32xbf16> -> vector<16xf32>
        %unpack3A_1253 = tpu.unpack_subelements %get3A_1251, 1 {pack_format = #tpu.pack_format<interleaved>} : vector<32xbf16> -> vector<16xf32>
        %add3A_1254 = arith.addf %add3A_1236, %unpack3A_1252 : vector<16xf32>
        %add3A_1255 = arith.addf %add3A_1237, %unpack3A_1253 : vector<16xf32>
        %add3A_1256 = arith.constant 7 : i32
        %add3A_1257 = arith.addi %mul3A_1129, %add3A_1256 : i32
        %get3A_1258 = arith.index_cast %add3A_1257 : i32 to index
        %get3A_1259 = arith.constant 0 : index
        %get3A_1260 = tpu.vector_load %arg10[%get3A_1258, %get3A_1259] {strides = array<i32>} : memref<224x64xbf16, #tpu.memory_space<vmem>>, vector<32xbf16>,
        %unpack3A_1261 = tpu.unpack_subelements %get3A_1260, 0 {pack_format = #tpu.pack_format<interleaved>} : vector<32xbf16> -> vector<16xf32>
        %unpack3A_1262 = tpu.unpack_subelements %get3A_1260, 1 {pack_format = #tpu.pack_format<interleaved>} : vector<32xbf16> -> vector<16xf32>
        %add3A_1263 = arith.addf %add3A_1245, %unpack3A_1261 : vector<16xf32>
        %add3A_1264 = arith.addf %add3A_1246, %unpack3A_1262 : vector<16xf32>
        %add3A_1265 = arith.constant 7 : i32
        %add3A_1266 = arith.addi %mul3A_1129, %add3A_1265 : i32
        %get3A_1267 = arith.index_cast %add3A_1266 : i32 to index
        %get3A_1268 = arith.constant 32 : index
        %get3A_1269 = tpu.vector_load %arg10[%get3A_1267, %get3A_1268] {strides = array<i32>} : memref<224x64xbf16, #tpu.memory_space<vmem>>, vector<32xbf16>,
        %unpack3A_1270 = tpu.unpack_subelements %get3A_1269, 0 {pack_format = #tpu.pack_format<interleaved>} : vector<32xbf16> -> vector<16xf32>
        %unpack3A_1271 = tpu.unpack_subelements %get3A_1269, 1 {pack_format = #tpu.pack_format<interleaved>} : vector<32xbf16> -> vector<16xf32>
        %add3A_1272 = arith.addf %add3A_1254, %unpack3A_1270 : vector<16xf32>
        %add3A_1273 = arith.addf %add3A_1255, %unpack3A_1271 : vector<16xf32>
        %add3A_1274 = arith.constant 8 : i32
        %add3A_1275 = arith.addi %mul3A_1129, %add3A_1274 : i32
        %get3A_1276 = arith.index_cast %add3A_1275 : i32 to index
        %get3A_1277 = arith.constant 0 : index
        %get3A_1278 = tpu.vector_load %arg10[%get3A_1276, %get3A_1277] {strides = array<i32>} : memref<224x64xbf16, #tpu.memory_space<vmem>>, vector<32xbf16>,
        %unpack3A_1279 = tpu.unpack_subelements %get3A_1278, 0 {pack_format = #tpu.pack_format<interleaved>} : vector<32xbf16> -> vector<16xf32>
        %unpack3A_1280 = tpu.unpack_subelements %get3A_1278, 1 {pack_format = #tpu.pack_format<interleaved>} : vector<32xbf16> -> vector<16xf32>
        %add3A_1281 = arith.addf %add3A_1263, %unpack3A_1279 : vector<16xf32>
        %add3A_1282 = arith.addf %add3A_1264, %unpack3A_1280 : vector<16xf32>
        %add3A_1283 = arith.constant 8 : i32
        %add3A_1284 = arith.addi %mul3A_1129, %add3A_1283 : i32
        %get3A_1285 = arith.index_cast %add3A_1284 : i32 to index
        %get3A_1286 = arith.constant 32 : index
        %get3A_1287 = tpu.vector_load %arg10[%get3A_1285, %get3A_1286] {strides = array<i32>} : memref<224x64xbf16, #tpu.memory_space<vmem>>, vector<32xbf16>,
        %unpack3A_1288 = tpu.unpack_subelements %get3A_1287, 0 {pack_format = #tpu.pack_format<interleaved>} : vector<32xbf16> -> vector<16xf32>
        %unpack3A_1289 = tpu.unpack_subelements %get3A_1287, 1 {pack_format = #tpu.pack_format<interleaved>} : vector<32xbf16> -> vector<16xf32>
        %add3A_1290 = arith.addf %add3A_1272, %unpack3A_1288 : vector<16xf32>
        %add3A_1291 = arith.addf %add3A_1273, %unpack3A_1289 : vector<16xf32>
        %add3A_1292 = arith.constant 9 : i32
        %add3A_1293 = arith.addi %mul3A_1129, %add3A_1292 : i32
        %get3A_1294 = arith.index_cast %add3A_1293 : i32 to index
        %get3A_1295 = arith.constant 0 : index
        %get3A_1296 = tpu.vector_load %arg10[%get3A_1294, %get3A_1295] {strides = array<i32>} : memref<224x64xbf16, #tpu.memory_space<vmem>>, vector<32xbf16>,
        %unpack3A_1297 = tpu.unpack_subelements %get3A_1296, 0 {pack_format = #tpu.pack_format<interleaved>} : vector<32xbf16> -> vector<16xf32>
        %unpack3A_1298 = tpu.unpack_subelements %get3A_1296, 1 {pack_format = #tpu.pack_format<interleaved>} : vector<32xbf16> -> vector<16xf32>
        %add3A_1299 = arith.addf %add3A_1281, %unpack3A_1297 : vector<16xf32>
        %add3A_1300 = arith.addf %add3A_1282, %unpack3A_1298 : vector<16xf32>
        %add3A_1301 = arith.constant 9 : i32
        %add3A_1302 = arith.addi %mul3A_1129, %add3A_1301 : i32
        %get3A_1303 = arith.index_cast %add3A_1302 : i32 to index
        %get3A_1304 = arith.constant 32 : index
        %get3A_1305 = tpu.vector_load %arg10[%get3A_1303, %get3A_1304] {strides = array<i32>} : memref<224x64xbf16, #tpu.memory_space<vmem>>, vector<32xbf16>,
        %unpack3A_1306 = tpu.unpack_subelements %get3A_1305, 0 {pack_format = #tpu.pack_format<interleaved>} : vector<32xbf16> -> vector<16xf32>
        %unpack3A_1307 = tpu.unpack_subelements %get3A_1305, 1 {pack_format = #tpu.pack_format<interleaved>} : vector<32xbf16> -> vector<16xf32>
        %add3A_1308 = arith.addf %add3A_1290, %unpack3A_1306 : vector<16xf32>
        %add3A_1309 = arith.addf %add3A_1291, %unpack3A_1307 : vector<16xf32>
        %add3A_1310 = arith.constant 10 : i32
        %add3A_1311 = arith.addi %mul3A_1129, %add3A_1310 : i32
        %get3A_1312 = arith.index_cast %add3A_1311 : i32 to index
        %get3A_1313 = arith.constant 0 : index
        %get3A_1314 = tpu.vector_load %arg10[%get3A_1312, %get3A_1313] {strides = array<i32>} : memref<224x64xbf16, #tpu.memory_space<vmem>>, vector<32xbf16>,
        %unpack3A_1315 = tpu.unpack_subelements %get3A_1314, 0 {pack_format = #tpu.pack_format<interleaved>} : vector<32xbf16> -> vector<16xf32>
        %unpack3A_1316 = tpu.unpack_subelements %get3A_1314, 1 {pack_format = #tpu.pack_format<interleaved>} : vector<32xbf16> -> vector<16xf32>
        %add3A_1317 = arith.addf %add3A_1299, %unpack3A_1315 : vector<16xf32>
        %add3A_1318 = arith.addf %add3A_1300, %unpack3A_1316 : vector<16xf32>
        %add3A_1319 = arith.constant 10 : i32
        %add3A_1320 = arith.addi %mul3A_1129, %add3A_1319 : i32
        %get3A_1321 = arith.index_cast %add3A_1320 : i32 to index
        %get3A_1322 = arith.constant 32 : index
        %get3A_1323 = tpu.vector_load %arg10[%get3A_1321, %get3A_1322] {strides = array<i32>} : memref<224x64xbf16, #tpu.memory_space<vmem>>, vector<32xbf16>,
        %unpack3A_1324 = tpu.unpack_subelements %get3A_1323, 0 {pack_format = #tpu.pack_format<interleaved>} : vector<32xbf16> -> vector<16xf32>
        %unpack3A_1325 = tpu.unpack_subelements %get3A_1323, 1 {pack_format = #tpu.pack_format<interleaved>} : vector<32xbf16> -> vector<16xf32>
        %add3A_1326 = arith.addf %add3A_1308, %unpack3A_1324 : vector<16xf32>
        %add3A_1327 = arith.addf %add3A_1309, %unpack3A_1325 : vector<16xf32>
        %add3A_1328 = arith.constant 11 : i32
        %add3A_1329 = arith.addi %mul3A_1129, %add3A_1328 : i32
        %get3A_1330 = arith.index_cast %add3A_1329 : i32 to index
        %get3A_1331 = arith.constant 0 : index
        %get3A_1332 = tpu.vector_load %arg10[%get3A_1330, %get3A_1331] {strides = array<i32>} : memref<224x64xbf16, #tpu.memory_space<vmem>>, vector<32xbf16>,
        %unpack3A_1333 = tpu.unpack_subelements %get3A_1332, 0 {pack_format = #tpu.pack_format<interleaved>} : vector<32xbf16> -> vector<16xf32>
        %unpack3A_1334 = tpu.unpack_subelements %get3A_1332, 1 {pack_format = #tpu.pack_format<interleaved>} : vector<32xbf16> -> vector<16xf32>
        %add3A_1335 = arith.addf %add3A_1317, %unpack3A_1333 : vector<16xf32>
        %add3A_1336 = arith.addf %add3A_1318, %unpack3A_1334 : vector<16xf32>
        %add3A_1337 = arith.constant 11 : i32
        %add3A_1338 = arith.addi %mul3A_1129, %add3A_1337 : i32
        %get3A_1339 = arith.index_cast %add3A_1338 : i32 to index
        %get3A_1340 = arith.constant 32 : index
        %get3A_1341 = tpu.vector_load %arg10[%get3A_1339, %get3A_1340] {strides = array<i32>} : memref<224x64xbf16, #tpu.memory_space<vmem>>, vector<32xbf16>,
        %unpack3A_1342 = tpu.unpack_subelements %get3A_1341, 0 {pack_format = #tpu.pack_format<interleaved>} : vector<32xbf16> -> vector<16xf32>
        %unpack3A_1343 = tpu.unpack_subelements %get3A_1341, 1 {pack_format = #tpu.pack_format<interleaved>} : vector<32xbf16> -> vector<16xf32>
        %add3A_1344 = arith.addf %add3A_1326, %unpack3A_1342 : vector<16xf32>
        %add3A_1345 = arith.addf %add3A_1327, %unpack3A_1343 : vector<16xf32>
        %add3A_1346 = arith.constant 12 : i32
        %add3A_1347 = arith.addi %mul3A_1129, %add3A_1346 : i32
        %get3A_1348 = arith.index_cast %add3A_1347 : i32 to index
        %get3A_1349 = arith.constant 0 : index
        %get3A_1350 = tpu.vector_load %arg10[%get3A_1348, %get3A_1349] {strides = array<i32>} : memref<224x64xbf16, #tpu.memory_space<vmem>>, vector<32xbf16>,
        %unpack3A_1351 = tpu.unpack_subelements %get3A_1350, 0 {pack_format = #tpu.pack_format<interleaved>} : vector<32xbf16> -> vector<16xf32>
        %unpack3A_1352 = tpu.unpack_subelements %get3A_1350, 1 {pack_format = #tpu.pack_format<interleaved>} : vector<32xbf16> -> vector<16xf32>
        %add3A_1353 = arith.addf %add3A_1335, %unpack3A_1351 : vector<16xf32>
        %add3A_1354 = arith.addf %add3A_1336, %unpack3A_1352 : vector<16xf32>
        %add3A_1355 = arith.constant 12 : i32
        %add3A_1356 = arith.addi %mul3A_1129, %add3A_1355 : i32
        %get3A_1357 = arith.index_cast %add3A_1356 : i32 to index
        %get3A_1358 = arith.constant 32 : index
        %get3A_1359 = tpu.vector_load %arg10[%get3A_1357, %get3A_1358] {strides = array<i32>} : memref<224x64xbf16, #tpu.memory_space<vmem>>, vector<32xbf16>,
        %unpack3A_1360 = tpu.unpack_subelements %get3A_1359, 0 {pack_format = #tpu.pack_format<interleaved>} : vector<32xbf16> -> vector<16xf32>
        %unpack3A_1361 = tpu.unpack_subelements %get3A_1359, 1 {pack_format = #tpu.pack_format<interleaved>} : vector<32xbf16> -> vector<16xf32>
        %add3A_1362 = arith.addf %add3A_1344, %unpack3A_1360 : vector<16xf32>
        %add3A_1363 = arith.addf %add3A_1345, %unpack3A_1361 : vector<16xf32>
        %add3A_1364 = arith.constant 13 : i32
        %add3A_1365 = arith.addi %mul3A_1129, %add3A_1364 : i32
        %get3A_1366 = arith.index_cast %add3A_1365 : i32 to index
        %get3A_1367 = arith.constant 0 : index
        %get3A_1368 = tpu.vector_load %arg10[%get3A_1366, %get3A_1367] {strides = array<i32>} : memref<224x64xbf16, #tpu.memory_space<vmem>>, vector<32xbf16>,
        %unpack3A_1369 = tpu.unpack_subelements %get3A_1368, 0 {pack_format = #tpu.pack_format<interleaved>} : vector<32xbf16> -> vector<16xf32>
        %unpack3A_1370 = tpu.unpack_subelements %get3A_1368, 1 {pack_format = #tpu.pack_format<interleaved>} : vector<32xbf16> -> vector<16xf32>
        %add3A_1371 = arith.addf %add3A_1353, %unpack3A_1369 : vector<16xf32>
        %add3A_1372 = arith.addf %add3A_1354, %unpack3A_1370 : vector<16xf32>
        %add3A_1373 = arith.constant 13 : i32
        %add3A_1374 = arith.addi %mul3A_1129, %add3A_1373 : i32
        %get3A_1375 = arith.index_cast %add3A_1374 : i32 to index
        %get3A_1376 = arith.constant 32 : index
        %get3A_1377 = tpu.vector_load %arg10[%get3A_1375, %get3A_1376] {strides = array<i32>} : memref<224x64xbf16, #tpu.memory_space<vmem>>, vector<32xbf16>,
        %unpack3A_1378 = tpu.unpack_subelements %get3A_1377, 0 {pack_format = #tpu.pack_format<interleaved>} : vector<32xbf16> -> vector<16xf32>
        %unpack3A_1379 = tpu.unpack_subelements %get3A_1377, 1 {pack_format = #tpu.pack_format<interleaved>} : vector<32xbf16> -> vector<16xf32>
        %add3A_1380 = arith.addf %add3A_1362, %unpack3A_1378 : vector<16xf32>
        %add3A_1381 = arith.addf %add3A_1363, %unpack3A_1379 : vector<16xf32>
        %add3A_1382 = arith.constant 14 : i32
        %add3A_1383 = arith.addi %mul3A_1129, %add3A_1382 : i32
        %get3A_1384 = arith.index_cast %add3A_1383 : i32 to index
        %get3A_1385 = arith.constant 0 : index
        %get3A_1386 = tpu.vector_load %arg10[%get3A_1384, %get3A_1385] {strides = array<i32>} : memref<224x64xbf16, #tpu.memory_space<vmem>>, vector<32xbf16>,
        %unpack3A_1387 = tpu.unpack_subelements %get3A_1386, 0 {pack_format = #tpu.pack_format<interleaved>} : vector<32xbf16> -> vector<16xf32>
        %unpack3A_1388 = tpu.unpack_subelements %get3A_1386, 1 {pack_format = #tpu.pack_format<interleaved>} : vector<32xbf16> -> vector<16xf32>
        %add3A_1389 = arith.addf %add3A_1371, %unpack3A_1387 : vector<16xf32>
        %add3A_1390 = arith.addf %add3A_1372, %unpack3A_1388 : vector<16xf32>
        %add3A_1391 = arith.constant 14 : i32
        %add3A_1392 = arith.addi %mul3A_1129, %add3A_1391 : i32
        %get3A_1393 = arith.index_cast %add3A_1392 : i32 to index
        %get3A_1394 = arith.constant 32 : index
        %get3A_1395 = tpu.vector_load %arg10[%get3A_1393, %get3A_1394] {strides = array<i32>} : memref<224x64xbf16, #tpu.memory_space<vmem>>, vector<32xbf16>,
        %unpack3A_1396 = tpu.unpack_subelements %get3A_1395, 0 {pack_format = #tpu.pack_format<interleaved>} : vector<32xbf16> -> vector<16xf32>
        %unpack3A_1397 = tpu.unpack_subelements %get3A_1395, 1 {pack_format = #tpu.pack_format<interleaved>} : vector<32xbf16> -> vector<16xf32>
        %add3A_1398 = arith.addf %add3A_1380, %unpack3A_1396 : vector<16xf32>
        %add3A_1399 = arith.addf %add3A_1381, %unpack3A_1397 : vector<16xf32>
        %add3A_1400 = arith.constant 15 : i32
        %add3A_1401 = arith.addi %mul3A_1129, %add3A_1400 : i32
        %get3A_1402 = arith.index_cast %add3A_1401 : i32 to index
        %get3A_1403 = arith.constant 0 : index
        %get3A_1404 = tpu.vector_load %arg10[%get3A_1402, %get3A_1403] {strides = array<i32>} : memref<224x64xbf16, #tpu.memory_space<vmem>>, vector<32xbf16>,
        %unpack3A_1405 = tpu.unpack_subelements %get3A_1404, 0 {pack_format = #tpu.pack_format<interleaved>} : vector<32xbf16> -> vector<16xf32>
        %unpack3A_1406 = tpu.unpack_subelements %get3A_1404, 1 {pack_format = #tpu.pack_format<interleaved>} : vector<32xbf16> -> vector<16xf32>
        %add3A_1407 = arith.addf %add3A_1389, %unpack3A_1405 : vector<16xf32>
        %add3A_1408 = arith.addf %add3A_1390, %unpack3A_1406 : vector<16xf32>
        %add3A_1409 = arith.constant 15 : i32
        %add3A_1410 = arith.addi %mul3A_1129, %add3A_1409 : i32
        %get3A_1411 = arith.index_cast %add3A_1410 : i32 to index
        %get3A_1412 = arith.constant 32 : index
        %get3A_1413 = tpu.vector_load %arg10[%get3A_1411, %get3A_1412] {strides = array<i32>} : memref<224x64xbf16, #tpu.memory_space<vmem>>, vector<32xbf16>,
        %unpack3A_1414 = tpu.unpack_subelements %get3A_1413, 0 {pack_format = #tpu.pack_format<interleaved>} : vector<32xbf16> -> vector<16xf32>
        %unpack3A_1415 = tpu.unpack_subelements %get3A_1413, 1 {pack_format = #tpu.pack_format<interleaved>} : vector<32xbf16> -> vector<16xf32>
        %add3A_1416 = arith.addf %add3A_1398, %unpack3A_1414 : vector<16xf32>
        %add3A_1417 = arith.addf %add3A_1399, %unpack3A_1415 : vector<16xf32>
        scf.yield %add3A_1407, %add3A_1408, %add3A_1416, %add3A_1417 : vector<16xf32>, vector<16xf32>, vector<16xf32>, vector<16xf32>
      }
      %mul3A_177 = arith.constant 16 : i32
      %mul3A_178 = arith.muli %select_n3A_156, %mul3A_177 : i32
      %add3A_179 = arith.constant 0 : i32
      %add3A_180 = arith.addi %mul3A_178, %add3A_179 : i32
      %lt3A = arith.cmpi slt, %add3A_180, %squeeze3A_132 : i32
      %add3A_181 = arith.constant 0 : i32
      %add3A_182 = arith.addi %mul3A_178, %add3A_181 : i32
      %get3A_183 = arith.index_cast %add3A_182 : i32 to index
      %get3A_184 = arith.constant 0 : index
      %get3A_185 = tpu.vector_load %arg10[%get3A_183, %get3A_184] {strides = array<i32>} : memref<224x64xbf16, #tpu.memory_space<vmem>>, vector<32xbf16>,
      %unpack3A = tpu.unpack_subelements %get3A_185, 0 {pack_format = #tpu.pack_format<interleaved>} : vector<32xbf16> -> vector<16xf32>
      %unpack3A_186 = tpu.unpack_subelements %get3A_185, 1 {pack_format = #tpu.pack_format<interleaved>} : vector<32xbf16> -> vector<16xf32>
      %select_n3A_187 = arith.select %lt3A, %unpack3A, %broadcast_in_dim3A_157 : vector<16xf32>
      %add3A_188 = arith.addf %while3A_176#0, %select_n3A_187 : vector<16xf32>
      %select_n3A_189 = arith.select %lt3A, %unpack3A_186, %broadcast_in_dim3A_157 : vector<16xf32>
      %add3A_190 = arith.addf %while3A_176#1, %select_n3A_189 : vector<16xf32>
      %add3A_191 = arith.constant 0 : i32
      %add3A_192 = arith.addi %mul3A_178, %add3A_191 : i32
      %get3A_193 = arith.index_cast %add3A_192 : i32 to index
      %get3A_194 = arith.constant 32 : index
      %get3A_195 = tpu.vector_load %arg10[%get3A_193, %get3A_194] {strides = array<i32>} : memref<224x64xbf16, #tpu.memory_space<vmem>>, vector<32xbf16>,
      %unpack3A_196 = tpu.unpack_subelements %get3A_195, 0 {pack_format = #tpu.pack_format<interleaved>} : vector<32xbf16> -> vector<16xf32>
      %unpack3A_197 = tpu.unpack_subelements %get3A_195, 1 {pack_format = #tpu.pack_format<interleaved>} : vector<32xbf16> -> vector<16xf32>
      %select_n3A_198 = arith.select %lt3A, %unpack3A_196, %broadcast_in_dim3A_157 : vector<16xf32>
      %add3A_199 = arith.addf %while3A_176#2, %select_n3A_198 : vector<16xf32>
      %select_n3A_200 = arith.select %lt3A, %unpack3A_197, %broadcast_in_dim3A_157 : vector<16xf32>
      %add3A_201 = arith.addf %while3A_176#3, %select_n3A_200 : vector<16xf32>
      %add3A_202 = arith.constant 1 : i32
      %add3A_203 = arith.addi %mul3A_178, %add3A_202 : i32
      %lt3A_204 = arith.cmpi slt, %add3A_203, %squeeze3A_132 : i32
      %add3A_205 = arith.constant 1 : i32
      %add3A_206 = arith.addi %mul3A_178, %add3A_205 : i32
      %get3A_207 = arith.index_cast %add3A_206 : i32 to index
      %get3A_208 = arith.constant 0 : index
      %get3A_209 = tpu.vector_load %arg10[%get3A_207, %get3A_208] {strides = array<i32>} : memref<224x64xbf16, #tpu.memory_space<vmem>>, vector<32xbf16>,
      %unpack3A_210 = tpu.unpack_subelements %get3A_209, 0 {pack_format = #tpu.pack_format<interleaved>} : vector<32xbf16> -> vector<16xf32>
      %unpack3A_211 = tpu.unpack_subelements %get3A_209, 1 {pack_format = #tpu.pack_format<interleaved>} : vector<32xbf16> -> vector<16xf32>
      %select_n3A_212 = arith.select %lt3A_204, %unpack3A_210, %broadcast_in_dim3A_157 : vector<16xf32>
      %add3A_213 = arith.addf %add3A_188, %select_n3A_212 : vector<16xf32>
      %select_n3A_214 = arith.select %lt3A_204, %unpack3A_211, %broadcast_in_dim3A_157 : vector<16xf32>
      %add3A_215 = arith.addf %add3A_190, %select_n3A_214 : vector<16xf32>
      %add3A_216 = arith.constant 1 : i32
      %add3A_217 = arith.addi %mul3A_178, %add3A_216 : i32
      %get3A_218 = arith.index_cast %add3A_217 : i32 to index
      %get3A_219 = arith.constant 32 : index
      %get3A_220 = tpu.vector_load %arg10[%get3A_218, %get3A_219] {strides = array<i32>} : memref<224x64xbf16, #tpu.memory_space<vmem>>, vector<32xbf16>,
      %unpack3A_221 = tpu.unpack_subelements %get3A_220, 0 {pack_format = #tpu.pack_format<interleaved>} : vector<32xbf16> -> vector<16xf32>
      %unpack3A_222 = tpu.unpack_subelements %get3A_220, 1 {pack_format = #tpu.pack_format<interleaved>} : vector<32xbf16> -> vector<16xf32>
      %select_n3A_223 = arith.select %lt3A_204, %unpack3A_221, %broadcast_in_dim3A_157 : vector<16xf32>
      %add3A_224 = arith.addf %add3A_199, %select_n3A_223 : vector<16xf32>
      %select_n3A_225 = arith.select %lt3A_204, %unpack3A_222, %broadcast_in_dim3A_157 : vector<16xf32>
      %add3A_226 = arith.addf %add3A_201, %select_n3A_225 : vector<16xf32>
      %add3A_227 = arith.constant 2 : i32
      %add3A_228 = arith.addi %mul3A_178, %add3A_227 : i32
      %lt3A_229 = arith.cmpi slt, %add3A_228, %squeeze3A_132 : i32
      %add3A_230 = arith.constant 2 : i32
      %add3A_231 = arith.addi %mul3A_178, %add3A_230 : i32
      %get3A_232 = arith.index_cast %add3A_231 : i32 to index
      %get3A_233 = arith.constant 0 : index
      %get3A_234 = tpu.vector_load %arg10[%get3A_232, %get3A_233] {strides = array<i32>} : memref<224x64xbf16, #tpu.memory_space<vmem>>, vector<32xbf16>,
      %unpack3A_235 = tpu.unpack_subelements %get3A_234, 0 {pack_format = #tpu.pack_format<interleaved>} : vector<32xbf16> -> vector<16xf32>
      %unpack3A_236 = tpu.unpack_subelements %get3A_234, 1 {pack_format = #tpu.pack_format<interleaved>} : vector<32xbf16> -> vector<16xf32>
      %select_n3A_237 = arith.select %lt3A_229, %unpack3A_235, %broadcast_in_dim3A_157 : vector<16xf32>
      %add3A_238 = arith.addf %add3A_213, %select_n3A_237 : vector<16xf32>
      %select_n3A_239 = arith.select %lt3A_229, %unpack3A_236, %broadcast_in_dim3A_157 : vector<16xf32>
      %add3A_240 = arith.addf %add3A_215, %select_n3A_239 : vector<16xf32>
      %add3A_241 = arith.constant 2 : i32
      %add3A_242 = arith.addi %mul3A_178, %add3A_241 : i32
      %get3A_243 = arith.index_cast %add3A_242 : i32 to index
      %get3A_244 = arith.constant 32 : index
      %get3A_245 = tpu.vector_load %arg10[%get3A_243, %get3A_244] {strides = array<i32>} : memref<224x64xbf16, #tpu.memory_space<vmem>>, vector<32xbf16>,
      %unpack3A_246 = tpu.unpack_subelements %get3A_245, 0 {pack_format = #tpu.pack_format<interleaved>} : vector<32xbf16> -> vector<16xf32>
      %unpack3A_247 = tpu.unpack_subelements %get3A_245, 1 {pack_format = #tpu.pack_format<interleaved>} : vector<32xbf16> -> vector<16xf32>
      %select_n3A_248 = arith.select %lt3A_229, %unpack3A_246, %broadcast_in_dim3A_157 : vector<16xf32>
      %add3A_249 = arith.addf %add3A_224, %select_n3A_248 : vector<16xf32>
      %select_n3A_250 = arith.select %lt3A_229, %unpack3A_247, %broadcast_in_dim3A_157 : vector<16xf32>
      %add3A_251 = arith.addf %add3A_226, %select_n3A_250 : vector<16xf32>
      %add3A_252 = arith.constant 3 : i32
      %add3A_253 = arith.addi %mul3A_178, %add3A_252 : i32
      %lt3A_254 = arith.cmpi slt, %add3A_253, %squeeze3A_132 : i32
      %add3A_255 = arith.constant 3 : i32
      %add3A_256 = arith.addi %mul3A_178, %add3A_255 : i32
      %get3A_257 = arith.index_cast %add3A_256 : i32 to index
      %get3A_258 = arith.constant 0 : index
      %get3A_259 = tpu.vector_load %arg10[%get3A_257, %get3A_258] {strides = array<i32>} : memref<224x64xbf16, #tpu.memory_space<vmem>>, vector<32xbf16>,
      %unpack3A_260 = tpu.unpack_subelements %get3A_259, 0 {pack_format = #tpu.pack_format<interleaved>} : vector<32xbf16> -> vector<16xf32>
      %unpack3A_261 = tpu.unpack_subelements %get3A_259, 1 {pack_format = #tpu.pack_format<interleaved>} : vector<32xbf16> -> vector<16xf32>
      %select_n3A_262 = arith.select %lt3A_254, %unpack3A_260, %broadcast_in_dim3A_157 : vector<16xf32>
      %add3A_263 = arith.addf %add3A_238, %select_n3A_262 : vector<16xf32>
      %select_n3A_264 = arith.select %lt3A_254, %unpack3A_261, %broadcast_in_dim3A_157 : vector<16xf32>
      %add3A_265 = arith.addf %add3A_240, %select_n3A_264 : vector<16xf32>
      %add3A_266 = arith.constant 3 : i32
      %add3A_267 = arith.addi %mul3A_178, %add3A_266 : i32
      %get3A_268 = arith.index_cast %add3A_267 : i32 to index
      %get3A_269 = arith.constant 32 : index
      %get3A_270 = tpu.vector_load %arg10[%get3A_268, %get3A_269] {strides = array<i32>} : memref<224x64xbf16, #tpu.memory_space<vmem>>, vector<32xbf16>,
      %unpack3A_271 = tpu.unpack_subelements %get3A_270, 0 {pack_format = #tpu.pack_format<interleaved>} : vector<32xbf16> -> vector<16xf32>
      %unpack3A_272 = tpu.unpack_subelements %get3A_270, 1 {pack_format = #tpu.pack_format<interleaved>} : vector<32xbf16> -> vector<16xf32>
      %select_n3A_273 = arith.select %lt3A_254, %unpack3A_271, %broadcast_in_dim3A_157 : vector<16xf32>
      %add3A_274 = arith.addf %add3A_249, %select_n3A_273 : vector<16xf32>
      %select_n3A_275 = arith.select %lt3A_254, %unpack3A_272, %broadcast_in_dim3A_157 : vector<16xf32>
      %add3A_276 = arith.addf %add3A_251, %select_n3A_275 : vector<16xf32>
      %add3A_277 = arith.constant 4 : i32
      %add3A_278 = arith.addi %mul3A_178, %add3A_277 : i32
      %lt3A_279 = arith.cmpi slt, %add3A_278, %squeeze3A_132 : i32
      %add3A_280 = arith.constant 4 : i32
      %add3A_281 = arith.addi %mul3A_178, %add3A_280 : i32
      %get3A_282 = arith.index_cast %add3A_281 : i32 to index
      %get3A_283 = arith.constant 0 : index
      %get3A_284 = tpu.vector_load %arg10[%get3A_282, %get3A_283] {strides = array<i32>} : memref<224x64xbf16, #tpu.memory_space<vmem>>, vector<32xbf16>,
      %unpack3A_285 = tpu.unpack_subelements %get3A_284, 0 {pack_format = #tpu.pack_format<interleaved>} : vector<32xbf16> -> vector<16xf32>
      %unpack3A_286 = tpu.unpack_subelements %get3A_284, 1 {pack_format = #tpu.pack_format<interleaved>} : vector<32xbf16> -> vector<16xf32>
      %select_n3A_287 = arith.select %lt3A_279, %unpack3A_285, %broadcast_in_dim3A_157 : vector<16xf32>
      %add3A_288 = arith.addf %add3A_263, %select_n3A_287 : vector<16xf32>
      %select_n3A_289 = arith.select %lt3A_279, %unpack3A_286, %broadcast_in_dim3A_157 : vector<16xf32>
      %add3A_290 = arith.addf %add3A_265, %select_n3A_289 : vector<16xf32>
      %add3A_291 = arith.constant 4 : i32
      %add3A_292 = arith.addi %mul3A_178, %add3A_291 : i32
      %get3A_293 = arith.index_cast %add3A_292 : i32 to index
      %get3A_294 = arith.constant 32 : index
      %get3A_295 = tpu.vector_load %arg10[%get3A_293, %get3A_294] {strides = array<i32>} : memref<224x64xbf16, #tpu.memory_space<vmem>>, vector<32xbf16>,
      %unpack3A_296 = tpu.unpack_subelements %get3A_295, 0 {pack_format = #tpu.pack_format<interleaved>} : vector<32xbf16> -> vector<16xf32>
      %unpack3A_297 = tpu.unpack_subelements %get3A_295, 1 {pack_format = #tpu.pack_format<interleaved>} : vector<32xbf16> -> vector<16xf32>
      %select_n3A_298 = arith.select %lt3A_279, %unpack3A_296, %broadcast_in_dim3A_157 : vector<16xf32>
      %add3A_299 = arith.addf %add3A_274, %select_n3A_298 : vector<16xf32>
      %select_n3A_300 = arith.select %lt3A_279, %unpack3A_297, %broadcast_in_dim3A_157 : vector<16xf32>
      %add3A_301 = arith.addf %add3A_276, %select_n3A_300 : vector<16xf32>
      %add3A_302 = arith.constant 5 : i32
      %add3A_303 = arith.addi %mul3A_178, %add3A_302 : i32
      %lt3A_304 = arith.cmpi slt, %add3A_303, %squeeze3A_132 : i32
      %add3A_305 = arith.constant 5 : i32
      %add3A_306 = arith.addi %mul3A_178, %add3A_305 : i32
      %get3A_307 = arith.index_cast %add3A_306 : i32 to index
      %get3A_308 = arith.constant 0 : index
      %get3A_309 = tpu.vector_load %arg10[%get3A_307, %get3A_308] {strides = array<i32>} : memref<224x64xbf16, #tpu.memory_space<vmem>>, vector<32xbf16>,
      %unpack3A_310 = tpu.unpack_subelements %get3A_309, 0 {pack_format = #tpu.pack_format<interleaved>} : vector<32xbf16> -> vector<16xf32>
      %unpack3A_311 = tpu.unpack_subelements %get3A_309, 1 {pack_format = #tpu.pack_format<interleaved>} : vector<32xbf16> -> vector<16xf32>
      %select_n3A_312 = arith.select %lt3A_304, %unpack3A_310, %broadcast_in_dim3A_157 : vector<16xf32>
      %add3A_313 = arith.addf %add3A_288, %select_n3A_312 : vector<16xf32>
      %select_n3A_314 = arith.select %lt3A_304, %unpack3A_311, %broadcast_in_dim3A_157 : vector<16xf32>
      %add3A_315 = arith.addf %add3A_290, %select_n3A_314 : vector<16xf32>
      %add3A_316 = arith.constant 5 : i32
      %add3A_317 = arith.addi %mul3A_178, %add3A_316 : i32
      %get3A_318 = arith.index_cast %add3A_317 : i32 to index
      %get3A_319 = arith.constant 32 : index
      %get3A_320 = tpu.vector_load %arg10[%get3A_318, %get3A_319] {strides = array<i32>} : memref<224x64xbf16, #tpu.memory_space<vmem>>, vector<32xbf16>,
      %unpack3A_321 = tpu.unpack_subelements %get3A_320, 0 {pack_format = #tpu.pack_format<interleaved>} : vector<32xbf16> -> vector<16xf32>
      %unpack3A_322 = tpu.unpack_subelements %get3A_320, 1 {pack_format = #tpu.pack_format<interleaved>} : vector<32xbf16> -> vector<16xf32>
      %select_n3A_323 = arith.select %lt3A_304, %unpack3A_321, %broadcast_in_dim3A_157 : vector<16xf32>
      %add3A_324 = arith.addf %add3A_299, %select_n3A_323 : vector<16xf32>
      %select_n3A_325 = arith.select %lt3A_304, %unpack3A_322, %broadcast_in_dim3A_157 : vector<16xf32>
      %add3A_326 = arith.addf %add3A_301, %select_n3A_325 : vector<16xf32>
      %add3A_327 = arith.constant 6 : i32
      %add3A_328 = arith.addi %mul3A_178, %add3A_327 : i32
      %lt3A_329 = arith.cmpi slt, %add3A_328, %squeeze3A_132 : i32
      %add3A_330 = arith.constant 6 : i32
      %add3A_331 = arith.addi %mul3A_178, %add3A_330 : i32
      %get3A_332 = arith.index_cast %add3A_331 : i32 to index
      %get3A_333 = arith.constant 0 : index
      %get3A_334 = tpu.vector_load %arg10[%get3A_332, %get3A_333] {strides = array<i32>} : memref<224x64xbf16, #tpu.memory_space<vmem>>, vector<32xbf16>,
      %unpack3A_335 = tpu.unpack_subelements %get3A_334, 0 {pack_format = #tpu.pack_format<interleaved>} : vector<32xbf16> -> vector<16xf32>
      %unpack3A_336 = tpu.unpack_subelements %get3A_334, 1 {pack_format = #tpu.pack_format<interleaved>} : vector<32xbf16> -> vector<16xf32>
      %select_n3A_337 = arith.select %lt3A_329, %unpack3A_335, %broadcast_in_dim3A_157 : vector<16xf32>
      %add3A_338 = arith.addf %add3A_313, %select_n3A_337 : vector<16xf32>
      %select_n3A_339 = arith.select %lt3A_329, %unpack3A_336, %broadcast_in_dim3A_157 : vector<16xf32>
      %add3A_340 = arith.addf %add3A_315, %select_n3A_339 : vector<16xf32>
      %add3A_341 = arith.constant 6 : i32
      %add3A_342 = arith.addi %mul3A_178, %add3A_341 : i32
      %get3A_343 = arith.index_cast %add3A_342 : i32 to index
      %get3A_344 = arith.constant 32 : index
      %get3A_345 = tpu.vector_load %arg10[%get3A_343, %get3A_344] {strides = array<i32>} : memref<224x64xbf16, #tpu.memory_space<vmem>>, vector<32xbf16>,
      %unpack3A_346 = tpu.unpack_subelements %get3A_345, 0 {pack_format = #tpu.pack_format<interleaved>} : vector<32xbf16> -> vector<16xf32>
      %unpack3A_347 = tpu.unpack_subelements %get3A_345, 1 {pack_format = #tpu.pack_format<interleaved>} : vector<32xbf16> -> vector<16xf32>
      %select_n3A_348 = arith.select %lt3A_329, %unpack3A_346, %broadcast_in_dim3A_157 : vector<16xf32>
      %add3A_349 = arith.addf %add3A_324, %select_n3A_348 : vector<16xf32>
      %select_n3A_350 = arith.select %lt3A_329, %unpack3A_347, %broadcast_in_dim3A_157 : vector<16xf32>
      %add3A_351 = arith.addf %add3A_326, %select_n3A_350 : vector<16xf32>
      %add3A_352 = arith.constant 7 : i32
      %add3A_353 = arith.addi %mul3A_178, %add3A_352 : i32
      %lt3A_354 = arith.cmpi slt, %add3A_353, %squeeze3A_132 : i32
      %add3A_355 = arith.constant 7 : i32
      %add3A_356 = arith.addi %mul3A_178, %add3A_355 : i32
      %get3A_357 = arith.index_cast %add3A_356 : i32 to index
      %get3A_358 = arith.constant 0 : index
      %get3A_359 = tpu.vector_load %arg10[%get3A_357, %get3A_358] {strides = array<i32>} : memref<224x64xbf16, #tpu.memory_space<vmem>>, vector<32xbf16>,
      %unpack3A_360 = tpu.unpack_subelements %get3A_359, 0 {pack_format = #tpu.pack_format<interleaved>} : vector<32xbf16> -> vector<16xf32>
      %unpack3A_361 = tpu.unpack_subelements %get3A_359, 1 {pack_format = #tpu.pack_format<interleaved>} : vector<32xbf16> -> vector<16xf32>
      %select_n3A_362 = arith.select %lt3A_354, %unpack3A_360, %broadcast_in_dim3A_157 : vector<16xf32>
      %add3A_363 = arith.addf %add3A_338, %select_n3A_362 : vector<16xf32>
      %select_n3A_364 = arith.select %lt3A_354, %unpack3A_361, %broadcast_in_dim3A_157 : vector<16xf32>
      %add3A_365 = arith.addf %add3A_340, %select_n3A_364 : vector<16xf32>
      %add3A_366 = arith.constant 7 : i32
      %add3A_367 = arith.addi %mul3A_178, %add3A_366 : i32
      %get3A_368 = arith.index_cast %add3A_367 : i32 to index
      %get3A_369 = arith.constant 32 : index
      %get3A_370 = tpu.vector_load %arg10[%get3A_368, %get3A_369] {strides = array<i32>} : memref<224x64xbf16, #tpu.memory_space<vmem>>, vector<32xbf16>,
      %unpack3A_371 = tpu.unpack_subelements %get3A_370, 0 {pack_format = #tpu.pack_format<interleaved>} : vector<32xbf16> -> vector<16xf32>
      %unpack3A_372 = tpu.unpack_subelements %get3A_370, 1 {pack_format = #tpu.pack_format<interleaved>} : vector<32xbf16> -> vector<16xf32>
      %select_n3A_373 = arith.select %lt3A_354, %unpack3A_371, %broadcast_in_dim3A_157 : vector<16xf32>
      %add3A_374 = arith.addf %add3A_349, %select_n3A_373 : vector<16xf32>
      %select_n3A_375 = arith.select %lt3A_354, %unpack3A_372, %broadcast_in_dim3A_157 : vector<16xf32>
      %add3A_376 = arith.addf %add3A_351, %select_n3A_375 : vector<16xf32>
      %add3A_377 = arith.constant 8 : i32
      %add3A_378 = arith.addi %mul3A_178, %add3A_377 : i32
      %lt3A_379 = arith.cmpi slt, %add3A_378, %squeeze3A_132 : i32
      %add3A_380 = arith.constant 8 : i32
      %add3A_381 = arith.addi %mul3A_178, %add3A_380 : i32
      %get3A_382 = arith.index_cast %add3A_381 : i32 to index
      %get3A_383 = arith.constant 0 : index
      %get3A_384 = tpu.vector_load %arg10[%get3A_382, %get3A_383] {strides = array<i32>} : memref<224x64xbf16, #tpu.memory_space<vmem>>, vector<32xbf16>,
      %unpack3A_385 = tpu.unpack_subelements %get3A_384, 0 {pack_format = #tpu.pack_format<interleaved>} : vector<32xbf16> -> vector<16xf32>
      %unpack3A_386 = tpu.unpack_subelements %get3A_384, 1 {pack_format = #tpu.pack_format<interleaved>} : vector<32xbf16> -> vector<16xf32>
      %select_n3A_387 = arith.select %lt3A_379, %unpack3A_385, %broadcast_in_dim3A_157 : vector<16xf32>
      %add3A_388 = arith.addf %add3A_363, %select_n3A_387 : vector<16xf32>
      %select_n3A_389 = arith.select %lt3A_379, %unpack3A_386, %broadcast_in_dim3A_157 : vector<16xf32>
      %add3A_390 = arith.addf %add3A_365, %select_n3A_389 : vector<16xf32>
      %add3A_391 = arith.constant 8 : i32
      %add3A_392 = arith.addi %mul3A_178, %add3A_391 : i32
      %get3A_393 = arith.index_cast %add3A_392 : i32 to index
      %get3A_394 = arith.constant 32 : index
      %get3A_395 = tpu.vector_load %arg10[%get3A_393, %get3A_394] {strides = array<i32>} : memref<224x64xbf16, #tpu.memory_space<vmem>>, vector<32xbf16>,
      %unpack3A_396 = tpu.unpack_subelements %get3A_395, 0 {pack_format = #tpu.pack_format<interleaved>} : vector<32xbf16> -> vector<16xf32>
      %unpack3A_397 = tpu.unpack_subelements %get3A_395, 1 {pack_format = #tpu.pack_format<interleaved>} : vector<32xbf16> -> vector<16xf32>
      %select_n3A_398 = arith.select %lt3A_379, %unpack3A_396, %broadcast_in_dim3A_157 : vector<16xf32>
      %add3A_399 = arith.addf %add3A_374, %select_n3A_398 : vector<16xf32>
      %select_n3A_400 = arith.select %lt3A_379, %unpack3A_397, %broadcast_in_dim3A_157 : vector<16xf32>
      %add3A_401 = arith.addf %add3A_376, %select_n3A_400 : vector<16xf32>
      %add3A_402 = arith.constant 9 : i32
      %add3A_403 = arith.addi %mul3A_178, %add3A_402 : i32
      %lt3A_404 = arith.cmpi slt, %add3A_403, %squeeze3A_132 : i32
      %add3A_405 = arith.constant 9 : i32
      %add3A_406 = arith.addi %mul3A_178, %add3A_405 : i32
      %get3A_407 = arith.index_cast %add3A_406 : i32 to index
      %get3A_408 = arith.constant 0 : index
      %get3A_409 = tpu.vector_load %arg10[%get3A_407, %get3A_408] {strides = array<i32>} : memref<224x64xbf16, #tpu.memory_space<vmem>>, vector<32xbf16>,
      %unpack3A_410 = tpu.unpack_subelements %get3A_409, 0 {pack_format = #tpu.pack_format<interleaved>} : vector<32xbf16> -> vector<16xf32>
      %unpack3A_411 = tpu.unpack_subelements %get3A_409, 1 {pack_format = #tpu.pack_format<interleaved>} : vector<32xbf16> -> vector<16xf32>
      %select_n3A_412 = arith.select %lt3A_404, %unpack3A_410, %broadcast_in_dim3A_157 : vector<16xf32>
      %add3A_413 = arith.addf %add3A_388, %select_n3A_412 : vector<16xf32>
      %select_n3A_414 = arith.select %lt3A_404, %unpack3A_411, %broadcast_in_dim3A_157 : vector<16xf32>
      %add3A_415 = arith.addf %add3A_390, %select_n3A_414 : vector<16xf32>
      %add3A_416 = arith.constant 9 : i32
      %add3A_417 = arith.addi %mul3A_178, %add3A_416 : i32
      %get3A_418 = arith.index_cast %add3A_417 : i32 to index
      %get3A_419 = arith.constant 32 : index
      %get3A_420 = tpu.vector_load %arg10[%get3A_418, %get3A_419] {strides = array<i32>} : memref<224x64xbf16, #tpu.memory_space<vmem>>, vector<32xbf16>,
      %unpack3A_421 = tpu.unpack_subelements %get3A_420, 0 {pack_format = #tpu.pack_format<interleaved>} : vector<32xbf16> -> vector<16xf32>
      %unpack3A_422 = tpu.unpack_subelements %get3A_420, 1 {pack_format = #tpu.pack_format<interleaved>} : vector<32xbf16> -> vector<16xf32>
      %select_n3A_423 = arith.select %lt3A_404, %unpack3A_421, %broadcast_in_dim3A_157 : vector<16xf32>
      %add3A_424 = arith.addf %add3A_399, %select_n3A_423 : vector<16xf32>
      %select_n3A_425 = arith.select %lt3A_404, %unpack3A_422, %broadcast_in_dim3A_157 : vector<16xf32>
      %add3A_426 = arith.addf %add3A_401, %select_n3A_425 : vector<16xf32>
      %add3A_427 = arith.constant 10 : i32
      %add3A_428 = arith.addi %mul3A_178, %add3A_427 : i32
      %lt3A_429 = arith.cmpi slt, %add3A_428, %squeeze3A_132 : i32
      %add3A_430 = arith.constant 10 : i32
      %add3A_431 = arith.addi %mul3A_178, %add3A_430 : i32
      %get3A_432 = arith.index_cast %add3A_431 : i32 to index
      %get3A_433 = arith.constant 0 : index
      %get3A_434 = tpu.vector_load %arg10[%get3A_432, %get3A_433] {strides = array<i32>} : memref<224x64xbf16, #tpu.memory_space<vmem>>, vector<32xbf16>,
      %unpack3A_435 = tpu.unpack_subelements %get3A_434, 0 {pack_format = #tpu.pack_format<interleaved>} : vector<32xbf16> -> vector<16xf32>
      %unpack3A_436 = tpu.unpack_subelements %get3A_434, 1 {pack_format = #tpu.pack_format<interleaved>} : vector<32xbf16> -> vector<16xf32>
      %select_n3A_437 = arith.select %lt3A_429, %unpack3A_435, %broadcast_in_dim3A_157 : vector<16xf32>
      %add3A_438 = arith.addf %add3A_413, %select_n3A_437 : vector<16xf32>
      %select_n3A_439 = arith.select %lt3A_429, %unpack3A_436, %broadcast_in_dim3A_157 : vector<16xf32>
      %add3A_440 = arith.addf %add3A_415, %select_n3A_439 : vector<16xf32>
      %add3A_441 = arith.constant 10 : i32
      %add3A_442 = arith.addi %mul3A_178, %add3A_441 : i32
      %get3A_443 = arith.index_cast %add3A_442 : i32 to index
      %get3A_444 = arith.constant 32 : index
      %get3A_445 = tpu.vector_load %arg10[%get3A_443, %get3A_444] {strides = array<i32>} : memref<224x64xbf16, #tpu.memory_space<vmem>>, vector<32xbf16>,
      %unpack3A_446 = tpu.unpack_subelements %get3A_445, 0 {pack_format = #tpu.pack_format<interleaved>} : vector<32xbf16> -> vector<16xf32>
      %unpack3A_447 = tpu.unpack_subelements %get3A_445, 1 {pack_format = #tpu.pack_format<interleaved>} : vector<32xbf16> -> vector<16xf32>
      %select_n3A_448 = arith.select %lt3A_429, %unpack3A_446, %broadcast_in_dim3A_157 : vector<16xf32>
      %add3A_449 = arith.addf %add3A_424, %select_n3A_448 : vector<16xf32>
      %select_n3A_450 = arith.select %lt3A_429, %unpack3A_447, %broadcast_in_dim3A_157 : vector<16xf32>
      %add3A_451 = arith.addf %add3A_426, %select_n3A_450 : vector<16xf32>
      %add3A_452 = arith.constant 11 : i32
      %add3A_453 = arith.addi %mul3A_178, %add3A_452 : i32
      %lt3A_454 = arith.cmpi slt, %add3A_453, %squeeze3A_132 : i32
      %add3A_455 = arith.constant 11 : i32
      %add3A_456 = arith.addi %mul3A_178, %add3A_455 : i32
      %get3A_457 = arith.index_cast %add3A_456 : i32 to index
      %get3A_458 = arith.constant 0 : index
      %get3A_459 = tpu.vector_load %arg10[%get3A_457, %get3A_458] {strides = array<i32>} : memref<224x64xbf16, #tpu.memory_space<vmem>>, vector<32xbf16>,
      %unpack3A_460 = tpu.unpack_subelements %get3A_459, 0 {pack_format = #tpu.pack_format<interleaved>} : vector<32xbf16> -> vector<16xf32>
      %unpack3A_461 = tpu.unpack_subelements %get3A_459, 1 {pack_format = #tpu.pack_format<interleaved>} : vector<32xbf16> -> vector<16xf32>
      %select_n3A_462 = arith.select %lt3A_454, %unpack3A_460, %broadcast_in_dim3A_157 : vector<16xf32>
      %add3A_463 = arith.addf %add3A_438, %select_n3A_462 : vector<16xf32>
      %select_n3A_464 = arith.select %lt3A_454, %unpack3A_461, %broadcast_in_dim3A_157 : vector<16xf32>
      %add3A_465 = arith.addf %add3A_440, %select_n3A_464 : vector<16xf32>
      %add3A_466 = arith.constant 11 : i32
      %add3A_467 = arith.addi %mul3A_178, %add3A_466 : i32
      %get3A_468 = arith.index_cast %add3A_467 : i32 to index
      %get3A_469 = arith.constant 32 : index
      %get3A_470 = tpu.vector_load %arg10[%get3A_468, %get3A_469] {strides = array<i32>} : memref<224x64xbf16, #tpu.memory_space<vmem>>, vector<32xbf16>,
      %unpack3A_471 = tpu.unpack_subelements %get3A_470, 0 {pack_format = #tpu.pack_format<interleaved>} : vector<32xbf16> -> vector<16xf32>
      %unpack3A_472 = tpu.unpack_subelements %get3A_470, 1 {pack_format = #tpu.pack_format<interleaved>} : vector<32xbf16> -> vector<16xf32>
      %select_n3A_473 = arith.select %lt3A_454, %unpack3A_471, %broadcast_in_dim3A_157 : vector<16xf32>
      %add3A_474 = arith.addf %add3A_449, %select_n3A_473 : vector<16xf32>
      %select_n3A_475 = arith.select %lt3A_454, %unpack3A_472, %broadcast_in_dim3A_157 : vector<16xf32>
      %add3A_476 = arith.addf %add3A_451, %select_n3A_475 : vector<16xf32>
      %add3A_477 = arith.constant 12 : i32
      %add3A_478 = arith.addi %mul3A_178, %add3A_477 : i32
      %lt3A_479 = arith.cmpi slt, %add3A_478, %squeeze3A_132 : i32
      %add3A_480 = arith.constant 12 : i32
      %add3A_481 = arith.addi %mul3A_178, %add3A_480 : i32
      %get3A_482 = arith.index_cast %add3A_481 : i32 to index
      %get3A_483 = arith.constant 0 : index
      %get3A_484 = tpu.vector_load %arg10[%get3A_482, %get3A_483] {strides = array<i32>} : memref<224x64xbf16, #tpu.memory_space<vmem>>, vector<32xbf16>,
      %unpack3A_485 = tpu.unpack_subelements %get3A_484, 0 {pack_format = #tpu.pack_format<interleaved>} : vector<32xbf16> -> vector<16xf32>
      %unpack3A_486 = tpu.unpack_subelements %get3A_484, 1 {pack_format = #tpu.pack_format<interleaved>} : vector<32xbf16> -> vector<16xf32>
      %select_n3A_487 = arith.select %lt3A_479, %unpack3A_485, %broadcast_in_dim3A_157 : vector<16xf32>
      %add3A_488 = arith.addf %add3A_463, %select_n3A_487 : vector<16xf32>
      %select_n3A_489 = arith.select %lt3A_479, %unpack3A_486, %broadcast_in_dim3A_157 : vector<16xf32>
      %add3A_490 = arith.addf %add3A_465, %select_n3A_489 : vector<16xf32>
      %add3A_491 = arith.constant 12 : i32
      %add3A_492 = arith.addi %mul3A_178, %add3A_491 : i32
      %get3A_493 = arith.index_cast %add3A_492 : i32 to index
      %get3A_494 = arith.constant 32 : index
      %get3A_495 = tpu.vector_load %arg10[%get3A_493, %get3A_494] {strides = array<i32>} : memref<224x64xbf16, #tpu.memory_space<vmem>>, vector<32xbf16>,
      %unpack3A_496 = tpu.unpack_subelements %get3A_495, 0 {pack_format = #tpu.pack_format<interleaved>} : vector<32xbf16> -> vector<16xf32>
      %unpack3A_497 = tpu.unpack_subelements %get3A_495, 1 {pack_format = #tpu.pack_format<interleaved>} : vector<32xbf16> -> vector<16xf32>
      %select_n3A_498 = arith.select %lt3A_479, %unpack3A_496, %broadcast_in_dim3A_157 : vector<16xf32>
      %add3A_499 = arith.addf %add3A_474, %select_n3A_498 : vector<16xf32>
      %select_n3A_500 = arith.select %lt3A_479, %unpack3A_497, %broadcast_in_dim3A_157 : vector<16xf32>
      %add3A_501 = arith.addf %add3A_476, %select_n3A_500 : vector<16xf32>
      %add3A_502 = arith.constant 13 : i32
      %add3A_503 = arith.addi %mul3A_178, %add3A_502 : i32
      %lt3A_504 = arith.cmpi slt, %add3A_503, %squeeze3A_132 : i32
      %add3A_505 = arith.constant 13 : i32
      %add3A_506 = arith.addi %mul3A_178, %add3A_505 : i32
      %get3A_507 = arith.index_cast %add3A_506 : i32 to index
      %get3A_508 = arith.constant 0 : index
      %get3A_509 = tpu.vector_load %arg10[%get3A_507, %get3A_508] {strides = array<i32>} : memref<224x64xbf16, #tpu.memory_space<vmem>>, vector<32xbf16>,
      %unpack3A_510 = tpu.unpack_subelements %get3A_509, 0 {pack_format = #tpu.pack_format<interleaved>} : vector<32xbf16> -> vector<16xf32>
      %unpack3A_511 = tpu.unpack_subelements %get3A_509, 1 {pack_format = #tpu.pack_format<interleaved>} : vector<32xbf16> -> vector<16xf32>
      %select_n3A_512 = arith.select %lt3A_504, %unpack3A_510, %broadcast_in_dim3A_157 : vector<16xf32>
      %add3A_513 = arith.addf %add3A_488, %select_n3A_512 : vector<16xf32>
      %select_n3A_514 = arith.select %lt3A_504, %unpack3A_511, %broadcast_in_dim3A_157 : vector<16xf32>
      %add3A_515 = arith.addf %add3A_490, %select_n3A_514 : vector<16xf32>
      %add3A_516 = arith.constant 13 : i32
      %add3A_517 = arith.addi %mul3A_178, %add3A_516 : i32
      %get3A_518 = arith.index_cast %add3A_517 : i32 to index
      %get3A_519 = arith.constant 32 : index
      %get3A_520 = tpu.vector_load %arg10[%get3A_518, %get3A_519] {strides = array<i32>} : memref<224x64xbf16, #tpu.memory_space<vmem>>, vector<32xbf16>,
      %unpack3A_521 = tpu.unpack_subelements %get3A_520, 0 {pack_format = #tpu.pack_format<interleaved>} : vector<32xbf16> -> vector<16xf32>
      %unpack3A_522 = tpu.unpack_subelements %get3A_520, 1 {pack_format = #tpu.pack_format<interleaved>} : vector<32xbf16> -> vector<16xf32>
      %select_n3A_523 = arith.select %lt3A_504, %unpack3A_521, %broadcast_in_dim3A_157 : vector<16xf32>
      %add3A_524 = arith.addf %add3A_499, %select_n3A_523 : vector<16xf32>
      %select_n3A_525 = arith.select %lt3A_504, %unpack3A_522, %broadcast_in_dim3A_157 : vector<16xf32>
      %add3A_526 = arith.addf %add3A_501, %select_n3A_525 : vector<16xf32>
      %add3A_527 = arith.constant 14 : i32
      %add3A_528 = arith.addi %mul3A_178, %add3A_527 : i32
      %lt3A_529 = arith.cmpi slt, %add3A_528, %squeeze3A_132 : i32
      %add3A_530 = arith.constant 14 : i32
      %add3A_531 = arith.addi %mul3A_178, %add3A_530 : i32
      %get3A_532 = arith.index_cast %add3A_531 : i32 to index
      %get3A_533 = arith.constant 0 : index
      %get3A_534 = tpu.vector_load %arg10[%get3A_532, %get3A_533] {strides = array<i32>} : memref<224x64xbf16, #tpu.memory_space<vmem>>, vector<32xbf16>,
      %unpack3A_535 = tpu.unpack_subelements %get3A_534, 0 {pack_format = #tpu.pack_format<interleaved>} : vector<32xbf16> -> vector<16xf32>
      %unpack3A_536 = tpu.unpack_subelements %get3A_534, 1 {pack_format = #tpu.pack_format<interleaved>} : vector<32xbf16> -> vector<16xf32>
      %select_n3A_537 = arith.select %lt3A_529, %unpack3A_535, %broadcast_in_dim3A_157 : vector<16xf32>
      %add3A_538 = arith.addf %add3A_513, %select_n3A_537 : vector<16xf32>
      %select_n3A_539 = arith.select %lt3A_529, %unpack3A_536, %broadcast_in_dim3A_157 : vector<16xf32>
      %add3A_540 = arith.addf %add3A_515, %select_n3A_539 : vector<16xf32>
      %add3A_541 = arith.constant 14 : i32
      %add3A_542 = arith.addi %mul3A_178, %add3A_541 : i32
      %get3A_543 = arith.index_cast %add3A_542 : i32 to index
      %get3A_544 = arith.constant 32 : index
      %get3A_545 = tpu.vector_load %arg10[%get3A_543, %get3A_544] {strides = array<i32>} : memref<224x64xbf16, #tpu.memory_space<vmem>>, vector<32xbf16>,
      %unpack3A_546 = tpu.unpack_subelements %get3A_545, 0 {pack_format = #tpu.pack_format<interleaved>} : vector<32xbf16> -> vector<16xf32>
      %unpack3A_547 = tpu.unpack_subelements %get3A_545, 1 {pack_format = #tpu.pack_format<interleaved>} : vector<32xbf16> -> vector<16xf32>
      %select_n3A_548 = arith.select %lt3A_529, %unpack3A_546, %broadcast_in_dim3A_157 : vector<16xf32>
      %add3A_549 = arith.addf %add3A_524, %select_n3A_548 : vector<16xf32>
      %select_n3A_550 = arith.select %lt3A_529, %unpack3A_547, %broadcast_in_dim3A_157 : vector<16xf32>
      %add3A_551 = arith.addf %add3A_526, %select_n3A_550 : vector<16xf32>
      %add3A_552 = arith.constant 15 : i32
      %add3A_553 = arith.addi %mul3A_178, %add3A_552 : i32
      %lt3A_554 = arith.cmpi slt, %add3A_553, %squeeze3A_132 : i32
      %add3A_555 = arith.constant 15 : i32
      %add3A_556 = arith.addi %mul3A_178, %add3A_555 : i32
      %get3A_557 = arith.index_cast %add3A_556 : i32 to index
      %get3A_558 = arith.constant 0 : index
      %get3A_559 = tpu.vector_load %arg10[%get3A_557, %get3A_558] {strides = array<i32>} : memref<224x64xbf16, #tpu.memory_space<vmem>>, vector<32xbf16>,
      %unpack3A_560 = tpu.unpack_subelements %get3A_559, 0 {pack_format = #tpu.pack_format<interleaved>} : vector<32xbf16> -> vector<16xf32>
      %unpack3A_561 = tpu.unpack_subelements %get3A_559, 1 {pack_format = #tpu.pack_format<interleaved>} : vector<32xbf16> -> vector<16xf32>
      %select_n3A_562 = arith.select %lt3A_554, %unpack3A_560, %broadcast_in_dim3A_157 : vector<16xf32>
      %add3A_563 = arith.addf %add3A_538, %select_n3A_562 : vector<16xf32>
      %select_n3A_564 = arith.select %lt3A_554, %unpack3A_561, %broadcast_in_dim3A_157 : vector<16xf32>
      %add3A_565 = arith.addf %add3A_540, %select_n3A_564 : vector<16xf32>
      %add3A_566 = arith.constant 15 : i32
      %add3A_567 = arith.addi %mul3A_178, %add3A_566 : i32
      %get3A_568 = arith.index_cast %add3A_567 : i32 to index
      %get3A_569 = arith.constant 32 : index
      %get3A_570 = tpu.vector_load %arg10[%get3A_568, %get3A_569] {strides = array<i32>} : memref<224x64xbf16, #tpu.memory_space<vmem>>, vector<32xbf16>,
      %unpack3A_571 = tpu.unpack_subelements %get3A_570, 0 {pack_format = #tpu.pack_format<interleaved>} : vector<32xbf16> -> vector<16xf32>
      %unpack3A_572 = tpu.unpack_subelements %get3A_570, 1 {pack_format = #tpu.pack_format<interleaved>} : vector<32xbf16> -> vector<16xf32>
      %select_n3A_573 = arith.select %lt3A_554, %unpack3A_571, %broadcast_in_dim3A_157 : vector<16xf32>
      %add3A_574 = arith.addf %add3A_549, %select_n3A_573 : vector<16xf32>
      %select_n3A_575 = arith.select %lt3A_554, %unpack3A_572, %broadcast_in_dim3A_157 : vector<16xf32>
      %add3A_576 = arith.addf %add3A_551, %select_n3A_575 : vector<16xf32>
      %get3A_577 = arith.index_cast %mul3A_42 : i32 to index
      %get3A_578 = tpu.vector_load %arg9[%get3A_577] {strides = array<i32>} : memref<144xf32, #tpu.memory_space<vmem>>, vector<16xf32>,
      %slice3A_579 = vector.extract_strided_slice %get3A_578 {offsets = [0], sizes = [1], strides = [1]} : vector<16xf32> to vector<1xf32>
      %squeeze3A_580 = vector.extract %slice3A_579[0] : f32 from vector<1xf32>
      %mul3A_581 = vector.broadcast %squeeze3A_580 : f32 to vector<16xf32>
      %mul3A_582 = arith.mulf %add3A_563, %mul3A_581 : vector<16xf32>
      %swap3A = arith.index_cast %mul3A_42 : i32 to index
      %swap3A_583 = arith.constant 0 : index
      %swap3A_584 = tpu.vector_load %arg12[%swap3A, %swap3A_583] {strides = array<i32>} : memref<128x64xf32, #tpu.memory_space<vmem>>, vector<16xf32>,
      tpu.vector_store %arg12[%swap3A, %swap3A_583], %mul3A_582 {strides = array<i32>} : memref<128x64xf32, #tpu.memory_space<vmem>>, vector<16xf32>,
      %mul3A_585 = vector.broadcast %squeeze3A_580 : f32 to vector<16xf32>
      %mul3A_586 = arith.mulf %add3A_565, %mul3A_585 : vector<16xf32>
      %swap3A_587 = arith.index_cast %mul3A_42 : i32 to index
      %swap3A_588 = arith.constant 16 : index
      %swap3A_589 = tpu.vector_load %arg12[%swap3A_587, %swap3A_588] {strides = array<i32>} : memref<128x64xf32, #tpu.memory_space<vmem>>, vector<16xf32>,
      tpu.vector_store %arg12[%swap3A_587, %swap3A_588], %mul3A_586 {strides = array<i32>} : memref<128x64xf32, #tpu.memory_space<vmem>>, vector<16xf32>,
      %mul3A_590 = vector.broadcast %squeeze3A_580 : f32 to vector<16xf32>
      %mul3A_591 = arith.mulf %add3A_574, %mul3A_590 : vector<16xf32>
      %swap3A_592 = arith.index_cast %mul3A_42 : i32 to index
      %swap3A_593 = arith.constant 32 : index
      %swap3A_594 = tpu.vector_load %arg12[%swap3A_592, %swap3A_593] {strides = array<i32>} : memref<128x64xf32, #tpu.memory_space<vmem>>, vector<16xf32>,
      tpu.vector_store %arg12[%swap3A_592, %swap3A_593], %mul3A_591 {strides = array<i32>} : memref<128x64xf32, #tpu.memory_space<vmem>>, vector<16xf32>,
      %mul3A_595 = vector.broadcast %squeeze3A_580 : f32 to vector<16xf32>
      %mul3A_596 = arith.mulf %add3A_576, %mul3A_595 : vector<16xf32>
      %swap3A_597 = arith.index_cast %mul3A_42 : i32 to index
      %swap3A_598 = arith.constant 48 : index
      %swap3A_599 = tpu.vector_load %arg12[%swap3A_597, %swap3A_598] {strides = array<i32>} : memref<128x64xf32, #tpu.memory_space<vmem>>, vector<16xf32>,
      tpu.vector_store %arg12[%swap3A_597, %swap3A_598], %mul3A_596 {strides = array<i32>} : memref<128x64xf32, #tpu.memory_space<vmem>>, vector<16xf32>,
      %add3A_600 = arith.constant 2 : i32
      %add3A_601 = arith.addi %mul3A_42, %add3A_600 : i32
      %lt3A_602 = arith.constant 128 : i32
      %lt3A_603 = arith.cmpi slt, %add3A_601, %lt3A_602 : i32
      %convert_element_type3A = arith.extui %lt3A_603 : i1 to i32
      %cond3A = arith.constant 0 : i32
      %cond3A_604 = arith.cmpi ne, %convert_element_type3A, %cond3A : i32
      scf.if %cond3A_604 {
        %add3A_1123 = arith.constant 2 : i32
        %add3A_1124 = arith.addi %mul3A_42, %add3A_1123 : i32
        %get3A_1125 = arith.index_cast %add3A_1124 : i32 to index
        %get3A_1126 = tpu.vector_load %arg8[%get3A_1125] {strides = array<i32>} : memref<144xi32, #tpu.memory_space<vmem>>, vector<16xi32>,
        %slice3A_1127 = vector.extract_strided_slice %get3A_1126 {offsets = [0], sizes = [1], strides = [1]} : vector<16xi32> to vector<1xi32>
        %squeeze3A_1128 = vector.extract %slice3A_1127[0] : i32 from vector<1xi32>
        %add3A_1129 = arith.constant 7 : i32
        %add3A_1130 = arith.addi %squeeze3A_1128, %add3A_1129 : i32
        %jit3A_1131 = arith.constant 8 : i32
        %div3A_1132 = arith.divsi %add3A_1130, %jit3A_1131 : i32
        %sign3A_1133 = arith.constant 0 : i32
        %sign3A_1134 = arith.cmpi sgt, %add3A_1130, %sign3A_1133 : i32
        %sign3A_1135 = arith.extui %sign3A_1134 : i1 to i32
        %sign3A_1136 = arith.constant 0 : i32
        %sign3A_1137 = arith.cmpi slt, %add3A_1130, %sign3A_1136 : i32
        %sign3A_1138 = arith.extui %sign3A_1137 : i1 to i32
        %sign3A_1139 = arith.subi %sign3A_1135, %sign3A_1138 : i32
        %sign3A_1140 = arith.constant 0 : i32
        %sign3A_1141 = arith.cmpi sgt, %jit3A_1131, %sign3A_1140 : i32
        %sign3A_1142 = arith.extui %sign3A_1141 : i1 to i32
        %sign3A_1143 = arith.constant 0 : i32
        %sign3A_1144 = arith.cmpi slt, %jit3A_1131, %sign3A_1143 : i32
        %sign3A_1145 = arith.extui %sign3A_1144 : i1 to i32
        %sign3A_1146 = arith.subi %sign3A_1142, %sign3A_1145 : i32
        %ne3A_1147 = arith.cmpi ne, %sign3A_1139, %sign3A_1146 : i32
        %rem3A_1148 = arith.remsi %add3A_1130, %jit3A_1131 : i32
        %ne3A_1149 = arith.constant 0 : i32
        %ne3A_1150 = arith.cmpi ne, %rem3A_1148, %ne3A_1149 : i32
        %and3A_1151 = arith.andi %ne3A_1147, %ne3A_1150 : i1
        %sub3A_1152 = arith.constant 1 : i32
        %sub3A_1153 = arith.subi %div3A_1132, %sub3A_1152 : i32
        %select_n3A_1154 = arith.select %and3A_1151, %sub3A_1153, %div3A_1132 : i32
        %while3A_1155 = arith.constant 0 : i32
        %while3A_1156 = arith.constant 0 : i32
        %while3A_1157 = arith.subi %select_n3A_1154, %while3A_1155 : i32
        %while3A_1158 = arith.addi %while3A_1155, %while3A_1157 : i32
        %while3A_1159 = arith.constant 1 : i32
        %while3A_1160 = arith.divsi %while3A_1157, %while3A_1159 : i32
        %while3A_1161 = arith.muli %while3A_1160, %while3A_1159 : i32
        %while3A_1162 = arith.addi %while3A_1155, %while3A_1161 : i32
        %while3A_1163 = arith.constant 1 : i32
        %while3A_1164 = scf.for %while3A_1167 = %while3A_1155 to %while3A_1162 step %while3A_1163 iter_args(%while3A_1168 = %while3A_1156) -> (i32)  : i32 {
          %mul3A_1169 = arith.constant 8 : i32
          %mul3A_1170 = arith.muli %while3A_1167, %mul3A_1169 : i32
          %mul3A_1171 = arith.constant 8 : i32
          %mul3A_1172 = arith.muli %while3A_1167, %mul3A_1171 : i32
          %dma_start3A = arith.constant 0 : i32
          %dma_start3A_1173 = tpu.memref_slice %arg10[%mul3A_1172, %dma_start3A] : memref<224x64xbf16, #tpu.memory_space<vmem>> -> memref<8x64xbf16, #tpu.memory_space<vmem>>
          %dma_start3A_1174 = tpu.memref_slice %arg7[%add3A_1124, %mul3A_1170] : memref<128x200xi32, #tpu.memory_space<vmem>> -> memref<1x8xi32, #tpu.memory_space<vmem>>
          %dma_start3A_1175 = tpu.memref_squeeze %dma_start3A_1174 : memref<1x8xi32, #tpu.memory_space<vmem>> -> memref<8xi32, #tpu.memory_space<vmem>>
          %dma_start3A_1176 = arith.constant 0 : i32
          %dma_start3A_1177 = arith.constant 0 : i32
          %dma_start3A_1178 = tpu.memref_slice %arg5[%dma_start3A_1176, %dma_start3A_1177] : memref<1000000x64xbf16, #tpu.memory_space<hbm>> -> memref<1000000x64xbf16, #tpu.memory_space<hbm>>
          tpu.enqueue_indirect_dma source(%dma_start3A_1178 : memref<1000000x64xbf16, #tpu.memory_space<hbm>>) target(%dma_start3A_1173 : memref<8x64xbf16, #tpu.memory_space<vmem>>) offsets(%dma_start3A_1175 : memref<8xi32, #tpu.memory_space<vmem>>) semaphore(%arg13 : memref<!tpu.dma_semaphore, #tpu.memory_space<semaphore_mem>>)
          %while3A_1179 = arith.constant 0 : i32
          scf.yield %while3A_1179 : i32
        }
        %while3A_1165 = arith.constant 1 : i32
        %while3A_1166 = scf.for %while3A_1167 = %while3A_1162 to %while3A_1158 step %while3A_1165 iter_args(%while3A_1168 = %while3A_1164) -> (i32)  : i32 {
          %mul3A_1169 = arith.constant 8 : i32
          %mul3A_1170 = arith.muli %while3A_1167, %mul3A_1169 : i32
          %mul3A_1171 = arith.constant 8 : i32
          %mul3A_1172 = arith.muli %while3A_1167, %mul3A_1171 : i32
          %dma_start3A = arith.constant 0 : i32
          %dma_start3A_1173 = tpu.memref_slice %arg10[%mul3A_1172, %dma_start3A] : memref<224x64xbf16, #tpu.memory_space<vmem>> -> memref<8x64xbf16, #tpu.memory_space<vmem>>
          %dma_start3A_1174 = tpu.memref_slice %arg7[%add3A_1124, %mul3A_1170] : memref<128x200xi32, #tpu.memory_space<vmem>> -> memref<1x8xi32, #tpu.memory_space<vmem>>
          %dma_start3A_1175 = tpu.memref_squeeze %dma_start3A_1174 : memref<1x8xi32, #tpu.memory_space<vmem>> -> memref<8xi32, #tpu.memory_space<vmem>>
          %dma_start3A_1176 = arith.constant 0 : i32
          %dma_start3A_1177 = arith.constant 0 : i32
          %dma_start3A_1178 = tpu.memref_slice %arg5[%dma_start3A_1176, %dma_start3A_1177] : memref<1000000x64xbf16, #tpu.memory_space<hbm>> -> memref<1000000x64xbf16, #tpu.memory_space<hbm>>
          tpu.enqueue_indirect_dma source(%dma_start3A_1178 : memref<1000000x64xbf16, #tpu.memory_space<hbm>>) target(%dma_start3A_1173 : memref<8x64xbf16, #tpu.memory_space<vmem>>) offsets(%dma_start3A_1175 : memref<8xi32, #tpu.memory_space<vmem>>) semaphore(%arg13 : memref<!tpu.dma_semaphore, #tpu.memory_space<semaphore_mem>>)
          %while3A_1179 = arith.constant 0 : i32
          scf.yield %while3A_1179 : i32
        }
      } else {
      }
      %get3A_605 = arith.index_cast %add3A_44 : i32 to index
      %get3A_606 = tpu.vector_load %arg8[%get3A_605] {strides = array<i32>} : memref<144xi32, #tpu.memory_space<vmem>>, vector<16xi32>,
      %slice3A_607 = vector.extract_strided_slice %get3A_606 {offsets = [0], sizes = [1], strides = [1]} : vector<16xi32> to vector<1xi32>
      %squeeze3A_608 = vector.extract %slice3A_607[0] : i32 from vector<1xi32>
      %add3A_609 = arith.constant 7 : i32
      %add3A_610 = arith.addi %squeeze3A_608, %add3A_609 : i32
      %jit3A_611 = arith.constant 8 : i32
      %div3A_612 = arith.divsi %add3A_610, %jit3A_611 : i32
      %sign3A_613 = arith.constant 0 : i32
      %sign3A_614 = arith.cmpi sgt, %add3A_610, %sign3A_613 : i32
      %sign3A_615 = arith.extui %sign3A_614 : i1 to i32
      %sign3A_616 = arith.constant 0 : i32
      %sign3A_617 = arith.cmpi slt, %add3A_610, %sign3A_616 : i32
      %sign3A_618 = arith.extui %sign3A_617 : i1 to i32
      %sign3A_619 = arith.subi %sign3A_615, %sign3A_618 : i32
      %sign3A_620 = arith.constant 0 : i32
      %sign3A_621 = arith.cmpi sgt, %jit3A_611, %sign3A_620 : i32
      %sign3A_622 = arith.extui %sign3A_621 : i1 to i32
      %sign3A_623 = arith.constant 0 : i32
      %sign3A_624 = arith.cmpi slt, %jit3A_611, %sign3A_623 : i32
      %sign3A_625 = arith.extui %sign3A_624 : i1 to i32
      %sign3A_626 = arith.subi %sign3A_622, %sign3A_625 : i32
      %ne3A_627 = arith.cmpi ne, %sign3A_619, %sign3A_626 : i32
      %rem3A_628 = arith.remsi %add3A_610, %jit3A_611 : i32
      %ne3A_629 = arith.constant 0 : i32
      %ne3A_630 = arith.cmpi ne, %rem3A_628, %ne3A_629 : i32
      %and3A_631 = arith.andi %ne3A_627, %ne3A_630 : i1
      %sub3A_632 = arith.constant 1 : i32
      %sub3A_633 = arith.subi %div3A_612, %sub3A_632 : i32
      %select_n3A_634 = arith.select %and3A_631, %sub3A_633, %div3A_612 : i32
      %while3A_635 = arith.constant 0 : i32
      %while3A_636 = arith.constant 0 : i32
      %while3A_637 = arith.subi %select_n3A_634, %while3A_635 : i32
      %while3A_638 = arith.addi %while3A_635, %while3A_637 : i32
      %while3A_639 = arith.constant 1 : i32
      %while3A_640 = arith.divsi %while3A_637, %while3A_639 : i32
      %while3A_641 = arith.muli %while3A_640, %while3A_639 : i32
      %while3A_642 = arith.addi %while3A_635, %while3A_641 : i32
      %while3A_643 = arith.constant 1 : i32
      %while3A_644 = scf.for %while3A_1123 = %while3A_635 to %while3A_642 step %while3A_643 iter_args(%while3A_1124 = %while3A_636) -> (i32)  : i32 {
        %mul3A_1125 = arith.constant 8 : i32
        %mul3A_1126 = arith.muli %while3A_1123, %mul3A_1125 : i32
        %dma_wait3A = arith.constant 0 : i32
        %dma_wait3A_1127 = tpu.memref_slice %arg11[%mul3A_1126, %dma_wait3A] : memref<224x64xbf16, #tpu.memory_space<vmem>> -> memref<8x64xbf16, #tpu.memory_space<vmem>>
        %dma_wait3A_1128 = arith.constant 0 : i32
        %dma_wait3A_1129 = arith.constant 0 : i32
        %dma_wait3A_1130 = tpu.memref_slice %arg5[%dma_wait3A_1128, %dma_wait3A_1129] : memref<1000000x64xbf16, #tpu.memory_space<hbm>> -> memref<8x64xbf16, #tpu.memory_space<hbm>>
        %dma_wait3A_1131 = arith.constant 0 : i32
        %dma_wait3A_1132 = tpu.memref_slice %arg11[%mul3A_1126, %dma_wait3A_1131] : memref<224x64xbf16, #tpu.memory_space<vmem>> -> memref<8x64xbf16, #tpu.memory_space<vmem>>
        %dma_wait3A_1133 = arith.constant 0 : i32
        %dma_wait3A_1134 = arith.constant 0 : i32
        %dma_wait3A_1135 = tpu.memref_slice %arg5[%dma_wait3A_1133, %dma_wait3A_1134] : memref<1000000x64xbf16, #tpu.memory_space<hbm>> -> memref<8x64xbf16, #tpu.memory_space<hbm>>
        tpu.wait_dma2 semaphore(%arg13 : memref<!tpu.dma_semaphore, #tpu.memory_space<semaphore_mem>>) src(%dma_wait3A_1135 : memref<8x64xbf16, #tpu.memory_space<hbm>>) dst(%dma_wait3A_1132 : memref<8x64xbf16, #tpu.memory_space<vmem>>)
        %while3A_1136 = arith.constant 0 : i32
        scf.yield %while3A_1136 : i32
      }
      %while3A_645 = arith.constant 1 : i32
      %while3A_646 = scf.for %while3A_1123 = %while3A_642 to %while3A_638 step %while3A_645 iter_args(%while3A_1124 = %while3A_644) -> (i32)  : i32 {
        %mul3A_1125 = arith.constant 8 : i32
        %mul3A_1126 = arith.muli %while3A_1123, %mul3A_1125 : i32
        %dma_wait3A = arith.constant 0 : i32
        %dma_wait3A_1127 = tpu.memref_slice %arg11[%mul3A_1126, %dma_wait3A] : memref<224x64xbf16, #tpu.memory_space<vmem>> -> memref<8x64xbf16, #tpu.memory_space<vmem>>
        %dma_wait3A_1128 = arith.constant 0 : i32
        %dma_wait3A_1129 = arith.constant 0 : i32
        %dma_wait3A_1130 = tpu.memref_slice %arg5[%dma_wait3A_1128, %dma_wait3A_1129] : memref<1000000x64xbf16, #tpu.memory_space<hbm>> -> memref<8x64xbf16, #tpu.memory_space<hbm>>
        %dma_wait3A_1131 = arith.constant 0 : i32
        %dma_wait3A_1132 = tpu.memref_slice %arg11[%mul3A_1126, %dma_wait3A_1131] : memref<224x64xbf16, #tpu.memory_space<vmem>> -> memref<8x64xbf16, #tpu.memory_space<vmem>>
        %dma_wait3A_1133 = arith.constant 0 : i32
        %dma_wait3A_1134 = arith.constant 0 : i32
        %dma_wait3A_1135 = tpu.memref_slice %arg5[%dma_wait3A_1133, %dma_wait3A_1134] : memref<1000000x64xbf16, #tpu.memory_space<hbm>> -> memref<8x64xbf16, #tpu.memory_space<hbm>>
        tpu.wait_dma2 semaphore(%arg13 : memref<!tpu.dma_semaphore, #tpu.memory_space<semaphore_mem>>) src(%dma_wait3A_1135 : memref<8x64xbf16, #tpu.memory_space<hbm>>) dst(%dma_wait3A_1132 : memref<8x64xbf16, #tpu.memory_space<vmem>>)
        %while3A_1136 = arith.constant 0 : i32
        scf.yield %while3A_1136 : i32
      }
      %get3A_647 = arith.index_cast %add3A_44 : i32 to index
      %get3A_648 = tpu.vector_load %arg8[%get3A_647] {strides = array<i32>} : memref<144xi32, #tpu.memory_space<vmem>>, vector<16xi32>,
      %slice3A_649 = vector.extract_strided_slice %get3A_648 {offsets = [0], sizes = [1], strides = [1]} : vector<16xi32> to vector<1xi32>
      %squeeze3A_650 = vector.extract %slice3A_649[0] : i32 from vector<1xi32>
      %jit3A_651 = arith.constant 16 : i32
      %div3A_652 = arith.divsi %squeeze3A_650, %jit3A_651 : i32
      %sign3A_653 = arith.constant 0 : i32
      %sign3A_654 = arith.cmpi sgt, %squeeze3A_650, %sign3A_653 : i32
      %sign3A_655 = arith.extui %sign3A_654 : i1 to i32
      %sign3A_656 = arith.constant 0 : i32
      %sign3A_657 = arith.cmpi slt, %squeeze3A_650, %sign3A_656 : i32
      %sign3A_658 = arith.extui %sign3A_657 : i1 to i32
      %sign3A_659 = arith.subi %sign3A_655, %sign3A_658 : i32
      %sign3A_660 = arith.constant 0 : i32
      %sign3A_661 = arith.cmpi sgt, %jit3A_651, %sign3A_660 : i32
      %sign3A_662 = arith.extui %sign3A_661 : i1 to i32
      %sign3A_663 = arith.constant 0 : i32
      %sign3A_664 = arith.cmpi slt, %jit3A_651, %sign3A_663 : i32
      %sign3A_665 = arith.extui %sign3A_664 : i1 to i32
      %sign3A_666 = arith.subi %sign3A_662, %sign3A_665 : i32
      %ne3A_667 = arith.cmpi ne, %sign3A_659, %sign3A_666 : i32
      %rem3A_668 = arith.remsi %squeeze3A_650, %jit3A_651 : i32
      %ne3A_669 = arith.constant 0 : i32
      %ne3A_670 = arith.cmpi ne, %rem3A_668, %ne3A_669 : i32
      %and3A_671 = arith.andi %ne3A_667, %ne3A_670 : i1
      %sub3A_672 = arith.constant 1 : i32
      %sub3A_673 = arith.subi %div3A_652, %sub3A_672 : i32
      %select_n3A_674 = arith.select %and3A_671, %sub3A_673, %div3A_652 : i32
      %broadcast_in_dim3A_675 = arith.constant 0.000000e+00 : f32
      %broadcast_in_dim3A_676 = vector.broadcast %broadcast_in_dim3A_675 : f32 to vector<16xf32>
      %broadcast_in_dim3A_677 = arith.constant 0.000000e+00 : f32
      %broadcast_in_dim3A_678 = vector.broadcast %broadcast_in_dim3A_677 : f32 to vector<16xf32>
      %broadcast_in_dim3A_679 = arith.constant 0.000000e+00 : f32
      %broadcast_in_dim3A_680 = vector.broadcast %broadcast_in_dim3A_679 : f32 to vector<16xf32>
      %broadcast_in_dim3A_681 = arith.constant 0.000000e+00 : f32
      %broadcast_in_dim3A_682 = vector.broadcast %broadcast_in_dim3A_681 : f32 to vector<16xf32>
      %broadcast_in_dim3A_683 = arith.constant 0.000000e+00 : f32
      %broadcast_in_dim3A_684 = vector.broadcast %broadcast_in_dim3A_683 : f32 to vector<16xf32>
      %while3A_685 = arith.constant 0 : i32
      %while3A_686 = arith.subi %select_n3A_674, %while3A_685 : i32
      %while3A_687 = arith.addi %while3A_685, %while3A_686 : i32
      %while3A_688 = arith.constant 1 : i32
      %while3A_689 = arith.divsi %while3A_686, %while3A_688 : i32
      %while3A_690 = arith.muli %while3A_689, %while3A_688 : i32
      %while3A_691 = arith.addi %while3A_685, %while3A_690 : i32
      %while3A_692 = arith.constant 1 : i32
      %while3A_693:4 = scf.for %while3A_1123 = %while3A_685 to %while3A_691 step %while3A_692 iter_args(%while3A_1124 = %broadcast_in_dim3A_678, %while3A_1125 = %broadcast_in_dim3A_680, %while3A_1126 = %broadcast_in_dim3A_682, %while3A_1127 = %broadcast_in_dim3A_684) -> (vector<16xf32>, vector<16xf32>, vector<16xf32>, vector<16xf32>)  : i32 {
        %mul3A_1128 = arith.constant 16 : i32
        %mul3A_1129 = arith.muli %while3A_1123, %mul3A_1128 : i32
        %add3A_1130 = arith.constant 0 : i32
        %add3A_1131 = arith.addi %mul3A_1129, %add3A_1130 : i32
        %get3A_1132 = arith.index_cast %add3A_1131 : i32 to index
        %get3A_1133 = arith.constant 0 : index
        %get3A_1134 = tpu.vector_load %arg11[%get3A_1132, %get3A_1133] {strides = array<i32>} : memref<224x64xbf16, #tpu.memory_space<vmem>>, vector<32xbf16>,
        %unpack3A_1135 = tpu.unpack_subelements %get3A_1134, 0 {pack_format = #tpu.pack_format<interleaved>} : vector<32xbf16> -> vector<16xf32>
        %unpack3A_1136 = tpu.unpack_subelements %get3A_1134, 1 {pack_format = #tpu.pack_format<interleaved>} : vector<32xbf16> -> vector<16xf32>
        %add3A_1137 = arith.addf %while3A_1124, %unpack3A_1135 : vector<16xf32>
        %add3A_1138 = arith.addf %while3A_1125, %unpack3A_1136 : vector<16xf32>
        %add3A_1139 = arith.constant 0 : i32
        %add3A_1140 = arith.addi %mul3A_1129, %add3A_1139 : i32
        %get3A_1141 = arith.index_cast %add3A_1140 : i32 to index
        %get3A_1142 = arith.constant 32 : index
        %get3A_1143 = tpu.vector_load %arg11[%get3A_1141, %get3A_1142] {strides = array<i32>} : memref<224x64xbf16, #tpu.memory_space<vmem>>, vector<32xbf16>,
        %unpack3A_1144 = tpu.unpack_subelements %get3A_1143, 0 {pack_format = #tpu.pack_format<interleaved>} : vector<32xbf16> -> vector<16xf32>
        %unpack3A_1145 = tpu.unpack_subelements %get3A_1143, 1 {pack_format = #tpu.pack_format<interleaved>} : vector<32xbf16> -> vector<16xf32>
        %add3A_1146 = arith.addf %while3A_1126, %unpack3A_1144 : vector<16xf32>
        %add3A_1147 = arith.addf %while3A_1127, %unpack3A_1145 : vector<16xf32>
        %add3A_1148 = arith.constant 1 : i32
        %add3A_1149 = arith.addi %mul3A_1129, %add3A_1148 : i32
        %get3A_1150 = arith.index_cast %add3A_1149 : i32 to index
        %get3A_1151 = arith.constant 0 : index
        %get3A_1152 = tpu.vector_load %arg11[%get3A_1150, %get3A_1151] {strides = array<i32>} : memref<224x64xbf16, #tpu.memory_space<vmem>>, vector<32xbf16>,
        %unpack3A_1153 = tpu.unpack_subelements %get3A_1152, 0 {pack_format = #tpu.pack_format<interleaved>} : vector<32xbf16> -> vector<16xf32>
        %unpack3A_1154 = tpu.unpack_subelements %get3A_1152, 1 {pack_format = #tpu.pack_format<interleaved>} : vector<32xbf16> -> vector<16xf32>
        %add3A_1155 = arith.addf %add3A_1137, %unpack3A_1153 : vector<16xf32>
        %add3A_1156 = arith.addf %add3A_1138, %unpack3A_1154 : vector<16xf32>
        %add3A_1157 = arith.constant 1 : i32
        %add3A_1158 = arith.addi %mul3A_1129, %add3A_1157 : i32
        %get3A_1159 = arith.index_cast %add3A_1158 : i32 to index
        %get3A_1160 = arith.constant 32 : index
        %get3A_1161 = tpu.vector_load %arg11[%get3A_1159, %get3A_1160] {strides = array<i32>} : memref<224x64xbf16, #tpu.memory_space<vmem>>, vector<32xbf16>,
        %unpack3A_1162 = tpu.unpack_subelements %get3A_1161, 0 {pack_format = #tpu.pack_format<interleaved>} : vector<32xbf16> -> vector<16xf32>
        %unpack3A_1163 = tpu.unpack_subelements %get3A_1161, 1 {pack_format = #tpu.pack_format<interleaved>} : vector<32xbf16> -> vector<16xf32>
        %add3A_1164 = arith.addf %add3A_1146, %unpack3A_1162 : vector<16xf32>
        %add3A_1165 = arith.addf %add3A_1147, %unpack3A_1163 : vector<16xf32>
        %add3A_1166 = arith.constant 2 : i32
        %add3A_1167 = arith.addi %mul3A_1129, %add3A_1166 : i32
        %get3A_1168 = arith.index_cast %add3A_1167 : i32 to index
        %get3A_1169 = arith.constant 0 : index
        %get3A_1170 = tpu.vector_load %arg11[%get3A_1168, %get3A_1169] {strides = array<i32>} : memref<224x64xbf16, #tpu.memory_space<vmem>>, vector<32xbf16>,
        %unpack3A_1171 = tpu.unpack_subelements %get3A_1170, 0 {pack_format = #tpu.pack_format<interleaved>} : vector<32xbf16> -> vector<16xf32>
        %unpack3A_1172 = tpu.unpack_subelements %get3A_1170, 1 {pack_format = #tpu.pack_format<interleaved>} : vector<32xbf16> -> vector<16xf32>
        %add3A_1173 = arith.addf %add3A_1155, %unpack3A_1171 : vector<16xf32>
        %add3A_1174 = arith.addf %add3A_1156, %unpack3A_1172 : vector<16xf32>
        %add3A_1175 = arith.constant 2 : i32
        %add3A_1176 = arith.addi %mul3A_1129, %add3A_1175 : i32
        %get3A_1177 = arith.index_cast %add3A_1176 : i32 to index
        %get3A_1178 = arith.constant 32 : index
        %get3A_1179 = tpu.vector_load %arg11[%get3A_1177, %get3A_1178] {strides = array<i32>} : memref<224x64xbf16, #tpu.memory_space<vmem>>, vector<32xbf16>,
        %unpack3A_1180 = tpu.unpack_subelements %get3A_1179, 0 {pack_format = #tpu.pack_format<interleaved>} : vector<32xbf16> -> vector<16xf32>
        %unpack3A_1181 = tpu.unpack_subelements %get3A_1179, 1 {pack_format = #tpu.pack_format<interleaved>} : vector<32xbf16> -> vector<16xf32>
        %add3A_1182 = arith.addf %add3A_1164, %unpack3A_1180 : vector<16xf32>
        %add3A_1183 = arith.addf %add3A_1165, %unpack3A_1181 : vector<16xf32>
        %add3A_1184 = arith.constant 3 : i32
        %add3A_1185 = arith.addi %mul3A_1129, %add3A_1184 : i32
        %get3A_1186 = arith.index_cast %add3A_1185 : i32 to index
        %get3A_1187 = arith.constant 0 : index
        %get3A_1188 = tpu.vector_load %arg11[%get3A_1186, %get3A_1187] {strides = array<i32>} : memref<224x64xbf16, #tpu.memory_space<vmem>>, vector<32xbf16>,
        %unpack3A_1189 = tpu.unpack_subelements %get3A_1188, 0 {pack_format = #tpu.pack_format<interleaved>} : vector<32xbf16> -> vector<16xf32>
        %unpack3A_1190 = tpu.unpack_subelements %get3A_1188, 1 {pack_format = #tpu.pack_format<interleaved>} : vector<32xbf16> -> vector<16xf32>
        %add3A_1191 = arith.addf %add3A_1173, %unpack3A_1189 : vector<16xf32>
        %add3A_1192 = arith.addf %add3A_1174, %unpack3A_1190 : vector<16xf32>
        %add3A_1193 = arith.constant 3 : i32
        %add3A_1194 = arith.addi %mul3A_1129, %add3A_1193 : i32
        %get3A_1195 = arith.index_cast %add3A_1194 : i32 to index
        %get3A_1196 = arith.constant 32 : index
        %get3A_1197 = tpu.vector_load %arg11[%get3A_1195, %get3A_1196] {strides = array<i32>} : memref<224x64xbf16, #tpu.memory_space<vmem>>, vector<32xbf16>,
        %unpack3A_1198 = tpu.unpack_subelements %get3A_1197, 0 {pack_format = #tpu.pack_format<interleaved>} : vector<32xbf16> -> vector<16xf32>
        %unpack3A_1199 = tpu.unpack_subelements %get3A_1197, 1 {pack_format = #tpu.pack_format<interleaved>} : vector<32xbf16> -> vector<16xf32>
        %add3A_1200 = arith.addf %add3A_1182, %unpack3A_1198 : vector<16xf32>
        %add3A_1201 = arith.addf %add3A_1183, %unpack3A_1199 : vector<16xf32>
        %add3A_1202 = arith.constant 4 : i32
        %add3A_1203 = arith.addi %mul3A_1129, %add3A_1202 : i32
        %get3A_1204 = arith.index_cast %add3A_1203 : i32 to index
        %get3A_1205 = arith.constant 0 : index
        %get3A_1206 = tpu.vector_load %arg11[%get3A_1204, %get3A_1205] {strides = array<i32>} : memref<224x64xbf16, #tpu.memory_space<vmem>>, vector<32xbf16>,
        %unpack3A_1207 = tpu.unpack_subelements %get3A_1206, 0 {pack_format = #tpu.pack_format<interleaved>} : vector<32xbf16> -> vector<16xf32>
        %unpack3A_1208 = tpu.unpack_subelements %get3A_1206, 1 {pack_format = #tpu.pack_format<interleaved>} : vector<32xbf16> -> vector<16xf32>
        %add3A_1209 = arith.addf %add3A_1191, %unpack3A_1207 : vector<16xf32>
        %add3A_1210 = arith.addf %add3A_1192, %unpack3A_1208 : vector<16xf32>
        %add3A_1211 = arith.constant 4 : i32
        %add3A_1212 = arith.addi %mul3A_1129, %add3A_1211 : i32
        %get3A_1213 = arith.index_cast %add3A_1212 : i32 to index
        %get3A_1214 = arith.constant 32 : index
        %get3A_1215 = tpu.vector_load %arg11[%get3A_1213, %get3A_1214] {strides = array<i32>} : memref<224x64xbf16, #tpu.memory_space<vmem>>, vector<32xbf16>,
        %unpack3A_1216 = tpu.unpack_subelements %get3A_1215, 0 {pack_format = #tpu.pack_format<interleaved>} : vector<32xbf16> -> vector<16xf32>
        %unpack3A_1217 = tpu.unpack_subelements %get3A_1215, 1 {pack_format = #tpu.pack_format<interleaved>} : vector<32xbf16> -> vector<16xf32>
        %add3A_1218 = arith.addf %add3A_1200, %unpack3A_1216 : vector<16xf32>
        %add3A_1219 = arith.addf %add3A_1201, %unpack3A_1217 : vector<16xf32>
        %add3A_1220 = arith.constant 5 : i32
        %add3A_1221 = arith.addi %mul3A_1129, %add3A_1220 : i32
        %get3A_1222 = arith.index_cast %add3A_1221 : i32 to index
        %get3A_1223 = arith.constant 0 : index
        %get3A_1224 = tpu.vector_load %arg11[%get3A_1222, %get3A_1223] {strides = array<i32>} : memref<224x64xbf16, #tpu.memory_space<vmem>>, vector<32xbf16>,
        %unpack3A_1225 = tpu.unpack_subelements %get3A_1224, 0 {pack_format = #tpu.pack_format<interleaved>} : vector<32xbf16> -> vector<16xf32>
        %unpack3A_1226 = tpu.unpack_subelements %get3A_1224, 1 {pack_format = #tpu.pack_format<interleaved>} : vector<32xbf16> -> vector<16xf32>
        %add3A_1227 = arith.addf %add3A_1209, %unpack3A_1225 : vector<16xf32>
        %add3A_1228 = arith.addf %add3A_1210, %unpack3A_1226 : vector<16xf32>
        %add3A_1229 = arith.constant 5 : i32
        %add3A_1230 = arith.addi %mul3A_1129, %add3A_1229 : i32
        %get3A_1231 = arith.index_cast %add3A_1230 : i32 to index
        %get3A_1232 = arith.constant 32 : index
        %get3A_1233 = tpu.vector_load %arg11[%get3A_1231, %get3A_1232] {strides = array<i32>} : memref<224x64xbf16, #tpu.memory_space<vmem>>, vector<32xbf16>,
        %unpack3A_1234 = tpu.unpack_subelements %get3A_1233, 0 {pack_format = #tpu.pack_format<interleaved>} : vector<32xbf16> -> vector<16xf32>
        %unpack3A_1235 = tpu.unpack_subelements %get3A_1233, 1 {pack_format = #tpu.pack_format<interleaved>} : vector<32xbf16> -> vector<16xf32>
        %add3A_1236 = arith.addf %add3A_1218, %unpack3A_1234 : vector<16xf32>
        %add3A_1237 = arith.addf %add3A_1219, %unpack3A_1235 : vector<16xf32>
        %add3A_1238 = arith.constant 6 : i32
        %add3A_1239 = arith.addi %mul3A_1129, %add3A_1238 : i32
        %get3A_1240 = arith.index_cast %add3A_1239 : i32 to index
        %get3A_1241 = arith.constant 0 : index
        %get3A_1242 = tpu.vector_load %arg11[%get3A_1240, %get3A_1241] {strides = array<i32>} : memref<224x64xbf16, #tpu.memory_space<vmem>>, vector<32xbf16>,
        %unpack3A_1243 = tpu.unpack_subelements %get3A_1242, 0 {pack_format = #tpu.pack_format<interleaved>} : vector<32xbf16> -> vector<16xf32>
        %unpack3A_1244 = tpu.unpack_subelements %get3A_1242, 1 {pack_format = #tpu.pack_format<interleaved>} : vector<32xbf16> -> vector<16xf32>
        %add3A_1245 = arith.addf %add3A_1227, %unpack3A_1243 : vector<16xf32>
        %add3A_1246 = arith.addf %add3A_1228, %unpack3A_1244 : vector<16xf32>
        %add3A_1247 = arith.constant 6 : i32
        %add3A_1248 = arith.addi %mul3A_1129, %add3A_1247 : i32
        %get3A_1249 = arith.index_cast %add3A_1248 : i32 to index
        %get3A_1250 = arith.constant 32 : index
        %get3A_1251 = tpu.vector_load %arg11[%get3A_1249, %get3A_1250] {strides = array<i32>} : memref<224x64xbf16, #tpu.memory_space<vmem>>, vector<32xbf16>,
        %unpack3A_1252 = tpu.unpack_subelements %get3A_1251, 0 {pack_format = #tpu.pack_format<interleaved>} : vector<32xbf16> -> vector<16xf32>
        %unpack3A_1253 = tpu.unpack_subelements %get3A_1251, 1 {pack_format = #tpu.pack_format<interleaved>} : vector<32xbf16> -> vector<16xf32>
        %add3A_1254 = arith.addf %add3A_1236, %unpack3A_1252 : vector<16xf32>
        %add3A_1255 = arith.addf %add3A_1237, %unpack3A_1253 : vector<16xf32>
        %add3A_1256 = arith.constant 7 : i32
        %add3A_1257 = arith.addi %mul3A_1129, %add3A_1256 : i32
        %get3A_1258 = arith.index_cast %add3A_1257 : i32 to index
        %get3A_1259 = arith.constant 0 : index
        %get3A_1260 = tpu.vector_load %arg11[%get3A_1258, %get3A_1259] {strides = array<i32>} : memref<224x64xbf16, #tpu.memory_space<vmem>>, vector<32xbf16>,
        %unpack3A_1261 = tpu.unpack_subelements %get3A_1260, 0 {pack_format = #tpu.pack_format<interleaved>} : vector<32xbf16> -> vector<16xf32>
        %unpack3A_1262 = tpu.unpack_subelements %get3A_1260, 1 {pack_format = #tpu.pack_format<interleaved>} : vector<32xbf16> -> vector<16xf32>
        %add3A_1263 = arith.addf %add3A_1245, %unpack3A_1261 : vector<16xf32>
        %add3A_1264 = arith.addf %add3A_1246, %unpack3A_1262 : vector<16xf32>
        %add3A_1265 = arith.constant 7 : i32
        %add3A_1266 = arith.addi %mul3A_1129, %add3A_1265 : i32
        %get3A_1267 = arith.index_cast %add3A_1266 : i32 to index
        %get3A_1268 = arith.constant 32 : index
        %get3A_1269 = tpu.vector_load %arg11[%get3A_1267, %get3A_1268] {strides = array<i32>} : memref<224x64xbf16, #tpu.memory_space<vmem>>, vector<32xbf16>,
        %unpack3A_1270 = tpu.unpack_subelements %get3A_1269, 0 {pack_format = #tpu.pack_format<interleaved>} : vector<32xbf16> -> vector<16xf32>
        %unpack3A_1271 = tpu.unpack_subelements %get3A_1269, 1 {pack_format = #tpu.pack_format<interleaved>} : vector<32xbf16> -> vector<16xf32>
        %add3A_1272 = arith.addf %add3A_1254, %unpack3A_1270 : vector<16xf32>
        %add3A_1273 = arith.addf %add3A_1255, %unpack3A_1271 : vector<16xf32>
        %add3A_1274 = arith.constant 8 : i32
        %add3A_1275 = arith.addi %mul3A_1129, %add3A_1274 : i32
        %get3A_1276 = arith.index_cast %add3A_1275 : i32 to index
        %get3A_1277 = arith.constant 0 : index
        %get3A_1278 = tpu.vector_load %arg11[%get3A_1276, %get3A_1277] {strides = array<i32>} : memref<224x64xbf16, #tpu.memory_space<vmem>>, vector<32xbf16>,
        %unpack3A_1279 = tpu.unpack_subelements %get3A_1278, 0 {pack_format = #tpu.pack_format<interleaved>} : vector<32xbf16> -> vector<16xf32>
        %unpack3A_1280 = tpu.unpack_subelements %get3A_1278, 1 {pack_format = #tpu.pack_format<interleaved>} : vector<32xbf16> -> vector<16xf32>
        %add3A_1281 = arith.addf %add3A_1263, %unpack3A_1279 : vector<16xf32>
        %add3A_1282 = arith.addf %add3A_1264, %unpack3A_1280 : vector<16xf32>
        %add3A_1283 = arith.constant 8 : i32
        %add3A_1284 = arith.addi %mul3A_1129, %add3A_1283 : i32
        %get3A_1285 = arith.index_cast %add3A_1284 : i32 to index
        %get3A_1286 = arith.constant 32 : index
        %get3A_1287 = tpu.vector_load %arg11[%get3A_1285, %get3A_1286] {strides = array<i32>} : memref<224x64xbf16, #tpu.memory_space<vmem>>, vector<32xbf16>,
        %unpack3A_1288 = tpu.unpack_subelements %get3A_1287, 0 {pack_format = #tpu.pack_format<interleaved>} : vector<32xbf16> -> vector<16xf32>
        %unpack3A_1289 = tpu.unpack_subelements %get3A_1287, 1 {pack_format = #tpu.pack_format<interleaved>} : vector<32xbf16> -> vector<16xf32>
        %add3A_1290 = arith.addf %add3A_1272, %unpack3A_1288 : vector<16xf32>
        %add3A_1291 = arith.addf %add3A_1273, %unpack3A_1289 : vector<16xf32>
        %add3A_1292 = arith.constant 9 : i32
        %add3A_1293 = arith.addi %mul3A_1129, %add3A_1292 : i32
        %get3A_1294 = arith.index_cast %add3A_1293 : i32 to index
        %get3A_1295 = arith.constant 0 : index
        %get3A_1296 = tpu.vector_load %arg11[%get3A_1294, %get3A_1295] {strides = array<i32>} : memref<224x64xbf16, #tpu.memory_space<vmem>>, vector<32xbf16>,
        %unpack3A_1297 = tpu.unpack_subelements %get3A_1296, 0 {pack_format = #tpu.pack_format<interleaved>} : vector<32xbf16> -> vector<16xf32>
        %unpack3A_1298 = tpu.unpack_subelements %get3A_1296, 1 {pack_format = #tpu.pack_format<interleaved>} : vector<32xbf16> -> vector<16xf32>
        %add3A_1299 = arith.addf %add3A_1281, %unpack3A_1297 : vector<16xf32>
        %add3A_1300 = arith.addf %add3A_1282, %unpack3A_1298 : vector<16xf32>
        %add3A_1301 = arith.constant 9 : i32
        %add3A_1302 = arith.addi %mul3A_1129, %add3A_1301 : i32
        %get3A_1303 = arith.index_cast %add3A_1302 : i32 to index
        %get3A_1304 = arith.constant 32 : index
        %get3A_1305 = tpu.vector_load %arg11[%get3A_1303, %get3A_1304] {strides = array<i32>} : memref<224x64xbf16, #tpu.memory_space<vmem>>, vector<32xbf16>,
        %unpack3A_1306 = tpu.unpack_subelements %get3A_1305, 0 {pack_format = #tpu.pack_format<interleaved>} : vector<32xbf16> -> vector<16xf32>
        %unpack3A_1307 = tpu.unpack_subelements %get3A_1305, 1 {pack_format = #tpu.pack_format<interleaved>} : vector<32xbf16> -> vector<16xf32>
        %add3A_1308 = arith.addf %add3A_1290, %unpack3A_1306 : vector<16xf32>
        %add3A_1309 = arith.addf %add3A_1291, %unpack3A_1307 : vector<16xf32>
        %add3A_1310 = arith.constant 10 : i32
        %add3A_1311 = arith.addi %mul3A_1129, %add3A_1310 : i32
        %get3A_1312 = arith.index_cast %add3A_1311 : i32 to index
        %get3A_1313 = arith.constant 0 : index
        %get3A_1314 = tpu.vector_load %arg11[%get3A_1312, %get3A_1313] {strides = array<i32>} : memref<224x64xbf16, #tpu.memory_space<vmem>>, vector<32xbf16>,
        %unpack3A_1315 = tpu.unpack_subelements %get3A_1314, 0 {pack_format = #tpu.pack_format<interleaved>} : vector<32xbf16> -> vector<16xf32>
        %unpack3A_1316 = tpu.unpack_subelements %get3A_1314, 1 {pack_format = #tpu.pack_format<interleaved>} : vector<32xbf16> -> vector<16xf32>
        %add3A_1317 = arith.addf %add3A_1299, %unpack3A_1315 : vector<16xf32>
        %add3A_1318 = arith.addf %add3A_1300, %unpack3A_1316 : vector<16xf32>
        %add3A_1319 = arith.constant 10 : i32
        %add3A_1320 = arith.addi %mul3A_1129, %add3A_1319 : i32
        %get3A_1321 = arith.index_cast %add3A_1320 : i32 to index
        %get3A_1322 = arith.constant 32 : index
        %get3A_1323 = tpu.vector_load %arg11[%get3A_1321, %get3A_1322] {strides = array<i32>} : memref<224x64xbf16, #tpu.memory_space<vmem>>, vector<32xbf16>,
        %unpack3A_1324 = tpu.unpack_subelements %get3A_1323, 0 {pack_format = #tpu.pack_format<interleaved>} : vector<32xbf16> -> vector<16xf32>
        %unpack3A_1325 = tpu.unpack_subelements %get3A_1323, 1 {pack_format = #tpu.pack_format<interleaved>} : vector<32xbf16> -> vector<16xf32>
        %add3A_1326 = arith.addf %add3A_1308, %unpack3A_1324 : vector<16xf32>
        %add3A_1327 = arith.addf %add3A_1309, %unpack3A_1325 : vector<16xf32>
        %add3A_1328 = arith.constant 11 : i32
        %add3A_1329 = arith.addi %mul3A_1129, %add3A_1328 : i32
        %get3A_1330 = arith.index_cast %add3A_1329 : i32 to index
        %get3A_1331 = arith.constant 0 : index
        %get3A_1332 = tpu.vector_load %arg11[%get3A_1330, %get3A_1331] {strides = array<i32>} : memref<224x64xbf16, #tpu.memory_space<vmem>>, vector<32xbf16>,
        %unpack3A_1333 = tpu.unpack_subelements %get3A_1332, 0 {pack_format = #tpu.pack_format<interleaved>} : vector<32xbf16> -> vector<16xf32>
        %unpack3A_1334 = tpu.unpack_subelements %get3A_1332, 1 {pack_format = #tpu.pack_format<interleaved>} : vector<32xbf16> -> vector<16xf32>
        %add3A_1335 = arith.addf %add3A_1317, %unpack3A_1333 : vector<16xf32>
        %add3A_1336 = arith.addf %add3A_1318, %unpack3A_1334 : vector<16xf32>
        %add3A_1337 = arith.constant 11 : i32
        %add3A_1338 = arith.addi %mul3A_1129, %add3A_1337 : i32
        %get3A_1339 = arith.index_cast %add3A_1338 : i32 to index
        %get3A_1340 = arith.constant 32 : index
        %get3A_1341 = tpu.vector_load %arg11[%get3A_1339, %get3A_1340] {strides = array<i32>} : memref<224x64xbf16, #tpu.memory_space<vmem>>, vector<32xbf16>,
        %unpack3A_1342 = tpu.unpack_subelements %get3A_1341, 0 {pack_format = #tpu.pack_format<interleaved>} : vector<32xbf16> -> vector<16xf32>
        %unpack3A_1343 = tpu.unpack_subelements %get3A_1341, 1 {pack_format = #tpu.pack_format<interleaved>} : vector<32xbf16> -> vector<16xf32>
        %add3A_1344 = arith.addf %add3A_1326, %unpack3A_1342 : vector<16xf32>
        %add3A_1345 = arith.addf %add3A_1327, %unpack3A_1343 : vector<16xf32>
        %add3A_1346 = arith.constant 12 : i32
        %add3A_1347 = arith.addi %mul3A_1129, %add3A_1346 : i32
        %get3A_1348 = arith.index_cast %add3A_1347 : i32 to index
        %get3A_1349 = arith.constant 0 : index
        %get3A_1350 = tpu.vector_load %arg11[%get3A_1348, %get3A_1349] {strides = array<i32>} : memref<224x64xbf16, #tpu.memory_space<vmem>>, vector<32xbf16>,
        %unpack3A_1351 = tpu.unpack_subelements %get3A_1350, 0 {pack_format = #tpu.pack_format<interleaved>} : vector<32xbf16> -> vector<16xf32>
        %unpack3A_1352 = tpu.unpack_subelements %get3A_1350, 1 {pack_format = #tpu.pack_format<interleaved>} : vector<32xbf16> -> vector<16xf32>
        %add3A_1353 = arith.addf %add3A_1335, %unpack3A_1351 : vector<16xf32>
        %add3A_1354 = arith.addf %add3A_1336, %unpack3A_1352 : vector<16xf32>
        %add3A_1355 = arith.constant 12 : i32
        %add3A_1356 = arith.addi %mul3A_1129, %add3A_1355 : i32
        %get3A_1357 = arith.index_cast %add3A_1356 : i32 to index
        %get3A_1358 = arith.constant 32 : index
        %get3A_1359 = tpu.vector_load %arg11[%get3A_1357, %get3A_1358] {strides = array<i32>} : memref<224x64xbf16, #tpu.memory_space<vmem>>, vector<32xbf16>,
        %unpack3A_1360 = tpu.unpack_subelements %get3A_1359, 0 {pack_format = #tpu.pack_format<interleaved>} : vector<32xbf16> -> vector<16xf32>
        %unpack3A_1361 = tpu.unpack_subelements %get3A_1359, 1 {pack_format = #tpu.pack_format<interleaved>} : vector<32xbf16> -> vector<16xf32>
        %add3A_1362 = arith.addf %add3A_1344, %unpack3A_1360 : vector<16xf32>
        %add3A_1363 = arith.addf %add3A_1345, %unpack3A_1361 : vector<16xf32>
        %add3A_1364 = arith.constant 13 : i32
        %add3A_1365 = arith.addi %mul3A_1129, %add3A_1364 : i32
        %get3A_1366 = arith.index_cast %add3A_1365 : i32 to index
        %get3A_1367 = arith.constant 0 : index
        %get3A_1368 = tpu.vector_load %arg11[%get3A_1366, %get3A_1367] {strides = array<i32>} : memref<224x64xbf16, #tpu.memory_space<vmem>>, vector<32xbf16>,
        %unpack3A_1369 = tpu.unpack_subelements %get3A_1368, 0 {pack_format = #tpu.pack_format<interleaved>} : vector<32xbf16> -> vector<16xf32>
        %unpack3A_1370 = tpu.unpack_subelements %get3A_1368, 1 {pack_format = #tpu.pack_format<interleaved>} : vector<32xbf16> -> vector<16xf32>
        %add3A_1371 = arith.addf %add3A_1353, %unpack3A_1369 : vector<16xf32>
        %add3A_1372 = arith.addf %add3A_1354, %unpack3A_1370 : vector<16xf32>
        %add3A_1373 = arith.constant 13 : i32
        %add3A_1374 = arith.addi %mul3A_1129, %add3A_1373 : i32
        %get3A_1375 = arith.index_cast %add3A_1374 : i32 to index
        %get3A_1376 = arith.constant 32 : index
        %get3A_1377 = tpu.vector_load %arg11[%get3A_1375, %get3A_1376] {strides = array<i32>} : memref<224x64xbf16, #tpu.memory_space<vmem>>, vector<32xbf16>,
        %unpack3A_1378 = tpu.unpack_subelements %get3A_1377, 0 {pack_format = #tpu.pack_format<interleaved>} : vector<32xbf16> -> vector<16xf32>
        %unpack3A_1379 = tpu.unpack_subelements %get3A_1377, 1 {pack_format = #tpu.pack_format<interleaved>} : vector<32xbf16> -> vector<16xf32>
        %add3A_1380 = arith.addf %add3A_1362, %unpack3A_1378 : vector<16xf32>
        %add3A_1381 = arith.addf %add3A_1363, %unpack3A_1379 : vector<16xf32>
        %add3A_1382 = arith.constant 14 : i32
        %add3A_1383 = arith.addi %mul3A_1129, %add3A_1382 : i32
        %get3A_1384 = arith.index_cast %add3A_1383 : i32 to index
        %get3A_1385 = arith.constant 0 : index
        %get3A_1386 = tpu.vector_load %arg11[%get3A_1384, %get3A_1385] {strides = array<i32>} : memref<224x64xbf16, #tpu.memory_space<vmem>>, vector<32xbf16>,
        %unpack3A_1387 = tpu.unpack_subelements %get3A_1386, 0 {pack_format = #tpu.pack_format<interleaved>} : vector<32xbf16> -> vector<16xf32>
        %unpack3A_1388 = tpu.unpack_subelements %get3A_1386, 1 {pack_format = #tpu.pack_format<interleaved>} : vector<32xbf16> -> vector<16xf32>
        %add3A_1389 = arith.addf %add3A_1371, %unpack3A_1387 : vector<16xf32>
        %add3A_1390 = arith.addf %add3A_1372, %unpack3A_1388 : vector<16xf32>
        %add3A_1391 = arith.constant 14 : i32
        %add3A_1392 = arith.addi %mul3A_1129, %add3A_1391 : i32
        %get3A_1393 = arith.index_cast %add3A_1392 : i32 to index
        %get3A_1394 = arith.constant 32 : index
        %get3A_1395 = tpu.vector_load %arg11[%get3A_1393, %get3A_1394] {strides = array<i32>} : memref<224x64xbf16, #tpu.memory_space<vmem>>, vector<32xbf16>,
        %unpack3A_1396 = tpu.unpack_subelements %get3A_1395, 0 {pack_format = #tpu.pack_format<interleaved>} : vector<32xbf16> -> vector<16xf32>
        %unpack3A_1397 = tpu.unpack_subelements %get3A_1395, 1 {pack_format = #tpu.pack_format<interleaved>} : vector<32xbf16> -> vector<16xf32>
        %add3A_1398 = arith.addf %add3A_1380, %unpack3A_1396 : vector<16xf32>
        %add3A_1399 = arith.addf %add3A_1381, %unpack3A_1397 : vector<16xf32>
        %add3A_1400 = arith.constant 15 : i32
        %add3A_1401 = arith.addi %mul3A_1129, %add3A_1400 : i32
        %get3A_1402 = arith.index_cast %add3A_1401 : i32 to index
        %get3A_1403 = arith.constant 0 : index
        %get3A_1404 = tpu.vector_load %arg11[%get3A_1402, %get3A_1403] {strides = array<i32>} : memref<224x64xbf16, #tpu.memory_space<vmem>>, vector<32xbf16>,
        %unpack3A_1405 = tpu.unpack_subelements %get3A_1404, 0 {pack_format = #tpu.pack_format<interleaved>} : vector<32xbf16> -> vector<16xf32>
        %unpack3A_1406 = tpu.unpack_subelements %get3A_1404, 1 {pack_format = #tpu.pack_format<interleaved>} : vector<32xbf16> -> vector<16xf32>
        %add3A_1407 = arith.addf %add3A_1389, %unpack3A_1405 : vector<16xf32>
        %add3A_1408 = arith.addf %add3A_1390, %unpack3A_1406 : vector<16xf32>
        %add3A_1409 = arith.constant 15 : i32
        %add3A_1410 = arith.addi %mul3A_1129, %add3A_1409 : i32
        %get3A_1411 = arith.index_cast %add3A_1410 : i32 to index
        %get3A_1412 = arith.constant 32 : index
        %get3A_1413 = tpu.vector_load %arg11[%get3A_1411, %get3A_1412] {strides = array<i32>} : memref<224x64xbf16, #tpu.memory_space<vmem>>, vector<32xbf16>,
        %unpack3A_1414 = tpu.unpack_subelements %get3A_1413, 0 {pack_format = #tpu.pack_format<interleaved>} : vector<32xbf16> -> vector<16xf32>
        %unpack3A_1415 = tpu.unpack_subelements %get3A_1413, 1 {pack_format = #tpu.pack_format<interleaved>} : vector<32xbf16> -> vector<16xf32>
        %add3A_1416 = arith.addf %add3A_1398, %unpack3A_1414 : vector<16xf32>
        %add3A_1417 = arith.addf %add3A_1399, %unpack3A_1415 : vector<16xf32>
        scf.yield %add3A_1407, %add3A_1408, %add3A_1416, %add3A_1417 : vector<16xf32>, vector<16xf32>, vector<16xf32>, vector<16xf32>
      }
      %while3A_694 = arith.constant 1 : i32
      %while3A_695:4 = scf.for %while3A_1123 = %while3A_691 to %while3A_687 step %while3A_694 iter_args(%while3A_1124 = %while3A_693#0, %while3A_1125 = %while3A_693#1, %while3A_1126 = %while3A_693#2, %while3A_1127 = %while3A_693#3) -> (vector<16xf32>, vector<16xf32>, vector<16xf32>, vector<16xf32>)  : i32 {
        %mul3A_1128 = arith.constant 16 : i32
        %mul3A_1129 = arith.muli %while3A_1123, %mul3A_1128 : i32
        %add3A_1130 = arith.constant 0 : i32
        %add3A_1131 = arith.addi %mul3A_1129, %add3A_1130 : i32
        %get3A_1132 = arith.index_cast %add3A_1131 : i32 to index
        %get3A_1133 = arith.constant 0 : index
        %get3A_1134 = tpu.vector_load %arg11[%get3A_1132, %get3A_1133] {strides = array<i32>} : memref<224x64xbf16, #tpu.memory_space<vmem>>, vector<32xbf16>,
        %unpack3A_1135 = tpu.unpack_subelements %get3A_1134, 0 {pack_format = #tpu.pack_format<interleaved>} : vector<32xbf16> -> vector<16xf32>
        %unpack3A_1136 = tpu.unpack_subelements %get3A_1134, 1 {pack_format = #tpu.pack_format<interleaved>} : vector<32xbf16> -> vector<16xf32>
        %add3A_1137 = arith.addf %while3A_1124, %unpack3A_1135 : vector<16xf32>
        %add3A_1138 = arith.addf %while3A_1125, %unpack3A_1136 : vector<16xf32>
        %add3A_1139 = arith.constant 0 : i32
        %add3A_1140 = arith.addi %mul3A_1129, %add3A_1139 : i32
        %get3A_1141 = arith.index_cast %add3A_1140 : i32 to index
        %get3A_1142 = arith.constant 32 : index
        %get3A_1143 = tpu.vector_load %arg11[%get3A_1141, %get3A_1142] {strides = array<i32>} : memref<224x64xbf16, #tpu.memory_space<vmem>>, vector<32xbf16>,
        %unpack3A_1144 = tpu.unpack_subelements %get3A_1143, 0 {pack_format = #tpu.pack_format<interleaved>} : vector<32xbf16> -> vector<16xf32>
        %unpack3A_1145 = tpu.unpack_subelements %get3A_1143, 1 {pack_format = #tpu.pack_format<interleaved>} : vector<32xbf16> -> vector<16xf32>
        %add3A_1146 = arith.addf %while3A_1126, %unpack3A_1144 : vector<16xf32>
        %add3A_1147 = arith.addf %while3A_1127, %unpack3A_1145 : vector<16xf32>
        %add3A_1148 = arith.constant 1 : i32
        %add3A_1149 = arith.addi %mul3A_1129, %add3A_1148 : i32
        %get3A_1150 = arith.index_cast %add3A_1149 : i32 to index
        %get3A_1151 = arith.constant 0 : index
        %get3A_1152 = tpu.vector_load %arg11[%get3A_1150, %get3A_1151] {strides = array<i32>} : memref<224x64xbf16, #tpu.memory_space<vmem>>, vector<32xbf16>,
        %unpack3A_1153 = tpu.unpack_subelements %get3A_1152, 0 {pack_format = #tpu.pack_format<interleaved>} : vector<32xbf16> -> vector<16xf32>
        %unpack3A_1154 = tpu.unpack_subelements %get3A_1152, 1 {pack_format = #tpu.pack_format<interleaved>} : vector<32xbf16> -> vector<16xf32>
        %add3A_1155 = arith.addf %add3A_1137, %unpack3A_1153 : vector<16xf32>
        %add3A_1156 = arith.addf %add3A_1138, %unpack3A_1154 : vector<16xf32>
        %add3A_1157 = arith.constant 1 : i32
        %add3A_1158 = arith.addi %mul3A_1129, %add3A_1157 : i32
        %get3A_1159 = arith.index_cast %add3A_1158 : i32 to index
        %get3A_1160 = arith.constant 32 : index
        %get3A_1161 = tpu.vector_load %arg11[%get3A_1159, %get3A_1160] {strides = array<i32>} : memref<224x64xbf16, #tpu.memory_space<vmem>>, vector<32xbf16>,
        %unpack3A_1162 = tpu.unpack_subelements %get3A_1161, 0 {pack_format = #tpu.pack_format<interleaved>} : vector<32xbf16> -> vector<16xf32>
        %unpack3A_1163 = tpu.unpack_subelements %get3A_1161, 1 {pack_format = #tpu.pack_format<interleaved>} : vector<32xbf16> -> vector<16xf32>
        %add3A_1164 = arith.addf %add3A_1146, %unpack3A_1162 : vector<16xf32>
        %add3A_1165 = arith.addf %add3A_1147, %unpack3A_1163 : vector<16xf32>
        %add3A_1166 = arith.constant 2 : i32
        %add3A_1167 = arith.addi %mul3A_1129, %add3A_1166 : i32
        %get3A_1168 = arith.index_cast %add3A_1167 : i32 to index
        %get3A_1169 = arith.constant 0 : index
        %get3A_1170 = tpu.vector_load %arg11[%get3A_1168, %get3A_1169] {strides = array<i32>} : memref<224x64xbf16, #tpu.memory_space<vmem>>, vector<32xbf16>,
        %unpack3A_1171 = tpu.unpack_subelements %get3A_1170, 0 {pack_format = #tpu.pack_format<interleaved>} : vector<32xbf16> -> vector<16xf32>
        %unpack3A_1172 = tpu.unpack_subelements %get3A_1170, 1 {pack_format = #tpu.pack_format<interleaved>} : vector<32xbf16> -> vector<16xf32>
        %add3A_1173 = arith.addf %add3A_1155, %unpack3A_1171 : vector<16xf32>
        %add3A_1174 = arith.addf %add3A_1156, %unpack3A_1172 : vector<16xf32>
        %add3A_1175 = arith.constant 2 : i32
        %add3A_1176 = arith.addi %mul3A_1129, %add3A_1175 : i32
        %get3A_1177 = arith.index_cast %add3A_1176 : i32 to index
        %get3A_1178 = arith.constant 32 : index
        %get3A_1179 = tpu.vector_load %arg11[%get3A_1177, %get3A_1178] {strides = array<i32>} : memref<224x64xbf16, #tpu.memory_space<vmem>>, vector<32xbf16>,
        %unpack3A_1180 = tpu.unpack_subelements %get3A_1179, 0 {pack_format = #tpu.pack_format<interleaved>} : vector<32xbf16> -> vector<16xf32>
        %unpack3A_1181 = tpu.unpack_subelements %get3A_1179, 1 {pack_format = #tpu.pack_format<interleaved>} : vector<32xbf16> -> vector<16xf32>
        %add3A_1182 = arith.addf %add3A_1164, %unpack3A_1180 : vector<16xf32>
        %add3A_1183 = arith.addf %add3A_1165, %unpack3A_1181 : vector<16xf32>
        %add3A_1184 = arith.constant 3 : i32
        %add3A_1185 = arith.addi %mul3A_1129, %add3A_1184 : i32
        %get3A_1186 = arith.index_cast %add3A_1185 : i32 to index
        %get3A_1187 = arith.constant 0 : index
        %get3A_1188 = tpu.vector_load %arg11[%get3A_1186, %get3A_1187] {strides = array<i32>} : memref<224x64xbf16, #tpu.memory_space<vmem>>, vector<32xbf16>,
        %unpack3A_1189 = tpu.unpack_subelements %get3A_1188, 0 {pack_format = #tpu.pack_format<interleaved>} : vector<32xbf16> -> vector<16xf32>
        %unpack3A_1190 = tpu.unpack_subelements %get3A_1188, 1 {pack_format = #tpu.pack_format<interleaved>} : vector<32xbf16> -> vector<16xf32>
        %add3A_1191 = arith.addf %add3A_1173, %unpack3A_1189 : vector<16xf32>
        %add3A_1192 = arith.addf %add3A_1174, %unpack3A_1190 : vector<16xf32>
        %add3A_1193 = arith.constant 3 : i32
        %add3A_1194 = arith.addi %mul3A_1129, %add3A_1193 : i32
        %get3A_1195 = arith.index_cast %add3A_1194 : i32 to index
        %get3A_1196 = arith.constant 32 : index
        %get3A_1197 = tpu.vector_load %arg11[%get3A_1195, %get3A_1196] {strides = array<i32>} : memref<224x64xbf16, #tpu.memory_space<vmem>>, vector<32xbf16>,
        %unpack3A_1198 = tpu.unpack_subelements %get3A_1197, 0 {pack_format = #tpu.pack_format<interleaved>} : vector<32xbf16> -> vector<16xf32>
        %unpack3A_1199 = tpu.unpack_subelements %get3A_1197, 1 {pack_format = #tpu.pack_format<interleaved>} : vector<32xbf16> -> vector<16xf32>
        %add3A_1200 = arith.addf %add3A_1182, %unpack3A_1198 : vector<16xf32>
        %add3A_1201 = arith.addf %add3A_1183, %unpack3A_1199 : vector<16xf32>
        %add3A_1202 = arith.constant 4 : i32
        %add3A_1203 = arith.addi %mul3A_1129, %add3A_1202 : i32
        %get3A_1204 = arith.index_cast %add3A_1203 : i32 to index
        %get3A_1205 = arith.constant 0 : index
        %get3A_1206 = tpu.vector_load %arg11[%get3A_1204, %get3A_1205] {strides = array<i32>} : memref<224x64xbf16, #tpu.memory_space<vmem>>, vector<32xbf16>,
        %unpack3A_1207 = tpu.unpack_subelements %get3A_1206, 0 {pack_format = #tpu.pack_format<interleaved>} : vector<32xbf16> -> vector<16xf32>
        %unpack3A_1208 = tpu.unpack_subelements %get3A_1206, 1 {pack_format = #tpu.pack_format<interleaved>} : vector<32xbf16> -> vector<16xf32>
        %add3A_1209 = arith.addf %add3A_1191, %unpack3A_1207 : vector<16xf32>
        %add3A_1210 = arith.addf %add3A_1192, %unpack3A_1208 : vector<16xf32>
        %add3A_1211 = arith.constant 4 : i32
        %add3A_1212 = arith.addi %mul3A_1129, %add3A_1211 : i32
        %get3A_1213 = arith.index_cast %add3A_1212 : i32 to index
        %get3A_1214 = arith.constant 32 : index
        %get3A_1215 = tpu.vector_load %arg11[%get3A_1213, %get3A_1214] {strides = array<i32>} : memref<224x64xbf16, #tpu.memory_space<vmem>>, vector<32xbf16>,
        %unpack3A_1216 = tpu.unpack_subelements %get3A_1215, 0 {pack_format = #tpu.pack_format<interleaved>} : vector<32xbf16> -> vector<16xf32>
        %unpack3A_1217 = tpu.unpack_subelements %get3A_1215, 1 {pack_format = #tpu.pack_format<interleaved>} : vector<32xbf16> -> vector<16xf32>
        %add3A_1218 = arith.addf %add3A_1200, %unpack3A_1216 : vector<16xf32>
        %add3A_1219 = arith.addf %add3A_1201, %unpack3A_1217 : vector<16xf32>
        %add3A_1220 = arith.constant 5 : i32
        %add3A_1221 = arith.addi %mul3A_1129, %add3A_1220 : i32
        %get3A_1222 = arith.index_cast %add3A_1221 : i32 to index
        %get3A_1223 = arith.constant 0 : index
        %get3A_1224 = tpu.vector_load %arg11[%get3A_1222, %get3A_1223] {strides = array<i32>} : memref<224x64xbf16, #tpu.memory_space<vmem>>, vector<32xbf16>,
        %unpack3A_1225 = tpu.unpack_subelements %get3A_1224, 0 {pack_format = #tpu.pack_format<interleaved>} : vector<32xbf16> -> vector<16xf32>
        %unpack3A_1226 = tpu.unpack_subelements %get3A_1224, 1 {pack_format = #tpu.pack_format<interleaved>} : vector<32xbf16> -> vector<16xf32>
        %add3A_1227 = arith.addf %add3A_1209, %unpack3A_1225 : vector<16xf32>
        %add3A_1228 = arith.addf %add3A_1210, %unpack3A_1226 : vector<16xf32>
        %add3A_1229 = arith.constant 5 : i32
        %add3A_1230 = arith.addi %mul3A_1129, %add3A_1229 : i32
        %get3A_1231 = arith.index_cast %add3A_1230 : i32 to index
        %get3A_1232 = arith.constant 32 : index
        %get3A_1233 = tpu.vector_load %arg11[%get3A_1231, %get3A_1232] {strides = array<i32>} : memref<224x64xbf16, #tpu.memory_space<vmem>>, vector<32xbf16>,
        %unpack3A_1234 = tpu.unpack_subelements %get3A_1233, 0 {pack_format = #tpu.pack_format<interleaved>} : vector<32xbf16> -> vector<16xf32>
        %unpack3A_1235 = tpu.unpack_subelements %get3A_1233, 1 {pack_format = #tpu.pack_format<interleaved>} : vector<32xbf16> -> vector<16xf32>
        %add3A_1236 = arith.addf %add3A_1218, %unpack3A_1234 : vector<16xf32>
        %add3A_1237 = arith.addf %add3A_1219, %unpack3A_1235 : vector<16xf32>
        %add3A_1238 = arith.constant 6 : i32
        %add3A_1239 = arith.addi %mul3A_1129, %add3A_1238 : i32
        %get3A_1240 = arith.index_cast %add3A_1239 : i32 to index
        %get3A_1241 = arith.constant 0 : index
        %get3A_1242 = tpu.vector_load %arg11[%get3A_1240, %get3A_1241] {strides = array<i32>} : memref<224x64xbf16, #tpu.memory_space<vmem>>, vector<32xbf16>,
        %unpack3A_1243 = tpu.unpack_subelements %get3A_1242, 0 {pack_format = #tpu.pack_format<interleaved>} : vector<32xbf16> -> vector<16xf32>
        %unpack3A_1244 = tpu.unpack_subelements %get3A_1242, 1 {pack_format = #tpu.pack_format<interleaved>} : vector<32xbf16> -> vector<16xf32>
        %add3A_1245 = arith.addf %add3A_1227, %unpack3A_1243 : vector<16xf32>
        %add3A_1246 = arith.addf %add3A_1228, %unpack3A_1244 : vector<16xf32>
        %add3A_1247 = arith.constant 6 : i32
        %add3A_1248 = arith.addi %mul3A_1129, %add3A_1247 : i32
        %get3A_1249 = arith.index_cast %add3A_1248 : i32 to index
        %get3A_1250 = arith.constant 32 : index
        %get3A_1251 = tpu.vector_load %arg11[%get3A_1249, %get3A_1250] {strides = array<i32>} : memref<224x64xbf16, #tpu.memory_space<vmem>>, vector<32xbf16>,
        %unpack3A_1252 = tpu.unpack_subelements %get3A_1251, 0 {pack_format = #tpu.pack_format<interleaved>} : vector<32xbf16> -> vector<16xf32>
        %unpack3A_1253 = tpu.unpack_subelements %get3A_1251, 1 {pack_format = #tpu.pack_format<interleaved>} : vector<32xbf16> -> vector<16xf32>
        %add3A_1254 = arith.addf %add3A_1236, %unpack3A_1252 : vector<16xf32>
        %add3A_1255 = arith.addf %add3A_1237, %unpack3A_1253 : vector<16xf32>
        %add3A_1256 = arith.constant 7 : i32
        %add3A_1257 = arith.addi %mul3A_1129, %add3A_1256 : i32
        %get3A_1258 = arith.index_cast %add3A_1257 : i32 to index
        %get3A_1259 = arith.constant 0 : index
        %get3A_1260 = tpu.vector_load %arg11[%get3A_1258, %get3A_1259] {strides = array<i32>} : memref<224x64xbf16, #tpu.memory_space<vmem>>, vector<32xbf16>,
        %unpack3A_1261 = tpu.unpack_subelements %get3A_1260, 0 {pack_format = #tpu.pack_format<interleaved>} : vector<32xbf16> -> vector<16xf32>
        %unpack3A_1262 = tpu.unpack_subelements %get3A_1260, 1 {pack_format = #tpu.pack_format<interleaved>} : vector<32xbf16> -> vector<16xf32>
        %add3A_1263 = arith.addf %add3A_1245, %unpack3A_1261 : vector<16xf32>
        %add3A_1264 = arith.addf %add3A_1246, %unpack3A_1262 : vector<16xf32>
        %add3A_1265 = arith.constant 7 : i32
        %add3A_1266 = arith.addi %mul3A_1129, %add3A_1265 : i32
        %get3A_1267 = arith.index_cast %add3A_1266 : i32 to index
        %get3A_1268 = arith.constant 32 : index
        %get3A_1269 = tpu.vector_load %arg11[%get3A_1267, %get3A_1268] {strides = array<i32>} : memref<224x64xbf16, #tpu.memory_space<vmem>>, vector<32xbf16>,
        %unpack3A_1270 = tpu.unpack_subelements %get3A_1269, 0 {pack_format = #tpu.pack_format<interleaved>} : vector<32xbf16> -> vector<16xf32>
        %unpack3A_1271 = tpu.unpack_subelements %get3A_1269, 1 {pack_format = #tpu.pack_format<interleaved>} : vector<32xbf16> -> vector<16xf32>
        %add3A_1272 = arith.addf %add3A_1254, %unpack3A_1270 : vector<16xf32>
        %add3A_1273 = arith.addf %add3A_1255, %unpack3A_1271 : vector<16xf32>
        %add3A_1274 = arith.constant 8 : i32
        %add3A_1275 = arith.addi %mul3A_1129, %add3A_1274 : i32
        %get3A_1276 = arith.index_cast %add3A_1275 : i32 to index
        %get3A_1277 = arith.constant 0 : index
        %get3A_1278 = tpu.vector_load %arg11[%get3A_1276, %get3A_1277] {strides = array<i32>} : memref<224x64xbf16, #tpu.memory_space<vmem>>, vector<32xbf16>,
        %unpack3A_1279 = tpu.unpack_subelements %get3A_1278, 0 {pack_format = #tpu.pack_format<interleaved>} : vector<32xbf16> -> vector<16xf32>
        %unpack3A_1280 = tpu.unpack_subelements %get3A_1278, 1 {pack_format = #tpu.pack_format<interleaved>} : vector<32xbf16> -> vector<16xf32>
        %add3A_1281 = arith.addf %add3A_1263, %unpack3A_1279 : vector<16xf32>
        %add3A_1282 = arith.addf %add3A_1264, %unpack3A_1280 : vector<16xf32>
        %add3A_1283 = arith.constant 8 : i32
        %add3A_1284 = arith.addi %mul3A_1129, %add3A_1283 : i32
        %get3A_1285 = arith.index_cast %add3A_1284 : i32 to index
        %get3A_1286 = arith.constant 32 : index
        %get3A_1287 = tpu.vector_load %arg11[%get3A_1285, %get3A_1286] {strides = array<i32>} : memref<224x64xbf16, #tpu.memory_space<vmem>>, vector<32xbf16>,
        %unpack3A_1288 = tpu.unpack_subelements %get3A_1287, 0 {pack_format = #tpu.pack_format<interleaved>} : vector<32xbf16> -> vector<16xf32>
        %unpack3A_1289 = tpu.unpack_subelements %get3A_1287, 1 {pack_format = #tpu.pack_format<interleaved>} : vector<32xbf16> -> vector<16xf32>
        %add3A_1290 = arith.addf %add3A_1272, %unpack3A_1288 : vector<16xf32>
        %add3A_1291 = arith.addf %add3A_1273, %unpack3A_1289 : vector<16xf32>
        %add3A_1292 = arith.constant 9 : i32
        %add3A_1293 = arith.addi %mul3A_1129, %add3A_1292 : i32
        %get3A_1294 = arith.index_cast %add3A_1293 : i32 to index
        %get3A_1295 = arith.constant 0 : index
        %get3A_1296 = tpu.vector_load %arg11[%get3A_1294, %get3A_1295] {strides = array<i32>} : memref<224x64xbf16, #tpu.memory_space<vmem>>, vector<32xbf16>,
        %unpack3A_1297 = tpu.unpack_subelements %get3A_1296, 0 {pack_format = #tpu.pack_format<interleaved>} : vector<32xbf16> -> vector<16xf32>
        %unpack3A_1298 = tpu.unpack_subelements %get3A_1296, 1 {pack_format = #tpu.pack_format<interleaved>} : vector<32xbf16> -> vector<16xf32>
        %add3A_1299 = arith.addf %add3A_1281, %unpack3A_1297 : vector<16xf32>
        %add3A_1300 = arith.addf %add3A_1282, %unpack3A_1298 : vector<16xf32>
        %add3A_1301 = arith.constant 9 : i32
        %add3A_1302 = arith.addi %mul3A_1129, %add3A_1301 : i32
        %get3A_1303 = arith.index_cast %add3A_1302 : i32 to index
        %get3A_1304 = arith.constant 32 : index
        %get3A_1305 = tpu.vector_load %arg11[%get3A_1303, %get3A_1304] {strides = array<i32>} : memref<224x64xbf16, #tpu.memory_space<vmem>>, vector<32xbf16>,
        %unpack3A_1306 = tpu.unpack_subelements %get3A_1305, 0 {pack_format = #tpu.pack_format<interleaved>} : vector<32xbf16> -> vector<16xf32>
        %unpack3A_1307 = tpu.unpack_subelements %get3A_1305, 1 {pack_format = #tpu.pack_format<interleaved>} : vector<32xbf16> -> vector<16xf32>
        %add3A_1308 = arith.addf %add3A_1290, %unpack3A_1306 : vector<16xf32>
        %add3A_1309 = arith.addf %add3A_1291, %unpack3A_1307 : vector<16xf32>
        %add3A_1310 = arith.constant 10 : i32
        %add3A_1311 = arith.addi %mul3A_1129, %add3A_1310 : i32
        %get3A_1312 = arith.index_cast %add3A_1311 : i32 to index
        %get3A_1313 = arith.constant 0 : index
        %get3A_1314 = tpu.vector_load %arg11[%get3A_1312, %get3A_1313] {strides = array<i32>} : memref<224x64xbf16, #tpu.memory_space<vmem>>, vector<32xbf16>,
        %unpack3A_1315 = tpu.unpack_subelements %get3A_1314, 0 {pack_format = #tpu.pack_format<interleaved>} : vector<32xbf16> -> vector<16xf32>
        %unpack3A_1316 = tpu.unpack_subelements %get3A_1314, 1 {pack_format = #tpu.pack_format<interleaved>} : vector<32xbf16> -> vector<16xf32>
        %add3A_1317 = arith.addf %add3A_1299, %unpack3A_1315 : vector<16xf32>
        %add3A_1318 = arith.addf %add3A_1300, %unpack3A_1316 : vector<16xf32>
        %add3A_1319 = arith.constant 10 : i32
        %add3A_1320 = arith.addi %mul3A_1129, %add3A_1319 : i32
        %get3A_1321 = arith.index_cast %add3A_1320 : i32 to index
        %get3A_1322 = arith.constant 32 : index
        %get3A_1323 = tpu.vector_load %arg11[%get3A_1321, %get3A_1322] {strides = array<i32>} : memref<224x64xbf16, #tpu.memory_space<vmem>>, vector<32xbf16>,
        %unpack3A_1324 = tpu.unpack_subelements %get3A_1323, 0 {pack_format = #tpu.pack_format<interleaved>} : vector<32xbf16> -> vector<16xf32>
        %unpack3A_1325 = tpu.unpack_subelements %get3A_1323, 1 {pack_format = #tpu.pack_format<interleaved>} : vector<32xbf16> -> vector<16xf32>
        %add3A_1326 = arith.addf %add3A_1308, %unpack3A_1324 : vector<16xf32>
        %add3A_1327 = arith.addf %add3A_1309, %unpack3A_1325 : vector<16xf32>
        %add3A_1328 = arith.constant 11 : i32
        %add3A_1329 = arith.addi %mul3A_1129, %add3A_1328 : i32
        %get3A_1330 = arith.index_cast %add3A_1329 : i32 to index
        %get3A_1331 = arith.constant 0 : index
        %get3A_1332 = tpu.vector_load %arg11[%get3A_1330, %get3A_1331] {strides = array<i32>} : memref<224x64xbf16, #tpu.memory_space<vmem>>, vector<32xbf16>,
        %unpack3A_1333 = tpu.unpack_subelements %get3A_1332, 0 {pack_format = #tpu.pack_format<interleaved>} : vector<32xbf16> -> vector<16xf32>
        %unpack3A_1334 = tpu.unpack_subelements %get3A_1332, 1 {pack_format = #tpu.pack_format<interleaved>} : vector<32xbf16> -> vector<16xf32>
        %add3A_1335 = arith.addf %add3A_1317, %unpack3A_1333 : vector<16xf32>
        %add3A_1336 = arith.addf %add3A_1318, %unpack3A_1334 : vector<16xf32>
        %add3A_1337 = arith.constant 11 : i32
        %add3A_1338 = arith.addi %mul3A_1129, %add3A_1337 : i32
        %get3A_1339 = arith.index_cast %add3A_1338 : i32 to index
        %get3A_1340 = arith.constant 32 : index
        %get3A_1341 = tpu.vector_load %arg11[%get3A_1339, %get3A_1340] {strides = array<i32>} : memref<224x64xbf16, #tpu.memory_space<vmem>>, vector<32xbf16>,
        %unpack3A_1342 = tpu.unpack_subelements %get3A_1341, 0 {pack_format = #tpu.pack_format<interleaved>} : vector<32xbf16> -> vector<16xf32>
        %unpack3A_1343 = tpu.unpack_subelements %get3A_1341, 1 {pack_format = #tpu.pack_format<interleaved>} : vector<32xbf16> -> vector<16xf32>
        %add3A_1344 = arith.addf %add3A_1326, %unpack3A_1342 : vector<16xf32>
        %add3A_1345 = arith.addf %add3A_1327, %unpack3A_1343 : vector<16xf32>
        %add3A_1346 = arith.constant 12 : i32
        %add3A_1347 = arith.addi %mul3A_1129, %add3A_1346 : i32
        %get3A_1348 = arith.index_cast %add3A_1347 : i32 to index
        %get3A_1349 = arith.constant 0 : index
        %get3A_1350 = tpu.vector_load %arg11[%get3A_1348, %get3A_1349] {strides = array<i32>} : memref<224x64xbf16, #tpu.memory_space<vmem>>, vector<32xbf16>,
        %unpack3A_1351 = tpu.unpack_subelements %get3A_1350, 0 {pack_format = #tpu.pack_format<interleaved>} : vector<32xbf16> -> vector<16xf32>
        %unpack3A_1352 = tpu.unpack_subelements %get3A_1350, 1 {pack_format = #tpu.pack_format<interleaved>} : vector<32xbf16> -> vector<16xf32>
        %add3A_1353 = arith.addf %add3A_1335, %unpack3A_1351 : vector<16xf32>
        %add3A_1354 = arith.addf %add3A_1336, %unpack3A_1352 : vector<16xf32>
        %add3A_1355 = arith.constant 12 : i32
        %add3A_1356 = arith.addi %mul3A_1129, %add3A_1355 : i32
        %get3A_1357 = arith.index_cast %add3A_1356 : i32 to index
        %get3A_1358 = arith.constant 32 : index
        %get3A_1359 = tpu.vector_load %arg11[%get3A_1357, %get3A_1358] {strides = array<i32>} : memref<224x64xbf16, #tpu.memory_space<vmem>>, vector<32xbf16>,
        %unpack3A_1360 = tpu.unpack_subelements %get3A_1359, 0 {pack_format = #tpu.pack_format<interleaved>} : vector<32xbf16> -> vector<16xf32>
        %unpack3A_1361 = tpu.unpack_subelements %get3A_1359, 1 {pack_format = #tpu.pack_format<interleaved>} : vector<32xbf16> -> vector<16xf32>
        %add3A_1362 = arith.addf %add3A_1344, %unpack3A_1360 : vector<16xf32>
        %add3A_1363 = arith.addf %add3A_1345, %unpack3A_1361 : vector<16xf32>
        %add3A_1364 = arith.constant 13 : i32
        %add3A_1365 = arith.addi %mul3A_1129, %add3A_1364 : i32
        %get3A_1366 = arith.index_cast %add3A_1365 : i32 to index
        %get3A_1367 = arith.constant 0 : index
        %get3A_1368 = tpu.vector_load %arg11[%get3A_1366, %get3A_1367] {strides = array<i32>} : memref<224x64xbf16, #tpu.memory_space<vmem>>, vector<32xbf16>,
        %unpack3A_1369 = tpu.unpack_subelements %get3A_1368, 0 {pack_format = #tpu.pack_format<interleaved>} : vector<32xbf16> -> vector<16xf32>
        %unpack3A_1370 = tpu.unpack_subelements %get3A_1368, 1 {pack_format = #tpu.pack_format<interleaved>} : vector<32xbf16> -> vector<16xf32>
        %add3A_1371 = arith.addf %add3A_1353, %unpack3A_1369 : vector<16xf32>
        %add3A_1372 = arith.addf %add3A_1354, %unpack3A_1370 : vector<16xf32>
        %add3A_1373 = arith.constant 13 : i32
        %add3A_1374 = arith.addi %mul3A_1129, %add3A_1373 : i32
        %get3A_1375 = arith.index_cast %add3A_1374 : i32 to index
        %get3A_1376 = arith.constant 32 : index
        %get3A_1377 = tpu.vector_load %arg11[%get3A_1375, %get3A_1376] {strides = array<i32>} : memref<224x64xbf16, #tpu.memory_space<vmem>>, vector<32xbf16>,
        %unpack3A_1378 = tpu.unpack_subelements %get3A_1377, 0 {pack_format = #tpu.pack_format<interleaved>} : vector<32xbf16> -> vector<16xf32>
        %unpack3A_1379 = tpu.unpack_subelements %get3A_1377, 1 {pack_format = #tpu.pack_format<interleaved>} : vector<32xbf16> -> vector<16xf32>
        %add3A_1380 = arith.addf %add3A_1362, %unpack3A_1378 : vector<16xf32>
        %add3A_1381 = arith.addf %add3A_1363, %unpack3A_1379 : vector<16xf32>
        %add3A_1382 = arith.constant 14 : i32
        %add3A_1383 = arith.addi %mul3A_1129, %add3A_1382 : i32
        %get3A_1384 = arith.index_cast %add3A_1383 : i32 to index
        %get3A_1385 = arith.constant 0 : index
        %get3A_1386 = tpu.vector_load %arg11[%get3A_1384, %get3A_1385] {strides = array<i32>} : memref<224x64xbf16, #tpu.memory_space<vmem>>, vector<32xbf16>,
        %unpack3A_1387 = tpu.unpack_subelements %get3A_1386, 0 {pack_format = #tpu.pack_format<interleaved>} : vector<32xbf16> -> vector<16xf32>
        %unpack3A_1388 = tpu.unpack_subelements %get3A_1386, 1 {pack_format = #tpu.pack_format<interleaved>} : vector<32xbf16> -> vector<16xf32>
        %add3A_1389 = arith.addf %add3A_1371, %unpack3A_1387 : vector<16xf32>
        %add3A_1390 = arith.addf %add3A_1372, %unpack3A_1388 : vector<16xf32>
        %add3A_1391 = arith.constant 14 : i32
        %add3A_1392 = arith.addi %mul3A_1129, %add3A_1391 : i32
        %get3A_1393 = arith.index_cast %add3A_1392 : i32 to index
        %get3A_1394 = arith.constant 32 : index
        %get3A_1395 = tpu.vector_load %arg11[%get3A_1393, %get3A_1394] {strides = array<i32>} : memref<224x64xbf16, #tpu.memory_space<vmem>>, vector<32xbf16>,
        %unpack3A_1396 = tpu.unpack_subelements %get3A_1395, 0 {pack_format = #tpu.pack_format<interleaved>} : vector<32xbf16> -> vector<16xf32>
        %unpack3A_1397 = tpu.unpack_subelements %get3A_1395, 1 {pack_format = #tpu.pack_format<interleaved>} : vector<32xbf16> -> vector<16xf32>
        %add3A_1398 = arith.addf %add3A_1380, %unpack3A_1396 : vector<16xf32>
        %add3A_1399 = arith.addf %add3A_1381, %unpack3A_1397 : vector<16xf32>
        %add3A_1400 = arith.constant 15 : i32
        %add3A_1401 = arith.addi %mul3A_1129, %add3A_1400 : i32
        %get3A_1402 = arith.index_cast %add3A_1401 : i32 to index
        %get3A_1403 = arith.constant 0 : index
        %get3A_1404 = tpu.vector_load %arg11[%get3A_1402, %get3A_1403] {strides = array<i32>} : memref<224x64xbf16, #tpu.memory_space<vmem>>, vector<32xbf16>,
        %unpack3A_1405 = tpu.unpack_subelements %get3A_1404, 0 {pack_format = #tpu.pack_format<interleaved>} : vector<32xbf16> -> vector<16xf32>
        %unpack3A_1406 = tpu.unpack_subelements %get3A_1404, 1 {pack_format = #tpu.pack_format<interleaved>} : vector<32xbf16> -> vector<16xf32>
        %add3A_1407 = arith.addf %add3A_1389, %unpack3A_1405 : vector<16xf32>
        %add3A_1408 = arith.addf %add3A_1390, %unpack3A_1406 : vector<16xf32>
        %add3A_1409 = arith.constant 15 : i32
        %add3A_1410 = arith.addi %mul3A_1129, %add3A_1409 : i32
        %get3A_1411 = arith.index_cast %add3A_1410 : i32 to index
        %get3A_1412 = arith.constant 32 : index
        %get3A_1413 = tpu.vector_load %arg11[%get3A_1411, %get3A_1412] {strides = array<i32>} : memref<224x64xbf16, #tpu.memory_space<vmem>>, vector<32xbf16>,
        %unpack3A_1414 = tpu.unpack_subelements %get3A_1413, 0 {pack_format = #tpu.pack_format<interleaved>} : vector<32xbf16> -> vector<16xf32>
        %unpack3A_1415 = tpu.unpack_subelements %get3A_1413, 1 {pack_format = #tpu.pack_format<interleaved>} : vector<32xbf16> -> vector<16xf32>
        %add3A_1416 = arith.addf %add3A_1398, %unpack3A_1414 : vector<16xf32>
        %add3A_1417 = arith.addf %add3A_1399, %unpack3A_1415 : vector<16xf32>
        scf.yield %add3A_1407, %add3A_1408, %add3A_1416, %add3A_1417 : vector<16xf32>, vector<16xf32>, vector<16xf32>, vector<16xf32>
      }
      %mul3A_696 = arith.constant 16 : i32
      %mul3A_697 = arith.muli %select_n3A_674, %mul3A_696 : i32
      %add3A_698 = arith.constant 0 : i32
      %add3A_699 = arith.addi %mul3A_697, %add3A_698 : i32
      %lt3A_700 = arith.cmpi slt, %add3A_699, %squeeze3A_650 : i32
      %add3A_701 = arith.constant 0 : i32
      %add3A_702 = arith.addi %mul3A_697, %add3A_701 : i32
      %get3A_703 = arith.index_cast %add3A_702 : i32 to index
      %get3A_704 = arith.constant 0 : index
      %get3A_705 = tpu.vector_load %arg11[%get3A_703, %get3A_704] {strides = array<i32>} : memref<224x64xbf16, #tpu.memory_space<vmem>>, vector<32xbf16>,
      %unpack3A_706 = tpu.unpack_subelements %get3A_705, 0 {pack_format = #tpu.pack_format<interleaved>} : vector<32xbf16> -> vector<16xf32>
      %unpack3A_707 = tpu.unpack_subelements %get3A_705, 1 {pack_format = #tpu.pack_format<interleaved>} : vector<32xbf16> -> vector<16xf32>
      %select_n3A_708 = arith.select %lt3A_700, %unpack3A_706, %broadcast_in_dim3A_676 : vector<16xf32>
      %add3A_709 = arith.addf %while3A_695#0, %select_n3A_708 : vector<16xf32>
      %select_n3A_710 = arith.select %lt3A_700, %unpack3A_707, %broadcast_in_dim3A_676 : vector<16xf32>
      %add3A_711 = arith.addf %while3A_695#1, %select_n3A_710 : vector<16xf32>
      %add3A_712 = arith.constant 0 : i32
      %add3A_713 = arith.addi %mul3A_697, %add3A_712 : i32
      %get3A_714 = arith.index_cast %add3A_713 : i32 to index
      %get3A_715 = arith.constant 32 : index
      %get3A_716 = tpu.vector_load %arg11[%get3A_714, %get3A_715] {strides = array<i32>} : memref<224x64xbf16, #tpu.memory_space<vmem>>, vector<32xbf16>,
      %unpack3A_717 = tpu.unpack_subelements %get3A_716, 0 {pack_format = #tpu.pack_format<interleaved>} : vector<32xbf16> -> vector<16xf32>
      %unpack3A_718 = tpu.unpack_subelements %get3A_716, 1 {pack_format = #tpu.pack_format<interleaved>} : vector<32xbf16> -> vector<16xf32>
      %select_n3A_719 = arith.select %lt3A_700, %unpack3A_717, %broadcast_in_dim3A_676 : vector<16xf32>
      %add3A_720 = arith.addf %while3A_695#2, %select_n3A_719 : vector<16xf32>
      %select_n3A_721 = arith.select %lt3A_700, %unpack3A_718, %broadcast_in_dim3A_676 : vector<16xf32>
      %add3A_722 = arith.addf %while3A_695#3, %select_n3A_721 : vector<16xf32>
      %add3A_723 = arith.constant 1 : i32
      %add3A_724 = arith.addi %mul3A_697, %add3A_723 : i32
      %lt3A_725 = arith.cmpi slt, %add3A_724, %squeeze3A_650 : i32
      %add3A_726 = arith.constant 1 : i32
      %add3A_727 = arith.addi %mul3A_697, %add3A_726 : i32
      %get3A_728 = arith.index_cast %add3A_727 : i32 to index
      %get3A_729 = arith.constant 0 : index
      %get3A_730 = tpu.vector_load %arg11[%get3A_728, %get3A_729] {strides = array<i32>} : memref<224x64xbf16, #tpu.memory_space<vmem>>, vector<32xbf16>,
      %unpack3A_731 = tpu.unpack_subelements %get3A_730, 0 {pack_format = #tpu.pack_format<interleaved>} : vector<32xbf16> -> vector<16xf32>
      %unpack3A_732 = tpu.unpack_subelements %get3A_730, 1 {pack_format = #tpu.pack_format<interleaved>} : vector<32xbf16> -> vector<16xf32>
      %select_n3A_733 = arith.select %lt3A_725, %unpack3A_731, %broadcast_in_dim3A_676 : vector<16xf32>
      %add3A_734 = arith.addf %add3A_709, %select_n3A_733 : vector<16xf32>
      %select_n3A_735 = arith.select %lt3A_725, %unpack3A_732, %broadcast_in_dim3A_676 : vector<16xf32>
      %add3A_736 = arith.addf %add3A_711, %select_n3A_735 : vector<16xf32>
      %add3A_737 = arith.constant 1 : i32
      %add3A_738 = arith.addi %mul3A_697, %add3A_737 : i32
      %get3A_739 = arith.index_cast %add3A_738 : i32 to index
      %get3A_740 = arith.constant 32 : index
      %get3A_741 = tpu.vector_load %arg11[%get3A_739, %get3A_740] {strides = array<i32>} : memref<224x64xbf16, #tpu.memory_space<vmem>>, vector<32xbf16>,
      %unpack3A_742 = tpu.unpack_subelements %get3A_741, 0 {pack_format = #tpu.pack_format<interleaved>} : vector<32xbf16> -> vector<16xf32>
      %unpack3A_743 = tpu.unpack_subelements %get3A_741, 1 {pack_format = #tpu.pack_format<interleaved>} : vector<32xbf16> -> vector<16xf32>
      %select_n3A_744 = arith.select %lt3A_725, %unpack3A_742, %broadcast_in_dim3A_676 : vector<16xf32>
      %add3A_745 = arith.addf %add3A_720, %select_n3A_744 : vector<16xf32>
      %select_n3A_746 = arith.select %lt3A_725, %unpack3A_743, %broadcast_in_dim3A_676 : vector<16xf32>
      %add3A_747 = arith.addf %add3A_722, %select_n3A_746 : vector<16xf32>
      %add3A_748 = arith.constant 2 : i32
      %add3A_749 = arith.addi %mul3A_697, %add3A_748 : i32
      %lt3A_750 = arith.cmpi slt, %add3A_749, %squeeze3A_650 : i32
      %add3A_751 = arith.constant 2 : i32
      %add3A_752 = arith.addi %mul3A_697, %add3A_751 : i32
      %get3A_753 = arith.index_cast %add3A_752 : i32 to index
      %get3A_754 = arith.constant 0 : index
      %get3A_755 = tpu.vector_load %arg11[%get3A_753, %get3A_754] {strides = array<i32>} : memref<224x64xbf16, #tpu.memory_space<vmem>>, vector<32xbf16>,
      %unpack3A_756 = tpu.unpack_subelements %get3A_755, 0 {pack_format = #tpu.pack_format<interleaved>} : vector<32xbf16> -> vector<16xf32>
      %unpack3A_757 = tpu.unpack_subelements %get3A_755, 1 {pack_format = #tpu.pack_format<interleaved>} : vector<32xbf16> -> vector<16xf32>
      %select_n3A_758 = arith.select %lt3A_750, %unpack3A_756, %broadcast_in_dim3A_676 : vector<16xf32>
      %add3A_759 = arith.addf %add3A_734, %select_n3A_758 : vector<16xf32>
      %select_n3A_760 = arith.select %lt3A_750, %unpack3A_757, %broadcast_in_dim3A_676 : vector<16xf32>
      %add3A_761 = arith.addf %add3A_736, %select_n3A_760 : vector<16xf32>
      %add3A_762 = arith.constant 2 : i32
      %add3A_763 = arith.addi %mul3A_697, %add3A_762 : i32
      %get3A_764 = arith.index_cast %add3A_763 : i32 to index
      %get3A_765 = arith.constant 32 : index
      %get3A_766 = tpu.vector_load %arg11[%get3A_764, %get3A_765] {strides = array<i32>} : memref<224x64xbf16, #tpu.memory_space<vmem>>, vector<32xbf16>,
      %unpack3A_767 = tpu.unpack_subelements %get3A_766, 0 {pack_format = #tpu.pack_format<interleaved>} : vector<32xbf16> -> vector<16xf32>
      %unpack3A_768 = tpu.unpack_subelements %get3A_766, 1 {pack_format = #tpu.pack_format<interleaved>} : vector<32xbf16> -> vector<16xf32>
      %select_n3A_769 = arith.select %lt3A_750, %unpack3A_767, %broadcast_in_dim3A_676 : vector<16xf32>
      %add3A_770 = arith.addf %add3A_745, %select_n3A_769 : vector<16xf32>
      %select_n3A_771 = arith.select %lt3A_750, %unpack3A_768, %broadcast_in_dim3A_676 : vector<16xf32>
      %add3A_772 = arith.addf %add3A_747, %select_n3A_771 : vector<16xf32>
      %add3A_773 = arith.constant 3 : i32
      %add3A_774 = arith.addi %mul3A_697, %add3A_773 : i32
      %lt3A_775 = arith.cmpi slt, %add3A_774, %squeeze3A_650 : i32
      %add3A_776 = arith.constant 3 : i32
      %add3A_777 = arith.addi %mul3A_697, %add3A_776 : i32
      %get3A_778 = arith.index_cast %add3A_777 : i32 to index
      %get3A_779 = arith.constant 0 : index
      %get3A_780 = tpu.vector_load %arg11[%get3A_778, %get3A_779] {strides = array<i32>} : memref<224x64xbf16, #tpu.memory_space<vmem>>, vector<32xbf16>,
      %unpack3A_781 = tpu.unpack_subelements %get3A_780, 0 {pack_format = #tpu.pack_format<interleaved>} : vector<32xbf16> -> vector<16xf32>
      %unpack3A_782 = tpu.unpack_subelements %get3A_780, 1 {pack_format = #tpu.pack_format<interleaved>} : vector<32xbf16> -> vector<16xf32>
      %select_n3A_783 = arith.select %lt3A_775, %unpack3A_781, %broadcast_in_dim3A_676 : vector<16xf32>
      %add3A_784 = arith.addf %add3A_759, %select_n3A_783 : vector<16xf32>
      %select_n3A_785 = arith.select %lt3A_775, %unpack3A_782, %broadcast_in_dim3A_676 : vector<16xf32>
      %add3A_786 = arith.addf %add3A_761, %select_n3A_785 : vector<16xf32>
      %add3A_787 = arith.constant 3 : i32
      %add3A_788 = arith.addi %mul3A_697, %add3A_787 : i32
      %get3A_789 = arith.index_cast %add3A_788 : i32 to index
      %get3A_790 = arith.constant 32 : index
      %get3A_791 = tpu.vector_load %arg11[%get3A_789, %get3A_790] {strides = array<i32>} : memref<224x64xbf16, #tpu.memory_space<vmem>>, vector<32xbf16>,
      %unpack3A_792 = tpu.unpack_subelements %get3A_791, 0 {pack_format = #tpu.pack_format<interleaved>} : vector<32xbf16> -> vector<16xf32>
      %unpack3A_793 = tpu.unpack_subelements %get3A_791, 1 {pack_format = #tpu.pack_format<interleaved>} : vector<32xbf16> -> vector<16xf32>
      %select_n3A_794 = arith.select %lt3A_775, %unpack3A_792, %broadcast_in_dim3A_676 : vector<16xf32>
      %add3A_795 = arith.addf %add3A_770, %select_n3A_794 : vector<16xf32>
      %select_n3A_796 = arith.select %lt3A_775, %unpack3A_793, %broadcast_in_dim3A_676 : vector<16xf32>
      %add3A_797 = arith.addf %add3A_772, %select_n3A_796 : vector<16xf32>
      %add3A_798 = arith.constant 4 : i32
      %add3A_799 = arith.addi %mul3A_697, %add3A_798 : i32
      %lt3A_800 = arith.cmpi slt, %add3A_799, %squeeze3A_650 : i32
      %add3A_801 = arith.constant 4 : i32
      %add3A_802 = arith.addi %mul3A_697, %add3A_801 : i32
      %get3A_803 = arith.index_cast %add3A_802 : i32 to index
      %get3A_804 = arith.constant 0 : index
      %get3A_805 = tpu.vector_load %arg11[%get3A_803, %get3A_804] {strides = array<i32>} : memref<224x64xbf16, #tpu.memory_space<vmem>>, vector<32xbf16>,
      %unpack3A_806 = tpu.unpack_subelements %get3A_805, 0 {pack_format = #tpu.pack_format<interleaved>} : vector<32xbf16> -> vector<16xf32>
      %unpack3A_807 = tpu.unpack_subelements %get3A_805, 1 {pack_format = #tpu.pack_format<interleaved>} : vector<32xbf16> -> vector<16xf32>
      %select_n3A_808 = arith.select %lt3A_800, %unpack3A_806, %broadcast_in_dim3A_676 : vector<16xf32>
      %add3A_809 = arith.addf %add3A_784, %select_n3A_808 : vector<16xf32>
      %select_n3A_810 = arith.select %lt3A_800, %unpack3A_807, %broadcast_in_dim3A_676 : vector<16xf32>
      %add3A_811 = arith.addf %add3A_786, %select_n3A_810 : vector<16xf32>
      %add3A_812 = arith.constant 4 : i32
      %add3A_813 = arith.addi %mul3A_697, %add3A_812 : i32
      %get3A_814 = arith.index_cast %add3A_813 : i32 to index
      %get3A_815 = arith.constant 32 : index
      %get3A_816 = tpu.vector_load %arg11[%get3A_814, %get3A_815] {strides = array<i32>} : memref<224x64xbf16, #tpu.memory_space<vmem>>, vector<32xbf16>,
      %unpack3A_817 = tpu.unpack_subelements %get3A_816, 0 {pack_format = #tpu.pack_format<interleaved>} : vector<32xbf16> -> vector<16xf32>
      %unpack3A_818 = tpu.unpack_subelements %get3A_816, 1 {pack_format = #tpu.pack_format<interleaved>} : vector<32xbf16> -> vector<16xf32>
      %select_n3A_819 = arith.select %lt3A_800, %unpack3A_817, %broadcast_in_dim3A_676 : vector<16xf32>
      %add3A_820 = arith.addf %add3A_795, %select_n3A_819 : vector<16xf32>
      %select_n3A_821 = arith.select %lt3A_800, %unpack3A_818, %broadcast_in_dim3A_676 : vector<16xf32>
      %add3A_822 = arith.addf %add3A_797, %select_n3A_821 : vector<16xf32>
      %add3A_823 = arith.constant 5 : i32
      %add3A_824 = arith.addi %mul3A_697, %add3A_823 : i32
      %lt3A_825 = arith.cmpi slt, %add3A_824, %squeeze3A_650 : i32
      %add3A_826 = arith.constant 5 : i32
      %add3A_827 = arith.addi %mul3A_697, %add3A_826 : i32
      %get3A_828 = arith.index_cast %add3A_827 : i32 to index
      %get3A_829 = arith.constant 0 : index
      %get3A_830 = tpu.vector_load %arg11[%get3A_828, %get3A_829] {strides = array<i32>} : memref<224x64xbf16, #tpu.memory_space<vmem>>, vector<32xbf16>,
      %unpack3A_831 = tpu.unpack_subelements %get3A_830, 0 {pack_format = #tpu.pack_format<interleaved>} : vector<32xbf16> -> vector<16xf32>
      %unpack3A_832 = tpu.unpack_subelements %get3A_830, 1 {pack_format = #tpu.pack_format<interleaved>} : vector<32xbf16> -> vector<16xf32>
      %select_n3A_833 = arith.select %lt3A_825, %unpack3A_831, %broadcast_in_dim3A_676 : vector<16xf32>
      %add3A_834 = arith.addf %add3A_809, %select_n3A_833 : vector<16xf32>
      %select_n3A_835 = arith.select %lt3A_825, %unpack3A_832, %broadcast_in_dim3A_676 : vector<16xf32>
      %add3A_836 = arith.addf %add3A_811, %select_n3A_835 : vector<16xf32>
      %add3A_837 = arith.constant 5 : i32
      %add3A_838 = arith.addi %mul3A_697, %add3A_837 : i32
      %get3A_839 = arith.index_cast %add3A_838 : i32 to index
      %get3A_840 = arith.constant 32 : index
      %get3A_841 = tpu.vector_load %arg11[%get3A_839, %get3A_840] {strides = array<i32>} : memref<224x64xbf16, #tpu.memory_space<vmem>>, vector<32xbf16>,
      %unpack3A_842 = tpu.unpack_subelements %get3A_841, 0 {pack_format = #tpu.pack_format<interleaved>} : vector<32xbf16> -> vector<16xf32>
      %unpack3A_843 = tpu.unpack_subelements %get3A_841, 1 {pack_format = #tpu.pack_format<interleaved>} : vector<32xbf16> -> vector<16xf32>
      %select_n3A_844 = arith.select %lt3A_825, %unpack3A_842, %broadcast_in_dim3A_676 : vector<16xf32>
      %add3A_845 = arith.addf %add3A_820, %select_n3A_844 : vector<16xf32>
      %select_n3A_846 = arith.select %lt3A_825, %unpack3A_843, %broadcast_in_dim3A_676 : vector<16xf32>
      %add3A_847 = arith.addf %add3A_822, %select_n3A_846 : vector<16xf32>
      %add3A_848 = arith.constant 6 : i32
      %add3A_849 = arith.addi %mul3A_697, %add3A_848 : i32
      %lt3A_850 = arith.cmpi slt, %add3A_849, %squeeze3A_650 : i32
      %add3A_851 = arith.constant 6 : i32
      %add3A_852 = arith.addi %mul3A_697, %add3A_851 : i32
      %get3A_853 = arith.index_cast %add3A_852 : i32 to index
      %get3A_854 = arith.constant 0 : index
      %get3A_855 = tpu.vector_load %arg11[%get3A_853, %get3A_854] {strides = array<i32>} : memref<224x64xbf16, #tpu.memory_space<vmem>>, vector<32xbf16>,
      %unpack3A_856 = tpu.unpack_subelements %get3A_855, 0 {pack_format = #tpu.pack_format<interleaved>} : vector<32xbf16> -> vector<16xf32>
      %unpack3A_857 = tpu.unpack_subelements %get3A_855, 1 {pack_format = #tpu.pack_format<interleaved>} : vector<32xbf16> -> vector<16xf32>
      %select_n3A_858 = arith.select %lt3A_850, %unpack3A_856, %broadcast_in_dim3A_676 : vector<16xf32>
      %add3A_859 = arith.addf %add3A_834, %select_n3A_858 : vector<16xf32>
      %select_n3A_860 = arith.select %lt3A_850, %unpack3A_857, %broadcast_in_dim3A_676 : vector<16xf32>
      %add3A_861 = arith.addf %add3A_836, %select_n3A_860 : vector<16xf32>
      %add3A_862 = arith.constant 6 : i32
      %add3A_863 = arith.addi %mul3A_697, %add3A_862 : i32
      %get3A_864 = arith.index_cast %add3A_863 : i32 to index
      %get3A_865 = arith.constant 32 : index
      %get3A_866 = tpu.vector_load %arg11[%get3A_864, %get3A_865] {strides = array<i32>} : memref<224x64xbf16, #tpu.memory_space<vmem>>, vector<32xbf16>,
      %unpack3A_867 = tpu.unpack_subelements %get3A_866, 0 {pack_format = #tpu.pack_format<interleaved>} : vector<32xbf16> -> vector<16xf32>
      %unpack3A_868 = tpu.unpack_subelements %get3A_866, 1 {pack_format = #tpu.pack_format<interleaved>} : vector<32xbf16> -> vector<16xf32>
      %select_n3A_869 = arith.select %lt3A_850, %unpack3A_867, %broadcast_in_dim3A_676 : vector<16xf32>
      %add3A_870 = arith.addf %add3A_845, %select_n3A_869 : vector<16xf32>
      %select_n3A_871 = arith.select %lt3A_850, %unpack3A_868, %broadcast_in_dim3A_676 : vector<16xf32>
      %add3A_872 = arith.addf %add3A_847, %select_n3A_871 : vector<16xf32>
      %add3A_873 = arith.constant 7 : i32
      %add3A_874 = arith.addi %mul3A_697, %add3A_873 : i32
      %lt3A_875 = arith.cmpi slt, %add3A_874, %squeeze3A_650 : i32
      %add3A_876 = arith.constant 7 : i32
      %add3A_877 = arith.addi %mul3A_697, %add3A_876 : i32
      %get3A_878 = arith.index_cast %add3A_877 : i32 to index
      %get3A_879 = arith.constant 0 : index
      %get3A_880 = tpu.vector_load %arg11[%get3A_878, %get3A_879] {strides = array<i32>} : memref<224x64xbf16, #tpu.memory_space<vmem>>, vector<32xbf16>,
      %unpack3A_881 = tpu.unpack_subelements %get3A_880, 0 {pack_format = #tpu.pack_format<interleaved>} : vector<32xbf16> -> vector<16xf32>
      %unpack3A_882 = tpu.unpack_subelements %get3A_880, 1 {pack_format = #tpu.pack_format<interleaved>} : vector<32xbf16> -> vector<16xf32>
      %select_n3A_883 = arith.select %lt3A_875, %unpack3A_881, %broadcast_in_dim3A_676 : vector<16xf32>
      %add3A_884 = arith.addf %add3A_859, %select_n3A_883 : vector<16xf32>
      %select_n3A_885 = arith.select %lt3A_875, %unpack3A_882, %broadcast_in_dim3A_676 : vector<16xf32>
      %add3A_886 = arith.addf %add3A_861, %select_n3A_885 : vector<16xf32>
      %add3A_887 = arith.constant 7 : i32
      %add3A_888 = arith.addi %mul3A_697, %add3A_887 : i32
      %get3A_889 = arith.index_cast %add3A_888 : i32 to index
      %get3A_890 = arith.constant 32 : index
      %get3A_891 = tpu.vector_load %arg11[%get3A_889, %get3A_890] {strides = array<i32>} : memref<224x64xbf16, #tpu.memory_space<vmem>>, vector<32xbf16>,
      %unpack3A_892 = tpu.unpack_subelements %get3A_891, 0 {pack_format = #tpu.pack_format<interleaved>} : vector<32xbf16> -> vector<16xf32>
      %unpack3A_893 = tpu.unpack_subelements %get3A_891, 1 {pack_format = #tpu.pack_format<interleaved>} : vector<32xbf16> -> vector<16xf32>
      %select_n3A_894 = arith.select %lt3A_875, %unpack3A_892, %broadcast_in_dim3A_676 : vector<16xf32>
      %add3A_895 = arith.addf %add3A_870, %select_n3A_894 : vector<16xf32>
      %select_n3A_896 = arith.select %lt3A_875, %unpack3A_893, %broadcast_in_dim3A_676 : vector<16xf32>
      %add3A_897 = arith.addf %add3A_872, %select_n3A_896 : vector<16xf32>
      %add3A_898 = arith.constant 8 : i32
      %add3A_899 = arith.addi %mul3A_697, %add3A_898 : i32
      %lt3A_900 = arith.cmpi slt, %add3A_899, %squeeze3A_650 : i32
      %add3A_901 = arith.constant 8 : i32
      %add3A_902 = arith.addi %mul3A_697, %add3A_901 : i32
      %get3A_903 = arith.index_cast %add3A_902 : i32 to index
      %get3A_904 = arith.constant 0 : index
      %get3A_905 = tpu.vector_load %arg11[%get3A_903, %get3A_904] {strides = array<i32>} : memref<224x64xbf16, #tpu.memory_space<vmem>>, vector<32xbf16>,
      %unpack3A_906 = tpu.unpack_subelements %get3A_905, 0 {pack_format = #tpu.pack_format<interleaved>} : vector<32xbf16> -> vector<16xf32>
      %unpack3A_907 = tpu.unpack_subelements %get3A_905, 1 {pack_format = #tpu.pack_format<interleaved>} : vector<32xbf16> -> vector<16xf32>
      %select_n3A_908 = arith.select %lt3A_900, %unpack3A_906, %broadcast_in_dim3A_676 : vector<16xf32>
      %add3A_909 = arith.addf %add3A_884, %select_n3A_908 : vector<16xf32>
      %select_n3A_910 = arith.select %lt3A_900, %unpack3A_907, %broadcast_in_dim3A_676 : vector<16xf32>
      %add3A_911 = arith.addf %add3A_886, %select_n3A_910 : vector<16xf32>
      %add3A_912 = arith.constant 8 : i32
      %add3A_913 = arith.addi %mul3A_697, %add3A_912 : i32
      %get3A_914 = arith.index_cast %add3A_913 : i32 to index
      %get3A_915 = arith.constant 32 : index
      %get3A_916 = tpu.vector_load %arg11[%get3A_914, %get3A_915] {strides = array<i32>} : memref<224x64xbf16, #tpu.memory_space<vmem>>, vector<32xbf16>,
      %unpack3A_917 = tpu.unpack_subelements %get3A_916, 0 {pack_format = #tpu.pack_format<interleaved>} : vector<32xbf16> -> vector<16xf32>
      %unpack3A_918 = tpu.unpack_subelements %get3A_916, 1 {pack_format = #tpu.pack_format<interleaved>} : vector<32xbf16> -> vector<16xf32>
      %select_n3A_919 = arith.select %lt3A_900, %unpack3A_917, %broadcast_in_dim3A_676 : vector<16xf32>
      %add3A_920 = arith.addf %add3A_895, %select_n3A_919 : vector<16xf32>
      %select_n3A_921 = arith.select %lt3A_900, %unpack3A_918, %broadcast_in_dim3A_676 : vector<16xf32>
      %add3A_922 = arith.addf %add3A_897, %select_n3A_921 : vector<16xf32>
      %add3A_923 = arith.constant 9 : i32
      %add3A_924 = arith.addi %mul3A_697, %add3A_923 : i32
      %lt3A_925 = arith.cmpi slt, %add3A_924, %squeeze3A_650 : i32
      %add3A_926 = arith.constant 9 : i32
      %add3A_927 = arith.addi %mul3A_697, %add3A_926 : i32
      %get3A_928 = arith.index_cast %add3A_927 : i32 to index
      %get3A_929 = arith.constant 0 : index
      %get3A_930 = tpu.vector_load %arg11[%get3A_928, %get3A_929] {strides = array<i32>} : memref<224x64xbf16, #tpu.memory_space<vmem>>, vector<32xbf16>,
      %unpack3A_931 = tpu.unpack_subelements %get3A_930, 0 {pack_format = #tpu.pack_format<interleaved>} : vector<32xbf16> -> vector<16xf32>
      %unpack3A_932 = tpu.unpack_subelements %get3A_930, 1 {pack_format = #tpu.pack_format<interleaved>} : vector<32xbf16> -> vector<16xf32>
      %select_n3A_933 = arith.select %lt3A_925, %unpack3A_931, %broadcast_in_dim3A_676 : vector<16xf32>
      %add3A_934 = arith.addf %add3A_909, %select_n3A_933 : vector<16xf32>
      %select_n3A_935 = arith.select %lt3A_925, %unpack3A_932, %broadcast_in_dim3A_676 : vector<16xf32>
      %add3A_936 = arith.addf %add3A_911, %select_n3A_935 : vector<16xf32>
      %add3A_937 = arith.constant 9 : i32
      %add3A_938 = arith.addi %mul3A_697, %add3A_937 : i32
      %get3A_939 = arith.index_cast %add3A_938 : i32 to index
      %get3A_940 = arith.constant 32 : index
      %get3A_941 = tpu.vector_load %arg11[%get3A_939, %get3A_940] {strides = array<i32>} : memref<224x64xbf16, #tpu.memory_space<vmem>>, vector<32xbf16>,
      %unpack3A_942 = tpu.unpack_subelements %get3A_941, 0 {pack_format = #tpu.pack_format<interleaved>} : vector<32xbf16> -> vector<16xf32>
      %unpack3A_943 = tpu.unpack_subelements %get3A_941, 1 {pack_format = #tpu.pack_format<interleaved>} : vector<32xbf16> -> vector<16xf32>
      %select_n3A_944 = arith.select %lt3A_925, %unpack3A_942, %broadcast_in_dim3A_676 : vector<16xf32>
      %add3A_945 = arith.addf %add3A_920, %select_n3A_944 : vector<16xf32>
      %select_n3A_946 = arith.select %lt3A_925, %unpack3A_943, %broadcast_in_dim3A_676 : vector<16xf32>
      %add3A_947 = arith.addf %add3A_922, %select_n3A_946 : vector<16xf32>
      %add3A_948 = arith.constant 10 : i32
      %add3A_949 = arith.addi %mul3A_697, %add3A_948 : i32
      %lt3A_950 = arith.cmpi slt, %add3A_949, %squeeze3A_650 : i32
      %add3A_951 = arith.constant 10 : i32
      %add3A_952 = arith.addi %mul3A_697, %add3A_951 : i32
      %get3A_953 = arith.index_cast %add3A_952 : i32 to index
      %get3A_954 = arith.constant 0 : index
      %get3A_955 = tpu.vector_load %arg11[%get3A_953, %get3A_954] {strides = array<i32>} : memref<224x64xbf16, #tpu.memory_space<vmem>>, vector<32xbf16>,
      %unpack3A_956 = tpu.unpack_subelements %get3A_955, 0 {pack_format = #tpu.pack_format<interleaved>} : vector<32xbf16> -> vector<16xf32>
      %unpack3A_957 = tpu.unpack_subelements %get3A_955, 1 {pack_format = #tpu.pack_format<interleaved>} : vector<32xbf16> -> vector<16xf32>
      %select_n3A_958 = arith.select %lt3A_950, %unpack3A_956, %broadcast_in_dim3A_676 : vector<16xf32>
      %add3A_959 = arith.addf %add3A_934, %select_n3A_958 : vector<16xf32>
      %select_n3A_960 = arith.select %lt3A_950, %unpack3A_957, %broadcast_in_dim3A_676 : vector<16xf32>
      %add3A_961 = arith.addf %add3A_936, %select_n3A_960 : vector<16xf32>
      %add3A_962 = arith.constant 10 : i32
      %add3A_963 = arith.addi %mul3A_697, %add3A_962 : i32
      %get3A_964 = arith.index_cast %add3A_963 : i32 to index
      %get3A_965 = arith.constant 32 : index
      %get3A_966 = tpu.vector_load %arg11[%get3A_964, %get3A_965] {strides = array<i32>} : memref<224x64xbf16, #tpu.memory_space<vmem>>, vector<32xbf16>,
      %unpack3A_967 = tpu.unpack_subelements %get3A_966, 0 {pack_format = #tpu.pack_format<interleaved>} : vector<32xbf16> -> vector<16xf32>
      %unpack3A_968 = tpu.unpack_subelements %get3A_966, 1 {pack_format = #tpu.pack_format<interleaved>} : vector<32xbf16> -> vector<16xf32>
      %select_n3A_969 = arith.select %lt3A_950, %unpack3A_967, %broadcast_in_dim3A_676 : vector<16xf32>
      %add3A_970 = arith.addf %add3A_945, %select_n3A_969 : vector<16xf32>
      %select_n3A_971 = arith.select %lt3A_950, %unpack3A_968, %broadcast_in_dim3A_676 : vector<16xf32>
      %add3A_972 = arith.addf %add3A_947, %select_n3A_971 : vector<16xf32>
      %add3A_973 = arith.constant 11 : i32
      %add3A_974 = arith.addi %mul3A_697, %add3A_973 : i32
      %lt3A_975 = arith.cmpi slt, %add3A_974, %squeeze3A_650 : i32
      %add3A_976 = arith.constant 11 : i32
      %add3A_977 = arith.addi %mul3A_697, %add3A_976 : i32
      %get3A_978 = arith.index_cast %add3A_977 : i32 to index
      %get3A_979 = arith.constant 0 : index
      %get3A_980 = tpu.vector_load %arg11[%get3A_978, %get3A_979] {strides = array<i32>} : memref<224x64xbf16, #tpu.memory_space<vmem>>, vector<32xbf16>,
      %unpack3A_981 = tpu.unpack_subelements %get3A_980, 0 {pack_format = #tpu.pack_format<interleaved>} : vector<32xbf16> -> vector<16xf32>
      %unpack3A_982 = tpu.unpack_subelements %get3A_980, 1 {pack_format = #tpu.pack_format<interleaved>} : vector<32xbf16> -> vector<16xf32>
      %select_n3A_983 = arith.select %lt3A_975, %unpack3A_981, %broadcast_in_dim3A_676 : vector<16xf32>
      %add3A_984 = arith.addf %add3A_959, %select_n3A_983 : vector<16xf32>
      %select_n3A_985 = arith.select %lt3A_975, %unpack3A_982, %broadcast_in_dim3A_676 : vector<16xf32>
      %add3A_986 = arith.addf %add3A_961, %select_n3A_985 : vector<16xf32>
      %add3A_987 = arith.constant 11 : i32
      %add3A_988 = arith.addi %mul3A_697, %add3A_987 : i32
      %get3A_989 = arith.index_cast %add3A_988 : i32 to index
      %get3A_990 = arith.constant 32 : index
      %get3A_991 = tpu.vector_load %arg11[%get3A_989, %get3A_990] {strides = array<i32>} : memref<224x64xbf16, #tpu.memory_space<vmem>>, vector<32xbf16>,
      %unpack3A_992 = tpu.unpack_subelements %get3A_991, 0 {pack_format = #tpu.pack_format<interleaved>} : vector<32xbf16> -> vector<16xf32>
      %unpack3A_993 = tpu.unpack_subelements %get3A_991, 1 {pack_format = #tpu.pack_format<interleaved>} : vector<32xbf16> -> vector<16xf32>
      %select_n3A_994 = arith.select %lt3A_975, %unpack3A_992, %broadcast_in_dim3A_676 : vector<16xf32>
      %add3A_995 = arith.addf %add3A_970, %select_n3A_994 : vector<16xf32>
      %select_n3A_996 = arith.select %lt3A_975, %unpack3A_993, %broadcast_in_dim3A_676 : vector<16xf32>
      %add3A_997 = arith.addf %add3A_972, %select_n3A_996 : vector<16xf32>
      %add3A_998 = arith.constant 12 : i32
      %add3A_999 = arith.addi %mul3A_697, %add3A_998 : i32
      %lt3A_1000 = arith.cmpi slt, %add3A_999, %squeeze3A_650 : i32
      %add3A_1001 = arith.constant 12 : i32
      %add3A_1002 = arith.addi %mul3A_697, %add3A_1001 : i32
      %get3A_1003 = arith.index_cast %add3A_1002 : i32 to index
      %get3A_1004 = arith.constant 0 : index
      %get3A_1005 = tpu.vector_load %arg11[%get3A_1003, %get3A_1004] {strides = array<i32>} : memref<224x64xbf16, #tpu.memory_space<vmem>>, vector<32xbf16>,
      %unpack3A_1006 = tpu.unpack_subelements %get3A_1005, 0 {pack_format = #tpu.pack_format<interleaved>} : vector<32xbf16> -> vector<16xf32>
      %unpack3A_1007 = tpu.unpack_subelements %get3A_1005, 1 {pack_format = #tpu.pack_format<interleaved>} : vector<32xbf16> -> vector<16xf32>
      %select_n3A_1008 = arith.select %lt3A_1000, %unpack3A_1006, %broadcast_in_dim3A_676 : vector<16xf32>
      %add3A_1009 = arith.addf %add3A_984, %select_n3A_1008 : vector<16xf32>
      %select_n3A_1010 = arith.select %lt3A_1000, %unpack3A_1007, %broadcast_in_dim3A_676 : vector<16xf32>
      %add3A_1011 = arith.addf %add3A_986, %select_n3A_1010 : vector<16xf32>
      %add3A_1012 = arith.constant 12 : i32
      %add3A_1013 = arith.addi %mul3A_697, %add3A_1012 : i32
      %get3A_1014 = arith.index_cast %add3A_1013 : i32 to index
      %get3A_1015 = arith.constant 32 : index
      %get3A_1016 = tpu.vector_load %arg11[%get3A_1014, %get3A_1015] {strides = array<i32>} : memref<224x64xbf16, #tpu.memory_space<vmem>>, vector<32xbf16>,
      %unpack3A_1017 = tpu.unpack_subelements %get3A_1016, 0 {pack_format = #tpu.pack_format<interleaved>} : vector<32xbf16> -> vector<16xf32>
      %unpack3A_1018 = tpu.unpack_subelements %get3A_1016, 1 {pack_format = #tpu.pack_format<interleaved>} : vector<32xbf16> -> vector<16xf32>
      %select_n3A_1019 = arith.select %lt3A_1000, %unpack3A_1017, %broadcast_in_dim3A_676 : vector<16xf32>
      %add3A_1020 = arith.addf %add3A_995, %select_n3A_1019 : vector<16xf32>
      %select_n3A_1021 = arith.select %lt3A_1000, %unpack3A_1018, %broadcast_in_dim3A_676 : vector<16xf32>
      %add3A_1022 = arith.addf %add3A_997, %select_n3A_1021 : vector<16xf32>
      %add3A_1023 = arith.constant 13 : i32
      %add3A_1024 = arith.addi %mul3A_697, %add3A_1023 : i32
      %lt3A_1025 = arith.cmpi slt, %add3A_1024, %squeeze3A_650 : i32
      %add3A_1026 = arith.constant 13 : i32
      %add3A_1027 = arith.addi %mul3A_697, %add3A_1026 : i32
      %get3A_1028 = arith.index_cast %add3A_1027 : i32 to index
      %get3A_1029 = arith.constant 0 : index
      %get3A_1030 = tpu.vector_load %arg11[%get3A_1028, %get3A_1029] {strides = array<i32>} : memref<224x64xbf16, #tpu.memory_space<vmem>>, vector<32xbf16>,
      %unpack3A_1031 = tpu.unpack_subelements %get3A_1030, 0 {pack_format = #tpu.pack_format<interleaved>} : vector<32xbf16> -> vector<16xf32>
      %unpack3A_1032 = tpu.unpack_subelements %get3A_1030, 1 {pack_format = #tpu.pack_format<interleaved>} : vector<32xbf16> -> vector<16xf32>
      %select_n3A_1033 = arith.select %lt3A_1025, %unpack3A_1031, %broadcast_in_dim3A_676 : vector<16xf32>
      %add3A_1034 = arith.addf %add3A_1009, %select_n3A_1033 : vector<16xf32>
      %select_n3A_1035 = arith.select %lt3A_1025, %unpack3A_1032, %broadcast_in_dim3A_676 : vector<16xf32>
      %add3A_1036 = arith.addf %add3A_1011, %select_n3A_1035 : vector<16xf32>
      %add3A_1037 = arith.constant 13 : i32
      %add3A_1038 = arith.addi %mul3A_697, %add3A_1037 : i32
      %get3A_1039 = arith.index_cast %add3A_1038 : i32 to index
      %get3A_1040 = arith.constant 32 : index
      %get3A_1041 = tpu.vector_load %arg11[%get3A_1039, %get3A_1040] {strides = array<i32>} : memref<224x64xbf16, #tpu.memory_space<vmem>>, vector<32xbf16>,
      %unpack3A_1042 = tpu.unpack_subelements %get3A_1041, 0 {pack_format = #tpu.pack_format<interleaved>} : vector<32xbf16> -> vector<16xf32>
      %unpack3A_1043 = tpu.unpack_subelements %get3A_1041, 1 {pack_format = #tpu.pack_format<interleaved>} : vector<32xbf16> -> vector<16xf32>
      %select_n3A_1044 = arith.select %lt3A_1025, %unpack3A_1042, %broadcast_in_dim3A_676 : vector<16xf32>
      %add3A_1045 = arith.addf %add3A_1020, %select_n3A_1044 : vector<16xf32>
      %select_n3A_1046 = arith.select %lt3A_1025, %unpack3A_1043, %broadcast_in_dim3A_676 : vector<16xf32>
      %add3A_1047 = arith.addf %add3A_1022, %select_n3A_1046 : vector<16xf32>
      %add3A_1048 = arith.constant 14 : i32
      %add3A_1049 = arith.addi %mul3A_697, %add3A_1048 : i32
      %lt3A_1050 = arith.cmpi slt, %add3A_1049, %squeeze3A_650 : i32
      %add3A_1051 = arith.constant 14 : i32
      %add3A_1052 = arith.addi %mul3A_697, %add3A_1051 : i32
      %get3A_1053 = arith.index_cast %add3A_1052 : i32 to index
      %get3A_1054 = arith.constant 0 : index
      %get3A_1055 = tpu.vector_load %arg11[%get3A_1053, %get3A_1054] {strides = array<i32>} : memref<224x64xbf16, #tpu.memory_space<vmem>>, vector<32xbf16>,
      %unpack3A_1056 = tpu.unpack_subelements %get3A_1055, 0 {pack_format = #tpu.pack_format<interleaved>} : vector<32xbf16> -> vector<16xf32>
      %unpack3A_1057 = tpu.unpack_subelements %get3A_1055, 1 {pack_format = #tpu.pack_format<interleaved>} : vector<32xbf16> -> vector<16xf32>
      %select_n3A_1058 = arith.select %lt3A_1050, %unpack3A_1056, %broadcast_in_dim3A_676 : vector<16xf32>
      %add3A_1059 = arith.addf %add3A_1034, %select_n3A_1058 : vector<16xf32>
      %select_n3A_1060 = arith.select %lt3A_1050, %unpack3A_1057, %broadcast_in_dim3A_676 : vector<16xf32>
      %add3A_1061 = arith.addf %add3A_1036, %select_n3A_1060 : vector<16xf32>
      %add3A_1062 = arith.constant 14 : i32
      %add3A_1063 = arith.addi %mul3A_697, %add3A_1062 : i32
      %get3A_1064 = arith.index_cast %add3A_1063 : i32 to index
      %get3A_1065 = arith.constant 32 : index
      %get3A_1066 = tpu.vector_load %arg11[%get3A_1064, %get3A_1065] {strides = array<i32>} : memref<224x64xbf16, #tpu.memory_space<vmem>>, vector<32xbf16>,
      %unpack3A_1067 = tpu.unpack_subelements %get3A_1066, 0 {pack_format = #tpu.pack_format<interleaved>} : vector<32xbf16> -> vector<16xf32>
      %unpack3A_1068 = tpu.unpack_subelements %get3A_1066, 1 {pack_format = #tpu.pack_format<interleaved>} : vector<32xbf16> -> vector<16xf32>
      %select_n3A_1069 = arith.select %lt3A_1050, %unpack3A_1067, %broadcast_in_dim3A_676 : vector<16xf32>
      %add3A_1070 = arith.addf %add3A_1045, %select_n3A_1069 : vector<16xf32>
      %select_n3A_1071 = arith.select %lt3A_1050, %unpack3A_1068, %broadcast_in_dim3A_676 : vector<16xf32>
      %add3A_1072 = arith.addf %add3A_1047, %select_n3A_1071 : vector<16xf32>
      %add3A_1073 = arith.constant 15 : i32
      %add3A_1074 = arith.addi %mul3A_697, %add3A_1073 : i32
      %lt3A_1075 = arith.cmpi slt, %add3A_1074, %squeeze3A_650 : i32
      %add3A_1076 = arith.constant 15 : i32
      %add3A_1077 = arith.addi %mul3A_697, %add3A_1076 : i32
      %get3A_1078 = arith.index_cast %add3A_1077 : i32 to index
      %get3A_1079 = arith.constant 0 : index
      %get3A_1080 = tpu.vector_load %arg11[%get3A_1078, %get3A_1079] {strides = array<i32>} : memref<224x64xbf16, #tpu.memory_space<vmem>>, vector<32xbf16>,
      %unpack3A_1081 = tpu.unpack_subelements %get3A_1080, 0 {pack_format = #tpu.pack_format<interleaved>} : vector<32xbf16> -> vector<16xf32>
      %unpack3A_1082 = tpu.unpack_subelements %get3A_1080, 1 {pack_format = #tpu.pack_format<interleaved>} : vector<32xbf16> -> vector<16xf32>
      %select_n3A_1083 = arith.select %lt3A_1075, %unpack3A_1081, %broadcast_in_dim3A_676 : vector<16xf32>
      %add3A_1084 = arith.addf %add3A_1059, %select_n3A_1083 : vector<16xf32>
      %select_n3A_1085 = arith.select %lt3A_1075, %unpack3A_1082, %broadcast_in_dim3A_676 : vector<16xf32>
      %add3A_1086 = arith.addf %add3A_1061, %select_n3A_1085 : vector<16xf32>
      %add3A_1087 = arith.constant 15 : i32
      %add3A_1088 = arith.addi %mul3A_697, %add3A_1087 : i32
      %get3A_1089 = arith.index_cast %add3A_1088 : i32 to index
      %get3A_1090 = arith.constant 32 : index
      %get3A_1091 = tpu.vector_load %arg11[%get3A_1089, %get3A_1090] {strides = array<i32>} : memref<224x64xbf16, #tpu.memory_space<vmem>>, vector<32xbf16>,
      %unpack3A_1092 = tpu.unpack_subelements %get3A_1091, 0 {pack_format = #tpu.pack_format<interleaved>} : vector<32xbf16> -> vector<16xf32>
      %unpack3A_1093 = tpu.unpack_subelements %get3A_1091, 1 {pack_format = #tpu.pack_format<interleaved>} : vector<32xbf16> -> vector<16xf32>
      %select_n3A_1094 = arith.select %lt3A_1075, %unpack3A_1092, %broadcast_in_dim3A_676 : vector<16xf32>
      %add3A_1095 = arith.addf %add3A_1070, %select_n3A_1094 : vector<16xf32>
      %select_n3A_1096 = arith.select %lt3A_1075, %unpack3A_1093, %broadcast_in_dim3A_676 : vector<16xf32>
      %add3A_1097 = arith.addf %add3A_1072, %select_n3A_1096 : vector<16xf32>
      %get3A_1098 = arith.index_cast %add3A_44 : i32 to index
      %get3A_1099 = tpu.vector_load %arg9[%get3A_1098] {strides = array<i32>} : memref<144xf32, #tpu.memory_space<vmem>>, vector<16xf32>,
      %slice3A_1100 = vector.extract_strided_slice %get3A_1099 {offsets = [0], sizes = [1], strides = [1]} : vector<16xf32> to vector<1xf32>
      %squeeze3A_1101 = vector.extract %slice3A_1100[0] : f32 from vector<1xf32>
      %mul3A_1102 = vector.broadcast %squeeze3A_1101 : f32 to vector<16xf32>
      %mul3A_1103 = arith.mulf %add3A_1084, %mul3A_1102 : vector<16xf32>
      %swap3A_1104 = arith.index_cast %add3A_44 : i32 to index
      %swap3A_1105 = arith.constant 0 : index
      %swap3A_1106 = tpu.vector_load %arg12[%swap3A_1104, %swap3A_1105] {strides = array<i32>} : memref<128x64xf32, #tpu.memory_space<vmem>>, vector<16xf32>,
      tpu.vector_store %arg12[%swap3A_1104, %swap3A_1105], %mul3A_1103 {strides = array<i32>} : memref<128x64xf32, #tpu.memory_space<vmem>>, vector<16xf32>,
      %mul3A_1107 = vector.broadcast %squeeze3A_1101 : f32 to vector<16xf32>
      %mul3A_1108 = arith.mulf %add3A_1086, %mul3A_1107 : vector<16xf32>
      %swap3A_1109 = arith.index_cast %add3A_44 : i32 to index
      %swap3A_1110 = arith.constant 16 : index
      %swap3A_1111 = tpu.vector_load %arg12[%swap3A_1109, %swap3A_1110] {strides = array<i32>} : memref<128x64xf32, #tpu.memory_space<vmem>>, vector<16xf32>,
      tpu.vector_store %arg12[%swap3A_1109, %swap3A_1110], %mul3A_1108 {strides = array<i32>} : memref<128x64xf32, #tpu.memory_space<vmem>>, vector<16xf32>,
      %mul3A_1112 = vector.broadcast %squeeze3A_1101 : f32 to vector<16xf32>
      %mul3A_1113 = arith.mulf %add3A_1095, %mul3A_1112 : vector<16xf32>
      %swap3A_1114 = arith.index_cast %add3A_44 : i32 to index
      %swap3A_1115 = arith.constant 32 : index
      %swap3A_1116 = tpu.vector_load %arg12[%swap3A_1114, %swap3A_1115] {strides = array<i32>} : memref<128x64xf32, #tpu.memory_space<vmem>>, vector<16xf32>,
      tpu.vector_store %arg12[%swap3A_1114, %swap3A_1115], %mul3A_1113 {strides = array<i32>} : memref<128x64xf32, #tpu.memory_space<vmem>>, vector<16xf32>,
      %mul3A_1117 = vector.broadcast %squeeze3A_1101 : f32 to vector<16xf32>
      %mul3A_1118 = arith.mulf %add3A_1097, %mul3A_1117 : vector<16xf32>
      %swap3A_1119 = arith.index_cast %add3A_44 : i32 to index
      %swap3A_1120 = arith.constant 48 : index
      %swap3A_1121 = tpu.vector_load %arg12[%swap3A_1119, %swap3A_1120] {strides = array<i32>} : memref<128x64xf32, #tpu.memory_space<vmem>>, vector<16xf32>,
      tpu.vector_store %arg12[%swap3A_1119, %swap3A_1120], %mul3A_1118 {strides = array<i32>} : memref<128x64xf32, #tpu.memory_space<vmem>>, vector<16xf32>,
      %scan3A_1122 = arith.constant 0 : i32
      scf.yield %scan3A_1122 : i32
    }
    %scan3A_38 = arith.constant 64 : i32
    "tpu.region"() ({
      %run_scoped3A = tpu.sem_alloc : memref<!tpu.dma_semaphore, #tpu.memory_space<semaphore_mem>>
      %dma_start3A = arith.constant 0 : i32
      %dma_start3A_39 = tpu.memref_slice %arg6[%mul3A_2, %dma_start3A] : memref<4096x64xf32, #tpu.memory_space<hbm>> -> memref<128x64xf32, #tpu.memory_space<hbm>>
      %dma_start3A_40 = arith.constant 0 : i32
      %dma_start3A_41 = tpu.memref_slice %arg6[%mul3A_2, %dma_start3A_40] : memref<4096x64xf32, #tpu.memory_space<hbm>> -> memref<128x64xf32, #tpu.memory_space<hbm>>
      tpu.enqueue_dma source(%arg12 : memref<128x64xf32, #tpu.memory_space<vmem>>) target(%dma_start3A_41 : memref<128x64xf32, #tpu.memory_space<hbm>>) target_semaphore(%run_scoped3A : memref<!tpu.dma_semaphore, #tpu.memory_space<semaphore_mem>>)
      %dma_wait3A = arith.constant 0 : i32
      %dma_wait3A_42 = tpu.memref_slice %arg6[%mul3A_2, %dma_wait3A] : memref<4096x64xf32, #tpu.memory_space<hbm>> -> memref<128x64xf32, #tpu.memory_space<hbm>>
      %dma_wait3A_43 = arith.constant 0 : i32
      %dma_wait3A_44 = tpu.memref_slice %arg6[%mul3A_2, %dma_wait3A_43] : memref<4096x64xf32, #tpu.memory_space<hbm>> -> memref<128x64xf32, #tpu.memory_space<hbm>>
      tpu.wait_dma2 semaphore(%run_scoped3A : memref<!tpu.dma_semaphore, #tpu.memory_space<semaphore_mem>>) src(%arg12 : memref<128x64xf32, #tpu.memory_space<vmem>>) dst(%dma_wait3A_44 : memref<128x64xf32, #tpu.memory_space<hbm>>)
      tpu.yield
    }) : () -> ()
    return
  }
}

module attributes {stable_mosaic.version = 14 : i64} {
  func.func @body(%arg0: i32, %arg1: memref<512x64xf32, #tpu.memory_space<vmem>>, %arg2: memref<64x128xf32, #tpu.memory_space<vmem>>, %arg3: memref<1x128xf32, #tpu.memory_space<vmem>>, %arg4: memref<128x128xf32, #tpu.memory_space<vmem>>, %arg5: memref<1x128xf32, #tpu.memory_space<vmem>>, %arg6: memref<128x5xf32, #tpu.memory_space<vmem>>, %arg7: memref<1x5xf32, #tpu.memory_space<vmem>>, %arg8: memref<512x5xf32, #tpu.memory_space<vmem>>) attributes {dimension_semantics = [#tpu.dimension_semantics<arbitrary>], iteration_bounds = array<i64: 8>, scalar_prefetch = 0 : i64, scratch_operands = 0 : i64, tpu.core_type = #tpu.core_type<tc>, window_params = [{transform_indices = @transform_0, window_bounds = array<i64: 512, 64>}, {pipeline_mode = #tpu.pipeline_mode<synchronous>, transform_indices = @transform_1, window_bounds = array<i64: 64, 128>}, {pipeline_mode = #tpu.pipeline_mode<synchronous>, transform_indices = @transform_2, window_bounds = array<i64: 1, 128>}, {pipeline_mode = #tpu.pipeline_mode<synchronous>, transform_indices = @transform_3, window_bounds = array<i64: 128, 128>}, {pipeline_mode = #tpu.pipeline_mode<synchronous>, transform_indices = @transform_4, window_bounds = array<i64: 1, 128>}, {pipeline_mode = #tpu.pipeline_mode<synchronous>, transform_indices = @transform_5, window_bounds = array<i64: 128, 5>}, {pipeline_mode = #tpu.pipeline_mode<synchronous>, transform_indices = @transform_6, window_bounds = array<i64: 1, 5>}, {transform_indices = @transform_7, window_bounds = array<i64: 512, 5>}]} {
    %get3A = arith.constant 0 : index
    %get3A_0 = arith.constant 0 : index
    %get3A_1 = vector.load %arg1[%get3A, %get3A_0] : memref<512x64xf32, #tpu.memory_space<vmem>>, vector<512x64xf32>
    %get3A_2 = arith.constant 0 : index
    %get3A_3 = arith.constant 0 : index
    %get3A_4 = vector.load %arg2[%get3A_2, %get3A_3] : memref<64x128xf32, #tpu.memory_space<vmem>>, vector<64x128xf32>
    %dot_general3A = arith.constant dense<0.000000e+00> : vector<512x128xf32>
    %dot_general3A_5 = tpu.matmul %get3A_1, %get3A_4, %dot_general3A {dimension_numbers = #tpu.dot_dimension_numbers<[1], [0], [0], [1], [0, 0, 1, 1], [], []>, transpose_lhs_hint = false} : vector<512x64xf32>, vector<64x128xf32>, vector<512x128xf32> -> vector<512x128xf32>
    %get3A_6 = arith.constant 0 : index
    %get3A_7 = arith.constant 0 : index
    %get3A_8 = vector.load %arg3[%get3A_6, %get3A_7] : memref<1x128xf32, #tpu.memory_space<vmem>>, vector<1x128xf32>
    %add3A = vector.broadcast %get3A_8 : vector<1x128xf32> to vector<512x128xf32>
    %add3A_9 = arith.addf %dot_general3A_5, %add3A : vector<512x128xf32>
    %max3A = arith.constant 0.000000e+00 : f32
    %max3A_10 = vector.broadcast %max3A : f32 to vector<512x128xf32>
    %max3A_11 = arith.maximumf %add3A_9, %max3A_10 : vector<512x128xf32>
    %get3A_12 = arith.constant 0 : index
    %get3A_13 = arith.constant 0 : index
    %get3A_14 = vector.load %arg4[%get3A_12, %get3A_13] : memref<128x128xf32, #tpu.memory_space<vmem>>, vector<128x128xf32>
    %dot_general3A_15 = arith.constant dense<0.000000e+00> : vector<512x128xf32>
    %dot_general3A_16 = tpu.matmul %max3A_11, %get3A_14, %dot_general3A_15 {dimension_numbers = #tpu.dot_dimension_numbers<[1], [0], [0], [1], [0, 0, 1, 1], [], []>, transpose_lhs_hint = false} : vector<512x128xf32>, vector<128x128xf32>, vector<512x128xf32> -> vector<512x128xf32>
    %get3A_17 = arith.constant 0 : index
    %get3A_18 = arith.constant 0 : index
    %get3A_19 = vector.load %arg5[%get3A_17, %get3A_18] : memref<1x128xf32, #tpu.memory_space<vmem>>, vector<1x128xf32>
    %add3A_20 = vector.broadcast %get3A_19 : vector<1x128xf32> to vector<512x128xf32>
    %add3A_21 = arith.addf %dot_general3A_16, %add3A_20 : vector<512x128xf32>
    %max3A_22 = arith.constant 0.000000e+00 : f32
    %max3A_23 = vector.broadcast %max3A_22 : f32 to vector<512x128xf32>
    %max3A_24 = arith.maximumf %add3A_21, %max3A_23 : vector<512x128xf32>
    %get3A_25 = arith.constant 0 : index
    %get3A_26 = arith.constant 0 : index
    %get3A_27 = vector.load %arg6[%get3A_25, %get3A_26] : memref<128x5xf32, #tpu.memory_space<vmem>>, vector<128x5xf32>
    %dot_general3A_28 = arith.constant dense<0.000000e+00> : vector<512x5xf32>
    %dot_general3A_29 = tpu.matmul %max3A_24, %get3A_27, %dot_general3A_28 {dimension_numbers = #tpu.dot_dimension_numbers<[1], [0], [0], [1], [0, 0, 1, 1], [], []>, transpose_lhs_hint = false} : vector<512x128xf32>, vector<128x5xf32>, vector<512x5xf32> -> vector<512x5xf32>
    %get3A_30 = arith.constant 0 : index
    %get3A_31 = arith.constant 0 : index
    %get3A_32 = vector.load %arg7[%get3A_30, %get3A_31] : memref<1x5xf32, #tpu.memory_space<vmem>>, vector<1x5xf32>
    %add3A_33 = vector.broadcast %get3A_32 : vector<1x5xf32> to vector<512x5xf32>
    %add3A_34 = arith.addf %dot_general3A_29, %add3A_33 : vector<512x5xf32>
    %swap3A = arith.constant 0 : index
    %swap3A_35 = arith.constant 0 : index
    %swap3A_36 = vector.load %arg8[%swap3A, %swap3A_35] : memref<512x5xf32, #tpu.memory_space<vmem>>, vector<512x5xf32>
    tpu.vector_store %arg8[%swap3A, %swap3A_35], %add3A_34 {strides = array<i32>} : memref<512x5xf32, #tpu.memory_space<vmem>>, vector<512x5xf32>,
    return
  }
  func.func @transform_0(%arg0: i32) -> (i32, i32) {
    %c0_i32 = arith.constant 0 : i32
    %c0_i32_0 = arith.constant 0 : i32
    return %arg0, %c0_i32 : i32, i32
  }
  func.func @transform_1(%arg0: i32) -> (i32, i32) {
    %c0_i32 = arith.constant 0 : i32
    %c0_i32_0 = arith.constant 0 : i32
    %c0_i32_1 = arith.constant 0 : i32
    return %c0_i32, %c0_i32_0 : i32, i32
  }
  func.func @transform_2(%arg0: i32) -> (i32, i32) {
    %c0_i32 = arith.constant 0 : i32
    %c0_i32_0 = arith.constant 0 : i32
    %c0_i32_1 = arith.constant 0 : i32
    return %c0_i32, %c0_i32_0 : i32, i32
  }
  func.func @transform_3(%arg0: i32) -> (i32, i32) {
    %c0_i32 = arith.constant 0 : i32
    %c0_i32_0 = arith.constant 0 : i32
    %c0_i32_1 = arith.constant 0 : i32
    return %c0_i32, %c0_i32_0 : i32, i32
  }
  func.func @transform_4(%arg0: i32) -> (i32, i32) {
    %c0_i32 = arith.constant 0 : i32
    %c0_i32_0 = arith.constant 0 : i32
    %c0_i32_1 = arith.constant 0 : i32
    return %c0_i32, %c0_i32_0 : i32, i32
  }
  func.func @transform_5(%arg0: i32) -> (i32, i32) {
    %c0_i32 = arith.constant 0 : i32
    %c0_i32_0 = arith.constant 0 : i32
    %c0_i32_1 = arith.constant 0 : i32
    return %c0_i32, %c0_i32_0 : i32, i32
  }
  func.func @transform_6(%arg0: i32) -> (i32, i32) {
    %c0_i32 = arith.constant 0 : i32
    %c0_i32_0 = arith.constant 0 : i32
    %c0_i32_1 = arith.constant 0 : i32
    return %c0_i32, %c0_i32_0 : i32, i32
  }
  func.func @transform_7(%arg0: i32) -> (i32, i32) {
    %c0_i32 = arith.constant 0 : i32
    %c0_i32_0 = arith.constant 0 : i32
    return %arg0, %c0_i32 : i32, i32
  }
}

</mosaic_0001>

<sc_bundles>
// kernel: kernel.4.cloned.1.call-start
scs
__scs_entry_jumppad:
0x0: {  	(pc) =	sbr.rel $0x88, $3  }
0x1: {  	(tag) =	ssettag $0x0;
	lr =	simm.s32 $0x1  }
0x2: {  	[smem:$0x3F98] =	sst lr;
	_ =	strace $0xD0000000  }
0x3: {  	_ = 	snop  }
0x4: {  	_ = 	snop  }
0x5: {  	_ = 	snop  }
0x6: {  	_ = 	snop  }
0x7: {  	_ = 	snop  }
__scs_overlays_trampoline_lowered:
0x8: {  	[smem:$0x3FA7] =	sst s0  }
0x9: {  	[smem:$0x3FA8] =	sst s1  }
0xa: {  	[smem:$0x3FA9] =	sst s2  }
0xb: {  	[smem:$0x3FAA] =	sst s3  }
0xc: {  	[smem:$0x3FAB] =	sst s4  }
0xd: {  	[smem:$0x3FAC] =	sst s5  }
0xe: {  	[smem:$0x3FAD] =	sst s6  }
0xf: {  	[smem:$0x3FAE] =	sst s7  }
0x10: {  	[smem:$0x3FAF] =	sst s8  }
0x11: {  	[smem:$0x3FB0] =	sst s9;
	s0 =	simm.s32 @!p0 $0x0  }
0x12: {  	s1 =	sld [smem:$0x3F96];
	s0 =	simm.s32 @p0 $0x1  }
0x13: {  	[smem:$0x3FB1] =	sst s0;
	s0 =	simm.s32 @!p1 $0x0  }
0x14: {  	s2 =	sld [smem:$0x3F95];
	s0 =	simm.s32 @p1 $0x1  }
0x15: {  	[smem:$0x3FB2] =	sst s0;
	s0 =	simm.s32 @!p2 $0x0  }
0x16: {  	s3 =	sld [smem:$0x3FDB];
	s0 =	simm.s32 @p2 $0x1  }
0x17: {  	s4 =	simm.s32 $0x1BF5;
	[smem:$0x3FB4] =	sst s0  }
0x18: {  	s0 =	sld [smem:$0x3F97];
	_ =	swait.ge [sflag:s4], $0x0  }
0x19: {  	s7 =	sld [smem:$0x3F98]  }
0x1a: {  	s8 =	sadd.s32 $0xFFFFE003, lr  }
0x1b: {  	s9 =	sadd.s32 $0xFFFFFEF7, lr;
	s5 =	simm.s32 $0xFFFFFFFF;
	p2 =	slt.u32 s8, $0xFFFFF086  }
0x1c: {  	p1 =	slt.u32 s9, $0xF7A;
	s5 =	simm.s32 @!p2 $0x0  }
0x1d: {  	s5 =	simm.s32 @p1 $0x1;
	p0 =	seq.s32 s7, s2  }
0x1e: {  	s7 =	smul.u32 @!p0 $0xF7A, s2;
	p2 =	seq.s32 @!p0 s5, $0x0  }
0x1f: {  	s9 =	smul.u32 $0xF7A, s1;
	s8 =	simm.s32 @!p0 $0x1BF5;
	p2 =	por !p2, p0  }
0x20: {  	[sflag:s8] =	ssyncset.s32 @!p0 $0xFFFFF086;
	s6 =	sadd.s32 @!p0 s3, s7;
	s7 =	simm.s32 @!p0 $0x108  }
0x21: {  	s3 =	sadd.s32 s3, s9;
	s6 =	sadd.s32 @!p0 $0x88, s6;
	s7 =	simm.s32 @p2 $0x1082  }
0x22: {  	[simem:s7], [sflag:s8] =	dma.local @!p0 [hbm:s6], $0xF7A  }
0x23: {  	s9 =	sor.u32 $0xD0000000, s2;
	s6 =	simm.s32 $0x108;
	_ =	swait.ge @!p0 [sflag:s8], $0x0  }
0x24: {  	s3 =	sadd.s32 $0x88, s3;
	s6 =	simm.s32 @!p1 $0x1082;
	[sflag:s4] =	ssyncset.s32 $0xFFFFF086  }
0x25: {  	[simem:s6], [sflag:s4] =	dma.local [hbm:s3], $0xF7A  }
0x26: {  	[smem:$0x3F98] =	sst s1;
	(tag) =	ssettag s2;
	_ =	strace s9  }
0x27: {  	s1 =	sld [smem:$0x3FA8]  }
0x28: {  	s2 =	sld [smem:$0x3FA9]  }
0x29: {  	s4 =	sld [smem:$0x3FAB]  }
0x2a: {  	p0 =	seq.s32 s5, $0x0;
	s5 =	sld [smem:$0x3FAC]  }
0x2b: {  	s6 =	sld [smem:$0x3FAD]  }
0x2c: {  	s7 =	sld [smem:$0x3FAE]  }
0x2d: {  	s3 =	simm.s32 $0x108;
	s8 =	sld [smem:$0x3FAF]  }
0x2e: {  	s3 =	simm.s32 @!p0 $0x1082;
	s9 =	sld [smem:$0x3FB0]  }
0x2f: {  	lr =	sadd.s32 s0, s3;
	s0 =	sld [smem:$0x3FA7]  }
0x30: {  	s3 =	sld [smem:$0x3FAA]  }
0x31: {  	[smem:$0x3FB3] =	sst s10  }
0x32: {  	s10 =	sld [smem:$0x3FB1];
	_ =	sdelay $0x3  }
0x33: {  	p0 =	seq.s32 s10, $0x1;
	s10 =	sld [smem:$0x3FB3];
	_ =	sdelay $0x3  }
0x34: {  	[smem:$0x3FB3] =	sst s10  }
0x35: {  	s10 =	sld [smem:$0x3FB2];
	_ =	sdelay $0x3  }
0x36: {  	p1 =	seq.s32 s10, $0x1;
	s10 =	sld [smem:$0x3FB3];
	_ =	sdelay $0x3  }
0x37: {  	[smem:$0x3FB3] =	sst s10  }
0x38: {  	s10 =	sld [smem:$0x3FB4]  }
0x39: {  	_ = 	snop;
	(pc) =	sbr.ind lr, $3  }
0x3a: {  	_ = 	snop  }
0x3b: {  	_ = 	snop  }
0x3c: {  	p2 =	seq.s32 s10, $0x1;
	s10 =	sld [smem:$0x3FB3]  }
0x3d: {  	_ =	shalt  }
0x3e: {  	_ =	shalt  }
0x3f: {  	_ =	shalt  }
0x40: {  	_ =	shalt  }
0x41: {  	_ =	shalt  }
0x42: {  	_ =	shalt  }
0x43: {  	_ =	shalt  }
0x44: {  	_ =	shalt  }
0x45: {  	_ =	shalt  }
0x46: {  	_ =	shalt  }
0x47: {  	_ =	shalt  }
0x48: {  	_ =	shalt  }
0x49: {  	_ =	shalt  }
0x4a: {  	_ =	shalt  }
0x4b: {  	_ =	shalt  }
0x4c: {  	_ =	shalt  }
0x4d: {  	_ =	shalt  }
0x4e: {  	_ =	shalt  }
0x4f: {  	_ =	shalt  }
0x50: {  	_ =	shalt  }
0x51: {  	_ =	shalt  }
0x52: {  	_ =	shalt  }
0x53: {  	_ =	shalt  }
0x54: {  	_ =	shalt  }
0x55: {  	_ =	shalt  }
0x56: {  	_ =	shalt  }
0x57: {  	_ =	shalt  }
0x58: {  	_ =	shalt  }
0x59: {  	_ =	shalt  }
0x5a: {  	_ =	shalt  }
0x5b: {  	_ =	shalt  }
0x5c: {  	_ =	shalt  }
0x5d: {  	_ =	shalt  }
0x5e: {  	_ =	shalt  }
0x5f: {  	_ =	shalt  }
0x60: {  	_ =	shalt  }
0x61: {  	_ =	shalt  }
0x62: {  	_ =	shalt  }
0x63: {  	_ =	shalt  }
0x64: {  	_ =	shalt  }
0x65: {  	_ =	shalt  }
0x66: {  	_ =	shalt  }
0x67: {  	_ =	shalt  }
0x68: {  	_ =	shalt  }
0x69: {  	_ =	shalt  }
0x6a: {  	_ =	shalt  }
0x6b: {  	_ =	shalt  }
0x6c: {  	_ =	shalt  }
0x6d: {  	_ =	shalt  }
0x6e: {  	_ =	shalt  }
0x6f: {  	_ =	shalt  }
0x70: {  	_ =	shalt  }
0x71: {  	_ =	shalt  }
0x72: {  	_ =	shalt  }
0x73: {  	_ =	shalt  }
0x74: {  	_ =	shalt  }
0x75: {  	_ =	shalt  }
0x76: {  	_ =	shalt  }
0x77: {  	_ =	shalt  }
0x78: {  	_ =	shalt  }
0x79: {  	_ =	shalt  }
0x7a: {  	_ =	shalt  }
0x7b: {  	_ =	shalt  }
0x7c: {  	_ =	shalt  }
0x7d: {  	_ =	shalt  }
0x7e: {  	_ =	shalt  }
0x7f: {  	_ =	shalt  }
0x80: {  	_ =	shalt  }
0x81: {  	_ =	shalt  }
0x82: {  	_ =	shalt  }
0x83: {  	_ =	shalt  }
0x84: {  	_ =	shalt  }
0x85: {  	_ =	shalt  }
0x86: {  	_ =	shalt  }
0x87: {  	_ =	shalt  }
.Lfunc_end0:
.L_simem_size_0:
called_computation.2_lowered:
.L_overlay_start_0:
0x88: {  	s2 =	sld [smem:$0x3FD9]  }
0x89: {  	s3 =	sld [smem:$0x3FFE];
	_ =	sdelay $0x1  }
0x8a: {  	s1 =	srdreg.scid  }
0x8b: {  	s0 =	sand.u32 $0x1, s1  }
0x8c: {  	s17 =	sshll.u32 s0, $0xA;
	s2 =	sadd.s32 s3, s2  }
0x8d: {  	s2 =	sadd.s32 s2, s17  }
0x8e: {  	[smem:$0x3FBF] =	sst s2  }
0x8f: {  	_ = 	snop  }
0x90: {  	s2 =	sld [smem:$0x3FC8]  }
0x91: {  	s18 =	sld [smem:$0x3FD0];
	(tm) =	ssettm $0x1  }
0x92: {  	s4 =	sld [smem:$0x3FFB];
	_ =	sdelay $0x3  }
0x93: {  	_ =	strace s4  }
0x94: {  	s4 =	sld [smem:$0x3FFC];
	_ =	sdelay $0x3  }
0x95: {  	_ =	strace s4  }
0x96: {  	s4 =	sld [smem:$0x3FFD];
	_ =	sdelay $0x3  }
0x97: {  	_ =	strace s4  }
0x98: {  	_ =	strace $0x8FFFFFFF  }
0x99: {  	s19 =	sld [smem:$0x3FDB];
	_ =	sdelay $0x1  }
0x9a: {  	s5 =	simm.s32 $_scs_section_size  }
0x9b: {  	s6 =	simm.s32 $_size__tile_overlayer_lowered;
	s7 =	simm.s32 $_tile_overlayer_lowered  }
0x9c: {  	s22 =	simm.s32 $0x1BFF;
	s21 =	sshll.u32 s7, $0x1;
	s4 =	sadd.s32 s5, s19  }
0x9d: {  	s8 =	simm.s32 $0x0;
	s20 =	sshll.u32 s6, $0x1;
	s6 =	sadd.s32 s21, s4  }
0x9e: {  	[timem:s8], [sflag:s22] =	dma.local [hbm:s6], s20  }
0x9f: {  	_ =	swait.ge [sflag:s22], s20  }
0xa0: {  	s5 =	ssub.s32 $0x0, s20;
	[sflag:s22] =	ssyncset.done $0x0  }
0xa1: {  	[sflag:s22] =	ssyncadd.s32 s5;
	_ =	sdelay $0x1  }
0xa2: {  	s23 =	simm.s32 $0x1B8B  }
0xa3: {  	_ =	swait.ge [sflag:s23], $0x1  }
0xa4: {  	[sflag:s23] =	ssyncset.done $0x0  }
0xa5: {  	s25 =	simm.s32 $0x1B8E;
	s24 =	sld [smem:$0x3FFE];
	[sflag:s23] =	ssyncadd.s32 $0xFFFFFFFF  }
0xa6: {  	s26 =	simm.s32 $execute0_lowered;
	[smem:$0x3FD2] =	sst s25  }
0xa7: {  	s6 =	sshll.u32 s26, $0x1;
	_ =	strace $0x8000004C;
	[dreg:$0x1] =	wrdreg $0xFFFFFFFF  }
0xa8: {  	s28 =	simm.s32 $_size_execute0_lowered;
	s4 =	sadd.s32 s4, s6;
	[dreg:$0x0] =	wrdreg $0x0  }
0xa9: {  	s6 =	sshll.u32 s28, $0x1;
	[dreg:$0x2] =	wrdreg s4  }
0xaa: {  	[dreg:$0x3] =	wrdreg s6  }
0xab: {  	[dreg:$0x4] =	wrdreg $0xC0  }
0xac: {  	_ =	task [dreg:s8], $0x5FFFF  }
0xad: {  	[dreg:$0x1] =	wrdreg $0xFFFFFFFF  }
0xae: {  	[dreg:$0x0] =	wrdreg $0x60  }
0xaf: {  	[dreg:$0x2] =	wrdreg s24  }
0xb0: {  	[dreg:$0x3] =	wrdreg s2  }
0xb1: {  	[dreg:$0x4] =	wrdreg s18  }
0xb2: {  	[dreg:$0x5] =	wrdreg $0x9  }
0xb3: {  	_ =	task.clear_ibuf [dreg:s8], $0x6FFFF;
	_ =	strace $0x9000004C  }
0xb4: {  	s29 =	simm.s32 $0x9;
	_ =	strace $0x8000004E  }
0xb5: {  	_ =	swait.ge [sflag:s29], $0x1  }
0xb6: {  	[sflag:s29] =	ssyncadd.s32 $0xFFFFFFFF  }
0xb7: {  	_ =	strace $0x9000004E  }
0xb8: {  	_ =	sfence  }
0xb9: {  	s30 =	sld [smem:$0x0];
	_ =	sdelay $0x2  }
0xba: {  	s31 =	sshll.u32 s1, $0xD;
	s1 =	sshrl.u32 s1, $0x2  }
0xbb: {  	s3 =	sand.u32 $0x4000, s31;
	s1 =	sadd.s32 s1, s30  }
0xbc: {  	s0 =	sor.u32 s3, s0;
	s1 =	sshll.u32 s1, $0x11  }
0xbd: {  	s0 =	sor.u32 s1, s0  }
0xbe: {  	s0 =	sadd.s32 $0x8F2B, s0  }
0xbf: {  	[sflag:s0] =	ssyncadd.remote.s32 $0x1  }
0xc0: {  	_ =	sfence.sel $0xFFFF  }
0xc1: {  	[dreg:$0x0] =	wrdreg $0xFFFFFFFF;
	(pc) =	sbr.abs _section_cstart, $3  }
0xc2: {  	[dreg:$0x1] =	wrdreg $0xFFFFFFFF  }
0xc3: {  	_ =	task.clear_ibuf [dreg:s8], $0x2FFFF;
	_ =	strace $0x9FFFFFFF  }
0xc4: {  	(tm) =	ssettm $0x7FFFFFFF  }
0xc5: {  	_ =	shalt  }
tec
execute0_lowered:
.L_overlay_start_1:
0x0: {  	(tag) =	ssettag $0x1  }
0x1: {  	s4 =	rddreg [dreg:$0x0]  }
0x2: {  	s1 =	srdreg.scid;
	s5 =	rddreg [dreg:$0x1]  }
0x3: {  	s0 =	stileid.u32;
	s6 =	rddreg [dreg:$0x2]  }
0x4: {  	s12 =	simm.s32 $0x1;
	s13 =	simm.s32 $0x8;
	s14 =	simm.s32 $0x9D20  }
0x5: {  	s15 =	simm.s32 $0x0;
	s3 =	sand.u32 $0x1, s1;
	s31 =	sshll.u32 s0, $0x8  }
0x6: {  	s1 =	rddreg [dreg:$0x3];
	s2 =	sshll.u32 s3, $0x7;
	s9 =	ssub.s32 $0x2, s3  }
0x7: {  	s3 =	sadd.s32 $0x1E00, s4;
	s7 =	sor.u32 s2, s31;
	s2 =	simm.s32 $0x0  }
0x8: {  	s11 =	sshrl.u32 s9, $0x1;
	s8 =	smul.u32 $0x19, s7;
	[smem:$0x7FF] =	sst s2  }
.Ltmp0:
0x9: {  	s10 =	sshll.u32 s7, $0x3;
	s9 =	ssub.s32 s9, s11;
	(pc) =	sbr.rel .LBB2_1-.Ltmp0, $4  }
0xa: {  	s7 =	sshrl.u32 s7, $0x3;
	s11 =	simm.s32 $0x6490;
	_ =	strace $0x8000004D  }
0xb: {  	s10 =	sadd.s32 s10, s4;
	s5 =	sadd.s32 s5, s7;
	s6 =	sadd.s32 s6, s7  }
0xc: {  	s8 =	sadd.s32 s8, s4;
	s7 =	sadd.s32 $0x3D2800, s10;
	s10 =	simm.s32 $0x6400  }
0xd: {  	s4 =	sadd.s32 $0x7A3200, s8;
	s8 =	smax.u32 s9, $0x1;
	s9 =	simm.s32 $0x2  }
.LBB2_30:
0xe: {  	s15 =	sadd.s32 $0x1, s15  }
0xf: {  	p0 =	sne.s32 s15, s8  }
.Ltmp1:
0x10: {  	_ = 	snop;
	(pc) =	sbr.rel @!p0 .LBB2_31-.Ltmp1, $4  }
0x11: {  	[hbm4b:s7+s2] =	stream.linear.scatter [tilespmem:s14], [sflag:$0x2], $0x2000, $0x38;
	[tilespmem:$0xBD20] =	vst v63  }
0x12: {  	_ =	swait.ge [sflag:s9], $0x2000  }
0x13: {  	[sflag:s9] =	ssyncset.done $0x0  }
0x14: {  	[sflag:s9] =	ssyncadd.s32 $0xFFFFE000  }
.LBB2_1:
0x15: {  	[tilespmem:s2], [sflag:$0x2] =	stream.linear.gather [hbm4b:s4+s2], $0x6400, $0x38;
	[tilespmem:$0xBD20] =	vst v63  }
0x16: {  	_ =	swait.ge [sflag:s9], $0x6400  }
0x17: {  	[sflag:s9] =	ssyncset.done $0x0  }
0x18: {  	[sflag:s9] =	ssyncadd.s32 $0xFFFF9C00  }
0x19: {  	[tilespmem:s10], [sflag:$0x2] =	stream.linear.gather [hbm4b:s5+s2], $0x80, $0x38;
	[tilespmem:$0xBD20] =	vst v63  }
0x1a: {  	_ =	swait.ge [sflag:s9], $0x80  }
0x1b: {  	[sflag:s9] =	ssyncset.done $0x0  }
0x1c: {  	[sflag:s9] =	ssyncadd.s32 $0xFFFFFF80  }
0x1d: {  	[tilespmem:s11], [sflag:$0x2] =	stream.linear.gather [hbm4b:s6+s2], $0x80, $0x38;
	[tilespmem:$0xBD20] =	vst v63  }
0x1e: {  	_ =	swait.ge [sflag:s9], $0x80  }
0x1f: {  	[sflag:s9] =	ssyncset.done $0x0  }
0x20: {  	[sflag:s9] =	ssyncadd.s32 $0xFFFFFF80  }
0x21: {  	v0 =	vld [tilespmem:$0x6400];
	_ =	sdelay $0x4  }
0x22: {  	(v2sf) =	vpush v0, $0x0;
	_ =	sdelay $0xe  }
0x23: {  	s16 =	spop (v2sf)  }
0x24: {  	s16 =	sadd.s32 $0x7, s16  }
0x25: {  	s17 =	sand.u32 $0x7, s16  }
0x26: {  	s31 =	sshra.s32 s16, $0x1F;
	p1 =	slt.s32 s16, $0x1;
	p0 =	sne.s32 s17, $0x0  }
0x27: {  	s17 =	sshrl.u32 s31, $0x1D;
	p0 =	por !p1, !p0  }
0x28: {  	s16 =	sadd.s32 s17, s16;
	s17 =	simm.s32 $0x1;
	p0 =	por !p0, !p0  }
0x29: {  	s16 =	sshra.s32 s16, $0x3;
	s17 =	simm.s32 @!p0 $0x0  }
0x2a: {  	s17 =	ssub.s32 s16, s17  }
0x2b: {  	p0 =	slt.s32 s17, $0x1  }
.Ltmp2:
0x2c: {  	_ = 	snop;
	(pc) =	sbr.rel @p0 .LBB2_4-.Ltmp2, $2  }
0x2d: {  	_ =	sdelay $0x2  }
0x2e: {  	s16 =	simm.s32 $0x6520  }
0x2f: {  	p0 =	sne.s32 s17, $0x1  }
.Ltmp3:
0x30: {  	_ = 	snop;
	(pc) =	sbr.rel @!p0 .LBB2_4-.Ltmp3, $3  }
0x31: {  	_ =	sdelay $0x1  }
0x32: {  	[tilespmem:s16], [sflag:$0x1] =	stream.indirect.gather [hbm4b:s3+s13], $0x20, s2, s13, $0xb8;
	[tilespmem:$0xBD20] =	vst v63  }
0x33: {  	s17 =	sadd.s32 $0xFFFFFFFF, s17;
	s18 =	simm.s32 $0x0  }
.LBB2_3:
0x34: {  	p0 =	sne.s32 s17, $0x1  }
.Ltmp4:
0x35: {  	_ = 	snop;
	(pc) =	sbr.rel @p0 .LBB2_3-.Ltmp4, $4  }
0x36: {  	_ = 	snop  }
0x37: {  	s18 =	sadd.s32 $0x8, s18;
	s16 =	sadd.s32 $0x100, s16  }
0x38: {  	s17 =	sadd.s32 $0xFFFFFFFF, s17  }
0x39: {  	[tilespmem:s16], [sflag:$0x1] =	stream.indirect.gather [hbm4b:s3+s13], $0x20, s18, s13, $0xb8;
	[tilespmem:$0xBD20] =	vst v63  }
.LBB2_4:
.Ltmp5:
0x3a: {  	(pc) =	sbr.rel .LBB2_5-.Ltmp5, $2  }
0x3b: {  	_ =	sdelay $0x2  }
0x3c: {  	s16 =	simm.s32 $0x0;
	s17 =	simm.s32 $0xC8;
	s18 =	simm.s32 $0x190  }
.LBB2_25:
0x3d: {  	v2 =	vimm.f32 $0.0e+00;
	v1 =	vimm.f32 $0.0e+00;
	v0 =	vimm.f32 $0.0e+00  }
.LBB2_29:
0x3e: {  	s22 =	sshll.u32 s21, $0xB  }
0x3f: {  	s23 =	sshra.s32 s22, $0x2  }
0x40: {  	s22 =	sshll.u32 s21, $0x4;
	v3 =	vld [tilespmem:s23+$0x8120]  }
0x41: {  	s24 =	sor.u32 $0x1, s22;
	v4 =	vld [tilespmem:s23+$0x8130]  }
0x42: {  	s29 =	sshll.u32 s24, $0x7  }
0x43: {  	s25 =	sor.u32 $0x2, s22;
	s23 =	sshra.s32 s29, $0x2  }
0x44: {  	s30 =	sshll.u32 s25, $0x7;
	v5 =	vld [tilespmem:s23+$0x8120]  }
0x45: {  	v7 =	vld [tilespmem:s23+$0x8130];
	s23 =	sshra.s32 s30, $0x2  }
0x46: {  	p0 =	slt.s32 s22, s20;
	s31 =	sor.u32 $0x3, s22;
	v29 =	vld [tilespmem:s23+$0x8120];
	v6 =	vunpack.i.l.bf16.f32 v3;
	v3 =	vunpack.i.u.bf16.f32 v3;
	v8 =	vunpack.i.l.bf16.f32 v4  }
0x47: {  	s26 =	sshll.u32 s31, $0x7;
	v32 =	vld [tilespmem:s23+$0x8130];
	v27 =	vunpack.i.u.bf16.f32 v4;
	v6 =	vpsel !p0, $0x0, v6;
	v3 =	vpsel !p0, $0x0, v3  }
0x48: {  	s23 =	sshra.s32 s26, $0x2;
	v28 =	vpsel !p0, $0x0, v8;
	v6 =	vadd.f32 v6, v18;
	v2 =	vadd.f32 v3, v2  }
0x49: {  	s28 =	sor.u32 $0x4, s22;
	v35 =	vld [tilespmem:s23+$0x8120];
	v1 =	vadd.f32 v28, v1;
	v3 =	vpsel !p0, $0x0, v27;
	v30 =	vunpack.i.l.bf16.f32 v5  }
0x4a: {  	p4 =	slt.s32 s24, s20;
	s29 =	sshll.u32 s28, $0x7;
	v38 =	vld [tilespmem:s23+$0x8130];
	v0 =	vadd.f32 v3, v0;
	v31 =	vunpack.i.u.bf16.f32 v5;
	v33 =	vunpack.i.l.bf16.f32 v7  }
0x4b: {  	s23 =	sshra.s32 s29, $0x2;
	v34 =	vunpack.i.u.bf16.f32 v7;
	v4 =	vpsel !p4, $0x0, v30;
	v3 =	vpsel !p4, $0x0, v31  }
0x4c: {  	s30 =	sor.u32 $0x5, s22;
	v42 =	vld [tilespmem:s23+$0x8120];
	v36 =	vunpack.i.l.bf16.f32 v29;
	v37 =	vunpack.i.u.bf16.f32 v29;
	v39 =	vunpack.i.l.bf16.f32 v32  }
0x4d: {  	p5 =	slt.s32 s25, s20;
	p6 =	slt.s32 s31, s20;
	s31 =	sshll.u32 s30, $0x7;
	v45 =	vld [tilespmem:s23+$0x8130];
	v40 =	vunpack.i.u.bf16.f32 v32;
	v4 =	vadd.f32 v4, v6;
	v2 =	vadd.f32 v3, v2  }
0x4e: {  	s26 =	sor.u32 $0x6, s22;
	s23 =	sshra.s32 s31, $0x2;
	v6 =	vpsel !p4, $0x0, v33;
	v3 =	vpsel !p4, $0x0, v34;
	v41 =	vpsel !p5, $0x0, v39  }
0x4f: {  	p1 =	slt.s32 s28, s20;
	s28 =	sshll.u32 s26, $0x7;
	v48 =	vld [tilespmem:s23+$0x8120];
	v43 =	vunpack.i.l.bf16.f32 v35;
	v44 =	vunpack.i.u.bf16.f32 v35;
	v46 =	vunpack.i.l.bf16.f32 v38  }
0x50: {  	v51 =	vld [tilespmem:s23+$0x8130];
	s23 =	sshra.s32 s28, $0x2;
	v47 =	vunpack.i.u.bf16.f32 v38;
	v1 =	vadd.f32 v6, v1;
	v0 =	vadd.f32 v3, v0  }
0x51: {  	s29 =	sor.u32 $0x7, s22;
	v54 =	vld [tilespmem:s23+$0x8120];
	v6 =	vpsel !p5, $0x0, v36;
	v3 =	vpsel !p5, $0x0, v37;
	v5 =	vpsel !p6, $0x0, v43  }
0x52: {  	p2 =	slt.s32 s30, s20;
	s30 =	sshll.u32 s29, $0x7;
	v57 =	vld [tilespmem:s23+$0x8130];
	v49 =	vunpack.i.l.bf16.f32 v42;
	v50 =	vunpack.i.u.bf16.f32 v42;
	v52 =	vunpack.i.l.bf16.f32 v45  }
0x53: {  	s31 =	sor.u32 $0x8, s22;
	s23 =	sshra.s32 s30, $0x2;
	v53 =	vunpack.i.u.bf16.f32 v45;
	v4 =	vadd.f32 v6, v4;
	v2 =	vadd.f32 v3, v2  }
0x54: {  	p3 =	slt.s32 s26, s20;
	s26 =	sshll.u32 s31, $0x7;
	v60 =	vld [tilespmem:s23+$0x8120];
	v3 =	vpsel !p5, $0x0, v40;
	v55 =	vunpack.i.l.bf16.f32 v48;
	v56 =	vunpack.i.u.bf16.f32 v48  }
0x55: {  	v63 =	vld [tilespmem:s23+$0x8130];
	s23 =	sshra.s32 s26, $0x2;
	v58 =	vunpack.i.l.bf16.f32 v51;
	v59 =	vunpack.i.u.bf16.f32 v51;
	v1 =	vadd.f32 v41, v1  }
0x56: {  	v13 =	vld [tilespmem:s23+$0x8120];
	v0 =	vadd.f32 v3, v0;
	v3 =	vpsel !p6, $0x0, v44;
	v61 =	vunpack.i.l.bf16.f32 v54  }
0x57: {  	s28 =	sor.u32 $0x9, s22;
	v16 =	vld [tilespmem:s23+$0x8130];
	v62 =	vunpack.i.u.bf16.f32 v54;
	v11 =	vunpack.i.l.bf16.f32 v57;
	v12 =	vunpack.i.u.bf16.f32 v57  }
0x58: {  	p4 =	slt.s32 s29, s20;
	s29 =	sshll.u32 s28, $0x7;
	v4 =	vadd.f32 v5, v4;
	v2 =	vadd.f32 v3, v2;
	v5 =	vpsel !p6, $0x0, v46  }
0x59: {  	s23 =	sshra.s32 s29, $0x2;
	v3 =	vpsel !p6, $0x0, v47;
	v14 =	vunpack.i.l.bf16.f32 v60;
	v15 =	vunpack.i.u.bf16.f32 v60  }
0x5a: {  	v19 =	vld [tilespmem:s23+$0x8120];
	v17 =	vunpack.i.l.bf16.f32 v63;
	v18 =	vunpack.i.u.bf16.f32 v63;
	v1 =	vadd.f32 v5, v1  }
0x5b: {  	s30 =	sor.u32 $0xA, s22;
	v22 =	vld [tilespmem:s23+$0x8130];
	v0 =	vadd.f32 v3, v0;
	v5 =	vpsel !p1, $0x0, v49;
	v3 =	vpsel !p1, $0x0, v50  }
0x5c: {  	p5 =	slt.s32 s31, s20;
	s31 =	sshll.u32 s30, $0x7;
	v20 =	vunpack.i.l.bf16.f32 v13;
	v21 =	vunpack.i.u.bf16.f32 v13;
	v23 =	vunpack.i.l.bf16.f32 v16  }
0x5d: {  	s23 =	sshra.s32 s31, $0x2;
	v24 =	vunpack.i.u.bf16.f32 v16;
	v4 =	vadd.f32 v5, v4;
	v5 =	vpsel !p1, $0x0, v52  }
0x5e: {  	v25 =	vld [tilespmem:s23+$0x8120];
	v2 =	vadd.f32 v3, v2;
	v3 =	vpsel !p1, $0x0, v53;
	v1 =	vadd.f32 v5, v1  }
0x5f: {  	s26 =	sor.u32 $0xB, s22;
	v28 =	vld [tilespmem:s23+$0x8130];
	v0 =	vadd.f32 v3, v0;
	v5 =	vpsel !p2, $0x0, v55;
	v3 =	vpsel !p2, $0x0, v56  }
0x60: {  	p6 =	slt.s32 s28, s20;
	s28 =	sshll.u32 s26, $0x7;
	v26 =	vunpack.i.l.bf16.f32 v19;
	v27 =	vunpack.i.u.bf16.f32 v19;
	v29 =	vunpack.i.l.bf16.f32 v22  }
0x61: {  	s23 =	sshra.s32 s28, $0x2;
	v30 =	vunpack.i.u.bf16.f32 v22;
	v4 =	vadd.f32 v5, v4;
	v5 =	vpsel !p2, $0x0, v58  }
0x62: {  	v31 =	vld [tilespmem:s23+$0x8120];
	v2 =	vadd.f32 v3, v2;
	v3 =	vpsel !p2, $0x0, v59;
	v1 =	vadd.f32 v5, v1  }
0x63: {  	v34 =	vld [tilespmem:s23+$0x8130];
	v0 =	vadd.f32 v3, v0;
	v5 =	vpsel !p3, $0x0, v61;
	v3 =	vpsel !p3, $0x0, v62  }
0x64: {  	s29 =	sor.u32 $0xC, s22;
	v32 =	vunpack.i.l.bf16.f32 v25;
	v33 =	vunpack.i.u.bf16.f32 v25;
	v35 =	vunpack.i.l.bf16.f32 v28  }
0x65: {  	p1 =	slt.s32 s30, s20;
	s30 =	sshll.u32 s29, $0x7;
	v36 =	vunpack.i.u.bf16.f32 v28;
	v4 =	vadd.f32 v5, v4;
	v5 =	vpsel !p3, $0x0, v11  }
0x66: {  	s23 =	sshra.s32 s30, $0x2;
	v2 =	vadd.f32 v3, v2;
	v3 =	vpsel !p3, $0x0, v12;
	v1 =	vadd.f32 v5, v1  }
0x67: {  	v37 =	vld [tilespmem:s23+$0x8120];
	v0 =	vadd.f32 v3, v0;
	v5 =	vpsel !p4, $0x0, v14;
	v3 =	vpsel !p4, $0x0, v15  }
0x68: {  	s31 =	sor.u32 $0xD, s22;
	v40 =	vld [tilespmem:s23+$0x8130];
	v38 =	vunpack.i.l.bf16.f32 v31;
	v39 =	vunpack.i.u.bf16.f32 v31;
	v41 =	vunpack.i.u.bf16.f32 v34  }
0x69: {  	p2 =	slt.s32 s26, s20;
	s26 =	sshll.u32 s31, $0x7;
	v6 =	vunpack.i.l.bf16.f32 v34;
	v4 =	vadd.f32 v5, v4;
	v2 =	vadd.f32 v3, v2  }
0x6a: {  	s23 =	sshra.s32 s26, $0x2;
	v5 =	vpsel !p4, $0x0, v17;
	v3 =	vpsel !p4, $0x0, v18;
	v6 =	vpsel !p2, $0x0, v6  }
0x6b: {  	s22 =	sor.u32 $0xE, s22;
	v9 =	vld [tilespmem:s23+$0x8120];
	v1 =	vadd.f32 v5, v1;
	v0 =	vadd.f32 v3, v0;
	v5 =	vpsel !p5, $0x0, v20  }
0x6c: {  	s28 =	sshll.u32 s22, $0x7;
	v44 =	vld [tilespmem:s23+$0x8130];
	v3 =	vpsel !p5, $0x0, v21;
	v42 =	vunpack.i.l.bf16.f32 v37;
	v43 =	vunpack.i.u.bf16.f32 v37  }
0x6d: {  	s23 =	sshra.s32 s28, $0x2;
	v45 =	vunpack.i.u.bf16.f32 v40;
	v46 =	vunpack.i.l.bf16.f32 v40;
	v4 =	vadd.f32 v5, v4  }
0x6e: {  	p3 =	slt.s32 s29, s20;
	v47 =	vld [tilespmem:s23+$0x8120];
	v2 =	vadd.f32 v3, v2;
	v5 =	vpsel !p5, $0x0, v23;
	v3 =	vpsel !p5, $0x0, v24  }
0x6f: {  	s29 =	sshllo.u32 s21, $0x4;
	v50 =	vld [tilespmem:s23+$0x8130];
	v7 =	vpsel !p3, $0x0, v46;
	v1 =	vadd.f32 v5, v1;
	v0 =	vadd.f32 v3, v0  }
0x70: {  	s30 =	sshll.u32 s29, $0x7;
	v5 =	vpsel !p6, $0x0, v26;
	v3 =	vpsel !p6, $0x0, v27;
	v48 =	vunpack.i.l.bf16.f32 v9  }
0x71: {  	s23 =	sshra.s32 s30, $0x2;
	v49 =	vunpack.i.u.bf16.f32 v9;
	v51 =	vunpack.i.l.bf16.f32 v44;
	v52 =	vunpack.i.u.bf16.f32 v44  }
0x72: {  	v53 =	vld [tilespmem:s23+$0x8120];
	v4 =	vadd.f32 v5, v4;
	v2 =	vadd.f32 v3, v2;
	v5 =	vpsel !p6, $0x0, v29  }
0x73: {  	v56 =	vld [tilespmem:s23+$0x8130];
	v3 =	vpsel !p6, $0x0, v30;
	v54 =	vunpack.i.l.bf16.f32 v47;
	v55 =	vunpack.i.u.bf16.f32 v47  }
0x74: {  	v57 =	vunpack.i.l.bf16.f32 v50;
	v58 =	vunpack.i.u.bf16.f32 v50;
	v1 =	vadd.f32 v5, v1  }
0x75: {  	v0 =	vadd.f32 v3, v0;
	v5 =	vpsel !p1, $0x0, v32;
	v3 =	vpsel !p1, $0x0, v33  }
0x76: {  	v4 =	vadd.f32 v5, v4;
	v2 =	vadd.f32 v3, v2;
	v5 =	vpsel !p1, $0x0, v35  }
0x77: {  	v3 =	vpsel !p1, $0x0, v36;
	v60 =	vunpack.i.l.bf16.f32 v53;
	v61 =	vunpack.i.u.bf16.f32 v53  }
0x78: {  	v62 =	vunpack.i.l.bf16.f32 v56;
	v1 =	vadd.f32 v5, v1;
	v5 =	vpsel !p2, $0x0, v38  }
0x79: {  	v0 =	vadd.f32 v3, v0;
	v3 =	vpsel !p2, $0x0, v39;
	v4 =	vadd.f32 v5, v4  }
0x7a: {  	v5 =	vpsel !p2, $0x0, v41;
	v2 =	vadd.f32 v3, v2;
	v3 =	vpsel !p3, $0x0, v42  }
0x7b: {  	v1 =	vadd.f32 v6, v1;
	v0 =	vadd.f32 v5, v0;
	v5 =	vpsel !p3, $0x0, v43  }
0x7c: {  	p4 =	slt.s32 s31, s20;
	v3 =	vadd.f32 v3, v4;
	v4 =	vpsel !p3, $0x0, v45;
	v2 =	vadd.f32 v5, v2  }
0x7d: {  	v5 =	vpsel !p4, $0x0, v48;
	v1 =	vadd.f32 v7, v1;
	v0 =	vadd.f32 v4, v0  }
0x7e: {  	v4 =	vpsel !p4, $0x0, v49;
	v3 =	vadd.f32 v5, v3;
	v5 =	vpsel !p4, $0x0, v51  }
0x7f: {  	p5 =	slt.s32 s22, s20;
	v2 =	vadd.f32 v4, v2;
	v4 =	vpsel !p4, $0x0, v52;
	v1 =	vadd.f32 v5, v1  }
0x80: {  	v59 =	vld.msk [tilespmem:s19+$0x6490 ss:$0x0], $0xffff;
	v0 =	vadd.f32 v4, v0;
	v5 =	vpsel !p5, $0x0, v54;
	v4 =	vpsel !p5, $0x0, v55  }
0x81: {  	p6 =	slt.s32 s29, s20;
	v3 =	vadd.f32 v5, v3;
	v2 =	vadd.f32 v4, v2;
	v5 =	vpsel !p5, $0x0, v57  }
0x82: {  	v4 =	vpsel !p5, $0x0, v58;
	v1 =	vadd.f32 v5, v1;
	v5 =	vpsel !p6, $0x0, v60  }
0x83: {  	v0 =	vadd.f32 v4, v0;
	v4 =	vpsel !p6, $0x0, v61;
	v3 =	vadd.f32 v5, v3  }
0x84: {  	s16 =	sadd.s32 $0x1, s16;
	v63 =	vunpack.i.u.bf16.f32 v56;
	v2 =	vadd.f32 v4, v2;
	v5 =	vpsel !p6, $0x0, v62  }
0x85: {  	p0 =	sne.s32 s16, $0x40;
	s31 =	sshll.u32 s19, $0x6;
	v4 =	vpsel !p6, $0x0, v63;
	v1 =	vadd.f32 v5, v1;
	v3 =	vmul.f32 v59, v3  }
.Ltmp6:
0x86: {  	s19 =	sand.u32 $0x3FFFFFC0, s31;
	v0 =	vadd.f32 v4, v0;
	v2 =	vmul.f32 v59, v2;
	(pc) =	sbr.rel @!p0 .LBB2_30-.Ltmp6, $4  }
0x87: {  	v1 =	vmul.f32 v59, v1;
	[tilespmem:s19+$0x9D20] =	vst v3  }
0x88: {  	v0 =	vmul.f32 v59, v0;
	[tilespmem:s19+$0x9D30] =	vst v2  }
0x89: {  	[tilespmem:s19+$0x9D40] =	vst v1  }
0x8a: {  	s17 =	sadd.s32 $0x190, s17;
	s18 =	sadd.s32 $0x190, s18;
	[tilespmem:s19+$0x9D50] =	vst v0  }
.LBB2_5:
0x8b: {  	s19 =	sshll.u32 s16, $0x1  }
0x8c: {  	v0 =	vld [tilespmem:s19+$0x6401];
	_ =	sdelay $0x4  }
0x8d: {  	(v2sf) =	vpush v0, $0x0;
	_ =	sdelay $0xe  }
0x8e: {  	s20 =	spop (v2sf)  }
0x8f: {  	s20 =	sadd.s32 $0x7, s20  }
0x90: {  	s21 =	sand.u32 $0x7, s20  }
0x91: {  	s31 =	sshra.s32 s20, $0x1F;
	p1 =	slt.s32 s20, $0x1;
	p0 =	sne.s32 s21, $0x0  }
0x92: {  	s21 =	sshrl.u32 s31, $0x1D;
	p0 =	por !p1, !p0  }
0x93: {  	s20 =	sadd.s32 s21, s20;
	s21 =	simm.s32 $0x1;
	p0 =	por !p0, !p0  }
0x94: {  	s20 =	sshra.s32 s20, $0x3;
	s21 =	simm.s32 @!p0 $0x0  }
0x95: {  	s21 =	ssub.s32 s20, s21  }
0x96: {  	p0 =	slt.s32 s21, $0x1  }
.Ltmp7:
0x97: {  	_ = 	snop;
	(pc) =	sbr.rel @p0 .LBB2_8-.Ltmp7, $2  }
0x98: {  	_ =	sdelay $0x2  }
0x99: {  	s20 =	simm.s32 $0x8120  }
0x9a: {  	p0 =	sne.s32 s21, $0x1  }
.Ltmp8:
0x9b: {  	_ = 	snop;
	(pc) =	sbr.rel @!p0 .LBB2_8-.Ltmp8, $3  }
0x9c: {  	_ =	sdelay $0x1  }
0x9d: {  	[tilespmem:s20], [sflag:$0x1] =	stream.indirect.gather [hbm4b:s3+s13], $0x20, s17, s13, $0xb8;
	[tilespmem:$0xBD20] =	vst v63  }
0x9e: {  	s21 =	sadd.s32 $0xFFFFFFFF, s21;
	s22 =	smov.u32 s17  }
.LBB2_7:
0x9f: {  	p0 =	sne.s32 s21, $0x1  }
.Ltmp9:
0xa0: {  	_ = 	snop;
	(pc) =	sbr.rel @p0 .LBB2_7-.Ltmp9, $4  }
0xa1: {  	_ = 	snop  }
0xa2: {  	s22 =	sadd.s32 $0x8, s22;
	s20 =	sadd.s32 $0x100, s20  }
0xa3: {  	s21 =	sadd.s32 $0xFFFFFFFF, s21  }
0xa4: {  	[tilespmem:s20], [sflag:$0x1] =	stream.indirect.gather [hbm4b:s3+s13], $0x20, s22, s13, $0xb8;
	[tilespmem:$0xBD20] =	vst v63  }
.LBB2_8:
0xa5: {  	v0 =	vld [tilespmem:s19+$0x6400];
	_ =	sdelay $0x4  }
0xa6: {  	(v2sf) =	vpush v0, $0x0;
	_ =	sdelay $0xe  }
0xa7: {  	s20 =	spop (v2sf)  }
0xa8: {  	s21 =	sadd.s32 $0x7, s20  }
0xa9: {  	s22 =	sand.u32 $0x7, s21  }
0xaa: {  	s31 =	sshra.s32 s21, $0x1F;
	p1 =	slt.s32 s21, $0x1;
	p0 =	sne.s32 s22, $0x0  }
0xab: {  	s22 =	sshrl.u32 s31, $0x1D;
	p0 =	por !p1, !p0  }
0xac: {  	s21 =	sadd.s32 s22, s21;
	s22 =	simm.s32 $0x1;
	p0 =	por !p0, !p0  }
0xad: {  	s21 =	sshra.s32 s21, $0x3;
	s22 =	simm.s32 @!p0 $0x0  }
0xae: {  	s21 =	ssub.s32 s21, s22  }
0xaf: {  	p0 =	slt.s32 s21, $0x1  }
.Ltmp10:
0xb0: {  	_ = 	snop;
	(pc) =	sbr.rel @p0 .LBB2_12-.Ltmp10, $1  }
0xb1: {  	_ =	sdelay $0x3  }
0xb2: {  	p0 =	sne.s32 s21, $0x1  }
.Ltmp11:
0xb3: {  	_ = 	snop;
	(pc) =	sbr.rel @!p0 .LBB2_11-.Ltmp11, $3  }
0xb4: {  	_ =	sdelay $0x1  }
0xb5: {  	_ =	swait.ge [sflag:s12], $0x100  }
0xb6: {  	s21 =	sadd.s32 $0xFFFFFFFF, s21;
	[sflag:s12] =	ssyncset.done $0x0  }
.LBB2_10:
0xb7: {  	p0 =	sne.s32 s21, $0x1;
	s21 =	sadd.s32 $0xFFFFFFFF, s21;
	[sflag:s12] =	ssyncadd.s32 $0xFFFFFF00  }
.Ltmp12:
0xb8: {  	(pc) =	sbr.rel @p0 .LBB2_10-.Ltmp12, $3  }
0xb9: {  	_ =	sdelay $0x1  }
0xba: {  	_ =	swait.ge [sflag:s12], $0x100  }
0xbb: {  	[sflag:s12] =	ssyncset.done $0x0  }
.LBB2_11:
0xbc: {  	[sflag:s12] =	ssyncadd.s32 $0xFFFFFF00  }
.LBB2_12:
0xbd: {  	s21 =	sand.u32 $0xF, s20  }
0xbe: {  	s22 =	sshra.s32 s20, $0x1F;
	p0 =	slt.s32 s20, $0x1;
	p1 =	sne.s32 s21, $0x0  }
0xbf: {  	s31 =	sshrl.u32 s22, $0x1C;
	p0 =	por !p0, !p1  }
0xc0: {  	s22 =	simm.s32 $0x1;
	s21 =	sadd.s32 s31, s20;
	p0 =	por !p0, !p0  }
0xc1: {  	s21 =	sshra.s32 s21, $0x4;
	s22 =	simm.s32 @!p0 $0x0  }
0xc2: {  	s21 =	ssub.s32 s21, s22  }
0xc3: {  	p0 =	slt.s32 s21, $0x1  }
.Ltmp13:
0xc4: {  	_ = 	snop;
	(pc) =	sbr.rel @p0 .LBB2_13-.Ltmp13, $2  }
0xc5: {  	_ =	sdelay $0x2  }
0xc6: {  	v18 =	vimm.f32 $0.0e+00;
	s22 =	simm.s32 $0x6620  }
0xc7: {  	v1 =	vld [tilespmem:s22+$0xE0]  }
0xc8: {  	v3 =	vld [tilespmem:s22+$0xC0]  }
0xc9: {  	v5 =	vld [tilespmem:s22+$0xA0]  }
0xca: {  	v7 =	vld [tilespmem:s22+$0x80]  }
0xcb: {  	v9 =	vld [tilespmem:s22+$0x60]  }
0xcc: {  	v11 =	vld [tilespmem:s22+$0x40]  }
0xcd: {  	v13 =	vld [tilespmem:s22+$0x20]  }
0xce: {  	v15 =	vld [tilespmem:s22+$0x0]  }
0xcf: {  	v17 =	vld [tilespmem:s22+$0xFFFFFFE0]  }
0xd0: {  	v20 =	vld [tilespmem:s22+$0xFFFFFFC0]  }
0xd1: {  	v25 =	vld [tilespmem:s22+$0xFFFFFFA0];
	v24 =	vimm.f32 $0.0e+00;
	v22 =	vimm.f32 $0.0e+00;
	v23 =	vimm.f32 $0.0e+00  }
0xd2: {  	v26 =	vld [tilespmem:s22+$0xFFFFFF80];
	v2 =	vunpack.i.u.bf16.f32 v3;
	v0 =	vunpack.i.u.bf16.f32 v1;
	v1 =	vunpack.i.l.bf16.f32 v1  }
0xd3: {  	v27 =	vld [tilespmem:s22+$0xFFFFFF60];
	p0 =	sne.s32 s21, $0x1;
	v4 =	vunpack.i.u.bf16.f32 v5;
	v5 =	vunpack.i.l.bf16.f32 v5;
	v3 =	vunpack.i.l.bf16.f32 v3  }
.Ltmp14:
0xd4: {  	v28 =	vld [tilespmem:s22+$0xFFFFFF40];
	v8 =	vunpack.i.u.bf16.f32 v9;
	v6 =	vunpack.i.u.bf16.f32 v7;
	v7 =	vunpack.i.l.bf16.f32 v7;
	(pc) =	sbr.rel @!p0 .LBB2_16-.Ltmp14, $4  }
0xd5: {  	v29 =	vld [tilespmem:s22+$0xFFFFFF20];
	v10 =	vunpack.i.u.bf16.f32 v11;
	v11 =	vunpack.i.l.bf16.f32 v11;
	v9 =	vunpack.i.l.bf16.f32 v9  }
0xd6: {  	v30 =	vld [tilespmem:s22+$0xFFFFFF00];
	v14 =	vunpack.i.u.bf16.f32 v15;
	v12 =	vunpack.i.u.bf16.f32 v13;
	v13 =	vunpack.i.l.bf16.f32 v13  }
0xd7: {  	v31 =	vld [tilespmem:s22+$0xFFFFFF10];
	v16 =	vunpack.i.u.bf16.f32 v17;
	v17 =	vunpack.i.l.bf16.f32 v17;
	v15 =	vunpack.i.l.bf16.f32 v15  }
0xd8: {  	s24 =	sadd.s32 $0xFFFFFFFF, s21;
	s23 =	simm.s32 $0x6620;
	v21 =	vunpack.i.u.bf16.f32 v25;
	v19 =	vunpack.i.u.bf16.f32 v20;
	v20 =	vunpack.i.l.bf16.f32 v20  }
.LBB2_15:
0xd9: {  	p0 =	sne.s32 s24, $0x1;
	v32 =	vld [tilespmem:s22+$0xFFFFFF30];
	v33 =	vunpack.i.u.bf16.f32 v26;
	v26 =	vunpack.i.l.bf16.f32 v26;
	v25 =	vunpack.i.l.bf16.f32 v25  }
0xda: {  	v34 =	vunpack.i.u.bf16.f32 v28;
	v35 =	vunpack.i.u.bf16.f32 v27;
	v27 =	vunpack.i.l.bf16.f32 v27  }
0xdb: {  	v28 =	vunpack.i.l.bf16.f32 v28;
	v36 =	vunpack.i.u.bf16.f32 v29;
	v29 =	vunpack.i.l.bf16.f32 v29;
	v37 =	vld [tilespmem:s22+$0xFFFFFF50]  }
0xdc: {  	v38 =	vunpack.i.u.bf16.f32 v30;
	v30 =	vunpack.i.l.bf16.f32 v30;
	v39 =	vunpack.i.u.bf16.f32 v31  }
0xdd: {  	v18 =	vadd.f32 v30, v18;
	v24 =	vadd.f32 v38, v24;
	v30 =	vunpack.i.l.bf16.f32 v31;
	v31 =	vld [tilespmem:s22+$0xFFFFFF70]  }
0xde: {  	v22 =	vadd.f32 v30, v22;
	v23 =	vadd.f32 v39, v23;
	v30 =	vunpack.i.u.bf16.f32 v32  }
0xdf: {  	v18 =	vadd.f32 v29, v18;
	v24 =	vadd.f32 v36, v24;
	v29 =	vunpack.i.l.bf16.f32 v32;
	v32 =	vld [tilespmem:s22+$0xFFFFFF90]  }
0xe0: {  	v22 =	vadd.f32 v29, v22;
	v23 =	vadd.f32 v30, v23;
	v29 =	vunpack.i.u.bf16.f32 v37  }
0xe1: {  	v18 =	vadd.f32 v28, v18;
	v24 =	vadd.f32 v34, v24;
	v28 =	vunpack.i.l.bf16.f32 v37;
	v30 =	vld [tilespmem:s22+$0xFFFFFFB0]  }
0xe2: {  	v22 =	vadd.f32 v28, v22;
	v23 =	vadd.f32 v29, v23;
	v28 =	vunpack.i.u.bf16.f32 v31  }
0xe3: {  	v18 =	vadd.f32 v27, v18;
	v24 =	vadd.f32 v35, v24;
	v27 =	vunpack.i.l.bf16.f32 v31;
	v29 =	vld [tilespmem:s22+$0xFFFFFFD0]  }
0xe4: {  	v22 =	vadd.f32 v27, v22;
	v23 =	vadd.f32 v28, v23;
	v27 =	vunpack.i.u.bf16.f32 v32  }
0xe5: {  	v18 =	vadd.f32 v26, v18;
	v24 =	vadd.f32 v33, v24;
	v26 =	vunpack.i.l.bf16.f32 v32;
	v28 =	vld [tilespmem:s22+$0xFFFFFFF0]  }
0xe6: {  	v22 =	vadd.f32 v26, v22;
	v23 =	vadd.f32 v27, v23;
	v26 =	vunpack.i.u.bf16.f32 v30  }
0xe7: {  	v18 =	vadd.f32 v25, v18;
	v21 =	vadd.f32 v21, v24;
	v24 =	vunpack.i.l.bf16.f32 v30;
	v25 =	vld [tilespmem:s22+$0x10]  }
0xe8: {  	v22 =	vadd.f32 v24, v22;
	v23 =	vadd.f32 v26, v23;
	v24 =	vunpack.i.u.bf16.f32 v29  }
0xe9: {  	v18 =	vadd.f32 v20, v18;
	v19 =	vadd.f32 v19, v21;
	v20 =	vunpack.i.l.bf16.f32 v29;
	v21 =	vld [tilespmem:s22+$0x30]  }
0xea: {  	v20 =	vadd.f32 v20, v22;
	v22 =	vadd.f32 v24, v23;
	v23 =	vunpack.i.u.bf16.f32 v28  }
0xeb: {  	v17 =	vadd.f32 v17, v18;
	v16 =	vadd.f32 v16, v19;
	v18 =	vunpack.i.l.bf16.f32 v28;
	v19 =	vld [tilespmem:s22+$0x50]  }
0xec: {  	v18 =	vadd.f32 v18, v20;
	v20 =	vadd.f32 v23, v22;
	v22 =	vunpack.i.u.bf16.f32 v25  }
0xed: {  	s22 =	sadd.s32 $0x200, s22;
	v15 =	vadd.f32 v15, v17;
	v14 =	vadd.f32 v14, v16;
	v16 =	vunpack.i.l.bf16.f32 v25;
	v17 =	vld [tilespmem:s23+$0x70]  }
0xee: {  	v16 =	vadd.f32 v16, v18;
	v18 =	vadd.f32 v22, v20;
	v27 =	vld [tilespmem:s22+$0xE0];
	v20 =	vunpack.i.u.bf16.f32 v21  }
0xef: {  	v13 =	vadd.f32 v13, v15;
	v12 =	vadd.f32 v12, v14;
	v14 =	vunpack.i.l.bf16.f32 v21;
	v15 =	vld [tilespmem:s23+$0x90]  }
0xf0: {  	v14 =	vadd.f32 v14, v16;
	v16 =	vadd.f32 v20, v18;
	v18 =	vunpack.i.u.bf16.f32 v19;
	v20 =	vld [tilespmem:s23+$0xF0]  }
0xf1: {  	v11 =	vadd.f32 v11, v13;
	v10 =	vadd.f32 v10, v12;
	v12 =	vunpack.i.l.bf16.f32 v19;
	v13 =	vld [tilespmem:s23+$0xB0]  }
0xf2: {  	v12 =	vadd.f32 v12, v14;
	v14 =	vadd.f32 v18, v16;
	v19 =	vld [tilespmem:s22+$0xC0];
	v16 =	vunpack.i.u.bf16.f32 v17  }
0xf3: {  	v9 =	vadd.f32 v9, v11;
	v8 =	vadd.f32 v8, v10;
	v10 =	vunpack.i.l.bf16.f32 v17;
	v11 =	vld [tilespmem:s23+$0xD0];
	s23 =	smov.u32 s22  }
0xf4: {  	v10 =	vadd.f32 v10, v12;
	v12 =	vadd.f32 v16, v14;
	v17 =	vld [tilespmem:s22+$0xA0];
	v14 =	vunpack.i.u.bf16.f32 v15  }
0xf5: {  	v7 =	vadd.f32 v7, v9;
	v6 =	vadd.f32 v6, v8;
	v8 =	vunpack.i.l.bf16.f32 v15;
	v16 =	vld [tilespmem:s22+$0x80]  }
0xf6: {  	v8 =	vadd.f32 v8, v10;
	v10 =	vadd.f32 v14, v12;
	v9 =	vld [tilespmem:s22+$0x60];
	v12 =	vunpack.i.u.bf16.f32 v13  }
0xf7: {  	v5 =	vadd.f32 v5, v7;
	v4 =	vadd.f32 v4, v6;
	v6 =	vunpack.i.l.bf16.f32 v13;
	v14 =	vld [tilespmem:s22+$0x40]  }
0xf8: {  	v6 =	vadd.f32 v6, v8;
	v7 =	vadd.f32 v12, v10;
	v13 =	vld [tilespmem:s22+$0x20];
	v8 =	vunpack.i.u.bf16.f32 v11  }
0xf9: {  	v3 =	vadd.f32 v3, v5;
	v2 =	vadd.f32 v2, v4;
	v4 =	vunpack.i.l.bf16.f32 v11;
	v15 =	vld [tilespmem:s22+$0x0]  }
0xfa: {  	v4 =	vadd.f32 v4, v6;
	v5 =	vadd.f32 v8, v7;
	v6 =	vunpack.i.u.bf16.f32 v20;
	v21 =	vld [tilespmem:s22+$0xFFFFFFE0]  }
0xfb: {  	v18 =	vadd.f32 v1, v3;
	v24 =	vadd.f32 v0, v2;
	v0 =	vunpack.i.l.bf16.f32 v20;
	v32 =	vld [tilespmem:s22+$0xFFFFFFC0]  }
0xfc: {  	v22 =	vadd.f32 v0, v4;
	v23 =	vadd.f32 v6, v5;
	v25 =	vld [tilespmem:s22+$0xFFFFFFA0]  }
0xfd: {  	v2 =	vunpack.i.u.bf16.f32 v19;
	v1 =	vunpack.i.l.bf16.f32 v27;
	v0 =	vunpack.i.u.bf16.f32 v27;
	v26 =	vld [tilespmem:s22+$0xFFFFFF80]  }
0xfe: {  	v3 =	vunpack.i.l.bf16.f32 v19;
	v4 =	vunpack.i.u.bf16.f32 v17;
	v5 =	vunpack.i.l.bf16.f32 v17;
	v27 =	vld [tilespmem:s22+$0xFFFFFF60]  }
.Ltmp15:
0xff: {  	v7 =	vunpack.i.l.bf16.f32 v16;
	v8 =	vunpack.i.u.bf16.f32 v9;
	v6 =	vunpack.i.u.bf16.f32 v16;
	v28 =	vld [tilespmem:s22+$0xFFFFFF40];
	(pc) =	sbr.rel @p0 .LBB2_15-.Ltmp15, $4  }
0x100: {  	v9 =	vunpack.i.l.bf16.f32 v9;
	v10 =	vunpack.i.u.bf16.f32 v14;
	v11 =	vunpack.i.l.bf16.f32 v14;
	v29 =	vld [tilespmem:s22+$0xFFFFFF20]  }
0x101: {  	v12 =	vunpack.i.u.bf16.f32 v13;
	v13 =	vunpack.i.l.bf16.f32 v13;
	v14 =	vunpack.i.u.bf16.f32 v15;
	v30 =	vld [tilespmem:s22+$0xFFFFFF00]  }
0x102: {  	v15 =	vunpack.i.l.bf16.f32 v15;
	v16 =	vunpack.i.u.bf16.f32 v21;
	v17 =	vunpack.i.l.bf16.f32 v21;
	v31 =	vld [tilespmem:s22+$0xFFFFFF10]  }
0x103: {  	s24 =	sadd.s32 $0xFFFFFFFF, s24;
	v19 =	vunpack.i.u.bf16.f32 v32;
	v20 =	vunpack.i.l.bf16.f32 v32;
	v21 =	vunpack.i.u.bf16.f32 v25  }
.LBB2_16:
0x104: {  	v32 =	vld [tilespmem:s22+$0xFFFFFF30];
	v33 =	vunpack.i.u.bf16.f32 v26;
	v49 =	vunpack.i.l.bf16.f32 v26;
	v25 =	vunpack.i.l.bf16.f32 v25  }
0x105: {  	v34 =	vunpack.i.u.bf16.f32 v28;
	v35 =	vunpack.i.u.bf16.f32 v27;
	v50 =	vunpack.i.l.bf16.f32 v27  }
0x106: {  	v52 =	vunpack.i.l.bf16.f32 v28;
	v37 =	vld [tilespmem:s22+$0xFFFFFF50];
	v36 =	vunpack.i.u.bf16.f32 v29;
	v51 =	vunpack.i.l.bf16.f32 v29  }
0x107: {  	v38 =	vunpack.i.u.bf16.f32 v30;
	v53 =	vunpack.i.l.bf16.f32 v30;
	v39 =	vunpack.i.u.bf16.f32 v31  }
0x108: {  	v55 =	vld [tilespmem:s22+$0xFFFFFF70];
	v18 =	vadd.f32 v53, v18;
	v24 =	vadd.f32 v38, v24;
	v54 =	vunpack.i.l.bf16.f32 v31  }
0x109: {  	v22 =	vadd.f32 v54, v22;
	v23 =	vadd.f32 v39, v23;
	v56 =	vunpack.i.u.bf16.f32 v32  }
0x10a: {  	v58 =	vld [tilespmem:s22+$0xFFFFFF90];
	v18 =	vadd.f32 v51, v18;
	v24 =	vadd.f32 v36, v24;
	v57 =	vunpack.i.l.bf16.f32 v32  }
0x10b: {  	v59 =	vunpack.i.u.bf16.f32 v37;
	v22 =	vadd.f32 v57, v22;
	v23 =	vadd.f32 v56, v23  }
0x10c: {  	v61 =	vld [tilespmem:s22+$0xFFFFFFB0];
	v60 =	vunpack.i.l.bf16.f32 v37;
	v18 =	vadd.f32 v52, v18;
	v24 =	vadd.f32 v34, v24  }
0x10d: {  	v62 =	vunpack.i.u.bf16.f32 v55;
	v22 =	vadd.f32 v60, v22;
	v23 =	vadd.f32 v59, v23  }
0x10e: {  	v63 =	vunpack.i.l.bf16.f32 v55;
	v34 =	vld [tilespmem:s22+$0xFFFFFFD0];
	v18 =	vadd.f32 v50, v18;
	v24 =	vadd.f32 v35, v24  }
0x10f: {  	v36 =	vunpack.i.l.bf16.f32 v58;
	v22 =	vadd.f32 v63, v22;
	v23 =	vadd.f32 v62, v23  }
0x110: {  	v37 =	vld [tilespmem:s22+$0xFFFFFFF0];
	v35 =	vunpack.i.u.bf16.f32 v58;
	v18 =	vadd.f32 v49, v18;
	v24 =	vadd.f32 v33, v24  }
0x111: {  	v38 =	vunpack.i.u.bf16.f32 v61;
	v22 =	vadd.f32 v36, v22;
	v23 =	vadd.f32 v35, v23  }
0x112: {  	v40 =	vld [tilespmem:s22+$0x10];
	v39 =	vunpack.i.l.bf16.f32 v61;
	v18 =	vadd.f32 v25, v18;
	v21 =	vadd.f32 v21, v24  }
0x113: {  	v41 =	vunpack.i.u.bf16.f32 v34;
	v22 =	vadd.f32 v39, v22;
	v23 =	vadd.f32 v38, v23  }
0x114: {  	v42 =	vld [tilespmem:s22+$0x30];
	v18 =	vadd.f32 v20, v18;
	v19 =	vadd.f32 v19, v21;
	v20 =	vunpack.i.l.bf16.f32 v34  }
0x115: {  	v44 =	vunpack.i.u.bf16.f32 v37;
	v20 =	vadd.f32 v20, v22;
	v43 =	vadd.f32 v41, v23  }
0x116: {  	v17 =	vadd.f32 v17, v18;
	v16 =	vadd.f32 v16, v19;
	v18 =	vunpack.i.l.bf16.f32 v37;
	v19 =	vld [tilespmem:s22+$0x50]  }
0x117: {  	v45 =	vunpack.i.u.bf16.f32 v40;
	v18 =	vadd.f32 v18, v20;
	v20 =	vadd.f32 v44, v43  }
0x118: {  	v15 =	vadd.f32 v15, v17;
	v14 =	vadd.f32 v14, v16;
	v16 =	vunpack.i.l.bf16.f32 v40;
	v17 =	vld [tilespmem:s23+$0x70]  }
0x119: {  	v46 =	vunpack.i.l.bf16.f32 v42;
	v16 =	vadd.f32 v16, v18;
	v18 =	vadd.f32 v45, v20  }
0x11a: {  	v47 =	vld [tilespmem:s23+$0x90];
	v20 =	vunpack.i.u.bf16.f32 v42;
	v13 =	vadd.f32 v13, v15;
	v12 =	vadd.f32 v12, v14  }
0x11b: {  	v14 =	vadd.f32 v46, v16;
	v16 =	vadd.f32 v20, v18;
	v18 =	vunpack.i.u.bf16.f32 v19  }
0x11c: {  	v49 =	vld [tilespmem:s23+$0xB0];
	v48 =	vunpack.i.l.bf16.f32 v19;
	v11 =	vadd.f32 v11, v13;
	v10 =	vadd.f32 v10, v12  }
0x11d: {  	v12 =	vadd.f32 v48, v14;
	v50 =	vadd.f32 v18, v16;
	v16 =	vunpack.i.u.bf16.f32 v17  }
0x11e: {  	v52 =	vld [tilespmem:s23+$0xD0];
	v51 =	vunpack.i.l.bf16.f32 v17;
	v9 =	vadd.f32 v9, v11;
	v8 =	vadd.f32 v8, v10  }
0x11f: {  	v54 =	vunpack.i.u.bf16.f32 v47;
	v10 =	vadd.f32 v51, v12;
	v53 =	vadd.f32 v16, v50  }
0x120: {  	v55 =	vunpack.i.l.bf16.f32 v47;
	v16 =	vld [tilespmem:s23+$0xF0];
	v7 =	vadd.f32 v7, v9;
	v6 =	vadd.f32 v6, v8  }
0x121: {  	v57 =	vunpack.i.u.bf16.f32 v49;
	v8 =	vadd.f32 v55, v10;
	v56 =	vadd.f32 v54, v53  }
0x122: {  	v58 =	vunpack.i.l.bf16.f32 v49;
	v5 =	vadd.f32 v5, v7;
	v4 =	vadd.f32 v4, v6  }
.Ltmp16:
0x123: {  	v60 =	vunpack.i.u.bf16.f32 v52;
	v6 =	vadd.f32 v58, v8;
	v59 =	vadd.f32 v57, v56;
	(pc) =	sbr.rel .LBB2_17-.Ltmp16, $4  }
0x124: {  	v61 =	vunpack.i.l.bf16.f32 v52;
	v3 =	vadd.f32 v3, v5;
	v2 =	vadd.f32 v2, v4  }
0x125: {  	v63 =	vunpack.i.u.bf16.f32 v16;
	v4 =	vadd.f32 v61, v6;
	v62 =	vadd.f32 v60, v59  }
0x126: {  	v18 =	vadd.f32 v1, v3;
	v2 =	vadd.f32 v0, v2;
	v0 =	vunpack.i.l.bf16.f32 v16  }
0x127: {  	v1 =	vadd.f32 v0, v4;
	v0 =	vadd.f32 v63, v62  }
.LBB2_13:
0x128: {  	v2 =	vimm.f32 $0.0e+00;
	v1 =	vimm.f32 $0.0e+00;
	v0 =	vimm.f32 $0.0e+00  }
.LBB2_17:
0x129: {  	s22 =	sshll.u32 s21, $0xB  }
0x12a: {  	s23 =	sshra.s32 s22, $0x2  }
0x12b: {  	s22 =	sshll.u32 s21, $0x4;
	v3 =	vld [tilespmem:s23+$0x6520]  }
0x12c: {  	s24 =	sor.u32 $0x1, s22;
	v4 =	vld [tilespmem:s23+$0x6530]  }
0x12d: {  	s29 =	sshll.u32 s24, $0x7  }
0x12e: {  	s25 =	sor.u32 $0x2, s22;
	s23 =	sshra.s32 s29, $0x2  }
0x12f: {  	s30 =	sshll.u32 s25, $0x7;
	v5 =	vld [tilespmem:s23+$0x6520]  }
0x130: {  	v7 =	vld [tilespmem:s23+$0x6530];
	s23 =	sshra.s32 s30, $0x2  }
0x131: {  	p0 =	slt.s32 s22, s20;
	s31 =	sor.u32 $0x3, s22;
	v26 =	vld [tilespmem:s23+$0x6520];
	v6 =	vunpack.i.l.bf16.f32 v3;
	v3 =	vunpack.i.u.bf16.f32 v3;
	v8 =	vunpack.i.l.bf16.f32 v4  }
0x132: {  	s26 =	sshll.u32 s31, $0x7;
	v29 =	vld [tilespmem:s23+$0x6530];
	v24 =	vunpack.i.u.bf16.f32 v4;
	v6 =	vpsel !p0, $0x0, v6;
	v3 =	vpsel !p0, $0x0, v3  }
0x133: {  	s23 =	sshra.s32 s26, $0x2;
	v25 =	vpsel !p0, $0x0, v8;
	v6 =	vadd.f32 v6, v18;
	v2 =	vadd.f32 v3, v2  }
0x134: {  	s28 =	sor.u32 $0x4, s22;
	v32 =	vld [tilespmem:s23+$0x6520];
	v1 =	vadd.f32 v25, v1;
	v3 =	vpsel !p0, $0x0, v24;
	v27 =	vunpack.i.l.bf16.f32 v5  }
0x135: {  	p5 =	slt.s32 s24, s20;
	s29 =	sshll.u32 s28, $0x7;
	v35 =	vld [tilespmem:s23+$0x6530];
	v0 =	vadd.f32 v3, v0;
	v28 =	vunpack.i.u.bf16.f32 v5;
	v30 =	vunpack.i.l.bf16.f32 v7  }
0x136: {  	s23 =	sshra.s32 s29, $0x2;
	v31 =	vunpack.i.u.bf16.f32 v7;
	v4 =	vpsel !p5, $0x0, v27;
	v3 =	vpsel !p5, $0x0, v28  }
0x137: {  	s30 =	sor.u32 $0x5, s22;
	v39 =	vld [tilespmem:s23+$0x6520];
	v33 =	vunpack.i.l.bf16.f32 v26;
	v34 =	vunpack.i.u.bf16.f32 v26;
	v36 =	vunpack.i.l.bf16.f32 v29  }
0x138: {  	p6 =	slt.s32 s25, s20;
	p1 =	slt.s32 s31, s20;
	s31 =	sshll.u32 s30, $0x7;
	v42 =	vld [tilespmem:s23+$0x6530];
	v37 =	vunpack.i.u.bf16.f32 v29;
	v4 =	vadd.f32 v4, v6;
	v2 =	vadd.f32 v3, v2  }
0x139: {  	s26 =	sor.u32 $0x6, s22;
	s23 =	sshra.s32 s31, $0x2;
	v6 =	vpsel !p5, $0x0, v30;
	v3 =	vpsel !p5, $0x0, v31;
	v38 =	vpsel !p6, $0x0, v36  }
0x13a: {  	p2 =	slt.s32 s28, s20;
	s28 =	sshll.u32 s26, $0x7;
	v45 =	vld [tilespmem:s23+$0x6520];
	v40 =	vunpack.i.l.bf16.f32 v32;
	v41 =	vunpack.i.u.bf16.f32 v32;
	v43 =	vunpack.i.l.bf16.f32 v35  }
0x13b: {  	v48 =	vld [tilespmem:s23+$0x6530];
	s23 =	sshra.s32 s28, $0x2;
	v44 =	vunpack.i.u.bf16.f32 v35;
	v1 =	vadd.f32 v6, v1;
	v0 =	vadd.f32 v3, v0  }
0x13c: {  	s29 =	sor.u32 $0x7, s22;
	v51 =	vld [tilespmem:s23+$0x6520];
	v6 =	vpsel !p6, $0x0, v33;
	v3 =	vpsel !p6, $0x0, v34;
	v5 =	vpsel !p1, $0x0, v40  }
0x13d: {  	p3 =	slt.s32 s30, s20;
	s30 =	sshll.u32 s29, $0x7;
	v54 =	vld [tilespmem:s23+$0x6530];
	v46 =	vunpack.i.l.bf16.f32 v39;
	v47 =	vunpack.i.u.bf16.f32 v39;
	v49 =	vunpack.i.l.bf16.f32 v42  }
0x13e: {  	s31 =	sor.u32 $0x8, s22;
	s23 =	sshra.s32 s30, $0x2;
	v50 =	vunpack.i.u.bf16.f32 v42;
	v4 =	vadd.f32 v6, v4;
	v2 =	vadd.f32 v3, v2  }
0x13f: {  	p4 =	slt.s32 s26, s20;
	s26 =	sshll.u32 s31, $0x7;
	v57 =	vld [tilespmem:s23+$0x6520];
	v3 =	vpsel !p6, $0x0, v37;
	v52 =	vunpack.i.l.bf16.f32 v45;
	v53 =	vunpack.i.u.bf16.f32 v45  }
0x140: {  	v60 =	vld [tilespmem:s23+$0x6530];
	s23 =	sshra.s32 s26, $0x2;
	v55 =	vunpack.i.l.bf16.f32 v48;
	v56 =	vunpack.i.u.bf16.f32 v48;
	v1 =	vadd.f32 v38, v1  }
0x141: {  	v63 =	vld [tilespmem:s23+$0x6520];
	v0 =	vadd.f32 v3, v0;
	v3 =	vpsel !p1, $0x0, v41;
	v58 =	vunpack.i.l.bf16.f32 v51  }
0x142: {  	s28 =	sor.u32 $0x9, s22;
	v14 =	vld [tilespmem:s23+$0x6530];
	v59 =	vunpack.i.u.bf16.f32 v51;
	v61 =	vunpack.i.l.bf16.f32 v54;
	v62 =	vunpack.i.u.bf16.f32 v54  }
0x143: {  	p5 =	slt.s32 s29, s20;
	s29 =	sshll.u32 s28, $0x7;
	v4 =	vadd.f32 v5, v4;
	v2 =	vadd.f32 v3, v2;
	v5 =	vpsel !p1, $0x0, v43  }
0x144: {  	s23 =	sshra.s32 s29, $0x2;
	v3 =	vpsel !p1, $0x0, v44;
	v12 =	vunpack.i.l.bf16.f32 v57;
	v13 =	vunpack.i.u.bf16.f32 v57  }
0x145: {  	v17 =	vld [tilespmem:s23+$0x6520];
	v15 =	vunpack.i.l.bf16.f32 v60;
	v16 =	vunpack.i.u.bf16.f32 v60;
	v1 =	vadd.f32 v5, v1  }
0x146: {  	s30 =	sor.u32 $0xA, s22;
	v20 =	vld [tilespmem:s23+$0x6530];
	v0 =	vadd.f32 v3, v0;
	v5 =	vpsel !p2, $0x0, v46;
	v3 =	vpsel !p2, $0x0, v47  }
0x147: {  	p6 =	slt.s32 s31, s20;
	s31 =	sshll.u32 s30, $0x7;
	v18 =	vunpack.i.l.bf16.f32 v63;
	v19 =	vunpack.i.u.bf16.f32 v63;
	v21 =	vunpack.i.l.bf16.f32 v14  }
0x148: {  	s23 =	sshra.s32 s31, $0x2;
	v22 =	vunpack.i.u.bf16.f32 v14;
	v4 =	vadd.f32 v5, v4;
	v5 =	vpsel !p2, $0x0, v49  }
0x149: {  	v23 =	vld [tilespmem:s23+$0x6520];
	v2 =	vadd.f32 v3, v2;
	v3 =	vpsel !p2, $0x0, v50;
	v1 =	vadd.f32 v5, v1  }
0x14a: {  	s26 =	sor.u32 $0xB, s22;
	v26 =	vld [tilespmem:s23+$0x6530];
	v0 =	vadd.f32 v3, v0;
	v5 =	vpsel !p3, $0x0, v52;
	v3 =	vpsel !p3, $0x0, v53  }
0x14b: {  	p1 =	slt.s32 s28, s20;
	s28 =	sshll.u32 s26, $0x7;
	v24 =	vunpack.i.l.bf16.f32 v17;
	v25 =	vunpack.i.u.bf16.f32 v17;
	v27 =	vunpack.i.l.bf16.f32 v20  }
0x14c: {  	s23 =	sshra.s32 s28, $0x2;
	v28 =	vunpack.i.u.bf16.f32 v20;
	v4 =	vadd.f32 v5, v4;
	v5 =	vpsel !p3, $0x0, v55  }
0x14d: {  	v29 =	vld [tilespmem:s23+$0x6520];
	v2 =	vadd.f32 v3, v2;
	v3 =	vpsel !p3, $0x0, v56;
	v1 =	vadd.f32 v5, v1  }
0x14e: {  	s29 =	sor.u32 $0xC, s22;
	v32 =	vld [tilespmem:s23+$0x6530];
	v0 =	vadd.f32 v3, v0;
	v5 =	vpsel !p4, $0x0, v58;
	v3 =	vpsel !p4, $0x0, v59  }
0x14f: {  	p2 =	slt.s32 s30, s20;
	s30 =	sshll.u32 s29, $0x7;
	v30 =	vunpack.i.l.bf16.f32 v23;
	v31 =	vunpack.i.u.bf16.f32 v23;
	v33 =	vunpack.i.l.bf16.f32 v26  }
0x150: {  	s23 =	sshra.s32 s30, $0x2;
	v34 =	vunpack.i.u.bf16.f32 v26;
	v4 =	vadd.f32 v5, v4;
	v5 =	vpsel !p4, $0x0, v61  }
0x151: {  	v35 =	vld [tilespmem:s23+$0x6520];
	v2 =	vadd.f32 v3, v2;
	v3 =	vpsel !p4, $0x0, v62;
	v1 =	vadd.f32 v5, v1  }
0x152: {  	v38 =	vld [tilespmem:s23+$0x6530];
	v0 =	vadd.f32 v3, v0;
	v5 =	vpsel !p5, $0x0, v12;
	v3 =	vpsel !p5, $0x0, v13  }
0x153: {  	v36 =	vunpack.i.l.bf16.f32 v29;
	v37 =	vunpack.i.u.bf16.f32 v29;
	v39 =	vunpack.i.l.bf16.f32 v32  }
0x154: {  	v40 =	vunpack.i.u.bf16.f32 v32;
	v4 =	vadd.f32 v5, v4;
	v5 =	vpsel !p5, $0x0, v15  }
0x155: {  	v2 =	vadd.f32 v3, v2;
	v3 =	vpsel !p5, $0x0, v16;
	v1 =	vadd.f32 v5, v1  }
0x156: {  	v0 =	vadd.f32 v3, v0;
	v5 =	vpsel !p6, $0x0, v18;
	v3 =	vpsel !p6, $0x0, v19  }
0x157: {  	v42 =	vunpack.i.l.bf16.f32 v35;
	v43 =	vunpack.i.u.bf16.f32 v35;
	v45 =	vunpack.i.l.bf16.f32 v38  }
0x158: {  	v46 =	vunpack.i.u.bf16.f32 v38;
	v4 =	vadd.f32 v5, v4;
	v5 =	vpsel !p6, $0x0, v21  }
0x159: {  	v2 =	vadd.f32 v3, v2;
	v3 =	vpsel !p6, $0x0, v22;
	v1 =	vadd.f32 v5, v1  }
0x15a: {  	v0 =	vadd.f32 v3, v0;
	v5 =	vpsel !p1, $0x0, v24;
	v3 =	vpsel !p1, $0x0, v25  }
0x15b: {  	v4 =	vadd.f32 v5, v4;
	v2 =	vadd.f32 v3, v2;
	v5 =	vpsel !p1, $0x0, v27  }
0x15c: {  	s31 =	sor.u32 $0xD, s22;
	v3 =	vpsel !p1, $0x0, v28;
	v1 =	vadd.f32 v5, v1;
	v5 =	vpsel !p2, $0x0, v30  }
0x15d: {  	p1 =	slt.s32 s26, s20;
	s26 =	sshll.u32 s31, $0x7;
	v0 =	vadd.f32 v3, v0;
	v3 =	vpsel !p2, $0x0, v31;
	v4 =	vadd.f32 v5, v4  }
0x15e: {  	s22 =	sor.u32 $0xE, s22;
	s23 =	sshra.s32 s26, $0x2;
	v2 =	vadd.f32 v3, v2;
	v5 =	vpsel !p2, $0x0, v33;
	v3 =	vpsel !p2, $0x0, v34  }
0x15f: {  	s28 =	sshll.u32 s22, $0x7;
	v41 =	vld [tilespmem:s23+$0x6520];
	v1 =	vadd.f32 v5, v1;
	v0 =	vadd.f32 v3, v0;
	v5 =	vpsel !p1, $0x0, v36  }
0x160: {  	v44 =	vld [tilespmem:s23+$0x6530];
	s23 =	sshra.s32 s28, $0x2;
	v3 =	vpsel !p1, $0x0, v37;
	v4 =	vadd.f32 v5, v4;
	v5 =	vpsel !p1, $0x0, v39  }
0x161: {  	p3 =	slt.s32 s29, s20;
	s29 =	sshllo.u32 s21, $0x4;
	v47 =	vld [tilespmem:s23+$0x6520];
	v2 =	vadd.f32 v3, v2;
	v3 =	vpsel !p1, $0x0, v40;
	v1 =	vadd.f32 v5, v1  }
0x162: {  	s30 =	sshll.u32 s29, $0x7;
	v50 =	vld [tilespmem:s23+$0x6530];
	v0 =	vadd.f32 v3, v0;
	v5 =	vpsel !p3, $0x0, v42;
	v3 =	vpsel !p3, $0x0, v43  }
0x163: {  	s23 =	sshra.s32 s30, $0x2;
	v4 =	vadd.f32 v5, v4;
	v2 =	vadd.f32 v3, v2;
	v5 =	vpsel !p3, $0x0, v45  }
0x164: {  	v53 =	vld [tilespmem:s23+$0x6520];
	v3 =	vpsel !p3, $0x0, v46;
	v1 =	vadd.f32 v5, v1;
	v48 =	vunpack.i.l.bf16.f32 v41  }
0x165: {  	p4 =	slt.s32 s31, s20;
	v56 =	vld [tilespmem:s23+$0x6530];
	v0 =	vadd.f32 v3, v0;
	v49 =	vunpack.i.u.bf16.f32 v41;
	v51 =	vunpack.i.l.bf16.f32 v44  }
0x166: {  	v52 =	vunpack.i.u.bf16.f32 v44;
	v5 =	vpsel !p4, $0x0, v48;
	v3 =	vpsel !p4, $0x0, v49  }
0x167: {  	v54 =	vunpack.i.l.bf16.f32 v47;
	v55 =	vunpack.i.u.bf16.f32 v47;
	v57 =	vunpack.i.l.bf16.f32 v50  }
0x168: {  	v58 =	vunpack.i.u.bf16.f32 v50;
	v4 =	vadd.f32 v5, v4;
	v2 =	vadd.f32 v3, v2  }
0x169: {  	v5 =	vpsel !p4, $0x0, v51;
	v3 =	vpsel !p4, $0x0, v52;
	v60 =	vunpack.i.l.bf16.f32 v53  }
0x16a: {  	p5 =	slt.s32 s22, s20;
	v61 =	vunpack.i.u.bf16.f32 v53;
	v62 =	vunpack.i.l.bf16.f32 v56;
	v1 =	vadd.f32 v5, v1  }
0x16b: {  	v59 =	vld.msk [tilespmem:s19+$0x6490 ss:$0x0], $0xffff;
	v0 =	vadd.f32 v3, v0;
	v5 =	vpsel !p5, $0x0, v54;
	v3 =	vpsel !p5, $0x0, v55  }
0x16c: {  	p6 =	slt.s32 s29, s20;
	v4 =	vadd.f32 v5, v4;
	v2 =	vadd.f32 v3, v2;
	v5 =	vpsel !p5, $0x0, v57  }
0x16d: {  	v3 =	vpsel !p5, $0x0, v58;
	v1 =	vadd.f32 v5, v1;
	v5 =	vpsel !p6, $0x0, v60  }
0x16e: {  	v0 =	vadd.f32 v3, v0;
	v3 =	vpsel !p6, $0x0, v61;
	v4 =	vadd.f32 v5, v4  }
0x16f: {  	v63 =	vunpack.i.u.bf16.f32 v56;
	v2 =	vadd.f32 v3, v2;
	v5 =	vpsel !p6, $0x0, v62  }
0x170: {  	s31 =	sshll.u32 s16, $0x7;
	v3 =	vpsel !p6, $0x0, v63;
	v1 =	vadd.f32 v5, v1;
	v4 =	vmul.f32 v59, v4  }
0x171: {  	s20 =	sand.u32 $0x3FFFFF80, s31;
	v0 =	vadd.f32 v3, v0;
	v2 =	vmul.f32 v59, v2  }
0x172: {  	v1 =	vmul.f32 v59, v1;
	[tilespmem:s20+$0x9D20] =	vst v4  }
0x173: {  	v0 =	vmul.f32 v59, v0;
	[tilespmem:s20+$0x9D30] =	vst v2  }
0x174: {  	[tilespmem:s20+$0x9D40] =	vst v1  }
0x175: {  	p0 =	seq.s32 s16, $0x3F;
	s19 =	sadd.s32 $0x2, s19;
	[tilespmem:s20+$0x9D50] =	vst v0  }
0x176: {  	v0 =	vld @!p0 [tilespmem:s19+$0x6400];
	_ =	sdelay $0x4  }
0x177: {  	(v2sf) =	vpush @!p0 v0, $0x0;
	_ =	sdelay $0xe  }
0x178: {  	s19 =	spop @!p0 (v2sf)  }
0x179: {  	s19 =	sadd.s32 @!p0 $0x7, s19  }
0x17a: {  	s20 =	sand.u32 @!p0 $0x7, s19  }
0x17b: {  	p1 =	slt.s32 @!p0 s19, $0x1;
	p2 =	sne.s32 @!p0 s20, $0x0  }
0x17c: {  	s20 =	sshra.s32 @!p0 s19, $0x1F;
	p1 =	por @!p0 !p1, !p2  }
0x17d: {  	s20 =	sshrl.u32 @!p0 s20, $0x1D;
	p1 =	por @!p0 !p1, !p1  }
0x17e: {  	s19 =	sadd.s32 @!p0 s20, s19;
	s20 =	simm.s32 @!p0 $0x1;
	p1 =	por !p1, p0  }
0x17f: {  	s19 =	sshra.s32 @!p0 s19, $0x3;
	s20 =	simm.s32 @p1 $0x0  }
0x180: {  	s20 =	ssub.s32 @!p0 s19, s20  }
0x181: {  	p1 =	slt.s32 @!p0 s20, $0x1  }
0x182: {  	p1 =	por p0, p1  }
.Ltmp17:
0x183: {  	_ = 	snop;
	(pc) =	sbr.rel @p1 .LBB2_20-.Ltmp17, $2  }
0x184: {  	_ =	sdelay $0x2  }
0x185: {  	s19 =	simm.s32 @!p0 $0x6520  }
0x186: {  	p0 =	sne.s32 s20, $0x1  }
.Ltmp18:
0x187: {  	_ = 	snop;
	(pc) =	sbr.rel @!p0 .LBB2_20-.Ltmp18, $3  }
0x188: {  	_ =	sdelay $0x1  }
0x189: {  	[tilespmem:s19], [sflag:$0x1] =	stream.indirect.gather [hbm4b:s3+s13], $0x20, s18, s13, $0xb8;
	[tilespmem:$0xBD20] =	vst v63  }
0x18a: {  	s20 =	sadd.s32 $0xFFFFFFFF, s20;
	s21 =	smov.u32 s18  }
.LBB2_19:
0x18b: {  	p0 =	sne.s32 s20, $0x1  }
.Ltmp19:
0x18c: {  	_ = 	snop;
	(pc) =	sbr.rel @p0 .LBB2_19-.Ltmp19, $4  }
0x18d: {  	_ = 	snop  }
0x18e: {  	s21 =	sadd.s32 $0x8, s21;
	s19 =	sadd.s32 $0x100, s19  }
0x18f: {  	s20 =	sadd.s32 $0xFFFFFFFF, s20  }
0x190: {  	[tilespmem:s19], [sflag:$0x1] =	stream.indirect.gather [hbm4b:s3+s13], $0x20, s21, s13, $0xb8;
	[tilespmem:$0xBD20] =	vst v63  }
.LBB2_20:
0x191: {  	s19 =	sshllo.u32 s16, $0x1  }
0x192: {  	v0 =	vld [tilespmem:s19+$0x6400];
	_ =	sdelay $0x4  }
0x193: {  	(v2sf) =	vpush v0, $0x0;
	_ =	sdelay $0xe  }
0x194: {  	s20 =	spop (v2sf)  }
0x195: {  	s21 =	sadd.s32 $0x7, s20  }
0x196: {  	s22 =	sand.u32 $0x7, s21  }
0x197: {  	s31 =	sshra.s32 s21, $0x1F;
	p1 =	slt.s32 s21, $0x1;
	p0 =	sne.s32 s22, $0x0  }
0x198: {  	s22 =	sshrl.u32 s31, $0x1D;
	p0 =	por !p1, !p0  }
0x199: {  	s21 =	sadd.s32 s22, s21;
	s22 =	simm.s32 $0x1;
	p0 =	por !p0, !p0  }
0x19a: {  	s21 =	sshra.s32 s21, $0x3;
	s22 =	simm.s32 @!p0 $0x0  }
0x19b: {  	s21 =	ssub.s32 s21, s22  }
0x19c: {  	p0 =	slt.s32 s21, $0x1  }
.Ltmp20:
0x19d: {  	_ = 	snop;
	(pc) =	sbr.rel @p0 .LBB2_24-.Ltmp20, $1  }
0x19e: {  	_ =	sdelay $0x3  }
0x19f: {  	p0 =	sne.s32 s21, $0x1  }
.Ltmp21:
0x1a0: {  	_ = 	snop;
	(pc) =	sbr.rel @!p0 .LBB2_23-.Ltmp21, $3  }
0x1a1: {  	_ =	sdelay $0x1  }
0x1a2: {  	_ =	swait.ge [sflag:s12], $0x100  }
0x1a3: {  	s21 =	sadd.s32 $0xFFFFFFFF, s21;
	[sflag:s12] =	ssyncset.done $0x0  }
.LBB2_22:
0x1a4: {  	p0 =	sne.s32 s21, $0x1;
	s21 =	sadd.s32 $0xFFFFFFFF, s21;
	[sflag:s12] =	ssyncadd.s32 $0xFFFFFF00  }
.Ltmp22:
0x1a5: {  	(pc) =	sbr.rel @p0 .LBB2_22-.Ltmp22, $3  }
0x1a6: {  	_ =	sdelay $0x1  }
0x1a7: {  	_ =	swait.ge [sflag:s12], $0x100  }
0x1a8: {  	[sflag:s12] =	ssyncset.done $0x0  }
.LBB2_23:
0x1a9: {  	[sflag:s12] =	ssyncadd.s32 $0xFFFFFF00  }
.LBB2_24:
0x1aa: {  	s21 =	sand.u32 $0xF, s20  }
0x1ab: {  	s22 =	sshra.s32 s20, $0x1F;
	p0 =	slt.s32 s20, $0x1;
	p1 =	sne.s32 s21, $0x0  }
0x1ac: {  	s31 =	sshrl.u32 s22, $0x1C;
	p0 =	por !p0, !p1  }
0x1ad: {  	s22 =	simm.s32 $0x1;
	s21 =	sadd.s32 s31, s20;
	p0 =	por !p0, !p0  }
0x1ae: {  	s21 =	sshra.s32 s21, $0x4;
	s22 =	simm.s32 @!p0 $0x0  }
0x1af: {  	s21 =	ssub.s32 s21, s22  }
0x1b0: {  	p0 =	slt.s32 s21, $0x1  }
.Ltmp23:
0x1b1: {  	_ = 	snop;
	(pc) =	sbr.rel @p0 .LBB2_25-.Ltmp23, $2  }
0x1b2: {  	_ =	sdelay $0x2  }
0x1b3: {  	v18 =	vimm.f32 $0.0e+00;
	s22 =	simm.s32 $0x8220  }
0x1b4: {  	v1 =	vld [tilespmem:s22+$0xE0]  }
0x1b5: {  	v3 =	vld [tilespmem:s22+$0xC0]  }
0x1b6: {  	v5 =	vld [tilespmem:s22+$0xA0]  }
0x1b7: {  	v7 =	vld [tilespmem:s22+$0x80]  }
0x1b8: {  	v9 =	vld [tilespmem:s22+$0x60]  }
0x1b9: {  	v11 =	vld [tilespmem:s22+$0x40]  }
0x1ba: {  	v13 =	vld [tilespmem:s22+$0x20]  }
0x1bb: {  	v15 =	vld [tilespmem:s22+$0x0]  }
0x1bc: {  	v17 =	vld [tilespmem:s22+$0xFFFFFFE0]  }
0x1bd: {  	v20 =	vld [tilespmem:s22+$0xFFFFFFC0]  }
0x1be: {  	v25 =	vld [tilespmem:s22+$0xFFFFFFA0];
	v24 =	vimm.f32 $0.0e+00;
	v22 =	vimm.f32 $0.0e+00;
	v23 =	vimm.f32 $0.0e+00  }
0x1bf: {  	v26 =	vld [tilespmem:s22+$0xFFFFFF80];
	v2 =	vunpack.i.u.bf16.f32 v3;
	v0 =	vunpack.i.u.bf16.f32 v1;
	v1 =	vunpack.i.l.bf16.f32 v1  }
0x1c0: {  	v27 =	vld [tilespmem:s22+$0xFFFFFF60];
	p0 =	sne.s32 s21, $0x1;
	v4 =	vunpack.i.u.bf16.f32 v5;
	v5 =	vunpack.i.l.bf16.f32 v5;
	v3 =	vunpack.i.l.bf16.f32 v3  }
.Ltmp24:
0x1c1: {  	v28 =	vld [tilespmem:s22+$0xFFFFFF40];
	v8 =	vunpack.i.u.bf16.f32 v9;
	v6 =	vunpack.i.u.bf16.f32 v7;
	v7 =	vunpack.i.l.bf16.f32 v7;
	(pc) =	sbr.rel @!p0 .LBB2_28-.Ltmp24, $4  }
0x1c2: {  	v29 =	vld [tilespmem:s22+$0xFFFFFF20];
	v10 =	vunpack.i.u.bf16.f32 v11;
	v11 =	vunpack.i.l.bf16.f32 v11;
	v9 =	vunpack.i.l.bf16.f32 v9  }
0x1c3: {  	v30 =	vld [tilespmem:s22+$0xFFFFFF00];
	v14 =	vunpack.i.u.bf16.f32 v15;
	v12 =	vunpack.i.u.bf16.f32 v13;
	v13 =	vunpack.i.l.bf16.f32 v13  }
0x1c4: {  	v31 =	vld [tilespmem:s22+$0xFFFFFF10];
	v16 =	vunpack.i.u.bf16.f32 v17;
	v17 =	vunpack.i.l.bf16.f32 v17;
	v15 =	vunpack.i.l.bf16.f32 v15  }
0x1c5: {  	s24 =	sadd.s32 $0xFFFFFFFF, s21;
	s23 =	simm.s32 $0x8220;
	v21 =	vunpack.i.u.bf16.f32 v25;
	v19 =	vunpack.i.u.bf16.f32 v20;
	v20 =	vunpack.i.l.bf16.f32 v20  }
.LBB2_27:
0x1c6: {  	p0 =	sne.s32 s24, $0x1;
	v32 =	vld [tilespmem:s22+$0xFFFFFF30];
	v33 =	vunpack.i.u.bf16.f32 v26;
	v26 =	vunpack.i.l.bf16.f32 v26;
	v25 =	vunpack.i.l.bf16.f32 v25  }
0x1c7: {  	v34 =	vunpack.i.u.bf16.f32 v28;
	v35 =	vunpack.i.u.bf16.f32 v27;
	v27 =	vunpack.i.l.bf16.f32 v27  }
0x1c8: {  	v28 =	vunpack.i.l.bf16.f32 v28;
	v36 =	vunpack.i.u.bf16.f32 v29;
	v29 =	vunpack.i.l.bf16.f32 v29;
	v37 =	vld [tilespmem:s22+$0xFFFFFF50]  }
0x1c9: {  	v38 =	vunpack.i.u.bf16.f32 v30;
	v30 =	vunpack.i.l.bf16.f32 v30;
	v39 =	vunpack.i.u.bf16.f32 v31  }
0x1ca: {  	v18 =	vadd.f32 v30, v18;
	v24 =	vadd.f32 v38, v24;
	v30 =	vunpack.i.l.bf16.f32 v31;
	v31 =	vld [tilespmem:s22+$0xFFFFFF70]  }
0x1cb: {  	v22 =	vadd.f32 v30, v22;
	v23 =	vadd.f32 v39, v23;
	v30 =	vunpack.i.u.bf16.f32 v32  }
0x1cc: {  	v18 =	vadd.f32 v29, v18;
	v24 =	vadd.f32 v36, v24;
	v29 =	vunpack.i.l.bf16.f32 v32;
	v32 =	vld [tilespmem:s22+$0xFFFFFF90]  }
0x1cd: {  	v22 =	vadd.f32 v29, v22;
	v23 =	vadd.f32 v30, v23;
	v29 =	vunpack.i.u.bf16.f32 v37  }
0x1ce: {  	v18 =	vadd.f32 v28, v18;
	v24 =	vadd.f32 v34, v24;
	v28 =	vunpack.i.l.bf16.f32 v37;
	v30 =	vld [tilespmem:s22+$0xFFFFFFB0]  }
0x1cf: {  	v22 =	vadd.f32 v28, v22;
	v23 =	vadd.f32 v29, v23;
	v28 =	vunpack.i.u.bf16.f32 v31  }
0x1d0: {  	v18 =	vadd.f32 v27, v18;
	v24 =	vadd.f32 v35, v24;
	v27 =	vunpack.i.l.bf16.f32 v31;
	v29 =	vld [tilespmem:s22+$0xFFFFFFD0]  }
0x1d1: {  	v22 =	vadd.f32 v27, v22;
	v23 =	vadd.f32 v28, v23;
	v27 =	vunpack.i.u.bf16.f32 v32  }
0x1d2: {  	v18 =	vadd.f32 v26, v18;
	v24 =	vadd.f32 v33, v24;
	v26 =	vunpack.i.l.bf16.f32 v32;
	v28 =	vld [tilespmem:s22+$0xFFFFFFF0]  }
0x1d3: {  	v22 =	vadd.f32 v26, v22;
	v23 =	vadd.f32 v27, v23;
	v26 =	vunpack.i.u.bf16.f32 v30  }
0x1d4: {  	v18 =	vadd.f32 v25, v18;
	v21 =	vadd.f32 v21, v24;
	v24 =	vunpack.i.l.bf16.f32 v30;
	v25 =	vld [tilespmem:s22+$0x10]  }
0x1d5: {  	v22 =	vadd.f32 v24, v22;
	v23 =	vadd.f32 v26, v23;
	v24 =	vunpack.i.u.bf16.f32 v29  }
0x1d6: {  	v18 =	vadd.f32 v20, v18;
	v19 =	vadd.f32 v19, v21;
	v20 =	vunpack.i.l.bf16.f32 v29;
	v21 =	vld [tilespmem:s22+$0x30]  }
0x1d7: {  	v20 =	vadd.f32 v20, v22;
	v22 =	vadd.f32 v24, v23;
	v23 =	vunpack.i.u.bf16.f32 v28  }
0x1d8: {  	v17 =	vadd.f32 v17, v18;
	v16 =	vadd.f32 v16, v19;
	v18 =	vunpack.i.l.bf16.f32 v28;
	v19 =	vld [tilespmem:s22+$0x50]  }
0x1d9: {  	v18 =	vadd.f32 v18, v20;
	v20 =	vadd.f32 v23, v22;
	v22 =	vunpack.i.u.bf16.f32 v25  }
0x1da: {  	s22 =	sadd.s32 $0x200, s22;
	v15 =	vadd.f32 v15, v17;
	v14 =	vadd.f32 v14, v16;
	v16 =	vunpack.i.l.bf16.f32 v25;
	v17 =	vld [tilespmem:s23+$0x70]  }
0x1db: {  	v16 =	vadd.f32 v16, v18;
	v18 =	vadd.f32 v22, v20;
	v27 =	vld [tilespmem:s22+$0xE0];
	v20 =	vunpack.i.u.bf16.f32 v21  }
0x1dc: {  	v13 =	vadd.f32 v13, v15;
	v12 =	vadd.f32 v12, v14;
	v14 =	vunpack.i.l.bf16.f32 v21;
	v15 =	vld [tilespmem:s23+$0x90]  }
0x1dd: {  	v14 =	vadd.f32 v14, v16;
	v16 =	vadd.f32 v20, v18;
	v18 =	vunpack.i.u.bf16.f32 v19;
	v20 =	vld [tilespmem:s23+$0xF0]  }
0x1de: {  	v11 =	vadd.f32 v11, v13;
	v10 =	vadd.f32 v10, v12;
	v12 =	vunpack.i.l.bf16.f32 v19;
	v13 =	vld [tilespmem:s23+$0xB0]  }
0x1df: {  	v12 =	vadd.f32 v12, v14;
	v14 =	vadd.f32 v18, v16;
	v19 =	vld [tilespmem:s22+$0xC0];
	v16 =	vunpack.i.u.bf16.f32 v17  }
0x1e0: {  	v9 =	vadd.f32 v9, v11;
	v8 =	vadd.f32 v8, v10;
	v10 =	vunpack.i.l.bf16.f32 v17;
	v11 =	vld [tilespmem:s23+$0xD0];
	s23 =	smov.u32 s22  }
0x1e1: {  	v10 =	vadd.f32 v10, v12;
	v12 =	vadd.f32 v16, v14;
	v17 =	vld [tilespmem:s22+$0xA0];
	v14 =	vunpack.i.u.bf16.f32 v15  }
0x1e2: {  	v7 =	vadd.f32 v7, v9;
	v6 =	vadd.f32 v6, v8;
	v8 =	vunpack.i.l.bf16.f32 v15;
	v16 =	vld [tilespmem:s22+$0x80]  }
0x1e3: {  	v8 =	vadd.f32 v8, v10;
	v10 =	vadd.f32 v14, v12;
	v9 =	vld [tilespmem:s22+$0x60];
	v12 =	vunpack.i.u.bf16.f32 v13  }
0x1e4: {  	v5 =	vadd.f32 v5, v7;
	v4 =	vadd.f32 v4, v6;
	v6 =	vunpack.i.l.bf16.f32 v13;
	v14 =	vld [tilespmem:s22+$0x40]  }
0x1e5: {  	v6 =	vadd.f32 v6, v8;
	v7 =	vadd.f32 v12, v10;
	v13 =	vld [tilespmem:s22+$0x20];
	v8 =	vunpack.i.u.bf16.f32 v11  }
0x1e6: {  	v3 =	vadd.f32 v3, v5;
	v2 =	vadd.f32 v2, v4;
	v4 =	vunpack.i.l.bf16.f32 v11;
	v15 =	vld [tilespmem:s22+$0x0]  }
0x1e7: {  	v4 =	vadd.f32 v4, v6;
	v5 =	vadd.f32 v8, v7;
	v6 =	vunpack.i.u.bf16.f32 v20;
	v21 =	vld [tilespmem:s22+$0xFFFFFFE0]  }
0x1e8: {  	v18 =	vadd.f32 v1, v3;
	v24 =	vadd.f32 v0, v2;
	v0 =	vunpack.i.l.bf16.f32 v20;
	v32 =	vld [tilespmem:s22+$0xFFFFFFC0]  }
0x1e9: {  	v22 =	vadd.f32 v0, v4;
	v23 =	vadd.f32 v6, v5;
	v25 =	vld [tilespmem:s22+$0xFFFFFFA0]  }
0x1ea: {  	v2 =	vunpack.i.u.bf16.f32 v19;
	v1 =	vunpack.i.l.bf16.f32 v27;
	v0 =	vunpack.i.u.bf16.f32 v27;
	v26 =	vld [tilespmem:s22+$0xFFFFFF80]  }
0x1eb: {  	v3 =	vunpack.i.l.bf16.f32 v19;
	v4 =	vunpack.i.u.bf16.f32 v17;
	v5 =	vunpack.i.l.bf16.f32 v17;
	v27 =	vld [tilespmem:s22+$0xFFFFFF60]  }
.Ltmp25:
0x1ec: {  	v7 =	vunpack.i.l.bf16.f32 v16;
	v8 =	vunpack.i.u.bf16.f32 v9;
	v6 =	vunpack.i.u.bf16.f32 v16;
	v28 =	vld [tilespmem:s22+$0xFFFFFF40];
	(pc) =	sbr.rel @p0 .LBB2_27-.Ltmp25, $4  }
0x1ed: {  	v9 =	vunpack.i.l.bf16.f32 v9;
	v10 =	vunpack.i.u.bf16.f32 v14;
	v11 =	vunpack.i.l.bf16.f32 v14;
	v29 =	vld [tilespmem:s22+$0xFFFFFF20]  }
0x1ee: {  	v12 =	vunpack.i.u.bf16.f32 v13;
	v13 =	vunpack.i.l.bf16.f32 v13;
	v14 =	vunpack.i.u.bf16.f32 v15;
	v30 =	vld [tilespmem:s22+$0xFFFFFF00]  }
0x1ef: {  	v15 =	vunpack.i.l.bf16.f32 v15;
	v16 =	vunpack.i.u.bf16.f32 v21;
	v17 =	vunpack.i.l.bf16.f32 v21;
	v31 =	vld [tilespmem:s22+$0xFFFFFF10]  }
0x1f0: {  	s24 =	sadd.s32 $0xFFFFFFFF, s24;
	v19 =	vunpack.i.u.bf16.f32 v32;
	v20 =	vunpack.i.l.bf16.f32 v32;
	v21 =	vunpack.i.u.bf16.f32 v25  }
.LBB2_28:
0x1f1: {  	v32 =	vld [tilespmem:s22+$0xFFFFFF30];
	v33 =	vunpack.i.u.bf16.f32 v26;
	v49 =	vunpack.i.l.bf16.f32 v26;
	v25 =	vunpack.i.l.bf16.f32 v25  }
0x1f2: {  	v34 =	vunpack.i.u.bf16.f32 v28;
	v35 =	vunpack.i.u.bf16.f32 v27;
	v50 =	vunpack.i.l.bf16.f32 v27  }
0x1f3: {  	v52 =	vunpack.i.l.bf16.f32 v28;
	v37 =	vld [tilespmem:s22+$0xFFFFFF50];
	v36 =	vunpack.i.u.bf16.f32 v29;
	v51 =	vunpack.i.l.bf16.f32 v29  }
0x1f4: {  	v38 =	vunpack.i.u.bf16.f32 v30;
	v53 =	vunpack.i.l.bf16.f32 v30;
	v39 =	vunpack.i.u.bf16.f32 v31  }
0x1f5: {  	v55 =	vld [tilespmem:s22+$0xFFFFFF70];
	v18 =	vadd.f32 v53, v18;
	v24 =	vadd.f32 v38, v24;
	v54 =	vunpack.i.l.bf16.f32 v31  }
0x1f6: {  	v22 =	vadd.f32 v54, v22;
	v23 =	vadd.f32 v39, v23;
	v56 =	vunpack.i.u.bf16.f32 v32  }
0x1f7: {  	v58 =	vld [tilespmem:s22+$0xFFFFFF90];
	v18 =	vadd.f32 v51, v18;
	v24 =	vadd.f32 v36, v24;
	v57 =	vunpack.i.l.bf16.f32 v32  }
0x1f8: {  	v59 =	vunpack.i.u.bf16.f32 v37;
	v22 =	vadd.f32 v57, v22;
	v23 =	vadd.f32 v56, v23  }
0x1f9: {  	v61 =	vld [tilespmem:s22+$0xFFFFFFB0];
	v60 =	vunpack.i.l.bf16.f32 v37;
	v18 =	vadd.f32 v52, v18;
	v24 =	vadd.f32 v34, v24  }
0x1fa: {  	v62 =	vunpack.i.u.bf16.f32 v55;
	v22 =	vadd.f32 v60, v22;
	v23 =	vadd.f32 v59, v23  }
0x1fb: {  	v63 =	vunpack.i.l.bf16.f32 v55;
	v34 =	vld [tilespmem:s22+$0xFFFFFFD0];
	v18 =	vadd.f32 v50, v18;
	v24 =	vadd.f32 v35, v24  }
0x1fc: {  	v36 =	vunpack.i.l.bf16.f32 v58;
	v22 =	vadd.f32 v63, v22;
	v23 =	vadd.f32 v62, v23  }
0x1fd: {  	v37 =	vld [tilespmem:s22+$0xFFFFFFF0];
	v35 =	vunpack.i.u.bf16.f32 v58;
	v18 =	vadd.f32 v49, v18;
	v24 =	vadd.f32 v33, v24  }
0x1fe: {  	v38 =	vunpack.i.u.bf16.f32 v61;
	v22 =	vadd.f32 v36, v22;
	v23 =	vadd.f32 v35, v23  }
0x1ff: {  	v40 =	vld [tilespmem:s22+$0x10];
	v39 =	vunpack.i.l.bf16.f32 v61;
	v18 =	vadd.f32 v25, v18;
	v21 =	vadd.f32 v21, v24  }
0x200: {  	v41 =	vunpack.i.u.bf16.f32 v34;
	v22 =	vadd.f32 v39, v22;
	v23 =	vadd.f32 v38, v23  }
0x201: {  	v42 =	vld [tilespmem:s22+$0x30];
	v18 =	vadd.f32 v20, v18;
	v19 =	vadd.f32 v19, v21;
	v20 =	vunpack.i.l.bf16.f32 v34  }
0x202: {  	v44 =	vunpack.i.u.bf16.f32 v37;
	v20 =	vadd.f32 v20, v22;
	v43 =	vadd.f32 v41, v23  }
0x203: {  	v17 =	vadd.f32 v17, v18;
	v16 =	vadd.f32 v16, v19;
	v18 =	vunpack.i.l.bf16.f32 v37;
	v19 =	vld [tilespmem:s22+$0x50]  }
0x204: {  	v45 =	vunpack.i.u.bf16.f32 v40;
	v18 =	vadd.f32 v18, v20;
	v20 =	vadd.f32 v44, v43  }
0x205: {  	v15 =	vadd.f32 v15, v17;
	v14 =	vadd.f32 v14, v16;
	v16 =	vunpack.i.l.bf16.f32 v40;
	v17 =	vld [tilespmem:s23+$0x70]  }
0x206: {  	v46 =	vunpack.i.l.bf16.f32 v42;
	v16 =	vadd.f32 v16, v18;
	v18 =	vadd.f32 v45, v20  }
0x207: {  	v47 =	vld [tilespmem:s23+$0x90];
	v20 =	vunpack.i.u.bf16.f32 v42;
	v13 =	vadd.f32 v13, v15;
	v12 =	vadd.f32 v12, v14  }
0x208: {  	v14 =	vadd.f32 v46, v16;
	v16 =	vadd.f32 v20, v18;
	v18 =	vunpack.i.u.bf16.f32 v19  }
0x209: {  	v49 =	vld [tilespmem:s23+$0xB0];
	v48 =	vunpack.i.l.bf16.f32 v19;
	v11 =	vadd.f32 v11, v13;
	v10 =	vadd.f32 v10, v12  }
0x20a: {  	v12 =	vadd.f32 v48, v14;
	v50 =	vadd.f32 v18, v16;
	v16 =	vunpack.i.u.bf16.f32 v17  }
0x20b: {  	v52 =	vld [tilespmem:s23+$0xD0];
	v51 =	vunpack.i.l.bf16.f32 v17;
	v9 =	vadd.f32 v9, v11;
	v8 =	vadd.f32 v8, v10  }
0x20c: {  	v54 =	vunpack.i.u.bf16.f32 v47;
	v10 =	vadd.f32 v51, v12;
	v53 =	vadd.f32 v16, v50  }
0x20d: {  	v55 =	vunpack.i.l.bf16.f32 v47;
	v16 =	vld [tilespmem:s23+$0xF0];
	v7 =	vadd.f32 v7, v9;
	v6 =	vadd.f32 v6, v8  }
0x20e: {  	v57 =	vunpack.i.u.bf16.f32 v49;
	v8 =	vadd.f32 v55, v10;
	v56 =	vadd.f32 v54, v53  }
0x20f: {  	v58 =	vunpack.i.l.bf16.f32 v49;
	v5 =	vadd.f32 v5, v7;
	v4 =	vadd.f32 v4, v6  }
.Ltmp26:
0x210: {  	v60 =	vunpack.i.u.bf16.f32 v52;
	v6 =	vadd.f32 v58, v8;
	v59 =	vadd.f32 v57, v56;
	(pc) =	sbr.rel .LBB2_29-.Ltmp26, $4  }
0x211: {  	v61 =	vunpack.i.l.bf16.f32 v52;
	v3 =	vadd.f32 v3, v5;
	v2 =	vadd.f32 v2, v4  }
0x212: {  	v63 =	vunpack.i.u.bf16.f32 v16;
	v4 =	vadd.f32 v61, v6;
	v62 =	vadd.f32 v60, v59  }
0x213: {  	v18 =	vadd.f32 v1, v3;
	v2 =	vadd.f32 v0, v2;
	v0 =	vunpack.i.l.bf16.f32 v16  }
0x214: {  	v1 =	vadd.f32 v0, v4;
	v0 =	vadd.f32 v63, v62  }
.LBB2_31:
0x215: {  	_ =	sfence.sel $0x180000  }
0x216: {  	[bflag:$0x0] =	sbarrier.arrive $0xFFFF  }
0x217: {  	p0 =	sne.s32 s0, $0x0;
	_ =	strace $0x9000004D  }
0x218: {  	s0 =	sadd.s32 @!p0 $0x100000, s1;
	[bflag:$0x2] =	sbarrier.arrive $0xFFFF  }
0x219: {  	[sflag:s0] =	ssyncadd.tile.s32 @!p0 $0x1;
	_ =	shalt  }
.Lfunc_end2:
_tile_overlayer_lowered:
.L_overlay_start_2:
0x21a: {  	(tag) =	ssettag $0x2  }
0x21b: {  	s0 =	rddreg [dreg:$0x0];
	s2 =	stileid.u32  }
0x21c: {  	s1 =	rddreg [dreg:$0x1];
	p0 =	sne.s32 s2, $0x0  }
0x21d: {  	s3 =	rddreg [dreg:$0x2];
	[bflag:$0x3] =	sbarrier.arrive $0xFFFF;
	s2 =	simm.s32 @!p0 $0x1C02  }
0x21e: {  	[timem:s3], [sflag:s2] =	dma.local @!p0 [hbm:s0], s1  }
0x21f: {  	s0 =	simm.s32 @!p0 $0x2  }
0x220: {  	_ =	swait.ge @!p0 [sflag:s0], s1  }
0x221: {  	s1 =	ssub.s32 @!p0 $0x0, s1;
	[sflag:s0] =	ssyncset.done @!p0 $0x0  }
0x222: {  	[sflag:s0] =	ssyncadd.s32 @!p0 s1  }
0x223: {  	[bflag:$0x3] =	sbarrier.arrive $0xFFFF  }
0x224: {  	_ =	shalt  }

// kernel: sparse-core-data-format-call.1.cloned.1.call-start
scs
called_computation.1_lowered:
.L_overlay_start_0:
0x0: {  	s1 =	sld [smem:$0x3FD9]  }
0x1: {  	s2 =	sld [smem:$0x3FFE];
	_ =	sdelay $0x1  }
0x2: {  	s3 =	srdreg.scid  }
0x3: {  	s0 =	sand.u32 $0x1, s3  }
0x4: {  	s17 =	sshll.u32 s0, $0xA;
	s1 =	sadd.s32 s2, s1  }
0x5: {  	s1 =	sadd.s32 s1, s17  }
0x6: {  	[smem:$0x3FBF] =	sst s1  }
0x7: {  	_ = 	snop  }
0x8: {  	(tm) =	ssettm $0x1  }
0x9: {  	s18 =	sld [smem:$0x3FFB];
	_ =	sdelay $0x3  }
0xa: {  	_ =	strace s18  }
0xb: {  	s1 =	sld [smem:$0x3FFC];
	_ =	sdelay $0x3  }
0xc: {  	_ =	strace s1  }
0xd: {  	s1 =	sld [smem:$0x3FFD];
	_ =	sdelay $0x3  }
0xe: {  	_ =	strace s1  }
0xf: {  	_ =	strace $0x8FFFFFFF  }
0x10: {  	s19 =	sld [smem:$0x3FDB];
	_ =	sdelay $0x1  }
0x11: {  	s20 =	simm.s32 $_scs_section_size  }
0x12: {  	s4 =	simm.s32 $_size__tile_overlayer_lowered;
	s5 =	simm.s32 $_tile_overlayer_lowered  }
0x13: {  	s23 =	simm.s32 $0x1BFF;
	s22 =	sshll.u32 s5, $0x1;
	s1 =	sadd.s32 s20, s19  }
0x14: {  	s6 =	simm.s32 $0x0;
	s21 =	sshll.u32 s4, $0x1;
	s4 =	sadd.s32 s22, s1  }
0x15: {  	[timem:s6], [sflag:s23] =	dma.local [hbm:s4], s21  }
0x16: {  	_ =	swait.ge [sflag:s23], s21  }
0x17: {  	s2 =	ssub.s32 $0x0, s21;
	[sflag:s23] =	ssyncset.done $0x0  }
0x18: {  	[sflag:s23] =	ssyncadd.s32 s2;
	_ =	sdelay $0x1  }
0x19: {  	s24 =	simm.s32 $0x1B8B  }
0x1a: {  	_ =	swait.ge [sflag:s24], $0x1  }
0x1b: {  	[sflag:s24] =	ssyncset.done $0x0  }
0x1c: {  	s26 =	simm.s32 $0x1B8E;
	s25 =	sld [smem:$0x3FFE];
	[sflag:s24] =	ssyncadd.s32 $0xFFFFFFFF  }
0x1d: {  	s27 =	simm.s32 $execute0_lowered;
	[smem:$0x3FD2] =	sst s26  }
0x1e: {  	s4 =	sshll.u32 s27, $0x1;
	_ =	strace $0x80000046;
	[dreg:$0x1] =	wrdreg $0xFFFFFFFF  }
0x1f: {  	s28 =	simm.s32 $_size_execute0_lowered;
	s1 =	sadd.s32 s1, s4;
	[dreg:$0x0] =	wrdreg $0x0  }
0x20: {  	s4 =	sshll.u32 s28, $0x1;
	[dreg:$0x2] =	wrdreg s1  }
0x21: {  	[dreg:$0x3] =	wrdreg s4  }
0x22: {  	[dreg:$0x4] =	wrdreg $0xC0  }
0x23: {  	_ =	task [dreg:s6], $0x5FFFF  }
0x24: {  	[dreg:$0x1] =	wrdreg $0xFFFFFFFF  }
0x25: {  	[dreg:$0x0] =	wrdreg $0x60  }
0x26: {  	[dreg:$0x2] =	wrdreg s25  }
0x27: {  	[dreg:$0x3] =	wrdreg $0x9  }
0x28: {  	_ =	task.clear_ibuf [dreg:s6], $0x4FFFF;
	_ =	strace $0x90000046  }
0x29: {  	s29 =	simm.s32 $0x9;
	_ =	strace $0x80000048  }
0x2a: {  	_ =	swait.ge [sflag:s29], $0x1  }
0x2b: {  	[sflag:s29] =	ssyncadd.s32 $0xFFFFFFFF  }
0x2c: {  	_ =	strace $0x90000048  }
0x2d: {  	_ =	sfence  }
0x2e: {  	s30 =	sld [smem:$0x0];
	_ =	sdelay $0x2  }
0x2f: {  	s31 =	sshll.u32 s3, $0xD;
	s3 =	sshrl.u32 s3, $0x2  }
0x30: {  	s2 =	sand.u32 $0x4000, s31;
	s1 =	sadd.s32 s3, s30  }
0x31: {  	s0 =	sor.u32 s2, s0;
	s1 =	sshll.u32 s1, $0x11  }
0x32: {  	s0 =	sor.u32 s1, s0  }
0x33: {  	s0 =	sadd.s32 $0x8F2B, s0  }
0x34: {  	[sflag:s0] =	ssyncadd.remote.s32 $0x1  }
0x35: {  	_ =	sfence.sel $0xFFFF  }
0x36: {  	[dreg:$0x0] =	wrdreg $0xFFFFFFFF;
	(pc) =	sbr.abs _section_cstart, $3  }
0x37: {  	[dreg:$0x1] =	wrdreg $0xFFFFFFFF  }
0x38: {  	_ =	task.clear_ibuf [dreg:s6], $0x2FFFF;
	_ =	strace $0x9FFFFFFF  }
0x39: {  	(tm) =	ssettm $0x7FFFFFFF  }
tec
execute0_lowered:
.L_overlay_start_1:
0x0: {  	(tag) =	ssettag $0x1  }
0x1: {  	s0 =	srdreg.scid  }
0x2: {  	s5 =	rddreg [dreg:$0x0];
	s1 =	stileid.u32;
	s4 =	simm.s32 $0x1  }
0x3: {  	s6 =	simm.s32 $0x2;
	s15 =	simm.s32 $0x0;
	p0 =	por $0x0, $0x0  }
0x4: {  	s8 =	simm.s32 $0x80;
	s14 =	simm.s32 $0x0;
	s2 =	sshll.u32 s0, $0x4  }
0x5: {  	s9 =	simm.s32 $0x0;
	s10 =	simm.s32 $0x0;
	s2 =	sand.u32 $0x10, s2  }
.Ltmp0:
0x6: {  	s12 =	simm.s32 $0x0;
	s3 =	sor.u32 s1, s2;
	(pc) =	sbr.rel .LBB1_1-.Ltmp0, $4  }
0x7: {  	s0 =	rddreg [dreg:$0x1];
	_ =	strace $0x80000047;
	s3 =	sshll.u32 s3, $0x7  }
0x8: {  	s13 =	simm.s32 $0x0;
	[sflag:s4] =	ssyncpa.u1 $0x0;
	s7 =	ssub.s32 $0xF4200, s3  }
0x9: {  	s2 =	sadd.s32 $0x1E00, s5;
	[sflag:s6] =	ssyncpa.u1 $0x0;
	s6 =	sshrl.u32 s7, $0xC  }
0xa: {  	s5 =	sadd.s32 $0x3D2800, s5;
	s11 =	smov.u32 s3;
	s7 =	sadd.s32 $0x2, s6  }
.LBB1_5:
0xb: {  	p1 =	slt.u32 s13, $0x2  }
0xc: {  	s17 =	smov.u32 s15;
	p2 =	sgt.s32 @!p1 s15, $0xF41C0;
	s16 =	sshra.s32 @!p1 s15, $0x1F  }
0xd: {  	p3 =	sgt.s32 @!p1 s14, $0x40;
	s18 =	sshra.s32 @!p1 s14, $0x1F;
	p2 =	por !p2, p1  }
0xe: {  	s15 =	sand.u32 @!p1 s16, s15;
	p3 =	por !p3, p1;
	s16 =	smov.u32 s14  }
0xf: {  	s14 =	sand.u32 @!p1 s18, s14;
	s17 =	simm.s32 @p2 $0xF41C0;
	s16 =	simm.s32 @p3 $0x40  }
0x10: {  	s15 =	ssub.s32 @!p1 s17, s15;
	s14 =	ssub.s32 @!p1 s16, s14  }
0x11: {  	s18 =	smov.u32 s12;
	s16 =	sadd.s32 @!p1 $0xFFF0BE40, s15;
	s17 =	sadd.s32 @!p1 $0xFFFFFFC0, s14  }
0x12: {  	s15 =	ssub.s32 @!p1 $0xF4240, s15;
	p2 =	sgt.s32 @!p1 s16, $0x7F;
	p3 =	sgt.s32 @!p1 s17, $0x3F  }
0x13: {  	s14 =	ssub.s32 @!p1 $0x80, s14;
	p2 =	por !p2, p1;
	p3 =	por !p3, p1  }
0x14: {  	s16 =	sadd.s32 $0x1000, s11;
	s15 =	simm.s32 @!p2 $0x0;
	s14 =	simm.s32 @!p3 $0x0  }
0x15: {  	p2 =	sgt.s32 s16, $0xF423F;
	s14 =	smul.u32 @!p1 s14, s15;
	s15 =	sadd.s32 $0x40, s12  }
0x16: {  	s18 =	smov.u32 @p2 s15  }
0x17: {  	s16 =	smov.u32 @p2 s3;
	p2 =	sgt.s32 s18, $0x3F  }
0x18: {  	p0 =	por !p0, !p0;
	s18 =	simm.s32 @p2 $0x0;
	p2 =	sne.s32 s13, s7  }
.Ltmp1:
0x19: {  	s17 =	simm.s32 @!p1 $0x2;
	s14 =	sshrl.u32 @!p1 s14, $0x1;
	(pc) =	sbr.rel @!p2 .LBB1_6-.Ltmp1, $4  }
0x1a: {  	s15 =	smov.u32 s9;
	s9 =	smov.u32 s11;
	s14 =	sand.u32 @!p1 $0x3FFFFFFF, s14  }
0x1b: {  	s11 =	smov.u32 s16;
	s13 =	sadd.s32 $0x1, s13;
	_ =	swait.ge @!p1 [sflag:s17], s14  }
0x1c: {  	s19 =	ssub.s32 @!p1 $0x0, s14;
	s14 =	smov.u32 s10;
	[sflag:s17] =	ssyncset.done @!p1 $0x0  }
0x1d: {  	s10 =	smov.u32 s12;
	s12 =	smov.u32 s18;
	[sflag:s17] =	ssyncadd.s32 @!p1 s19  }
.LBB1_1:
0x1e: {  	p1 =	sgt.u32 s13, s6  }
0x1f: {  	s16 =	sshrl.u32 @!p1 s12, $0x4  }
0x20: {  	s17 =	sshll.u32 @!p1 s11, $0x4;
	s16 =	smul.u32 @!p1 $0xF42800, s16  }
0x21: {  	s18 =	sshll.u32 @!p1 s12, $0x7;
	s17 =	sand.u32 @!p1 $0xFFFFF800, s17  }
0x22: {  	s16 =	sadd.s32 @!p1 s16, s17;
	s17 =	sand.u32 @!p1 $0x700, s18;
	s18 =	sshll.u32 @!p1 s11, $0x1  }
0x23: {  	s16 =	sor.u32 @!p1 s17, s16;
	s17 =	sand.u32 @!p1 $0xFE, s18  }
0x24: {  	s18 =	sand.u32 @!p1 $0x1, s12;
	s16 =	sor.u32 @!p1 s17, s16  }
0x25: {  	s17 =	sor.u32 @!p1 s18, s16  }
0x26: {  	s18 =	smulhi.u32 @!p1 $0x218D6287, s17;
	_ =	sdelay $0x1  }
0x27: {  	s16 =	smulhi.u32 @!p1 $0x218D6287, s16;
	s18 =	sshrl.u32 @!p1 s18, $0x11  }
0x28: {  	s18 =	smul.u32 @!p1 $0xF4280, s18  }
0x29: {  	s16 =	sshrl.u32 @!p1 s16, $0x11  }
0x2a: {  	s16 =	sand.u32 @!p1 $0x3F, s16;
	s17 =	ssub.s32 @!p1 s17, s18  }
0x2b: {  	s16 =	smul.u32 @!p1 $0xF428, s16;
	s18 =	sshrl.u32 @!p1 s17, $0x4  }
0x2c: {  	s19 =	sxor.u32 @!p1 $0xFFFFFFFF, s13;
	s17 =	sshll.u32 @!p1 s17, $0x11;
	s18 =	sadd.s32 @!p1 s2, s18  }
0x2d: {  	s17 =	sand.u32 @!p1 $0x1C0000, s17;
	s16 =	sadd.s32 @!p1 s16, s18;
	s18 =	sshll.u32 @!p1 s19, $0xC  }
0x2e: {  	s17 =	sor.u32 @!p1 $0x400, s17;
	s19 =	simm.s32 @!p1 $0x7A1400;
	s18 =	sand.u32 @!p1 $0x1000, s18  }
0x2f: {  	[tilespmem:s18], [sflag:$0x1] =	stream.strided.gather @!p1 [hbm4b:s16+s17], $0x1000, s19, s17, $0x38;
	[tilespmem:$0x4080] =	vst v63  }
0x30: {  	p1 =	seq.s32 s13, $0x0  }
0x31: {  	p2 =	sge.u32 @!p1 s13, s7  }
0x32: {  	p1 =	por p1, p2  }
.Ltmp2:
0x33: {  	_ = 	snop;
	(pc) =	sbr.rel @p1 .LBB1_5-.Ltmp2, $1  }
0x34: {  	_ =	sdelay $0x3  }
0x35: {  	s16 =	simm.s32 $0x1  }
0x36: {  	_ =	swait.ge [sflag:s4], $0x1000;
	s16 =	simm.s32 @!p0 $0x0  }
0x37: {  	[sflag:s4] =	ssyncset.done $0x0;
	s16 =	sshll.u32 s16, $0xC  }
0x38: {  	[sflag:s4] =	ssyncadd.s32 $0xFFFFF000;
	s16 =	sor.u32 $0x40, s16  }
0x39: {  	v0 =	vld [tilespmem:s16+$0x20]  }
0x3a: {  	v1 =	vld [tilespmem:s16+$0x30]  }
0x3b: {  	v2 =	vld [tilespmem:s16+$0xFFFFFFD0]  }
0x3c: {  	v5 =	vld [tilespmem:s16+$0x0]  }
0x3d: {  	v6 =	vld [tilespmem:s16+$0x10]  }
0x3e: {  	s17 =	sand.u32 $0x1, s13;
	v3 =	vld [tilespmem:s16+$0xFFFFFFE0]  }
0x3f: {  	s17 =	smul.u32 $0x4100, s17;
	v4 =	vld [tilespmem:s16+$0xFFFFFFF0]  }
0x40: {  	s18 =	simm.s32 $0x0;
	v1 =	vperm.xlane.i2c.b16 v1  }
0x41: {  	s19 =	sand.u32 $0x3C, s18;
	s17 =	sshrl.u32 s17, $0x2;
	v8 =	vld [tilespmem:s16+$0xFFFFFFC0];
	s20 =	sadd.s32 $0x80, s16;
	v7 =	vperm.xlane.i2c.b16 v0;
	v0 =	vperm.xlane.i2c.b16 v2  }
0x42: {  	s30 =	sand.u32 $0x40, s18;
	s31 =	sshrl.u32 s19, $0x1;
	s16 =	sor.u32 $0x2000, s17;
	v11 =	vld [tilespmem:s20+$0x30];
	v10 =	vperm.xlane.i2c.b16 v5;
	v13 =	vperm.xlane.i2c.b16 v6  }
0x43: {  	s17 =	sshrl.u32 s30, $0x1;
	s18 =	sadd.s32 s31, s16;
	v2 =	vld [tilespmem:s20+$0x20];
	v3 =	vperm.xlane.i2c.b16 v3;
	v9 =	vcombine.low v7, v1  }
0x44: {  	v12 =	vld [tilespmem:s20+$0xFFFFFFD0];
	s17 =	sadd.s32 s17, s18;
	v4 =	vperm.xlane.i2c.b16 v4;
	v14 =	vcombine.low v10, v13  }
0x45: {  	v1 =	vcombine.high v7, v1;
	v7 =	vld [tilespmem:s20+$0xFFFFFFE0];
	[tilespmem:s17+$0xC30 ss:$0x41] =	vst.msk $0xffff, v9  }
0x46: {  	v6 =	vld [tilespmem:s20+$0xFFFFFFF0];
	v5 =	vperm.xlane.i2c.b16 v8;
	v9 =	vcombine.low v3, v4;
	[tilespmem:s17+$0x820 ss:$0x41] =	vst.msk $0xffff, v14  }
0x47: {  	s18 =	simm.s32 $0x4;
	v8 =	vperm.xlane.i2c.b16 v11;
	[tilespmem:s17+$0xC31 ss:$0x41] =	vst.msk $0xffff, v1;
	v1 =	vcombine.high v3, v4;
	v4 =	vld [tilespmem:s20+$0x0]  }
0x48: {  	s19 =	simm.s32 $0x2;
	s22 =	sand.u32 $0x3C, s18;
	v10 =	vcombine.high v10, v13;
	v3 =	vld [tilespmem:s20+$0x10];
	[tilespmem:s17+$0x410 ss:$0x41] =	vst.msk $0xffff, v9;
	v9 =	vperm.xlane.i2c.b16 v2  }
0x49: {  	s21 =	sand.u32 $0x40, s18;
	s22 =	sshrl.u32 s22, $0x1;
	v11 =	vcombine.low v5, v0;
	v2 =	vld [tilespmem:s20+$0xFFFFFFC0];
	s20 =	sadd.s32 $0x80, s20;
	[tilespmem:s17+$0x411 ss:$0x41] =	vst.msk $0xffff, v1;
	v1 =	vperm.xlane.i2c.b16 v12  }
.LBB1_3:
0x4a: {  	v12 =	vld [tilespmem:s20+$0x20];
	s22 =	sadd.s32 s22, s16;
	s21 =	sshrl.u32 s21, $0x1;
	v13 =	vperm.xlane.i2c.b16 v7;
	v7 =	vcombine.low v9, v8;
	[tilespmem:s17+$0x821 ss:$0x41] =	vst.msk $0xffff, v10  }
0x4b: {  	s19 =	sadd.s32 $0x2, s19;
	v14 =	vld [tilespmem:s20+$0x30];
	s21 =	sadd.s32 s21, s22;
	v10 =	vperm.xlane.i2c.b16 v6;
	v6 =	vcombine.high v9, v8;
	[tilespmem:s17+$0x0 ss:$0x41] =	vst.msk $0xffff, v11  }
0x4c: {  	p1 =	slt.u32 s19, $0x3E;
	v11 =	vld [tilespmem:s20+$0xFFFFFFD0];
	v8 =	vperm.xlane.i2c.b16 v4;
	[tilespmem:s21+$0xC30 ss:$0x41] =	vst.msk $0xffff, v7;
	v4 =	vcombine.high v5, v0;
	v0 =	vmov v1  }
.Ltmp3:
0x4d: {  	v7 =	vld [tilespmem:s20+$0xFFFFFFE0];
	v1 =	vcombine.low v13, v10;
	v3 =	vperm.xlane.i2c.b16 v3;
	[tilespmem:s21+$0xC31 ss:$0x41] =	vst.msk $0xffff, v6;
	(pc) =	sbr.rel @p1 .LBB1_3-.Ltmp3, $4  }
0x4e: {  	v6 =	vld [tilespmem:s20+$0xFFFFFFF0];
	v5 =	vperm.xlane.i2c.b16 v2;
	v2 =	vcombine.high v13, v10;
	[tilespmem:s17+$0x1 ss:$0x41] =	vst.msk $0xffff, v4;
	s17 =	smov.u32 s21  }
0x4f: {  	s18 =	sadd.s32 $0x4, s18;
	v4 =	vld [tilespmem:s20+$0x0];
	[tilespmem:s17+$0x410 ss:$0x41] =	vst.msk $0xffff, v1;
	v13 =	vcombine.low v8, v3;
	v10 =	vcombine.high v8, v3  }
0x50: {  	s22 =	sand.u32 $0x3C, s18;
	v9 =	vperm.xlane.i2c.b16 v12;
	v3 =	vld [tilespmem:s20+$0x10];
	v8 =	vperm.xlane.i2c.b16 v14;
	[tilespmem:s17+$0x411 ss:$0x41] =	vst.msk $0xffff, v2  }
0x51: {  	s22 =	sshrl.u32 s22, $0x1;
	s21 =	sand.u32 $0x40, s18;
	v2 =	vld [tilespmem:s20+$0xFFFFFFC0];
	v1 =	vperm.xlane.i2c.b16 v11;
	s20 =	sadd.s32 $0x80, s20;
	v11 =	vcombine.low v5, v0;
	[tilespmem:s17+$0x820 ss:$0x41] =	vst.msk $0xffff, v13  }
0x52: {  	s18 =	sadd.s32 s22, s16;
	s19 =	sshll.u32 s9, $0x7;
	s20 =	sshll.u32 s10, $0x4  }
0x53: {  	s21 =	sshrl.u32 s21, $0x1;
	s24 =	sshll.u32 s10, $0x1;
	p1 =	sgt.s32 s9, $0xF41C0  }
0x54: {  	s22 =	smov.u32 s9;
	s26 =	sshra.s32 s9, $0x1F;
	s23 =	sand.u32 $0xFFFFF800, s19  }
0x55: {  	s20 =	sand.u32 $0xFFFFF800, s20;
	s19 =	sand.u32 $0x700, s19;
	s25 =	sand.u32 $0x80, s24  }
0x56: {  	s18 =	sadd.s32 s21, s18;
	s22 =	simm.s32 @!p1 $0xF41C0;
	p1 =	sgt.s32 s10, $0x40  }
0x57: {  	s21 =	smov.u32 s10;
	s20 =	sadd.s32 s20, s23;
	s23 =	sshra.s32 s10, $0x1F  }
0x58: {  	s21 =	simm.s32 @!p1 $0x40;
	s19 =	sor.u32 s19, s20;
	s20 =	sand.u32 s26, s9  }
0x59: {  	v7 =	vperm.xlane.i2c.b16 v7;
	[tilespmem:s17+$0x821 ss:$0x41] =	vst.msk $0xffff, v10;
	v0 =	vcombine.high v5, v0;
	s23 =	sand.u32 s23, s10;
	s19 =	sor.u32 s25, s19;
	s20 =	ssub.s32 s22, s20  }
0x5a: {  	v57 =	vcombine.low v9, v8;
	v6 =	vperm.xlane.i2c.b16 v6;
	[tilespmem:s17+$0x0 ss:$0x41] =	vst.msk $0xffff, v11;
	s21 =	ssub.s32 s21, s23;
	s19 =	sshrl.u32 s19, $0x7;
	s22 =	sadd.s32 $0xFFF0BE40, s20  }
0x5b: {  	v58 =	vcombine.high v9, v8;
	v4 =	vperm.xlane.i2c.b16 v4;
	[tilespmem:s17+$0x1 ss:$0x41] =	vst.msk $0xffff, v0;
	s23 =	sadd.s32 $0xFFFFFFC0, s21;
	s20 =	ssub.s32 $0xF4240, s20;
	s21 =	ssub.s32 $0x80, s21  }
0x5c: {  	[tilespmem:s18+$0xC30 ss:$0x41] =	vst.msk $0xffff, v57;
	v59 =	vcombine.low v7, v6;
	v3 =	vperm.xlane.i2c.b16 v3;
	s27 =	smulhi.u32 $0x218DEF5, s19;
	p1 =	sgt.s32 s22, $0x7F;
	p2 =	sgt.s32 s23, $0x3F  }
0x5d: {  	[tilespmem:s18+$0xC31 ss:$0x41] =	vst.msk $0xffff, v58;
	v60 =	vcombine.high v7, v6;
	s20 =	simm.s32 @p1 $0x0;
	s21 =	simm.s32 @p2 $0x0  }
0x5e: {  	v2 =	vperm.xlane.i2c.b16 v2;
	[tilespmem:s18+$0x410 ss:$0x41] =	vst.msk $0xffff, v59;
	v61 =	vcombine.low v4, v3;
	s17 =	sshrl.u32 s27, $0xD;
	s20 =	smul.u32 s21, s20  }
0x5f: {  	v3 =	vcombine.high v4, v3;
	[tilespmem:s18+$0x411 ss:$0x41] =	vst.msk $0xffff, v60;
	s17 =	smul.u32 $0xF4240, s17  }
.Ltmp4:
0x60: {  	s28 =	sshrl.u32 s10, $0x3;
	s29 =	sand.u32 $0x7, s10;
	v62 =	vcombine.low v2, v1;
	[tilespmem:s18+$0x820 ss:$0x41] =	vst.msk $0xffff, v61;
	(pc) =	sbr.rel .LBB1_5-.Ltmp4, $4  }
0x61: {  	v63 =	vcombine.high v2, v1;
	[tilespmem:s18+$0x821 ss:$0x41] =	vst.msk $0xffff, v3;
	s21 =	sshll.u32 s29, $0x12;
	s17 =	ssub.s32 s19, s17;
	s19 =	sand.u32 $0x7, s28  }
0x62: {  	[tilespmem:s18+$0x0 ss:$0x41] =	vst.msk $0xffff, v62;
	s20 =	sshrl.u32 s20, $0x1;
	s17 =	sshll.u32 s17, $0x3;
	s19 =	sadd.s32 s5, s19  }
0x63: {  	[tilespmem:s18+$0x1 ss:$0x41] =	vst.msk $0xffff, v63;
	s31 =	sor.u32 $0x40, s21;
	s30 =	sand.u32 $0x3FFFFFFF, s20;
	s17 =	sadd.s32 s17, s19  }
0x64: {  	[hbm4b:s17+s31] =	stream.strided.scatter [tilespmem:s16], [sflag:$0x2], s30, s8, s31, $0x18;
	[tilespmem:$0x4080] =	vst v63  }
.LBB1_6:
0x65: {  	_ =	sfence.sel $0x180000  }
0x66: {  	s2 =	simm.s32 $0x1;
	[bflag:$0x0] =	sbarrier.arrive $0xFFFF  }
0x67: {  	s31 =	simm.s32 $0x2;
	[sflag:s2] =	ssyncpa.u1 $0x1  }
0x68: {  	[sflag:s31] =	ssyncpa.u1 $0x1  }
0x69: {  	p0 =	sne.s32 s1, $0x0;
	_ =	strace $0x90000047  }
0x6a: {  	s0 =	sadd.s32 @!p0 $0x100000, s0;
	[bflag:$0x2] =	sbarrier.arrive $0xFFFF  }
0x6b: {  	[sflag:s0] =	ssyncadd.tile.s32 @!p0 $0x1;
	_ =	shalt  }
.Lfunc_end1:
_tile_overlayer_lowered:
.L_overlay_start_2:
0x6c: {  	(tag) =	ssettag $0x2  }
0x6d: {  	s0 =	rddreg [dreg:$0x0];
	s2 =	stileid.u32  }
0x6e: {  	s1 =	rddreg [dreg:$0x1];
	p0 =	sne.s32 s2, $0x0  }
0x6f: {  	s3 =	rddreg [dreg:$0x2];
	[bflag:$0x3] =	sbarrier.arrive $0xFFFF;
	s2 =	simm.s32 @!p0 $0x1C01  }
0x70: {  	[timem:s3], [sflag:s2] =	dma.local @!p0 [hbm:s0], s1  }
0x71: {  	s0 =	simm.s32 @!p0 $0x1  }
0x72: {  	_ =	swait.ge @!p0 [sflag:s0], s1  }
0x73: {  	s1 =	ssub.s32 @!p0 $0x0, s1;
	[sflag:s0] =	ssyncset.done @!p0 $0x0  }
0x74: {  	[sflag:s0] =	ssyncadd.s32 @!p0 s1  }
0x75: {  	[bflag:$0x3] =	sbarrier.arrive $0xFFFF  }
0x76: {  	_ =	shalt  }

// kernel: sparse-core-data-format-call.cloned.1.call-start
scs
called_computation_lowered:
.L_overlay_start_0:
0x0: {  	s1 =	sld [smem:$0x3FD9]  }
0x1: {  	s2 =	sld [smem:$0x3FFE];
	_ =	sdelay $0x1  }
0x2: {  	s3 =	srdreg.scid  }
0x3: {  	s0 =	sand.u32 $0x1, s3  }
0x4: {  	s17 =	sshll.u32 s0, $0xA;
	s1 =	sadd.s32 s2, s1  }
0x5: {  	s1 =	sadd.s32 s1, s17  }
0x6: {  	[smem:$0x3FBF] =	sst s1  }
0x7: {  	_ = 	snop  }
0x8: {  	(tm) =	ssettm $0x1  }
0x9: {  	s18 =	sld [smem:$0x3FFB];
	_ =	sdelay $0x3  }
0xa: {  	_ =	strace s18  }
0xb: {  	s1 =	sld [smem:$0x3FFC];
	_ =	sdelay $0x3  }
0xc: {  	_ =	strace s1  }
0xd: {  	s1 =	sld [smem:$0x3FFD];
	_ =	sdelay $0x3  }
0xe: {  	_ =	strace s1  }
0xf: {  	_ =	strace $0x8FFFFFFF  }
0x10: {  	s19 =	sld [smem:$0x3FDB];
	_ =	sdelay $0x1  }
0x11: {  	s20 =	simm.s32 $_scs_section_size  }
0x12: {  	s4 =	simm.s32 $_size__tile_overlayer_lowered;
	s5 =	simm.s32 $_tile_overlayer_lowered  }
0x13: {  	s23 =	simm.s32 $0x1BFF;
	s22 =	sshll.u32 s5, $0x1;
	s1 =	sadd.s32 s20, s19  }
0x14: {  	s6 =	simm.s32 $0x0;
	s21 =	sshll.u32 s4, $0x1;
	s4 =	sadd.s32 s22, s1  }
0x15: {  	[timem:s6], [sflag:s23] =	dma.local [hbm:s4], s21  }
0x16: {  	_ =	swait.ge [sflag:s23], s21  }
0x17: {  	s2 =	ssub.s32 $0x0, s21;
	[sflag:s23] =	ssyncset.done $0x0  }
0x18: {  	[sflag:s23] =	ssyncadd.s32 s2;
	_ =	sdelay $0x1  }
0x19: {  	s24 =	simm.s32 $0x1B8B  }
0x1a: {  	_ =	swait.ge [sflag:s24], $0x1  }
0x1b: {  	[sflag:s24] =	ssyncset.done $0x0  }
0x1c: {  	s26 =	simm.s32 $0x1B8E;
	s25 =	sld [smem:$0x3FFE];
	[sflag:s24] =	ssyncadd.s32 $0xFFFFFFFF  }
0x1d: {  	s27 =	simm.s32 $execute0_lowered;
	[smem:$0x3FD2] =	sst s26  }
0x1e: {  	s4 =	sshll.u32 s27, $0x1;
	_ =	strace $0x80000049;
	[dreg:$0x1] =	wrdreg $0xFFFFFFFF  }
0x1f: {  	s28 =	simm.s32 $_size_execute0_lowered;
	s1 =	sadd.s32 s1, s4;
	[dreg:$0x0] =	wrdreg $0x0  }
0x20: {  	s4 =	sshll.u32 s28, $0x1;
	[dreg:$0x2] =	wrdreg s1  }
0x21: {  	[dreg:$0x3] =	wrdreg s4  }
0x22: {  	[dreg:$0x4] =	wrdreg $0xC0  }
0x23: {  	_ =	task [dreg:s6], $0x5FFFF  }
0x24: {  	[dreg:$0x1] =	wrdreg $0xFFFFFFFF  }
0x25: {  	[dreg:$0x0] =	wrdreg $0x60  }
0x26: {  	[dreg:$0x2] =	wrdreg s25  }
0x27: {  	[dreg:$0x3] =	wrdreg $0x9  }
0x28: {  	_ =	task.clear_ibuf [dreg:s6], $0x4FFFF;
	_ =	strace $0x90000049  }
0x29: {  	s29 =	simm.s32 $0x9;
	_ =	strace $0x8000004B  }
0x2a: {  	_ =	swait.ge [sflag:s29], $0x1  }
0x2b: {  	[sflag:s29] =	ssyncadd.s32 $0xFFFFFFFF  }
0x2c: {  	_ =	strace $0x9000004B  }
0x2d: {  	_ =	sfence  }
0x2e: {  	s30 =	sld [smem:$0x0];
	_ =	sdelay $0x2  }
0x2f: {  	s31 =	sshll.u32 s3, $0xD;
	s3 =	sshrl.u32 s3, $0x2  }
0x30: {  	s2 =	sand.u32 $0x4000, s31;
	s1 =	sadd.s32 s3, s30  }
0x31: {  	s0 =	sor.u32 s2, s0;
	s1 =	sshll.u32 s1, $0x11  }
0x32: {  	s0 =	sor.u32 s1, s0  }
0x33: {  	s0 =	sadd.s32 $0x8F2B, s0  }
0x34: {  	[sflag:s0] =	ssyncadd.remote.s32 $0x1  }
0x35: {  	_ =	sfence.sel $0xFFFF  }
0x36: {  	[dreg:$0x0] =	wrdreg $0xFFFFFFFF;
	(pc) =	sbr.abs _section_cstart, $3  }
0x37: {  	[dreg:$0x1] =	wrdreg $0xFFFFFFFF  }
0x38: {  	_ =	task.clear_ibuf [dreg:s6], $0x2FFFF;
	_ =	strace $0x9FFFFFFF  }
0x39: {  	(tm) =	ssettm $0x7FFFFFFF  }
tec
execute0_lowered:
.L_overlay_start_1:
0x0: {  	(tag) =	ssettag $0x1  }
0x1: {  	s0 =	srdreg.scid  }
0x2: {  	s5 =	rddreg [dreg:$0x0];
	s1 =	stileid.u32;
	s4 =	simm.s32 $0x1  }
0x3: {  	s6 =	simm.s32 $0x2;
	s8 =	simm.s32 $0x0;
	s2 =	sshll.u32 s0, $0x4  }
0x4: {  	s9 =	simm.s32 $0x0;
	s13 =	simm.s32 $0x0;
	s2 =	sand.u32 $0x10, s2  }
.Ltmp0:
0x5: {  	s10 =	simm.s32 $0x0;
	s3 =	sor.u32 s1, s2;
	(pc) =	sbr.rel .LBB1_1-.Ltmp0, $4  }
0x6: {  	s0 =	rddreg [dreg:$0x1];
	_ =	strace $0x8000004A;
	s3 =	sshll.u32 s3, $0x4  }
0x7: {  	s12 =	simm.s32 $0x0;
	[sflag:s4] =	ssyncpa.u1 $0x0;
	s7 =	ssub.s32 $0x7A10, s3  }
0x8: {  	s2 =	sadd.s32 $0x3D2800, s5;
	[sflag:s6] =	ssyncpa.u1 $0x0;
	s6 =	sshrl.u32 s7, $0x9  }
0x9: {  	s5 =	sadd.s32 $0x1E00, s5;
	s11 =	smov.u32 s3;
	s7 =	sor.u32 $0x2, s6  }
.LBB1_7:
0xa: {  	s15 =	sshll.u32 s12, $0xF  }
0xb: {  	s15 =	sand.u32 $0x8000, s15  }
0xc: {  	s16 =	sshll.u32 s10, $0x7;
	s15 =	sshrl.u32 s15, $0x1  }
0xd: {  	s16 =	sadd.s32 s5, s16;
	s15 =	sor.u32 $0x8000, s15  }
0xe: {  	[hbm4b:s16+s8] =	stream.linear.scatter [tilespmem:s15], [sflag:$0x2], s14, $0x38;
	[tilespmem:$0x10000] =	vst v63  }
.LBB1_8:
0xf: {  	p0 =	slt.u32 s12, $0x2  }
0x10: {  	p1 =	sgt.s32 @!p0 s13, $0x7A02  }
0x11: {  	s14 =	smov.u32 s13;
	s15 =	sshra.s32 @!p0 s13, $0x1F;
	p1 =	por !p1, p0  }
0x12: {  	s13 =	sand.u32 @!p0 s15, s13;
	s14 =	simm.s32 @p1 $0x7A02  }
0x13: {  	s13 =	ssub.s32 @!p0 s14, s13  }
0x14: {  	s13 =	sadd.s32 @!p0 $0xFFFF85FE, s13  }
0x15: {  	s14 =	sshll.u32 @!p0 s13, $0xC  }
0x16: {  	p1 =	sgt.s32 @!p0 s13, $0xF;
	s13 =	ssub.s32 @!p0 $0x10000, s14  }
0x17: {  	s15 =	sadd.s32 $0x200, s11;
	p1 =	por !p1, p0;
	s13 =	sshrl.u32 @!p0 s13, $0x2  }
0x18: {  	s13 =	simm.s32 @!p1 $0x0;
	p1 =	sgt.s32 s15, $0x7A11  }
0x19: {  	s15 =	smov.u32 @p1 s3;
	p1 =	sne.s32 s12, s7  }
.Ltmp1:
0x1a: {  	_ = 	snop;
	(pc) =	sbr.rel @!p1 .LBB1_9-.Ltmp1, $4  }
0x1b: {  	s14 =	simm.s32 @!p0 $0x2  }
0x1c: {  	s9 =	sadd.s32 $0x8000, s9;
	_ =	swait.ge @!p0 [sflag:s14], s13;
	s16 =	ssub.s32 @!p0 $0x0, s13  }
0x1d: {  	s13 =	smov.u32 s10;
	s12 =	sadd.s32 $0x1, s12;
	[sflag:s14] =	ssyncset.done @!p0 $0x0  }
0x1e: {  	s10 =	smov.u32 s11;
	s11 =	smov.u32 s15;
	[sflag:s14] =	ssyncadd.s32 @!p0 s16  }
.LBB1_1:
0x1f: {  	p0 =	sgt.u32 s12, s6  }
0x20: {  	p1 =	sgt.s32 @!p0 s11, $0x7A02  }
0x21: {  	s14 =	smov.u32 s11;
	s15 =	sshra.s32 @!p0 s11, $0x1F;
	p1 =	por !p1, p0  }
0x22: {  	s15 =	sand.u32 @!p0 s15, s11;
	s14 =	simm.s32 @p1 $0x7A02  }
0x23: {  	s14 =	ssub.s32 @!p0 s14, s15  }
0x24: {  	s14 =	sadd.s32 @!p0 $0xFFFF85FE, s14  }
0x25: {  	s16 =	sshll.u32 @!p0 s11, $0x7;
	s17 =	simm.s32 @!p0 $0x0;
	s15 =	sshll.u32 @!p0 s14, $0xC  }
0x26: {  	p1 =	sgt.s32 @!p0 s14, $0xF;
	s14 =	ssub.s32 @!p0 $0x10000, s15;
	s15 =	sxor.u32 @!p0 $0xFFFFFFFF, s12  }
0x27: {  	p1 =	por !p1, p0;
	s14 =	sshrl.u32 @!p0 s14, $0x2;
	s15 =	sshll.u32 @!p0 s15, $0xE  }
0x28: {  	s16 =	sadd.s32 @!p0 s2, s16;
	s14 =	simm.s32 @!p1 $0x0;
	s15 =	sand.u32 @!p0 $0x4000, s15  }
0x29: {  	[tilespmem:s15], [sflag:$0x1] =	stream.linear.gather @!p0 [hbm4b:s16+s17], s14, $0x38;
	[tilespmem:$0x10000] =	vst v63  }
0x2a: {  	p0 =	seq.s32 s12, $0x0  }
0x2b: {  	p1 =	sge.u32 @!p0 s12, s7  }
0x2c: {  	p0 =	por p0, p1  }
.Ltmp2:
0x2d: {  	_ = 	snop;
	(pc) =	sbr.rel @p0 .LBB1_8-.Ltmp2, $1  }
0x2e: {  	_ =	sdelay $0x3  }
0x2f: {  	p0 =	sgt.s32 s10, $0x7A02;
	s14 =	smov.u32 s10;
	s15 =	sshra.s32 s10, $0x1F  }
0x30: {  	s14 =	simm.s32 @!p0 $0x7A02;
	s15 =	sand.u32 s15, s10  }
0x31: {  	s14 =	ssub.s32 s14, s15  }
0x32: {  	s16 =	sadd.s32 $0x10, s10;
	s14 =	sadd.s32 $0xFFFF85FE, s14  }
0x33: {  	p1 =	slt.s32 s16, $0x7A12;
	s30 =	sshll.u32 s14, $0xC  }
0x34: {  	s16 =	simm.s32 @!p1 $0x7A12;
	s15 =	ssub.s32 $0x10000, s30  }
0x35: {  	p0 =	sgt.s32 s14, $0xF;
	s14 =	sshrl.u32 s15, $0x2;
	s15 =	ssub.s32 s16, s10  }
0x36: {  	s14 =	simm.s32 @p0 $0x0;
	p0 =	slt.s32 s15, $0x1  }
.Ltmp3:
0x37: {  	_ = 	snop;
	(pc) =	sbr.rel @p0 .LBB1_7-.Ltmp3, $4  }
0x38: {  	_ = 	snop  }
0x39: {  	_ =	swait.ge [sflag:s4], s14  }
0x3a: {  	s31 =	ssub.s32 $0x0, s14;
	[sflag:s4] =	ssyncset.done $0x0  }
0x3b: {  	[sflag:s4] =	ssyncadd.s32 s31  }
0x3c: {  	s16 =	sshrl.u32 s9, $0x1  }
0x3d: {  	s17 =	sand.u32 $0x4000, s16  }
0x3e: {  	s18 =	simm.s32 $0x0;
	s16 =	sor.u32 $0x200, s17;
	s17 =	sor.u32 $0x8080, s17  }
.LBB1_4:
0x3f: {  	v0 =	vld [tilespmem:s16+$0xFFFFFE70]  }
0x40: {  	v1 =	vld [tilespmem:s16+$0x70]  }
0x41: {  	v2 =	vld [tilespmem:s16+$0x0]  }
0x42: {  	v3 =	vld [tilespmem:s16+$0xFFFFFE10]  }
0x43: {  	v4 =	vld [tilespmem:s16+$0x10]  }
0x44: {  	v5 =	vld [tilespmem:s16+$0xFFFFFE20]  }
0x45: {  	v7 =	vld [tilespmem:s16+$0x20]  }
0x46: {  	v11 =	vld [tilespmem:s16+$0x30];
	v6 =	vunpack.i.l.s16.s32 v0;
	v8 =	vunpack.i.u.s16.s32 v0;
	v9 =	vunpack.i.u.s16.s32 v1  }
0x47: {  	v10 =	vunpack.i.l.s16.s32 v1;
	v0 =	vunpack.i.u.s16.s32 v2;
	v1 =	vunpack.i.l.s16.s32 v2;
	v2 =	vld [tilespmem:s16+$0xFFFFFE30]  }
0x48: {  	v8 =	vpack.i.b32.b16 v9, v8;
	v9 =	vunpack.i.u.s16.s32 v3;
	v3 =	vunpack.i.l.s16.s32 v3  }
0x49: {  	v12 =	vld [tilespmem:s16+$0xFFFFFE40];
	v6 =	vpack.i.b32.b16 v10, v6;
	[tilespmem:s17+$0x70] =	vst v8;
	v8 =	vunpack.i.u.s16.s32 v4;
	v4 =	vunpack.i.l.s16.s32 v4  }
0x4a: {  	v13 =	vld [tilespmem:s16+$0x40];
	v10 =	vunpack.i.u.s16.s32 v5;
	v5 =	vunpack.i.l.s16.s32 v5;
	[tilespmem:s17+$0xFFFFFFF0] =	vst v6;
	v3 =	vpack.i.b32.b16 v4, v3  }
0x4b: {  	v6 =	vunpack.i.l.s16.s32 v7;
	v4 =	vld [tilespmem:s16+$0xFFFFFE50];
	[tilespmem:s17+$0xFFFFFF90] =	vst v3;
	v3 =	vpack.i.b32.b16 v8, v9;
	v8 =	vunpack.i.u.s16.s32 v7  }
0x4c: {  	v7 =	vunpack.i.l.s16.s32 v11;
	[tilespmem:s17+$0x10] =	vst v3;
	v3 =	vpack.i.b32.b16 v6, v5;
	v9 =	vunpack.i.u.s16.s32 v2;
	v6 =	vld [tilespmem:s16+$0x50]  }
0x4d: {  	v5 =	vunpack.i.l.s16.s32 v2;
	v2 =	vld [tilespmem:s16+$0xFFFFFE60];
	[tilespmem:s17+$0xFFFFFFA0] =	vst v3;
	v3 =	vpack.i.b32.b16 v8, v10;
	v10 =	vunpack.i.u.s16.s32 v11  }
0x4e: {  	s21 =	simm.s32 $0x0;
	v11 =	vpack.i.b32.b16 v7, v5;
	v7 =	vunpack.i.u.s16.s32 v12;
	v8 =	vunpack.i.l.s16.s32 v12;
	[tilespmem:s17+$0x20] =	vst v3;
	v3 =	vld [tilespmem:s16+$0x60]  }
0x4f: {  	s22 =	sadd.s32 $0x80, s16;
	s20 =	smov.u32 s17;
	s19 =	smov.u32 s17;
	v5 =	vld [tilespmem:s16+$0xFFFFFE00];
	[tilespmem:s17+$0xFFFFFFB0] =	vst v11;
	v10 =	vpack.i.b32.b16 v10, v9;
	v9 =	vunpack.i.u.s16.s32 v13;
	v11 =	vunpack.i.l.s16.s32 v13  }
.LBB1_5:
0x50: {  	v12 =	vld [tilespmem:s22+$0xFFFFFE70];
	[tilespmem:s20+$0x30] =	vst v10;
	v8 =	vpack.i.b32.b16 v11, v8;
	v10 =	vunpack.i.u.s16.s32 v4;
	v4 =	vunpack.i.l.s16.s32 v4  }
0x51: {  	s21 =	sadd.s32 $0x2, s21;
	v7 =	vpack.i.b32.b16 v9, v7;
	v11 =	vld [tilespmem:s22+$0x70];
	[tilespmem:s20+$0xFFFFFFC0] =	vst v8;
	v8 =	vunpack.i.u.s16.s32 v6;
	v6 =	vunpack.i.l.s16.s32 v6  }
0x52: {  	p0 =	slt.u32 s21, $0x6;
	v9 =	vld [tilespmem:s22+$0x0];
	[tilespmem:s20+$0x40] =	vst v7;
	v4 =	vpack.i.b32.b16 v6, v4;
	v6 =	vunpack.i.u.s16.s32 v2;
	v2 =	vunpack.i.l.s16.s32 v2  }
0x53: {  	v7 =	vld [tilespmem:s22+$0xFFFFFE10];
	[tilespmem:s20+$0xFFFFFFD0] =	vst v4;
	v4 =	vpack.i.b32.b16 v8, v10;
	v8 =	vunpack.i.u.s16.s32 v3;
	v3 =	vunpack.i.l.s16.s32 v3  }
0x54: {  	v10 =	vld [tilespmem:s22+$0x10];
	v13 =	vunpack.i.u.s16.s32 v5;
	v5 =	vunpack.i.l.s16.s32 v5;
	[tilespmem:s20+$0x50] =	vst v4;
	v2 =	vpack.i.b32.b16 v3, v2  }
0x55: {  	v3 =	vld [tilespmem:s22+$0xFFFFFE20];
	v4 =	vunpack.i.l.s16.s32 v12;
	v1 =	vpack.i.b32.b16 v1, v5;
	v5 =	vpack.i.b32.b16 v0, v13;
	[tilespmem:s20+$0xFFFFFFE0] =	vst v2  }
0x56: {  	v12 =	vunpack.i.u.s16.s32 v12;
	v2 =	vld [tilespmem:s22+$0x20];
	v13 =	vunpack.i.u.s16.s32 v11;
	v11 =	vunpack.i.l.s16.s32 v11;
	[tilespmem:s20+$0xFFFFFF80] =	vst v1  }
0x57: {  	s20 =	sadd.s32 $0x100, s20;
	v0 =	vunpack.i.u.s16.s32 v9;
	v1 =	vunpack.i.l.s16.s32 v9;
	v9 =	vld [tilespmem:s22+$0xFFFFFE30];
	v12 =	vpack.i.b32.b16 v13, v12;
	[tilespmem:s19+$0x0] =	vst v5  }
0x58: {  	v6 =	vpack.i.b32.b16 v8, v6;
	v5 =	vunpack.i.u.s16.s32 v7;
	v7 =	vunpack.i.l.s16.s32 v7;
	v13 =	vld [tilespmem:s22+$0x30];
	[tilespmem:s20+$0x70] =	vst v12  }
0x59: {  	v4 =	vpack.i.b32.b16 v11, v4;
	v8 =	vunpack.i.u.s16.s32 v10;
	v10 =	vunpack.i.l.s16.s32 v10;
	v12 =	vld [tilespmem:s22+$0xFFFFFE40];
	[tilespmem:s19+$0x60] =	vst v6;
	s19 =	smov.u32 s20  }
0x5a: {  	v6 =	vpack.i.b32.b16 v10, v7;
	v7 =	vunpack.i.u.s16.s32 v3;
	v3 =	vunpack.i.l.s16.s32 v3;
	v11 =	vld [tilespmem:s22+$0x40];
	[tilespmem:s20+$0xFFFFFFF0] =	vst v4  }
.Ltmp4:
0x5b: {  	v5 =	vpack.i.b32.b16 v8, v5;
	[tilespmem:s20+$0xFFFFFF90] =	vst v6;
	v8 =	vunpack.i.u.s16.s32 v2;
	v2 =	vunpack.i.l.s16.s32 v2;
	v4 =	vld [tilespmem:s22+$0xFFFFFE50];
	(pc) =	sbr.rel @p0 .LBB1_5-.Ltmp4, $4  }
0x5c: {  	[tilespmem:s20+$0x10] =	vst v5;
	v2 =	vpack.i.b32.b16 v2, v3;
	v10 =	vunpack.i.u.s16.s32 v9;
	v3 =	vunpack.i.l.s16.s32 v9;
	v6 =	vld [tilespmem:s22+$0x50]  }
0x5d: {  	v5 =	vpack.i.b32.b16 v8, v7;
	[tilespmem:s20+$0xFFFFFFA0] =	vst v2;
	v9 =	vunpack.i.u.s16.s32 v13;
	v7 =	vunpack.i.l.s16.s32 v13;
	v2 =	vld [tilespmem:s22+$0xFFFFFE60]  }
0x5e: {  	[tilespmem:s20+$0x20] =	vst v5;
	v13 =	vpack.i.b32.b16 v7, v3;
	v7 =	vunpack.i.u.s16.s32 v12;
	v8 =	vunpack.i.l.s16.s32 v12;
	v3 =	vld [tilespmem:s22+$0x60]  }
0x5f: {  	v10 =	vpack.i.b32.b16 v9, v10;
	v5 =	vld [tilespmem:s22+$0xFFFFFE00];
	[tilespmem:s20+$0xFFFFFFB0] =	vst v13;
	v9 =	vunpack.i.u.s16.s32 v11;
	v11 =	vunpack.i.l.s16.s32 v11;
	s22 =	sadd.s32 $0x80, s22  }
0x60: {  	[tilespmem:s20+$0x30] =	vst v10;
	v8 =	vpack.i.b32.b16 v11, v8  }
0x61: {  	v51 =	vunpack.i.l.s16.s32 v4;
	v7 =	vpack.i.b32.b16 v9, v7;
	[tilespmem:s20+$0xFFFFFFC0] =	vst v8;
	v52 =	vunpack.i.l.s16.s32 v6  }
0x62: {  	v53 =	vunpack.i.u.s16.s32 v4;
	s18 =	sadd.s32 $0x1, s18;
	v54 =	vunpack.i.u.s16.s32 v6;
	[tilespmem:s20+$0x40] =	vst v7;
	v55 =	vpack.i.b32.b16 v52, v51  }
0x63: {  	p0 =	sne.s32 s18, s15;
	v56 =	vunpack.i.l.s16.s32 v2;
	v4 =	vpack.i.b32.b16 v54, v53;
	[tilespmem:s20+$0xFFFFFFD0] =	vst v55;
	v57 =	vunpack.i.l.s16.s32 v3  }
.Ltmp5:
0x64: {  	[tilespmem:s20+$0x50] =	vst v4;
	v58 =	vunpack.i.l.s16.s32 v5;
	v59 =	vpack.i.b32.b16 v57, v56;
	(pc) =	sbr.rel @p0 .LBB1_4-.Ltmp5, $4  }
.Ltmp6:
0x65: {  	v61 =	vunpack.i.u.s16.s32 v2;
	v62 =	vunpack.i.u.s16.s32 v3;
	v1 =	vpack.i.b32.b16 v1, v58;
	[tilespmem:s20+$0xFFFFFFE0] =	vst v59;
	(pc) =	sbr.rel @!p0 .LBB1_7-.Ltmp6, $4  }
0x66: {  	v60 =	vunpack.i.u.s16.s32 v5;
	v63 =	vpack.i.b32.b16 v62, v61;
	[tilespmem:s20+$0xFFFFFF80] =	vst v1  }
0x67: {  	v0 =	vpack.i.b32.b16 v0, v60;
	[tilespmem:s19+$0x60] =	vst v63  }
0x68: {  	s16 =	sadd.s32 $0x400, s16;
	s17 =	sadd.s32 $0x400, s17;
	[tilespmem:s19+$0x0] =	vst v0  }
0x69: {  	_ = 	snop  }
.LBB1_9:
0x6a: {  	_ =	sfence.sel $0x180000  }
0x6b: {  	s2 =	simm.s32 $0x1;
	[bflag:$0x0] =	sbarrier.arrive $0xFFFF  }
0x6c: {  	s31 =	simm.s32 $0x2;
	[sflag:s2] =	ssyncpa.u1 $0x1  }
0x6d: {  	[sflag:s31] =	ssyncpa.u1 $0x1  }
0x6e: {  	p0 =	sne.s32 s1, $0x0;
	_ =	strace $0x9000004A  }
0x6f: {  	s0 =	sadd.s32 @!p0 $0x100000, s0;
	[bflag:$0x2] =	sbarrier.arrive $0xFFFF  }
0x70: {  	[sflag:s0] =	ssyncadd.tile.s32 @!p0 $0x1;
	_ =	shalt  }
.Lfunc_end1:
_tile_overlayer_lowered:
.L_overlay_start_2:
0x71: {  	(tag) =	ssettag $0x2  }
0x72: {  	s0 =	rddreg [dreg:$0x0];
	s2 =	stileid.u32  }
0x73: {  	s1 =	rddreg [dreg:$0x1];
	p0 =	sne.s32 s2, $0x0  }
0x74: {  	s3 =	rddreg [dreg:$0x2];
	[bflag:$0x3] =	sbarrier.arrive $0xFFFF;
	s2 =	simm.s32 @!p0 $0x1C01  }
0x75: {  	[timem:s3], [sflag:s2] =	dma.local @!p0 [hbm:s0], s1  }
0x76: {  	s0 =	simm.s32 @!p0 $0x1  }
0x77: {  	_ =	swait.ge @!p0 [sflag:s0], s1  }
0x78: {  	s1 =	ssub.s32 @!p0 $0x0, s1;
	[sflag:s0] =	ssyncset.done @!p0 $0x0  }
0x79: {  	[sflag:s0] =	ssyncadd.s32 @!p0 s1  }
0x7a: {  	[bflag:$0x3] =	sbarrier.arrive $0xFFFF  }
0x7b: {  	_ =	shalt  }

</sc_bundles>
